<compile_context>
chip_gen: v7x
topology: tpu7x:2x2x1
jax: 0.10.2.dev20260603
libtpu: 0.0.44.dev20260713+nightly
codegen_flags: <defaults>
</compile_context>

<pallas_src>
import functools

import jax
import jax.numpy as jnp
from jax import lax
from jax.experimental import pallas as pl
from jax.experimental.pallas import tpu as pltpu
from jax.experimental.pallas import tpu_sc as plsc

N = 10000
E = 320000
GR = 64
D = 128
NEG = -3.0e38
CHUNK = 8000
L = 16
SHIFT = 14
FPW = 4
EH = E // 2


def _segmax_body(pq_hbm, ep_hbm, out_hbm, q0, q1, q2, q3, a0, a1,
                 a2, a3, es0, es1, tmp, tmp2, ss0, ss1):
  q = (q0, q1, q2, q3)
  a = (a0, a1, a2, a3)
  ebufs = ((es0, ss0), (es1, ss1))
  half = lax.axis_index("c")
  s = lax.axis_index("s")
  f0 = FPW * s

  for j in range(FPW):
    pltpu.sync_copy(pq_hbm.at[GR + f0 + j], q[j])

  neg = jnp.full((L,), NEG, jnp.float32)

  def init(i, carry):
    for j in range(FPW):
      a[j][pl.ds(i * L, L)] = neg
    return carry

  lax.fori_loop(0, N // L, init, 0)

  iota = lax.iota(jnp.int32, L)
  tru = jnp.ones((L,), jnp.bool_)

  nchunks = EH // CHUNK

  def edma_start(ci, buf):
    esb, ss = buf
    base = half * EH + ci * CHUNK
    pltpu.make_async_copy(ep_hbm.at[pl.ds(base, CHUNK)], esb, ss).start()

  def edma_wait(ci, buf):
    esb, ss = buf
    base = half * EH + ci * CHUNK
    pltpu.make_async_copy(ep_hbm.at[pl.ds(base, CHUNK)], esb, ss).wait()

  def chunk_work(ci, es):

    def vec_one(epk, viol, tmp_u):
      dv = jnp.bitwise_and(epk, (1 << SHIFT) - 1)
      sv = jnp.right_shift(epk, SHIFT)
      plsc.store_scatter(tmp_u, [dv], iota)
      vs = [plsc.load_gather(q[j], [sv]) for j in range(FPW)]
      rd = plsc.load_gather(tmp_u, [dv])
      win = rd == iota
      pend = jnp.logical_not(win)
      plsc.store_scatter(tmp_u, [dv], iota, mask=pend)
      cs = [plsc.load_gather(a[j], [dv]) for j in range(FPW)]
      rd3 = plsc.load_gather(tmp_u, [dv])
      fmask = rd3 == iota
      ns = [jnp.maximum(cs[j], vs[j]) for j in range(FPW)]
      pulled = [jnp.take_along_axis(vs[j], rd, axis=0,
                                    mode="promise_in_bounds")
                for j in range(FPW)]
      for j in range(FPW):
        val = jnp.where(win, ns[j], jnp.maximum(ns[j], pulled[j]))
        plsc.store_scatter(a[j], [dv], val, mask=fmask)
      return jnp.logical_or(viol, jnp.logical_and(pend, jnp.logical_not(fmask)))

    def vec_body(k4, viol):
      epks = [es[pl.ds((4 * k4 + u) * L, L)] for u in range(4)]
      viol = vec_one(epks[0], viol, tmp)
      viol = vec_one(epks[1], viol, tmp2)
      viol = vec_one(epks[2], viol, tmp)
      viol = vec_one(epks[3], viol, tmp2)
      return viol

    viol = lax.fori_loop(0, CHUNK // L // 4, vec_body,
                         jnp.zeros((L,), jnp.bool_))

    @pl.when(jnp.any(viol))
    def _slow_redo():
      def vec_slow(k, carry2):
        epk = es[pl.ds(k * L, L)]
        dv = jnp.bitwise_and(epk, (1 << SHIFT) - 1)
        sv = jnp.right_shift(epk, SHIFT)
        vs = [plsc.load_gather(q[j], [sv]) for j in range(FPW)]

        def w_cond(state):
          return jnp.any(state[0])

        def w_body(state):
          pending = state[0]
          plsc.store_scatter(tmp, [dv], iota, mask=pending)
          rdw = plsc.load_gather(tmp, [dv], mask=pending)
          w_ = jnp.logical_and(rdw == iota, pending)
          for j in range(FPW):
            cj = plsc.load_gather(a[j], [dv], mask=w_)
            plsc.store_scatter(a[j], [dv], jnp.maximum(cj, vs[j]), mask=w_)
          return (jnp.logical_and(pending, jnp.logical_not(w_)),)

        lax.while_loop(w_cond, w_body, (tru,))
        return carry2

      lax.fori_loop(0, CHUNK // L, vec_slow, 0)

  def outer(ci2, carry):
    for par in range(2):
      ci = ci2 * 2 + par
      edma_wait(ci, ebufs[par])

      @pl.when(ci + 1 < nchunks)
      def _prefetch():
        edma_start(ci + 1, ebufs[1 - par])

      chunk_work(ci, ebufs[par][0])
    return carry

  edma_start(0, ebufs[0])
  lax.fori_loop(0, nchunks // 2, outer, 0)

  for j in range(FPW):
    pltpu.sync_copy(a[j], out_hbm.at[half, f0 + j])


_segmax = functools.partial(
    pl.kernel,
    mesh=plsc.VectorSubcoreMesh(core_axis_name="c", subcore_axis_name="s"),
    out_type=jax.ShapeDtypeStruct((2, GR, N), jnp.float32),
    scratch_types=[
        pltpu.VMEM((N,), jnp.float32),
        pltpu.VMEM((N,), jnp.float32),
        pltpu.VMEM((N,), jnp.float32),
        pltpu.VMEM((N,), jnp.float32),
        pltpu.VMEM((N,), jnp.float32),
        pltpu.VMEM((N,), jnp.float32),
        pltpu.VMEM((N,), jnp.float32),
        pltpu.VMEM((N,), jnp.float32),
        pltpu.VMEM((CHUNK,), jnp.int32),
        pltpu.VMEM((CHUNK,), jnp.int32),
        pltpu.VMEM((N,), jnp.int32),
        pltpu.VMEM((N,), jnp.int32),
        pltpu.SemaphoreType.DMA,
        pltpu.SemaphoreType.DMA,
    ],
    compiler_params=pltpu.CompilerParams(needs_layout_passes=False),
)(_segmax_body)


def _pack_body(ei, out_o):
  out_o[...] = jnp.bitwise_or(ei[1, :], jnp.left_shift(ei[0, :], SHIFT))


_pack = pl.pallas_call(
    _pack_body,
    out_shape=jax.ShapeDtypeStruct((E,), jnp.int32),
)


def _tc0_body(xT, WlT, bl, Wc, bc, h0T_o, pq_o):
  h0 = jnp.dot(WlT[...], xT[...], preferred_element_type=jnp.float32) + bl[...]
  h0T_o[...] = h0
  pq_o[...] = jnp.dot(Wc[...], h0, preferred_element_type=jnp.float32) + bc[...]


_tc0 = pl.pallas_call(
    _tc0_body,
    out_shape=[
        jax.ShapeDtypeStruct((GR, N), jnp.float32),
        jax.ShapeDtypeStruct((2 * GR, N), jnp.float32),
    ],
)


def _tcb_body(nparts, pq, mT, Wc, bc, *refs):
  hrefs = refs[:nparts]
  agg_o, pq_o = refs[nparts], refs[nparts + 1]
  m = jnp.maximum(mT[0], mT[1])
  agg = jnp.where(m > -1.0e30, pq[0:GR, :] + m, 0.0)
  agg_o[...] = agg
  hcat = jnp.concatenate([h[...] for h in hrefs] + [agg], axis=0)
  pq_o[...] = jnp.dot(Wc[...], hcat, preferred_element_type=jnp.float32) + bc[...]


def _make_tcb(nparts):
  return pl.pallas_call(
      functools.partial(_tcb_body, nparts),
      out_shape=[
          jax.ShapeDtypeStruct((GR, N), jnp.float32),
          jax.ShapeDtypeStruct((2 * GR, N), jnp.float32),
      ],
  )


_tcb1 = _make_tcb(1)
_tcb2 = _make_tcb(2)


def _pool4(S):
  return jnp.max(S.reshape(GR // 4, 4, S.shape[-1]), axis=1)


def _tcf_body(h0T, a0T, a1T, pq, mT, out_o):
  m = jnp.maximum(mT[0], mT[1])
  a2 = jnp.where(m > -1.0e30, pq[0:GR, :] + m, 0.0)
  out_o[...] = jnp.concatenate(
      [_pool4(h0T[...]), _pool4(a0T[...]), _pool4(a1T[...]), _pool4(a2)],
      axis=0,
  )


_tcf = pl.pallas_call(
    _tcf_body,
    out_shape=jax.ShapeDtypeStruct((GR, N), jnp.float32),
)


def kernel(x, edge_index, lin_x_W, lin_x_b, W0, b0, W1, b1, W2, b2):
  xT = x.T
  ep = _pack(edge_index)

  Wcs, bcs = [], []
  for i, (W, b) in enumerate(((W0, b0), (W1, b1), (W2, b2))):
    cin = (i + 1) * GR
    Wt = W[:cin].T
    Wb = W[cin:].T
    Wcs.append(jnp.concatenate([Wt - Wb, Wb], axis=0))
    bcs.append(jnp.concatenate([b, jnp.zeros((GR,), jnp.float32)])[:, None])

  h0T, pq = _tc0(xT, lin_x_W.T, lin_x_b[:, None], Wcs[0], bcs[0])
  m0 = _segmax(pq, ep)
  agg0, pq = _tcb1(pq, m0, Wcs[1], bcs[1], h0T)
  m1 = _segmax(pq, ep)
  agg1, pq = _tcb2(pq, m1, Wcs[2], bcs[2], h0T, agg0)
  m2 = _segmax(pq, ep)
  outT = _tcf(h0T, agg0, agg1, pq, m2)
  return outT.T

# --- scband reference (transcript-rebuilt; emitter-appended) ---
"""Pipeline reference for scband-dense-gcn-7378753815022 (READ-ONLY COPY).

The authoritative reference and input builder live on the scoring server;
editing this copy changes nothing except your own understanding.
"""

import jax, jax.numpy as jnp
import numpy as np

N = 10000
E = 320000
D = 128
GR = 64
NB = 3


def setup_inputs(seed: int = 0) -> dict:
    key = jax.random.key(seed)
    ks = jax.random.split(key, 10)
    inp = {}
    inp["x"] = jax.random.normal(ks[0], (N, D), dtype=jnp.float32)
    inp["edge_index"] = jax.random.randint(ks[1], (2, E), 0, N, dtype=jnp.int32)
    inp["lin_x_W"] = jax.random.normal(ks[2], (D, GR), dtype=jnp.float32) * 0.05
    inp["lin_x_b"] = jnp.zeros((GR,), dtype=jnp.float32)
    for i in range(NB):
        cin = (i + 1) * GR
        inp[f"W{i}"] = jax.random.normal(ks[3 + i], (2 * cin, GR), dtype=jnp.float32) * 0.05
        inp[f"b{i}"] = jnp.zeros((GR,), dtype=jnp.float32)
    return inp


def _forward(x, lin_x_W, lin_x_b, Ws, bs, edge_index):
    # DenseGCN.forward with conv='edge' (PyG EdgeConv, aggr='max').
    # MLP([2*in, out], last_lin=True) reduces to a single Linear(2*in, out).
    src = edge_index[0]  # x_j (neighbor / source)
    dst = edge_index[1]  # x_i (center / target); messages aggregated at dst
    deg = jax.ops.segment_sum(jnp.ones((E,), jnp.float32), dst, num_segments=N)
    mask = (deg > 0)[:, None]
    h = x @ lin_x_W + lin_x_b  # lin_x: [N, D] -> [N, GR]
    for i in range(NB):
        x_i = h[dst]
        x_j = h[src]
        msg = jnp.concatenate([x_i, x_j - x_i], axis=-1) @ Ws[i] + bs[i]
        agg = jax.ops.segment_max(msg, dst, num_segments=N)
        agg = jnp.where(mask, agg, 0.0)  # PyG fills empty segments with 0
        h = jnp.concatenate([h, agg], axis=-1)
    # rearrange 'n (f n_blocks) -> n f n_blocks', n_blocks=NB+1, then max-reduce
    res = h.reshape(N, GR, NB + 1)
    return res.max(axis=-1)


def reference(x, edge_index, lin_x_W, lin_x_b, W0, b0, W1, b1, W2, b2):
    return _forward(x, lin_x_W, lin_x_b, [W0, W1, W2], [b0, b1, b2], edge_index)

if __name__ == "__main__":
    import jax
    _d = setup_inputs()
    print(jax.jit(kernel)(*tuple(_d.values())))

</pallas_src>

<mosaic_0001>
#map = affine_map<(d0, d1) -> (0, 0)>
#map1 = affine_map<(d0, d1) -> (0)>
#map2 = affine_map<(d0, d1) -> (0, 0, 0)>
module attributes {stable_mosaic.version = 14 : i64} {
  func.func @_segmax_body(%arg0: i32, %arg1: i32, %arg2: memref<128x10000xf32, #tpu.memory_space<hbm>>, %arg3: memref<320000xi32, #tpu.memory_space<hbm>>, %arg4: memref<2x64x10000xf32, #tpu.memory_space<hbm>>, %arg5: memref<10000xf32, #tpu.memory_space<vmem>>, %arg6: memref<10000xf32, #tpu.memory_space<vmem>>, %arg7: memref<10000xf32, #tpu.memory_space<vmem>>, %arg8: memref<10000xf32, #tpu.memory_space<vmem>>, %arg9: memref<10000xf32, #tpu.memory_space<vmem>>, %arg10: memref<10000xf32, #tpu.memory_space<vmem>>, %arg11: memref<10000xf32, #tpu.memory_space<vmem>>, %arg12: memref<10000xf32, #tpu.memory_space<vmem>>, %arg13: memref<8000xi32, #tpu.memory_space<vmem>>, %arg14: memref<8000xi32, #tpu.memory_space<vmem>>, %arg15: memref<10000xi32, #tpu.memory_space<vmem>>, %arg16: memref<10000xi32, #tpu.memory_space<vmem>>, %arg17: memref<!tpu.dma_semaphore, #tpu.memory_space<semaphore_mem>>, %arg18: memref<!tpu.dma_semaphore, #tpu.memory_space<semaphore_mem>>) attributes {dimension_semantics = [#tpu.dimension_semantics<core_parallel>, #tpu.dimension_semantics<subcore_parallel>], iteration_bounds = array<i64: 2, 16>, scalar_prefetch = 0 : i64, scratch_operands = 14 : i64, tpu.core_type = #tpu.core_type<sc_vector_subcore>, window_params = [{transform_indices = #map}, {transform_indices = #map1}, {transform_indices = #map2}]} {
    %mul3A = arith.constant 4 : i32
    %mul3A_0 = arith.muli %mul3A, %arg1 : i32
    %add3A = arith.constant 64 : i32
    %add3A_1 = arith.addi %add3A, %mul3A_0 : i32
    %add3A_2 = arith.constant 0 : i32
    %add3A_3 = arith.addi %add3A_1, %add3A_2 : i32
    "tpu.region"() ({
      %run_scoped3A = tpu.sem_alloc : memref<!tpu.dma_semaphore, #tpu.memory_space<semaphore_mem>>
      %dma_start3A_43 = arith.constant 0 : i32
      %dma_start3A_44 = tpu.memref_slice %arg2[%add3A_3, %dma_start3A_43] : memref<128x10000xf32, #tpu.memory_space<hbm>> -> memref<1x10000xf32, #tpu.memory_space<hbm>>
      %dma_start3A_45 = tpu.memref_squeeze %dma_start3A_44 : memref<1x10000xf32, #tpu.memory_space<hbm>> -> memref<10000xf32, #tpu.memory_space<hbm>>
      %dma_start3A_46 = arith.constant 0 : i32
      %dma_start3A_47 = tpu.memref_slice %arg2[%add3A_3, %dma_start3A_46] : memref<128x10000xf32, #tpu.memory_space<hbm>> -> memref<1x10000xf32, #tpu.memory_space<hbm>>
      %dma_start3A_48 = tpu.memref_squeeze %dma_start3A_47 : memref<1x10000xf32, #tpu.memory_space<hbm>> -> memref<10000xf32, #tpu.memory_space<hbm>>
      tpu.enqueue_dma source(%dma_start3A_48 : memref<10000xf32, #tpu.memory_space<hbm>>) target(%arg5 : memref<10000xf32, #tpu.memory_space<vmem>>) target_semaphore(%run_scoped3A : memref<!tpu.dma_semaphore, #tpu.memory_space<semaphore_mem>>)
      %dma_wait3A = arith.constant 0 : i32
      %dma_wait3A_49 = tpu.memref_slice %arg2[%add3A_3, %dma_wait3A] : memref<128x10000xf32, #tpu.memory_space<hbm>> -> memref<1x10000xf32, #tpu.memory_space<hbm>>
      %dma_wait3A_50 = tpu.memref_squeeze %dma_wait3A_49 : memref<1x10000xf32, #tpu.memory_space<hbm>> -> memref<10000xf32, #tpu.memory_space<hbm>>
      %dma_wait3A_51 = arith.constant 0 : i32
      %dma_wait3A_52 = tpu.memref_slice %arg2[%add3A_3, %dma_wait3A_51] : memref<128x10000xf32, #tpu.memory_space<hbm>> -> memref<1x10000xf32, #tpu.memory_space<hbm>>
      %dma_wait3A_53 = tpu.memref_squeeze %dma_wait3A_52 : memref<1x10000xf32, #tpu.memory_space<hbm>> -> memref<10000xf32, #tpu.memory_space<hbm>>
      tpu.wait_dma2 semaphore(%run_scoped3A : memref<!tpu.dma_semaphore, #tpu.memory_space<semaphore_mem>>) src(%dma_wait3A_53 : memref<10000xf32, #tpu.memory_space<hbm>>) dst(%arg5 : memref<10000xf32, #tpu.memory_space<vmem>>)
      tpu.yield
    }) : () -> ()
    %add3A_4 = arith.constant 64 : i32
    %add3A_5 = arith.addi %add3A_4, %mul3A_0 : i32
    %add3A_6 = arith.constant 1 : i32
    %add3A_7 = arith.addi %add3A_5, %add3A_6 : i32
    "tpu.region"() ({
      %run_scoped3A = tpu.sem_alloc : memref<!tpu.dma_semaphore, #tpu.memory_space<semaphore_mem>>
      %dma_start3A_43 = arith.constant 0 : i32
      %dma_start3A_44 = tpu.memref_slice %arg2[%add3A_7, %dma_start3A_43] : memref<128x10000xf32, #tpu.memory_space<hbm>> -> memref<1x10000xf32, #tpu.memory_space<hbm>>
      %dma_start3A_45 = tpu.memref_squeeze %dma_start3A_44 : memref<1x10000xf32, #tpu.memory_space<hbm>> -> memref<10000xf32, #tpu.memory_space<hbm>>
      %dma_start3A_46 = arith.constant 0 : i32
      %dma_start3A_47 = tpu.memref_slice %arg2[%add3A_7, %dma_start3A_46] : memref<128x10000xf32, #tpu.memory_space<hbm>> -> memref<1x10000xf32, #tpu.memory_space<hbm>>
      %dma_start3A_48 = tpu.memref_squeeze %dma_start3A_47 : memref<1x10000xf32, #tpu.memory_space<hbm>> -> memref<10000xf32, #tpu.memory_space<hbm>>
      tpu.enqueue_dma source(%dma_start3A_48 : memref<10000xf32, #tpu.memory_space<hbm>>) target(%arg6 : memref<10000xf32, #tpu.memory_space<vmem>>) target_semaphore(%run_scoped3A : memref<!tpu.dma_semaphore, #tpu.memory_space<semaphore_mem>>)
      %dma_wait3A = arith.constant 0 : i32
      %dma_wait3A_49 = tpu.memref_slice %arg2[%add3A_7, %dma_wait3A] : memref<128x10000xf32, #tpu.memory_space<hbm>> -> memref<1x10000xf32, #tpu.memory_space<hbm>>
      %dma_wait3A_50 = tpu.memref_squeeze %dma_wait3A_49 : memref<1x10000xf32, #tpu.memory_space<hbm>> -> memref<10000xf32, #tpu.memory_space<hbm>>
      %dma_wait3A_51 = arith.constant 0 : i32
      %dma_wait3A_52 = tpu.memref_slice %arg2[%add3A_7, %dma_wait3A_51] : memref<128x10000xf32, #tpu.memory_space<hbm>> -> memref<1x10000xf32, #tpu.memory_space<hbm>>
      %dma_wait3A_53 = tpu.memref_squeeze %dma_wait3A_52 : memref<1x10000xf32, #tpu.memory_space<hbm>> -> memref<10000xf32, #tpu.memory_space<hbm>>
      tpu.wait_dma2 semaphore(%run_scoped3A : memref<!tpu.dma_semaphore, #tpu.memory_space<semaphore_mem>>) src(%dma_wait3A_53 : memref<10000xf32, #tpu.memory_space<hbm>>) dst(%arg6 : memref<10000xf32, #tpu.memory_space<vmem>>)
      tpu.yield
    }) : () -> ()
    %add3A_8 = arith.constant 64 : i32
    %add3A_9 = arith.addi %add3A_8, %mul3A_0 : i32
    %add3A_10 = arith.constant 2 : i32
    %add3A_11 = arith.addi %add3A_9, %add3A_10 : i32
    "tpu.region"() ({
      %run_scoped3A = tpu.sem_alloc : memref<!tpu.dma_semaphore, #tpu.memory_space<semaphore_mem>>
      %dma_start3A_43 = arith.constant 0 : i32
      %dma_start3A_44 = tpu.memref_slice %arg2[%add3A_11, %dma_start3A_43] : memref<128x10000xf32, #tpu.memory_space<hbm>> -> memref<1x10000xf32, #tpu.memory_space<hbm>>
      %dma_start3A_45 = tpu.memref_squeeze %dma_start3A_44 : memref<1x10000xf32, #tpu.memory_space<hbm>> -> memref<10000xf32, #tpu.memory_space<hbm>>
      %dma_start3A_46 = arith.constant 0 : i32
      %dma_start3A_47 = tpu.memref_slice %arg2[%add3A_11, %dma_start3A_46] : memref<128x10000xf32, #tpu.memory_space<hbm>> -> memref<1x10000xf32, #tpu.memory_space<hbm>>
      %dma_start3A_48 = tpu.memref_squeeze %dma_start3A_47 : memref<1x10000xf32, #tpu.memory_space<hbm>> -> memref<10000xf32, #tpu.memory_space<hbm>>
      tpu.enqueue_dma source(%dma_start3A_48 : memref<10000xf32, #tpu.memory_space<hbm>>) target(%arg7 : memref<10000xf32, #tpu.memory_space<vmem>>) target_semaphore(%run_scoped3A : memref<!tpu.dma_semaphore, #tpu.memory_space<semaphore_mem>>)
      %dma_wait3A = arith.constant 0 : i32
      %dma_wait3A_49 = tpu.memref_slice %arg2[%add3A_11, %dma_wait3A] : memref<128x10000xf32, #tpu.memory_space<hbm>> -> memref<1x10000xf32, #tpu.memory_space<hbm>>
      %dma_wait3A_50 = tpu.memref_squeeze %dma_wait3A_49 : memref<1x10000xf32, #tpu.memory_space<hbm>> -> memref<10000xf32, #tpu.memory_space<hbm>>
      %dma_wait3A_51 = arith.constant 0 : i32
      %dma_wait3A_52 = tpu.memref_slice %arg2[%add3A_11, %dma_wait3A_51] : memref<128x10000xf32, #tpu.memory_space<hbm>> -> memref<1x10000xf32, #tpu.memory_space<hbm>>
      %dma_wait3A_53 = tpu.memref_squeeze %dma_wait3A_52 : memref<1x10000xf32, #tpu.memory_space<hbm>> -> memref<10000xf32, #tpu.memory_space<hbm>>
      tpu.wait_dma2 semaphore(%run_scoped3A : memref<!tpu.dma_semaphore, #tpu.memory_space<semaphore_mem>>) src(%dma_wait3A_53 : memref<10000xf32, #tpu.memory_space<hbm>>) dst(%arg7 : memref<10000xf32, #tpu.memory_space<vmem>>)
      tpu.yield
    }) : () -> ()
    %add3A_12 = arith.constant 64 : i32
    %add3A_13 = arith.addi %add3A_12, %mul3A_0 : i32
    %add3A_14 = arith.constant 3 : i32
    %add3A_15 = arith.addi %add3A_13, %add3A_14 : i32
    "tpu.region"() ({
      %run_scoped3A = tpu.sem_alloc : memref<!tpu.dma_semaphore, #tpu.memory_space<semaphore_mem>>
      %dma_start3A_43 = arith.constant 0 : i32
      %dma_start3A_44 = tpu.memref_slice %arg2[%add3A_15, %dma_start3A_43] : memref<128x10000xf32, #tpu.memory_space<hbm>> -> memref<1x10000xf32, #tpu.memory_space<hbm>>
      %dma_start3A_45 = tpu.memref_squeeze %dma_start3A_44 : memref<1x10000xf32, #tpu.memory_space<hbm>> -> memref<10000xf32, #tpu.memory_space<hbm>>
      %dma_start3A_46 = arith.constant 0 : i32
      %dma_start3A_47 = tpu.memref_slice %arg2[%add3A_15, %dma_start3A_46] : memref<128x10000xf32, #tpu.memory_space<hbm>> -> memref<1x10000xf32, #tpu.memory_space<hbm>>
      %dma_start3A_48 = tpu.memref_squeeze %dma_start3A_47 : memref<1x10000xf32, #tpu.memory_space<hbm>> -> memref<10000xf32, #tpu.memory_space<hbm>>
      tpu.enqueue_dma source(%dma_start3A_48 : memref<10000xf32, #tpu.memory_space<hbm>>) target(%arg8 : memref<10000xf32, #tpu.memory_space<vmem>>) target_semaphore(%run_scoped3A : memref<!tpu.dma_semaphore, #tpu.memory_space<semaphore_mem>>)
      %dma_wait3A = arith.constant 0 : i32
      %dma_wait3A_49 = tpu.memref_slice %arg2[%add3A_15, %dma_wait3A] : memref<128x10000xf32, #tpu.memory_space<hbm>> -> memref<1x10000xf32, #tpu.memory_space<hbm>>
      %dma_wait3A_50 = tpu.memref_squeeze %dma_wait3A_49 : memref<1x10000xf32, #tpu.memory_space<hbm>> -> memref<10000xf32, #tpu.memory_space<hbm>>
      %dma_wait3A_51 = arith.constant 0 : i32
      %dma_wait3A_52 = tpu.memref_slice %arg2[%add3A_15, %dma_wait3A_51] : memref<128x10000xf32, #tpu.memory_space<hbm>> -> memref<1x10000xf32, #tpu.memory_space<hbm>>
      %dma_wait3A_53 = tpu.memref_squeeze %dma_wait3A_52 : memref<1x10000xf32, #tpu.memory_space<hbm>> -> memref<10000xf32, #tpu.memory_space<hbm>>
      tpu.wait_dma2 semaphore(%run_scoped3A : memref<!tpu.dma_semaphore, #tpu.memory_space<semaphore_mem>>) src(%dma_wait3A_53 : memref<10000xf32, #tpu.memory_space<hbm>>) dst(%arg8 : memref<10000xf32, #tpu.memory_space<vmem>>)
      tpu.yield
    }) : () -> ()
    %broadcast_in_dim3A = arith.constant -3.000000e+38 : f32
    %broadcast_in_dim3A_16 = vector.broadcast %broadcast_in_dim3A : f32 to vector<16xf32>
    %scan3A = arith.constant 0 : i32
    %scan3A_17 = arith.constant 0 : i32
    %scan3A_18 = arith.constant 625 : i32
    %scan3A_19 = arith.addi %scan3A_17, %scan3A_18 : i32
    %scan3A_20 = arith.constant 1 : i32
    scf.for %scan3A_43 = %scan3A_17 to %scan3A_19 step %scan3A_20  : i32 {
      %mul3A_44 = arith.constant 16 : i32
      %mul3A_45 = arith.muli %scan3A_43, %mul3A_44 : i32
      %swap3A = arith.index_cast %mul3A_45 : i32 to index
      %swap3A_46 = tpu.vector_load %arg9[%swap3A] {strides = array<i32>} : memref<10000xf32, #tpu.memory_space<vmem>>, vector<16xf32>,
      tpu.vector_store %arg9[%swap3A], %broadcast_in_dim3A_16 {strides = array<i32>} : memref<10000xf32, #tpu.memory_space<vmem>>, vector<16xf32>,
      %mul3A_47 = arith.constant 16 : i32
      %mul3A_48 = arith.muli %scan3A_43, %mul3A_47 : i32
      %swap3A_49 = arith.index_cast %mul3A_48 : i32 to index
      %swap3A_50 = tpu.vector_load %arg10[%swap3A_49] {strides = array<i32>} : memref<10000xf32, #tpu.memory_space<vmem>>, vector<16xf32>,
      tpu.vector_store %arg10[%swap3A_49], %broadcast_in_dim3A_16 {strides = array<i32>} : memref<10000xf32, #tpu.memory_space<vmem>>, vector<16xf32>,
      %mul3A_51 = arith.constant 16 : i32
      %mul3A_52 = arith.muli %scan3A_43, %mul3A_51 : i32
      %swap3A_53 = arith.index_cast %mul3A_52 : i32 to index
      %swap3A_54 = tpu.vector_load %arg11[%swap3A_53] {strides = array<i32>} : memref<10000xf32, #tpu.memory_space<vmem>>, vector<16xf32>,
      tpu.vector_store %arg11[%swap3A_53], %broadcast_in_dim3A_16 {strides = array<i32>} : memref<10000xf32, #tpu.memory_space<vmem>>, vector<16xf32>,
      %mul3A_55 = arith.constant 16 : i32
      %mul3A_56 = arith.muli %scan3A_43, %mul3A_55 : i32
      %swap3A_57 = arith.index_cast %mul3A_56 : i32 to index
      %swap3A_58 = tpu.vector_load %arg12[%swap3A_57] {strides = array<i32>} : memref<10000xf32, #tpu.memory_space<vmem>>, vector<16xf32>,
      tpu.vector_store %arg12[%swap3A_57], %broadcast_in_dim3A_16 {strides = array<i32>} : memref<10000xf32, #tpu.memory_space<vmem>>, vector<16xf32>,
    }
    %scan3A_21 = arith.constant 625 : i32
    %iota3A = tpu.iota {dimensions = array<i32: 0>} : vector<16xi32>
    %broadcast_in_dim3A_22 = arith.constant true
    %broadcast_in_dim3A_23 = vector.broadcast %broadcast_in_dim3A_22 : i1 to vector<16xi1>
    %mul3A_24 = arith.constant 160000 : i32
    %mul3A_25 = arith.muli %arg0, %mul3A_24 : i32
    %add3A_26 = arith.constant 0 : i32
    %add3A_27 = arith.addi %mul3A_25, %add3A_26 : i32
    %dma_start3A = tpu.memref_slice %arg3[%add3A_27] : memref<320000xi32, #tpu.memory_space<hbm>> -> memref<8000xi32, #tpu.memory_space<hbm>>
    %dma_start3A_28 = tpu.memref_slice %arg3[%add3A_27] : memref<320000xi32, #tpu.memory_space<hbm>> -> memref<8000xi32, #tpu.memory_space<hbm>>
    tpu.enqueue_dma source(%dma_start3A_28 : memref<8000xi32, #tpu.memory_space<hbm>>) target(%arg13 : memref<8000xi32, #tpu.memory_space<vmem>>) target_semaphore(%arg17 : memref<!tpu.dma_semaphore, #tpu.memory_space<semaphore_mem>>)
    %scan3A_29 = arith.constant 0 : i32
    %scan3A_30 = arith.constant 0 : i32
    %scan3A_31 = arith.constant 10 : i32
    %scan3A_32 = arith.addi %scan3A_30, %scan3A_31 : i32
    %scan3A_33 = arith.constant 1 : i32
    scf.for %scan3A_43 = %scan3A_30 to %scan3A_32 step %scan3A_33  : i32 {
      %mul3A_44 = arith.constant 2 : i32
      %mul3A_45 = arith.muli %scan3A_43, %mul3A_44 : i32
      %add3A_46 = arith.constant 0 : i32
      %add3A_47 = arith.addi %mul3A_45, %add3A_46 : i32
      %mul3A_48 = arith.constant 160000 : i32
      %mul3A_49 = arith.muli %arg0, %mul3A_48 : i32
      %mul3A_50 = arith.constant 8000 : i32
      %mul3A_51 = arith.muli %add3A_47, %mul3A_50 : i32
      %add3A_52 = arith.addi %mul3A_49, %mul3A_51 : i32
      %dma_wait3A = tpu.memref_slice %arg3[%add3A_52] : memref<320000xi32, #tpu.memory_space<hbm>> -> memref<8000xi32, #tpu.memory_space<hbm>>
      %dma_wait3A_53 = tpu.memref_slice %arg3[%add3A_52] : memref<320000xi32, #tpu.memory_space<hbm>> -> memref<8000xi32, #tpu.memory_space<hbm>>
      tpu.wait_dma2 semaphore(%arg17 : memref<!tpu.dma_semaphore, #tpu.memory_space<semaphore_mem>>) src(%dma_wait3A_53 : memref<8000xi32, #tpu.memory_space<hbm>>) dst(%arg13 : memref<8000xi32, #tpu.memory_space<vmem>>)
      %add3A_54 = arith.constant 1 : i32
      %add3A_55 = arith.addi %add3A_47, %add3A_54 : i32
      %lt3A = arith.constant 20 : i32
      %lt3A_56 = arith.cmpi slt, %add3A_55, %lt3A : i32
      %convert_element_type3A = arith.extui %lt3A_56 : i1 to i32
      %cond3A = arith.constant 0 : i32
      %cond3A_57 = arith.cmpi ne, %convert_element_type3A, %cond3A : i32
      scf.if %cond3A_57 {
        %add3A_119 = arith.constant 1 : i32
        %add3A_120 = arith.addi %add3A_47, %add3A_119 : i32
        %mul3A_121 = arith.constant 160000 : i32
        %mul3A_122 = arith.muli %arg0, %mul3A_121 : i32
        %mul3A_123 = arith.constant 8000 : i32
        %mul3A_124 = arith.muli %add3A_120, %mul3A_123 : i32
        %add3A_125 = arith.addi %mul3A_122, %mul3A_124 : i32
        %dma_start3A_126 = tpu.memref_slice %arg3[%add3A_125] : memref<320000xi32, #tpu.memory_space<hbm>> -> memref<8000xi32, #tpu.memory_space<hbm>>
        %dma_start3A_127 = tpu.memref_slice %arg3[%add3A_125] : memref<320000xi32, #tpu.memory_space<hbm>> -> memref<8000xi32, #tpu.memory_space<hbm>>
        tpu.enqueue_dma source(%dma_start3A_127 : memref<8000xi32, #tpu.memory_space<hbm>>) target(%arg14 : memref<8000xi32, #tpu.memory_space<vmem>>) target_semaphore(%arg18 : memref<!tpu.dma_semaphore, #tpu.memory_space<semaphore_mem>>)
      } else {
      }
      %broadcast_in_dim3A_58 = arith.constant false
      %broadcast_in_dim3A_59 = vector.broadcast %broadcast_in_dim3A_58 : i1 to vector<16xi1>
      %scan3A_60 = arith.constant 0 : i32
      %scan3A_61 = arith.constant 125 : i32
      %scan3A_62 = arith.addi %scan3A_60, %scan3A_61 : i32
      %scan3A_63 = arith.constant 1 : i32
      %scan3A_64 = scf.for %scan3A_119 = %scan3A_60 to %scan3A_62 step %scan3A_63 iter_args(%scan3A_120 = %broadcast_in_dim3A_59) -> (vector<16xi1>)  : i32 {
        %mul3A_121 = arith.constant 4 : i32
        %mul3A_122 = arith.muli %mul3A_121, %scan3A_119 : i32
        %add3A_123 = arith.constant 0 : i32
        %add3A_124 = arith.addi %mul3A_122, %add3A_123 : i32
        %mul3A_125 = arith.constant 16 : i32
        %mul3A_126 = arith.muli %add3A_124, %mul3A_125 : i32
        %get3A = arith.index_cast %mul3A_126 : i32 to index
        %get3A_127 = tpu.vector_load %arg13[%get3A] {strides = array<i32>} : memref<8000xi32, #tpu.memory_space<vmem>>, vector<16xi32>,
        %mul3A_128 = arith.constant 4 : i32
        %mul3A_129 = arith.muli %mul3A_128, %scan3A_119 : i32
        %add3A_130 = arith.constant 1 : i32
        %add3A_131 = arith.addi %mul3A_129, %add3A_130 : i32
        %mul3A_132 = arith.constant 16 : i32
        %mul3A_133 = arith.muli %add3A_131, %mul3A_132 : i32
        %get3A_134 = arith.index_cast %mul3A_133 : i32 to index
        %get3A_135 = tpu.vector_load %arg13[%get3A_134] {strides = array<i32>} : memref<8000xi32, #tpu.memory_space<vmem>>, vector<16xi32>,
        %mul3A_136 = arith.constant 4 : i32
        %mul3A_137 = arith.muli %mul3A_136, %scan3A_119 : i32
        %add3A_138 = arith.constant 2 : i32
        %add3A_139 = arith.addi %mul3A_137, %add3A_138 : i32
        %mul3A_140 = arith.constant 16 : i32
        %mul3A_141 = arith.muli %add3A_139, %mul3A_140 : i32
        %get3A_142 = arith.index_cast %mul3A_141 : i32 to index
        %get3A_143 = tpu.vector_load %arg13[%get3A_142] {strides = array<i32>} : memref<8000xi32, #tpu.memory_space<vmem>>, vector<16xi32>,
        %mul3A_144 = arith.constant 4 : i32
        %mul3A_145 = arith.muli %mul3A_144, %scan3A_119 : i32
        %add3A_146 = arith.constant 3 : i32
        %add3A_147 = arith.addi %mul3A_145, %add3A_146 : i32
        %mul3A_148 = arith.constant 16 : i32
        %mul3A_149 = arith.muli %add3A_147, %mul3A_148 : i32
        %get3A_150 = arith.index_cast %mul3A_149 : i32 to index
        %get3A_151 = tpu.vector_load %arg13[%get3A_150] {strides = array<i32>} : memref<8000xi32, #tpu.memory_space<vmem>>, vector<16xi32>,
        %and3A = arith.constant 16383 : i32
        %and3A_152 = vector.broadcast %and3A : i32 to vector<16xi32>
        %and3A_153 = arith.andi %get3A_127, %and3A_152 : vector<16xi32>
        %shift_right_arithmetic3A = arith.constant 14 : i32
        %shift_right_arithmetic3A_154 = vector.broadcast %shift_right_arithmetic3A : i32 to vector<16xi32>
        %shift_right_arithmetic3A_155 = arith.shrsi %get3A_127, %shift_right_arithmetic3A_154 : vector<16xi32>
        tpu.vector_store_idx %arg15[%and3A_153], %iota3A : memref<10000xi32, #tpu.memory_space<vmem>>[vector<16xi32>], vector<16xi32>,
        %gather3A = tpu.vector_load_idx %arg5[%shift_right_arithmetic3A_155] : memref<10000xf32, #tpu.memory_space<vmem>>[vector<16xi32>], vector<16xf32>,
        %gather3A_156 = tpu.vector_load_idx %arg6[%shift_right_arithmetic3A_155] : memref<10000xf32, #tpu.memory_space<vmem>>[vector<16xi32>], vector<16xf32>,
        %gather3A_157 = tpu.vector_load_idx %arg7[%shift_right_arithmetic3A_155] : memref<10000xf32, #tpu.memory_space<vmem>>[vector<16xi32>], vector<16xf32>,
        %gather3A_158 = tpu.vector_load_idx %arg8[%shift_right_arithmetic3A_155] : memref<10000xf32, #tpu.memory_space<vmem>>[vector<16xi32>], vector<16xf32>,
        %gather3A_159 = tpu.vector_load_idx %arg15[%and3A_153] : memref<10000xi32, #tpu.memory_space<vmem>>[vector<16xi32>], vector<16xi32>,
        %eq3A = arith.cmpi eq, %gather3A_159, %iota3A : vector<16xi32>
        %not3A = arith.constant dense<true> : vector<16xi1>
        %not3A_160 = arith.xori %eq3A, %not3A : vector<16xi1>
        tpu.vector_store_idx %arg15[%and3A_153], %iota3A masked %not3A_160 : memref<10000xi32, #tpu.memory_space<vmem>>[vector<16xi32>], vector<16xi32>, vector<16xi1>
        %gather3A_161 = tpu.vector_load_idx %arg9[%and3A_153] : memref<10000xf32, #tpu.memory_space<vmem>>[vector<16xi32>], vector<16xf32>,
        %gather3A_162 = tpu.vector_load_idx %arg10[%and3A_153] : memref<10000xf32, #tpu.memory_space<vmem>>[vector<16xi32>], vector<16xf32>,
        %gather3A_163 = tpu.vector_load_idx %arg11[%and3A_153] : memref<10000xf32, #tpu.memory_space<vmem>>[vector<16xi32>], vector<16xf32>,
        %gather3A_164 = tpu.vector_load_idx %arg12[%and3A_153] : memref<10000xf32, #tpu.memory_space<vmem>>[vector<16xi32>], vector<16xf32>,
        %gather3A_165 = tpu.vector_load_idx %arg15[%and3A_153] : memref<10000xi32, #tpu.memory_space<vmem>>[vector<16xi32>], vector<16xi32>,
        %eq3A_166 = arith.cmpi eq, %gather3A_165, %iota3A : vector<16xi32>
        %max3A = arith.maximumf %gather3A_161, %gather3A : vector<16xf32>
        %max3A_167 = arith.maximumf %gather3A_162, %gather3A_156 : vector<16xf32>
        %max3A_168 = arith.maximumf %gather3A_163, %gather3A_157 : vector<16xf32>
        %max3A_169 = arith.maximumf %gather3A_164, %gather3A_158 : vector<16xf32>
        %reshape3A = vector.shape_cast %gather3A_159 : vector<16xi32> to vector<16x1xi32>
        %gather3A_170 = vector.shape_cast %reshape3A : vector<16x1xi32> to vector<16xi32>
        %gather3A_171 = tpu.dynamic_gather %gather3A[%gather3A_170] in [0] : vector<16xf32>, vector<16xi32> -> vector<16xf32>
        %reshape3A_172 = vector.shape_cast %gather3A_159 : vector<16xi32> to vector<16x1xi32>
        %gather3A_173 = vector.shape_cast %reshape3A_172 : vector<16x1xi32> to vector<16xi32>
        %gather3A_174 = tpu.dynamic_gather %gather3A_156[%gather3A_173] in [0] : vector<16xf32>, vector<16xi32> -> vector<16xf32>
        %reshape3A_175 = vector.shape_cast %gather3A_159 : vector<16xi32> to vector<16x1xi32>
        %gather3A_176 = vector.shape_cast %reshape3A_175 : vector<16x1xi32> to vector<16xi32>
        %gather3A_177 = tpu.dynamic_gather %gather3A_157[%gather3A_176] in [0] : vector<16xf32>, vector<16xi32> -> vector<16xf32>
        %reshape3A_178 = vector.shape_cast %gather3A_159 : vector<16xi32> to vector<16x1xi32>
        %gather3A_179 = vector.shape_cast %reshape3A_178 : vector<16x1xi32> to vector<16xi32>
        %gather3A_180 = tpu.dynamic_gather %gather3A_158[%gather3A_179] in [0] : vector<16xf32>, vector<16xi32> -> vector<16xf32>
        %max3A_181 = arith.maximumf %max3A, %gather3A_171 : vector<16xf32>
        %select_n3A = arith.select %eq3A, %max3A, %max3A_181 : vector<16xi1>, vector<16xf32>
        tpu.vector_store_idx %arg9[%and3A_153], %select_n3A masked %eq3A_166 : memref<10000xf32, #tpu.memory_space<vmem>>[vector<16xi32>], vector<16xf32>, vector<16xi1>
        %max3A_182 = arith.maximumf %max3A_167, %gather3A_174 : vector<16xf32>
        %select_n3A_183 = arith.select %eq3A, %max3A_167, %max3A_182 : vector<16xi1>, vector<16xf32>
        tpu.vector_store_idx %arg10[%and3A_153], %select_n3A_183 masked %eq3A_166 : memref<10000xf32, #tpu.memory_space<vmem>>[vector<16xi32>], vector<16xf32>, vector<16xi1>
        %max3A_184 = arith.maximumf %max3A_168, %gather3A_177 : vector<16xf32>
        %select_n3A_185 = arith.select %eq3A, %max3A_168, %max3A_184 : vector<16xi1>, vector<16xf32>
        tpu.vector_store_idx %arg11[%and3A_153], %select_n3A_185 masked %eq3A_166 : memref<10000xf32, #tpu.memory_space<vmem>>[vector<16xi32>], vector<16xf32>, vector<16xi1>
        %max3A_186 = arith.maximumf %max3A_169, %gather3A_180 : vector<16xf32>
        %select_n3A_187 = arith.select %eq3A, %max3A_169, %max3A_186 : vector<16xi1>, vector<16xf32>
        tpu.vector_store_idx %arg12[%and3A_153], %select_n3A_187 masked %eq3A_166 : memref<10000xf32, #tpu.memory_space<vmem>>[vector<16xi32>], vector<16xf32>, vector<16xi1>
        %not3A_188 = arith.constant dense<true> : vector<16xi1>
        %not3A_189 = arith.xori %eq3A_166, %not3A_188 : vector<16xi1>
        %and3A_190 = arith.andi %not3A_160, %not3A_189 : vector<16xi1>
        %or3A = arith.ori %scan3A_120, %and3A_190 : vector<16xi1>
        %and3A_191 = arith.constant 16383 : i32
        %and3A_192 = vector.broadcast %and3A_191 : i32 to vector<16xi32>
        %and3A_193 = arith.andi %get3A_135, %and3A_192 : vector<16xi32>
        %shift_right_arithmetic3A_194 = arith.constant 14 : i32
        %shift_right_arithmetic3A_195 = vector.broadcast %shift_right_arithmetic3A_194 : i32 to vector<16xi32>
        %shift_right_arithmetic3A_196 = arith.shrsi %get3A_135, %shift_right_arithmetic3A_195 : vector<16xi32>
        tpu.vector_store_idx %arg16[%and3A_193], %iota3A : memref<10000xi32, #tpu.memory_space<vmem>>[vector<16xi32>], vector<16xi32>,
        %gather3A_197 = tpu.vector_load_idx %arg5[%shift_right_arithmetic3A_196] : memref<10000xf32, #tpu.memory_space<vmem>>[vector<16xi32>], vector<16xf32>,
        %gather3A_198 = tpu.vector_load_idx %arg6[%shift_right_arithmetic3A_196] : memref<10000xf32, #tpu.memory_space<vmem>>[vector<16xi32>], vector<16xf32>,
        %gather3A_199 = tpu.vector_load_idx %arg7[%shift_right_arithmetic3A_196] : memref<10000xf32, #tpu.memory_space<vmem>>[vector<16xi32>], vector<16xf32>,
        %gather3A_200 = tpu.vector_load_idx %arg8[%shift_right_arithmetic3A_196] : memref<10000xf32, #tpu.memory_space<vmem>>[vector<16xi32>], vector<16xf32>,
        %gather3A_201 = tpu.vector_load_idx %arg16[%and3A_193] : memref<10000xi32, #tpu.memory_space<vmem>>[vector<16xi32>], vector<16xi32>,
        %eq3A_202 = arith.cmpi eq, %gather3A_201, %iota3A : vector<16xi32>
        %not3A_203 = arith.constant dense<true> : vector<16xi1>
        %not3A_204 = arith.xori %eq3A_202, %not3A_203 : vector<16xi1>
        tpu.vector_store_idx %arg16[%and3A_193], %iota3A masked %not3A_204 : memref<10000xi32, #tpu.memory_space<vmem>>[vector<16xi32>], vector<16xi32>, vector<16xi1>
        %gather3A_205 = tpu.vector_load_idx %arg9[%and3A_193] : memref<10000xf32, #tpu.memory_space<vmem>>[vector<16xi32>], vector<16xf32>,
        %gather3A_206 = tpu.vector_load_idx %arg10[%and3A_193] : memref<10000xf32, #tpu.memory_space<vmem>>[vector<16xi32>], vector<16xf32>,
        %gather3A_207 = tpu.vector_load_idx %arg11[%and3A_193] : memref<10000xf32, #tpu.memory_space<vmem>>[vector<16xi32>], vector<16xf32>,
        %gather3A_208 = tpu.vector_load_idx %arg12[%and3A_193] : memref<10000xf32, #tpu.memory_space<vmem>>[vector<16xi32>], vector<16xf32>,
        %gather3A_209 = tpu.vector_load_idx %arg16[%and3A_193] : memref<10000xi32, #tpu.memory_space<vmem>>[vector<16xi32>], vector<16xi32>,
        %eq3A_210 = arith.cmpi eq, %gather3A_209, %iota3A : vector<16xi32>
        %max3A_211 = arith.maximumf %gather3A_205, %gather3A_197 : vector<16xf32>
        %max3A_212 = arith.maximumf %gather3A_206, %gather3A_198 : vector<16xf32>
        %max3A_213 = arith.maximumf %gather3A_207, %gather3A_199 : vector<16xf32>
        %max3A_214 = arith.maximumf %gather3A_208, %gather3A_200 : vector<16xf32>
        %reshape3A_215 = vector.shape_cast %gather3A_201 : vector<16xi32> to vector<16x1xi32>
        %gather3A_216 = vector.shape_cast %reshape3A_215 : vector<16x1xi32> to vector<16xi32>
        %gather3A_217 = tpu.dynamic_gather %gather3A_197[%gather3A_216] in [0] : vector<16xf32>, vector<16xi32> -> vector<16xf32>
        %reshape3A_218 = vector.shape_cast %gather3A_201 : vector<16xi32> to vector<16x1xi32>
        %gather3A_219 = vector.shape_cast %reshape3A_218 : vector<16x1xi32> to vector<16xi32>
        %gather3A_220 = tpu.dynamic_gather %gather3A_198[%gather3A_219] in [0] : vector<16xf32>, vector<16xi32> -> vector<16xf32>
        %reshape3A_221 = vector.shape_cast %gather3A_201 : vector<16xi32> to vector<16x1xi32>
        %gather3A_222 = vector.shape_cast %reshape3A_221 : vector<16x1xi32> to vector<16xi32>
        %gather3A_223 = tpu.dynamic_gather %gather3A_199[%gather3A_222] in [0] : vector<16xf32>, vector<16xi32> -> vector<16xf32>
        %reshape3A_224 = vector.shape_cast %gather3A_201 : vector<16xi32> to vector<16x1xi32>
        %gather3A_225 = vector.shape_cast %reshape3A_224 : vector<16x1xi32> to vector<16xi32>
        %gather3A_226 = tpu.dynamic_gather %gather3A_200[%gather3A_225] in [0] : vector<16xf32>, vector<16xi32> -> vector<16xf32>
        %max3A_227 = arith.maximumf %max3A_211, %gather3A_217 : vector<16xf32>
        %select_n3A_228 = arith.select %eq3A_202, %max3A_211, %max3A_227 : vector<16xi1>, vector<16xf32>
        tpu.vector_store_idx %arg9[%and3A_193], %select_n3A_228 masked %eq3A_210 : memref<10000xf32, #tpu.memory_space<vmem>>[vector<16xi32>], vector<16xf32>, vector<16xi1>
        %max3A_229 = arith.maximumf %max3A_212, %gather3A_220 : vector<16xf32>
        %select_n3A_230 = arith.select %eq3A_202, %max3A_212, %max3A_229 : vector<16xi1>, vector<16xf32>
        tpu.vector_store_idx %arg10[%and3A_193], %select_n3A_230 masked %eq3A_210 : memref<10000xf32, #tpu.memory_space<vmem>>[vector<16xi32>], vector<16xf32>, vector<16xi1>
        %max3A_231 = arith.maximumf %max3A_213, %gather3A_223 : vector<16xf32>
        %select_n3A_232 = arith.select %eq3A_202, %max3A_213, %max3A_231 : vector<16xi1>, vector<16xf32>
        tpu.vector_store_idx %arg11[%and3A_193], %select_n3A_232 masked %eq3A_210 : memref<10000xf32, #tpu.memory_space<vmem>>[vector<16xi32>], vector<16xf32>, vector<16xi1>
        %max3A_233 = arith.maximumf %max3A_214, %gather3A_226 : vector<16xf32>
        %select_n3A_234 = arith.select %eq3A_202, %max3A_214, %max3A_233 : vector<16xi1>, vector<16xf32>
        tpu.vector_store_idx %arg12[%and3A_193], %select_n3A_234 masked %eq3A_210 : memref<10000xf32, #tpu.memory_space<vmem>>[vector<16xi32>], vector<16xf32>, vector<16xi1>
        %not3A_235 = arith.constant dense<true> : vector<16xi1>
        %not3A_236 = arith.xori %eq3A_210, %not3A_235 : vector<16xi1>
        %and3A_237 = arith.andi %not3A_204, %not3A_236 : vector<16xi1>
        %or3A_238 = arith.ori %or3A, %and3A_237 : vector<16xi1>
        %and3A_239 = arith.constant 16383 : i32
        %and3A_240 = vector.broadcast %and3A_239 : i32 to vector<16xi32>
        %and3A_241 = arith.andi %get3A_143, %and3A_240 : vector<16xi32>
        %shift_right_arithmetic3A_242 = arith.constant 14 : i32
        %shift_right_arithmetic3A_243 = vector.broadcast %shift_right_arithmetic3A_242 : i32 to vector<16xi32>
        %shift_right_arithmetic3A_244 = arith.shrsi %get3A_143, %shift_right_arithmetic3A_243 : vector<16xi32>
        tpu.vector_store_idx %arg15[%and3A_241], %iota3A : memref<10000xi32, #tpu.memory_space<vmem>>[vector<16xi32>], vector<16xi32>,
        %gather3A_245 = tpu.vector_load_idx %arg5[%shift_right_arithmetic3A_244] : memref<10000xf32, #tpu.memory_space<vmem>>[vector<16xi32>], vector<16xf32>,
        %gather3A_246 = tpu.vector_load_idx %arg6[%shift_right_arithmetic3A_244] : memref<10000xf32, #tpu.memory_space<vmem>>[vector<16xi32>], vector<16xf32>,
        %gather3A_247 = tpu.vector_load_idx %arg7[%shift_right_arithmetic3A_244] : memref<10000xf32, #tpu.memory_space<vmem>>[vector<16xi32>], vector<16xf32>,
        %gather3A_248 = tpu.vector_load_idx %arg8[%shift_right_arithmetic3A_244] : memref<10000xf32, #tpu.memory_space<vmem>>[vector<16xi32>], vector<16xf32>,
        %gather3A_249 = tpu.vector_load_idx %arg15[%and3A_241] : memref<10000xi32, #tpu.memory_space<vmem>>[vector<16xi32>], vector<16xi32>,
        %eq3A_250 = arith.cmpi eq, %gather3A_249, %iota3A : vector<16xi32>
        %not3A_251 = arith.constant dense<true> : vector<16xi1>
        %not3A_252 = arith.xori %eq3A_250, %not3A_251 : vector<16xi1>
        tpu.vector_store_idx %arg15[%and3A_241], %iota3A masked %not3A_252 : memref<10000xi32, #tpu.memory_space<vmem>>[vector<16xi32>], vector<16xi32>, vector<16xi1>
        %gather3A_253 = tpu.vector_load_idx %arg9[%and3A_241] : memref<10000xf32, #tpu.memory_space<vmem>>[vector<16xi32>], vector<16xf32>,
        %gather3A_254 = tpu.vector_load_idx %arg10[%and3A_241] : memref<10000xf32, #tpu.memory_space<vmem>>[vector<16xi32>], vector<16xf32>,
        %gather3A_255 = tpu.vector_load_idx %arg11[%and3A_241] : memref<10000xf32, #tpu.memory_space<vmem>>[vector<16xi32>], vector<16xf32>,
        %gather3A_256 = tpu.vector_load_idx %arg12[%and3A_241] : memref<10000xf32, #tpu.memory_space<vmem>>[vector<16xi32>], vector<16xf32>,
        %gather3A_257 = tpu.vector_load_idx %arg15[%and3A_241] : memref<10000xi32, #tpu.memory_space<vmem>>[vector<16xi32>], vector<16xi32>,
        %eq3A_258 = arith.cmpi eq, %gather3A_257, %iota3A : vector<16xi32>
        %max3A_259 = arith.maximumf %gather3A_253, %gather3A_245 : vector<16xf32>
        %max3A_260 = arith.maximumf %gather3A_254, %gather3A_246 : vector<16xf32>
        %max3A_261 = arith.maximumf %gather3A_255, %gather3A_247 : vector<16xf32>
        %max3A_262 = arith.maximumf %gather3A_256, %gather3A_248 : vector<16xf32>
        %reshape3A_263 = vector.shape_cast %gather3A_249 : vector<16xi32> to vector<16x1xi32>
        %gather3A_264 = vector.shape_cast %reshape3A_263 : vector<16x1xi32> to vector<16xi32>
        %gather3A_265 = tpu.dynamic_gather %gather3A_245[%gather3A_264] in [0] : vector<16xf32>, vector<16xi32> -> vector<16xf32>
        %reshape3A_266 = vector.shape_cast %gather3A_249 : vector<16xi32> to vector<16x1xi32>
        %gather3A_267 = vector.shape_cast %reshape3A_266 : vector<16x1xi32> to vector<16xi32>
        %gather3A_268 = tpu.dynamic_gather %gather3A_246[%gather3A_267] in [0] : vector<16xf32>, vector<16xi32> -> vector<16xf32>
        %reshape3A_269 = vector.shape_cast %gather3A_249 : vector<16xi32> to vector<16x1xi32>
        %gather3A_270 = vector.shape_cast %reshape3A_269 : vector<16x1xi32> to vector<16xi32>
        %gather3A_271 = tpu.dynamic_gather %gather3A_247[%gather3A_270] in [0] : vector<16xf32>, vector<16xi32> -> vector<16xf32>
        %reshape3A_272 = vector.shape_cast %gather3A_249 : vector<16xi32> to vector<16x1xi32>
        %gather3A_273 = vector.shape_cast %reshape3A_272 : vector<16x1xi32> to vector<16xi32>
        %gather3A_274 = tpu.dynamic_gather %gather3A_248[%gather3A_273] in [0] : vector<16xf32>, vector<16xi32> -> vector<16xf32>
        %max3A_275 = arith.maximumf %max3A_259, %gather3A_265 : vector<16xf32>
        %select_n3A_276 = arith.select %eq3A_250, %max3A_259, %max3A_275 : vector<16xi1>, vector<16xf32>
        tpu.vector_store_idx %arg9[%and3A_241], %select_n3A_276 masked %eq3A_258 : memref<10000xf32, #tpu.memory_space<vmem>>[vector<16xi32>], vector<16xf32>, vector<16xi1>
        %max3A_277 = arith.maximumf %max3A_260, %gather3A_268 : vector<16xf32>
        %select_n3A_278 = arith.select %eq3A_250, %max3A_260, %max3A_277 : vector<16xi1>, vector<16xf32>
        tpu.vector_store_idx %arg10[%and3A_241], %select_n3A_278 masked %eq3A_258 : memref<10000xf32, #tpu.memory_space<vmem>>[vector<16xi32>], vector<16xf32>, vector<16xi1>
        %max3A_279 = arith.maximumf %max3A_261, %gather3A_271 : vector<16xf32>
        %select_n3A_280 = arith.select %eq3A_250, %max3A_261, %max3A_279 : vector<16xi1>, vector<16xf32>
        tpu.vector_store_idx %arg11[%and3A_241], %select_n3A_280 masked %eq3A_258 : memref<10000xf32, #tpu.memory_space<vmem>>[vector<16xi32>], vector<16xf32>, vector<16xi1>
        %max3A_281 = arith.maximumf %max3A_262, %gather3A_274 : vector<16xf32>
        %select_n3A_282 = arith.select %eq3A_250, %max3A_262, %max3A_281 : vector<16xi1>, vector<16xf32>
        tpu.vector_store_idx %arg12[%and3A_241], %select_n3A_282 masked %eq3A_258 : memref<10000xf32, #tpu.memory_space<vmem>>[vector<16xi32>], vector<16xf32>, vector<16xi1>
        %not3A_283 = arith.constant dense<true> : vector<16xi1>
        %not3A_284 = arith.xori %eq3A_258, %not3A_283 : vector<16xi1>
        %and3A_285 = arith.andi %not3A_252, %not3A_284 : vector<16xi1>
        %or3A_286 = arith.ori %or3A_238, %and3A_285 : vector<16xi1>
        %and3A_287 = arith.constant 16383 : i32
        %and3A_288 = vector.broadcast %and3A_287 : i32 to vector<16xi32>
        %and3A_289 = arith.andi %get3A_151, %and3A_288 : vector<16xi32>
        %shift_right_arithmetic3A_290 = arith.constant 14 : i32
        %shift_right_arithmetic3A_291 = vector.broadcast %shift_right_arithmetic3A_290 : i32 to vector<16xi32>
        %shift_right_arithmetic3A_292 = arith.shrsi %get3A_151, %shift_right_arithmetic3A_291 : vector<16xi32>
        tpu.vector_store_idx %arg16[%and3A_289], %iota3A : memref<10000xi32, #tpu.memory_space<vmem>>[vector<16xi32>], vector<16xi32>,
        %gather3A_293 = tpu.vector_load_idx %arg5[%shift_right_arithmetic3A_292] : memref<10000xf32, #tpu.memory_space<vmem>>[vector<16xi32>], vector<16xf32>,
        %gather3A_294 = tpu.vector_load_idx %arg6[%shift_right_arithmetic3A_292] : memref<10000xf32, #tpu.memory_space<vmem>>[vector<16xi32>], vector<16xf32>,
        %gather3A_295 = tpu.vector_load_idx %arg7[%shift_right_arithmetic3A_292] : memref<10000xf32, #tpu.memory_space<vmem>>[vector<16xi32>], vector<16xf32>,
        %gather3A_296 = tpu.vector_load_idx %arg8[%shift_right_arithmetic3A_292] : memref<10000xf32, #tpu.memory_space<vmem>>[vector<16xi32>], vector<16xf32>,
        %gather3A_297 = tpu.vector_load_idx %arg16[%and3A_289] : memref<10000xi32, #tpu.memory_space<vmem>>[vector<16xi32>], vector<16xi32>,
        %eq3A_298 = arith.cmpi eq, %gather3A_297, %iota3A : vector<16xi32>
        %not3A_299 = arith.constant dense<true> : vector<16xi1>
        %not3A_300 = arith.xori %eq3A_298, %not3A_299 : vector<16xi1>
        tpu.vector_store_idx %arg16[%and3A_289], %iota3A masked %not3A_300 : memref<10000xi32, #tpu.memory_space<vmem>>[vector<16xi32>], vector<16xi32>, vector<16xi1>
        %gather3A_301 = tpu.vector_load_idx %arg9[%and3A_289] : memref<10000xf32, #tpu.memory_space<vmem>>[vector<16xi32>], vector<16xf32>,
        %gather3A_302 = tpu.vector_load_idx %arg10[%and3A_289] : memref<10000xf32, #tpu.memory_space<vmem>>[vector<16xi32>], vector<16xf32>,
        %gather3A_303 = tpu.vector_load_idx %arg11[%and3A_289] : memref<10000xf32, #tpu.memory_space<vmem>>[vector<16xi32>], vector<16xf32>,
        %gather3A_304 = tpu.vector_load_idx %arg12[%and3A_289] : memref<10000xf32, #tpu.memory_space<vmem>>[vector<16xi32>], vector<16xf32>,
        %gather3A_305 = tpu.vector_load_idx %arg16[%and3A_289] : memref<10000xi32, #tpu.memory_space<vmem>>[vector<16xi32>], vector<16xi32>,
        %eq3A_306 = arith.cmpi eq, %gather3A_305, %iota3A : vector<16xi32>
        %max3A_307 = arith.maximumf %gather3A_301, %gather3A_293 : vector<16xf32>
        %max3A_308 = arith.maximumf %gather3A_302, %gather3A_294 : vector<16xf32>
        %max3A_309 = arith.maximumf %gather3A_303, %gather3A_295 : vector<16xf32>
        %max3A_310 = arith.maximumf %gather3A_304, %gather3A_296 : vector<16xf32>
        %reshape3A_311 = vector.shape_cast %gather3A_297 : vector<16xi32> to vector<16x1xi32>
        %gather3A_312 = vector.shape_cast %reshape3A_311 : vector<16x1xi32> to vector<16xi32>
        %gather3A_313 = tpu.dynamic_gather %gather3A_293[%gather3A_312] in [0] : vector<16xf32>, vector<16xi32> -> vector<16xf32>
        %reshape3A_314 = vector.shape_cast %gather3A_297 : vector<16xi32> to vector<16x1xi32>
        %gather3A_315 = vector.shape_cast %reshape3A_314 : vector<16x1xi32> to vector<16xi32>
        %gather3A_316 = tpu.dynamic_gather %gather3A_294[%gather3A_315] in [0] : vector<16xf32>, vector<16xi32> -> vector<16xf32>
        %reshape3A_317 = vector.shape_cast %gather3A_297 : vector<16xi32> to vector<16x1xi32>
        %gather3A_318 = vector.shape_cast %reshape3A_317 : vector<16x1xi32> to vector<16xi32>
        %gather3A_319 = tpu.dynamic_gather %gather3A_295[%gather3A_318] in [0] : vector<16xf32>, vector<16xi32> -> vector<16xf32>
        %reshape3A_320 = vector.shape_cast %gather3A_297 : vector<16xi32> to vector<16x1xi32>
        %gather3A_321 = vector.shape_cast %reshape3A_320 : vector<16x1xi32> to vector<16xi32>
        %gather3A_322 = tpu.dynamic_gather %gather3A_296[%gather3A_321] in [0] : vector<16xf32>, vector<16xi32> -> vector<16xf32>
        %max3A_323 = arith.maximumf %max3A_307, %gather3A_313 : vector<16xf32>
        %select_n3A_324 = arith.select %eq3A_298, %max3A_307, %max3A_323 : vector<16xi1>, vector<16xf32>
        tpu.vector_store_idx %arg9[%and3A_289], %select_n3A_324 masked %eq3A_306 : memref<10000xf32, #tpu.memory_space<vmem>>[vector<16xi32>], vector<16xf32>, vector<16xi1>
        %max3A_325 = arith.maximumf %max3A_308, %gather3A_316 : vector<16xf32>
        %select_n3A_326 = arith.select %eq3A_298, %max3A_308, %max3A_325 : vector<16xi1>, vector<16xf32>
        tpu.vector_store_idx %arg10[%and3A_289], %select_n3A_326 masked %eq3A_306 : memref<10000xf32, #tpu.memory_space<vmem>>[vector<16xi32>], vector<16xf32>, vector<16xi1>
        %max3A_327 = arith.maximumf %max3A_309, %gather3A_319 : vector<16xf32>
        %select_n3A_328 = arith.select %eq3A_298, %max3A_309, %max3A_327 : vector<16xi1>, vector<16xf32>
        tpu.vector_store_idx %arg11[%and3A_289], %select_n3A_328 masked %eq3A_306 : memref<10000xf32, #tpu.memory_space<vmem>>[vector<16xi32>], vector<16xf32>, vector<16xi1>
        %max3A_329 = arith.maximumf %max3A_310, %gather3A_322 : vector<16xf32>
        %select_n3A_330 = arith.select %eq3A_298, %max3A_310, %max3A_329 : vector<16xi1>, vector<16xf32>
        tpu.vector_store_idx %arg12[%and3A_289], %select_n3A_330 masked %eq3A_306 : memref<10000xf32, #tpu.memory_space<vmem>>[vector<16xi32>], vector<16xf32>, vector<16xi1>
        %not3A_331 = arith.constant dense<true> : vector<16xi1>
        %not3A_332 = arith.xori %eq3A_306, %not3A_331 : vector<16xi1>
        %and3A_333 = arith.andi %not3A_300, %not3A_332 : vector<16xi1>
        %or3A_334 = arith.ori %or3A_286, %and3A_333 : vector<16xi1>
        scf.yield %or3A_334 : vector<16xi1>
      }
      %scan3A_65 = arith.constant 125 : i32
      %reduce_or3A = arith.constant 1.000000e+00 : f32
      %reduce_or3A_66 = arith.constant 0.000000e+00 : f32
      %reduce_or3A_67 = vector.broadcast %reduce_or3A : f32 to vector<16xf32>
      %reduce_or3A_68 = vector.broadcast %reduce_or3A_66 : f32 to vector<16xf32>
      %reduce_or3A_69 = arith.select %scan3A_64, %reduce_or3A_67, %reduce_or3A_68 : vector<16xi1>, vector<16xf32>
      %reduce_or3A_70 = arith.constant true
      %reduce_or3A_71 = vector.broadcast %reduce_or3A_70 : i1 to vector<16xi1>
      %reduce_or3A_72 = tpu.scan <max>, %reduce_or3A_69 masked %reduce_or3A_71 : vector<16xf32>, vector<16xi1> -> vector<16xf32>
      %reduce_or3A_73 = vector.extract %reduce_or3A_72[15] : f32 from vector<16xf32>
      %reduce_or3A_74 = arith.constant 0.000000e+00 : f32
      %reduce_or3A_75 = arith.cmpf ogt, %reduce_or3A_73, %reduce_or3A_74 : f32
      %convert_element_type3A_76 = arith.extui %reduce_or3A_75 : i1 to i32
      %cond3A_77 = arith.constant 0 : i32
      %cond3A_78 = arith.cmpi ne, %convert_element_type3A_76, %cond3A_77 : i32
      scf.if %cond3A_78 {
        %scan3A_119 = arith.constant 0 : i32
        %scan3A_120 = arith.constant 0 : i32
        %scan3A_121 = arith.constant 500 : i32
        %scan3A_122 = arith.addi %scan3A_120, %scan3A_121 : i32
        %scan3A_123 = arith.constant 1 : i32
        scf.for %scan3A_125 = %scan3A_120 to %scan3A_122 step %scan3A_123  : i32 {
          %mul3A_126 = arith.constant 16 : i32
          %mul3A_127 = arith.muli %scan3A_125, %mul3A_126 : i32
          %get3A = arith.index_cast %mul3A_127 : i32 to index
          %get3A_128 = tpu.vector_load %arg13[%get3A] {strides = array<i32>} : memref<8000xi32, #tpu.memory_space<vmem>>, vector<16xi32>,
          %and3A = arith.constant 16383 : i32
          %and3A_129 = vector.broadcast %and3A : i32 to vector<16xi32>
          %and3A_130 = arith.andi %get3A_128, %and3A_129 : vector<16xi32>
          %shift_right_arithmetic3A = arith.constant 14 : i32
          %shift_right_arithmetic3A_131 = vector.broadcast %shift_right_arithmetic3A : i32 to vector<16xi32>
          %shift_right_arithmetic3A_132 = arith.shrsi %get3A_128, %shift_right_arithmetic3A_131 : vector<16xi32>
          %gather3A = tpu.vector_load_idx %arg5[%shift_right_arithmetic3A_132] : memref<10000xf32, #tpu.memory_space<vmem>>[vector<16xi32>], vector<16xf32>,
          %gather3A_133 = tpu.vector_load_idx %arg6[%shift_right_arithmetic3A_132] : memref<10000xf32, #tpu.memory_space<vmem>>[vector<16xi32>], vector<16xf32>,
          %gather3A_134 = tpu.vector_load_idx %arg7[%shift_right_arithmetic3A_132] : memref<10000xf32, #tpu.memory_space<vmem>>[vector<16xi32>], vector<16xf32>,
          %gather3A_135 = tpu.vector_load_idx %arg8[%shift_right_arithmetic3A_132] : memref<10000xf32, #tpu.memory_space<vmem>>[vector<16xi32>], vector<16xf32>,
          %while3A = scf.while (%while3A_136 = %broadcast_in_dim3A_23) : (vector<16xi1>) -> vector<16xi1> {
            %reduce_or3A_137 = arith.constant 1.000000e+00 : f32
            %reduce_or3A_138 = arith.constant 0.000000e+00 : f32
            %reduce_or3A_139 = vector.broadcast %reduce_or3A_137 : f32 to vector<16xf32>
            %reduce_or3A_140 = vector.broadcast %reduce_or3A_138 : f32 to vector<16xf32>
            %reduce_or3A_141 = arith.select %while3A_136, %reduce_or3A_139, %reduce_or3A_140 : vector<16xi1>, vector<16xf32>
            %reduce_or3A_142 = arith.constant true
            %reduce_or3A_143 = vector.broadcast %reduce_or3A_142 : i1 to vector<16xi1>
            %reduce_or3A_144 = tpu.scan <max>, %reduce_or3A_141 masked %reduce_or3A_143 : vector<16xf32>, vector<16xi1> -> vector<16xf32>
            %reduce_or3A_145 = vector.extract %reduce_or3A_144[15] : f32 from vector<16xf32>
            %reduce_or3A_146 = arith.constant 0.000000e+00 : f32
            %reduce_or3A_147 = arith.cmpf ogt, %reduce_or3A_145, %reduce_or3A_146 : f32
            scf.condition(%reduce_or3A_147) %while3A_136 : vector<16xi1>
          } do {
          ^bb0(%while3A_136: vector<16xi1>):
            tpu.vector_store_idx %arg15[%and3A_130], %iota3A masked %while3A_136 : memref<10000xi32, #tpu.memory_space<vmem>>[vector<16xi32>], vector<16xi32>, vector<16xi1>
            %gather3A_137 = tpu.vector_load_idx %arg15[%and3A_130] masked %while3A_136 : memref<10000xi32, #tpu.memory_space<vmem>>[vector<16xi32>], vector<16xi32>, vector<16xi1>
            %eq3A = arith.cmpi eq, %gather3A_137, %iota3A : vector<16xi32>
            %and3A_138 = arith.andi %eq3A, %while3A_136 : vector<16xi1>
            %gather3A_139 = tpu.vector_load_idx %arg9[%and3A_130] masked %and3A_138 : memref<10000xf32, #tpu.memory_space<vmem>>[vector<16xi32>], vector<16xf32>, vector<16xi1>
            %max3A = arith.maximumf %gather3A_139, %gather3A : vector<16xf32>
            tpu.vector_store_idx %arg9[%and3A_130], %max3A masked %and3A_138 : memref<10000xf32, #tpu.memory_space<vmem>>[vector<16xi32>], vector<16xf32>, vector<16xi1>
            %gather3A_140 = tpu.vector_load_idx %arg10[%and3A_130] masked %and3A_138 : memref<10000xf32, #tpu.memory_space<vmem>>[vector<16xi32>], vector<16xf32>, vector<16xi1>
            %max3A_141 = arith.maximumf %gather3A_140, %gather3A_133 : vector<16xf32>
            tpu.vector_store_idx %arg10[%and3A_130], %max3A_141 masked %and3A_138 : memref<10000xf32, #tpu.memory_space<vmem>>[vector<16xi32>], vector<16xf32>, vector<16xi1>
            %gather3A_142 = tpu.vector_load_idx %arg11[%and3A_130] masked %and3A_138 : memref<10000xf32, #tpu.memory_space<vmem>>[vector<16xi32>], vector<16xf32>, vector<16xi1>
            %max3A_143 = arith.maximumf %gather3A_142, %gather3A_134 : vector<16xf32>
            tpu.vector_store_idx %arg11[%and3A_130], %max3A_143 masked %and3A_138 : memref<10000xf32, #tpu.memory_space<vmem>>[vector<16xi32>], vector<16xf32>, vector<16xi1>
            %gather3A_144 = tpu.vector_load_idx %arg12[%and3A_130] masked %and3A_138 : memref<10000xf32, #tpu.memory_space<vmem>>[vector<16xi32>], vector<16xf32>, vector<16xi1>
            %max3A_145 = arith.maximumf %gather3A_144, %gather3A_135 : vector<16xf32>
            tpu.vector_store_idx %arg12[%and3A_130], %max3A_145 masked %and3A_138 : memref<10000xf32, #tpu.memory_space<vmem>>[vector<16xi32>], vector<16xf32>, vector<16xi1>
            %not3A = arith.constant dense<true> : vector<16xi1>
            %not3A_146 = arith.xori %and3A_138, %not3A : vector<16xi1>
            %and3A_147 = arith.andi %while3A_136, %not3A_146 : vector<16xi1>
            scf.yield %and3A_147 : vector<16xi1>
          }
        }
        %scan3A_124 = arith.constant 500 : i32
      } else {
      }
      %mul3A_79 = arith.constant 2 : i32
      %mul3A_80 = arith.muli %scan3A_43, %mul3A_79 : i32
      %add3A_81 = arith.constant 1 : i32
      %add3A_82 = arith.addi %mul3A_80, %add3A_81 : i32
      %mul3A_83 = arith.constant 160000 : i32
      %mul3A_84 = arith.muli %arg0, %mul3A_83 : i32
      %mul3A_85 = arith.constant 8000 : i32
      %mul3A_86 = arith.muli %add3A_82, %mul3A_85 : i32
      %add3A_87 = arith.addi %mul3A_84, %mul3A_86 : i32
      %dma_wait3A_88 = tpu.memref_slice %arg3[%add3A_87] : memref<320000xi32, #tpu.memory_space<hbm>> -> memref<8000xi32, #tpu.memory_space<hbm>>
      %dma_wait3A_89 = tpu.memref_slice %arg3[%add3A_87] : memref<320000xi32, #tpu.memory_space<hbm>> -> memref<8000xi32, #tpu.memory_space<hbm>>
      tpu.wait_dma2 semaphore(%arg18 : memref<!tpu.dma_semaphore, #tpu.memory_space<semaphore_mem>>) src(%dma_wait3A_89 : memref<8000xi32, #tpu.memory_space<hbm>>) dst(%arg14 : memref<8000xi32, #tpu.memory_space<vmem>>)
      %add3A_90 = arith.constant 1 : i32
      %add3A_91 = arith.addi %add3A_82, %add3A_90 : i32
      %lt3A_92 = arith.constant 20 : i32
      %lt3A_93 = arith.cmpi slt, %add3A_91, %lt3A_92 : i32
      %convert_element_type3A_94 = arith.extui %lt3A_93 : i1 to i32
      %cond3A_95 = arith.constant 0 : i32
      %cond3A_96 = arith.cmpi ne, %convert_element_type3A_94, %cond3A_95 : i32
      scf.if %cond3A_96 {
        %add3A_119 = arith.constant 1 : i32
        %add3A_120 = arith.addi %add3A_82, %add3A_119 : i32
        %mul3A_121 = arith.constant 160000 : i32
        %mul3A_122 = arith.muli %arg0, %mul3A_121 : i32
        %mul3A_123 = arith.constant 8000 : i32
        %mul3A_124 = arith.muli %add3A_120, %mul3A_123 : i32
        %add3A_125 = arith.addi %mul3A_122, %mul3A_124 : i32
        %dma_start3A_126 = tpu.memref_slice %arg3[%add3A_125] : memref<320000xi32, #tpu.memory_space<hbm>> -> memref<8000xi32, #tpu.memory_space<hbm>>
        %dma_start3A_127 = tpu.memref_slice %arg3[%add3A_125] : memref<320000xi32, #tpu.memory_space<hbm>> -> memref<8000xi32, #tpu.memory_space<hbm>>
        tpu.enqueue_dma source(%dma_start3A_127 : memref<8000xi32, #tpu.memory_space<hbm>>) target(%arg13 : memref<8000xi32, #tpu.memory_space<vmem>>) target_semaphore(%arg17 : memref<!tpu.dma_semaphore, #tpu.memory_space<semaphore_mem>>)
      } else {
      }
      %broadcast_in_dim3A_97 = arith.constant false
      %broadcast_in_dim3A_98 = vector.broadcast %broadcast_in_dim3A_97 : i1 to vector<16xi1>
      %scan3A_99 = arith.constant 0 : i32
      %scan3A_100 = arith.constant 125 : i32
      %scan3A_101 = arith.addi %scan3A_99, %scan3A_100 : i32
      %scan3A_102 = arith.constant 1 : i32
      %scan3A_103 = scf.for %scan3A_119 = %scan3A_99 to %scan3A_101 step %scan3A_102 iter_args(%scan3A_120 = %broadcast_in_dim3A_98) -> (vector<16xi1>)  : i32 {
        %mul3A_121 = arith.constant 4 : i32
        %mul3A_122 = arith.muli %mul3A_121, %scan3A_119 : i32
        %add3A_123 = arith.constant 0 : i32
        %add3A_124 = arith.addi %mul3A_122, %add3A_123 : i32
        %mul3A_125 = arith.constant 16 : i32
        %mul3A_126 = arith.muli %add3A_124, %mul3A_125 : i32
        %get3A = arith.index_cast %mul3A_126 : i32 to index
        %get3A_127 = tpu.vector_load %arg14[%get3A] {strides = array<i32>} : memref<8000xi32, #tpu.memory_space<vmem>>, vector<16xi32>,
        %mul3A_128 = arith.constant 4 : i32
        %mul3A_129 = arith.muli %mul3A_128, %scan3A_119 : i32
        %add3A_130 = arith.constant 1 : i32
        %add3A_131 = arith.addi %mul3A_129, %add3A_130 : i32
        %mul3A_132 = arith.constant 16 : i32
        %mul3A_133 = arith.muli %add3A_131, %mul3A_132 : i32
        %get3A_134 = arith.index_cast %mul3A_133 : i32 to index
        %get3A_135 = tpu.vector_load %arg14[%get3A_134] {strides = array<i32>} : memref<8000xi32, #tpu.memory_space<vmem>>, vector<16xi32>,
        %mul3A_136 = arith.constant 4 : i32
        %mul3A_137 = arith.muli %mul3A_136, %scan3A_119 : i32
        %add3A_138 = arith.constant 2 : i32
        %add3A_139 = arith.addi %mul3A_137, %add3A_138 : i32
        %mul3A_140 = arith.constant 16 : i32
        %mul3A_141 = arith.muli %add3A_139, %mul3A_140 : i32
        %get3A_142 = arith.index_cast %mul3A_141 : i32 to index
        %get3A_143 = tpu.vector_load %arg14[%get3A_142] {strides = array<i32>} : memref<8000xi32, #tpu.memory_space<vmem>>, vector<16xi32>,
        %mul3A_144 = arith.constant 4 : i32
        %mul3A_145 = arith.muli %mul3A_144, %scan3A_119 : i32
        %add3A_146 = arith.constant 3 : i32
        %add3A_147 = arith.addi %mul3A_145, %add3A_146 : i32
        %mul3A_148 = arith.constant 16 : i32
        %mul3A_149 = arith.muli %add3A_147, %mul3A_148 : i32
        %get3A_150 = arith.index_cast %mul3A_149 : i32 to index
        %get3A_151 = tpu.vector_load %arg14[%get3A_150] {strides = array<i32>} : memref<8000xi32, #tpu.memory_space<vmem>>, vector<16xi32>,
        %and3A = arith.constant 16383 : i32
        %and3A_152 = vector.broadcast %and3A : i32 to vector<16xi32>
        %and3A_153 = arith.andi %get3A_127, %and3A_152 : vector<16xi32>
        %shift_right_arithmetic3A = arith.constant 14 : i32
        %shift_right_arithmetic3A_154 = vector.broadcast %shift_right_arithmetic3A : i32 to vector<16xi32>
        %shift_right_arithmetic3A_155 = arith.shrsi %get3A_127, %shift_right_arithmetic3A_154 : vector<16xi32>
        tpu.vector_store_idx %arg15[%and3A_153], %iota3A : memref<10000xi32, #tpu.memory_space<vmem>>[vector<16xi32>], vector<16xi32>,
        %gather3A = tpu.vector_load_idx %arg5[%shift_right_arithmetic3A_155] : memref<10000xf32, #tpu.memory_space<vmem>>[vector<16xi32>], vector<16xf32>,
        %gather3A_156 = tpu.vector_load_idx %arg6[%shift_right_arithmetic3A_155] : memref<10000xf32, #tpu.memory_space<vmem>>[vector<16xi32>], vector<16xf32>,
        %gather3A_157 = tpu.vector_load_idx %arg7[%shift_right_arithmetic3A_155] : memref<10000xf32, #tpu.memory_space<vmem>>[vector<16xi32>], vector<16xf32>,
        %gather3A_158 = tpu.vector_load_idx %arg8[%shift_right_arithmetic3A_155] : memref<10000xf32, #tpu.memory_space<vmem>>[vector<16xi32>], vector<16xf32>,
        %gather3A_159 = tpu.vector_load_idx %arg15[%and3A_153] : memref<10000xi32, #tpu.memory_space<vmem>>[vector<16xi32>], vector<16xi32>,
        %eq3A = arith.cmpi eq, %gather3A_159, %iota3A : vector<16xi32>
        %not3A = arith.constant dense<true> : vector<16xi1>
        %not3A_160 = arith.xori %eq3A, %not3A : vector<16xi1>
        tpu.vector_store_idx %arg15[%and3A_153], %iota3A masked %not3A_160 : memref<10000xi32, #tpu.memory_space<vmem>>[vector<16xi32>], vector<16xi32>, vector<16xi1>
        %gather3A_161 = tpu.vector_load_idx %arg9[%and3A_153] : memref<10000xf32, #tpu.memory_space<vmem>>[vector<16xi32>], vector<16xf32>,
        %gather3A_162 = tpu.vector_load_idx %arg10[%and3A_153] : memref<10000xf32, #tpu.memory_space<vmem>>[vector<16xi32>], vector<16xf32>,
        %gather3A_163 = tpu.vector_load_idx %arg11[%and3A_153] : memref<10000xf32, #tpu.memory_space<vmem>>[vector<16xi32>], vector<16xf32>,
        %gather3A_164 = tpu.vector_load_idx %arg12[%and3A_153] : memref<10000xf32, #tpu.memory_space<vmem>>[vector<16xi32>], vector<16xf32>,
        %gather3A_165 = tpu.vector_load_idx %arg15[%and3A_153] : memref<10000xi32, #tpu.memory_space<vmem>>[vector<16xi32>], vector<16xi32>,
        %eq3A_166 = arith.cmpi eq, %gather3A_165, %iota3A : vector<16xi32>
        %max3A = arith.maximumf %gather3A_161, %gather3A : vector<16xf32>
        %max3A_167 = arith.maximumf %gather3A_162, %gather3A_156 : vector<16xf32>
        %max3A_168 = arith.maximumf %gather3A_163, %gather3A_157 : vector<16xf32>
        %max3A_169 = arith.maximumf %gather3A_164, %gather3A_158 : vector<16xf32>
        %reshape3A = vector.shape_cast %gather3A_159 : vector<16xi32> to vector<16x1xi32>
        %gather3A_170 = vector.shape_cast %reshape3A : vector<16x1xi32> to vector<16xi32>
        %gather3A_171 = tpu.dynamic_gather %gather3A[%gather3A_170] in [0] : vector<16xf32>, vector<16xi32> -> vector<16xf32>
        %reshape3A_172 = vector.shape_cast %gather3A_159 : vector<16xi32> to vector<16x1xi32>
        %gather3A_173 = vector.shape_cast %reshape3A_172 : vector<16x1xi32> to vector<16xi32>
        %gather3A_174 = tpu.dynamic_gather %gather3A_156[%gather3A_173] in [0] : vector<16xf32>, vector<16xi32> -> vector<16xf32>
        %reshape3A_175 = vector.shape_cast %gather3A_159 : vector<16xi32> to vector<16x1xi32>
        %gather3A_176 = vector.shape_cast %reshape3A_175 : vector<16x1xi32> to vector<16xi32>
        %gather3A_177 = tpu.dynamic_gather %gather3A_157[%gather3A_176] in [0] : vector<16xf32>, vector<16xi32> -> vector<16xf32>
        %reshape3A_178 = vector.shape_cast %gather3A_159 : vector<16xi32> to vector<16x1xi32>
        %gather3A_179 = vector.shape_cast %reshape3A_178 : vector<16x1xi32> to vector<16xi32>
        %gather3A_180 = tpu.dynamic_gather %gather3A_158[%gather3A_179] in [0] : vector<16xf32>, vector<16xi32> -> vector<16xf32>
        %max3A_181 = arith.maximumf %max3A, %gather3A_171 : vector<16xf32>
        %select_n3A = arith.select %eq3A, %max3A, %max3A_181 : vector<16xi1>, vector<16xf32>
        tpu.vector_store_idx %arg9[%and3A_153], %select_n3A masked %eq3A_166 : memref<10000xf32, #tpu.memory_space<vmem>>[vector<16xi32>], vector<16xf32>, vector<16xi1>
        %max3A_182 = arith.maximumf %max3A_167, %gather3A_174 : vector<16xf32>
        %select_n3A_183 = arith.select %eq3A, %max3A_167, %max3A_182 : vector<16xi1>, vector<16xf32>
        tpu.vector_store_idx %arg10[%and3A_153], %select_n3A_183 masked %eq3A_166 : memref<10000xf32, #tpu.memory_space<vmem>>[vector<16xi32>], vector<16xf32>, vector<16xi1>
        %max3A_184 = arith.maximumf %max3A_168, %gather3A_177 : vector<16xf32>
        %select_n3A_185 = arith.select %eq3A, %max3A_168, %max3A_184 : vector<16xi1>, vector<16xf32>
        tpu.vector_store_idx %arg11[%and3A_153], %select_n3A_185 masked %eq3A_166 : memref<10000xf32, #tpu.memory_space<vmem>>[vector<16xi32>], vector<16xf32>, vector<16xi1>
        %max3A_186 = arith.maximumf %max3A_169, %gather3A_180 : vector<16xf32>
        %select_n3A_187 = arith.select %eq3A, %max3A_169, %max3A_186 : vector<16xi1>, vector<16xf32>
        tpu.vector_store_idx %arg12[%and3A_153], %select_n3A_187 masked %eq3A_166 : memref<10000xf32, #tpu.memory_space<vmem>>[vector<16xi32>], vector<16xf32>, vector<16xi1>
        %not3A_188 = arith.constant dense<true> : vector<16xi1>
        %not3A_189 = arith.xori %eq3A_166, %not3A_188 : vector<16xi1>
        %and3A_190 = arith.andi %not3A_160, %not3A_189 : vector<16xi1>
        %or3A = arith.ori %scan3A_120, %and3A_190 : vector<16xi1>
        %and3A_191 = arith.constant 16383 : i32
        %and3A_192 = vector.broadcast %and3A_191 : i32 to vector<16xi32>
        %and3A_193 = arith.andi %get3A_135, %and3A_192 : vector<16xi32>
        %shift_right_arithmetic3A_194 = arith.constant 14 : i32
        %shift_right_arithmetic3A_195 = vector.broadcast %shift_right_arithmetic3A_194 : i32 to vector<16xi32>
        %shift_right_arithmetic3A_196 = arith.shrsi %get3A_135, %shift_right_arithmetic3A_195 : vector<16xi32>
        tpu.vector_store_idx %arg16[%and3A_193], %iota3A : memref<10000xi32, #tpu.memory_space<vmem>>[vector<16xi32>], vector<16xi32>,
        %gather3A_197 = tpu.vector_load_idx %arg5[%shift_right_arithmetic3A_196] : memref<10000xf32, #tpu.memory_space<vmem>>[vector<16xi32>], vector<16xf32>,
        %gather3A_198 = tpu.vector_load_idx %arg6[%shift_right_arithmetic3A_196] : memref<10000xf32, #tpu.memory_space<vmem>>[vector<16xi32>], vector<16xf32>,
        %gather3A_199 = tpu.vector_load_idx %arg7[%shift_right_arithmetic3A_196] : memref<10000xf32, #tpu.memory_space<vmem>>[vector<16xi32>], vector<16xf32>,
        %gather3A_200 = tpu.vector_load_idx %arg8[%shift_right_arithmetic3A_196] : memref<10000xf32, #tpu.memory_space<vmem>>[vector<16xi32>], vector<16xf32>,
        %gather3A_201 = tpu.vector_load_idx %arg16[%and3A_193] : memref<10000xi32, #tpu.memory_space<vmem>>[vector<16xi32>], vector<16xi32>,
        %eq3A_202 = arith.cmpi eq, %gather3A_201, %iota3A : vector<16xi32>
        %not3A_203 = arith.constant dense<true> : vector<16xi1>
        %not3A_204 = arith.xori %eq3A_202, %not3A_203 : vector<16xi1>
        tpu.vector_store_idx %arg16[%and3A_193], %iota3A masked %not3A_204 : memref<10000xi32, #tpu.memory_space<vmem>>[vector<16xi32>], vector<16xi32>, vector<16xi1>
        %gather3A_205 = tpu.vector_load_idx %arg9[%and3A_193] : memref<10000xf32, #tpu.memory_space<vmem>>[vector<16xi32>], vector<16xf32>,
        %gather3A_206 = tpu.vector_load_idx %arg10[%and3A_193] : memref<10000xf32, #tpu.memory_space<vmem>>[vector<16xi32>], vector<16xf32>,
        %gather3A_207 = tpu.vector_load_idx %arg11[%and3A_193] : memref<10000xf32, #tpu.memory_space<vmem>>[vector<16xi32>], vector<16xf32>,
        %gather3A_208 = tpu.vector_load_idx %arg12[%and3A_193] : memref<10000xf32, #tpu.memory_space<vmem>>[vector<16xi32>], vector<16xf32>,
        %gather3A_209 = tpu.vector_load_idx %arg16[%and3A_193] : memref<10000xi32, #tpu.memory_space<vmem>>[vector<16xi32>], vector<16xi32>,
        %eq3A_210 = arith.cmpi eq, %gather3A_209, %iota3A : vector<16xi32>
        %max3A_211 = arith.maximumf %gather3A_205, %gather3A_197 : vector<16xf32>
        %max3A_212 = arith.maximumf %gather3A_206, %gather3A_198 : vector<16xf32>
        %max3A_213 = arith.maximumf %gather3A_207, %gather3A_199 : vector<16xf32>
        %max3A_214 = arith.maximumf %gather3A_208, %gather3A_200 : vector<16xf32>
        %reshape3A_215 = vector.shape_cast %gather3A_201 : vector<16xi32> to vector<16x1xi32>
        %gather3A_216 = vector.shape_cast %reshape3A_215 : vector<16x1xi32> to vector<16xi32>
        %gather3A_217 = tpu.dynamic_gather %gather3A_197[%gather3A_216] in [0] : vector<16xf32>, vector<16xi32> -> vector<16xf32>
        %reshape3A_218 = vector.shape_cast %gather3A_201 : vector<16xi32> to vector<16x1xi32>
        %gather3A_219 = vector.shape_cast %reshape3A_218 : vector<16x1xi32> to vector<16xi32>
        %gather3A_220 = tpu.dynamic_gather %gather3A_198[%gather3A_219] in [0] : vector<16xf32>, vector<16xi32> -> vector<16xf32>
        %reshape3A_221 = vector.shape_cast %gather3A_201 : vector<16xi32> to vector<16x1xi32>
        %gather3A_222 = vector.shape_cast %reshape3A_221 : vector<16x1xi32> to vector<16xi32>
        %gather3A_223 = tpu.dynamic_gather %gather3A_199[%gather3A_222] in [0] : vector<16xf32>, vector<16xi32> -> vector<16xf32>
        %reshape3A_224 = vector.shape_cast %gather3A_201 : vector<16xi32> to vector<16x1xi32>
        %gather3A_225 = vector.shape_cast %reshape3A_224 : vector<16x1xi32> to vector<16xi32>
        %gather3A_226 = tpu.dynamic_gather %gather3A_200[%gather3A_225] in [0] : vector<16xf32>, vector<16xi32> -> vector<16xf32>
        %max3A_227 = arith.maximumf %max3A_211, %gather3A_217 : vector<16xf32>
        %select_n3A_228 = arith.select %eq3A_202, %max3A_211, %max3A_227 : vector<16xi1>, vector<16xf32>
        tpu.vector_store_idx %arg9[%and3A_193], %select_n3A_228 masked %eq3A_210 : memref<10000xf32, #tpu.memory_space<vmem>>[vector<16xi32>], vector<16xf32>, vector<16xi1>
        %max3A_229 = arith.maximumf %max3A_212, %gather3A_220 : vector<16xf32>
        %select_n3A_230 = arith.select %eq3A_202, %max3A_212, %max3A_229 : vector<16xi1>, vector<16xf32>
        tpu.vector_store_idx %arg10[%and3A_193], %select_n3A_230 masked %eq3A_210 : memref<10000xf32, #tpu.memory_space<vmem>>[vector<16xi32>], vector<16xf32>, vector<16xi1>
        %max3A_231 = arith.maximumf %max3A_213, %gather3A_223 : vector<16xf32>
        %select_n3A_232 = arith.select %eq3A_202, %max3A_213, %max3A_231 : vector<16xi1>, vector<16xf32>
        tpu.vector_store_idx %arg11[%and3A_193], %select_n3A_232 masked %eq3A_210 : memref<10000xf32, #tpu.memory_space<vmem>>[vector<16xi32>], vector<16xf32>, vector<16xi1>
        %max3A_233 = arith.maximumf %max3A_214, %gather3A_226 : vector<16xf32>
        %select_n3A_234 = arith.select %eq3A_202, %max3A_214, %max3A_233 : vector<16xi1>, vector<16xf32>
        tpu.vector_store_idx %arg12[%and3A_193], %select_n3A_234 masked %eq3A_210 : memref<10000xf32, #tpu.memory_space<vmem>>[vector<16xi32>], vector<16xf32>, vector<16xi1>
        %not3A_235 = arith.constant dense<true> : vector<16xi1>
        %not3A_236 = arith.xori %eq3A_210, %not3A_235 : vector<16xi1>
        %and3A_237 = arith.andi %not3A_204, %not3A_236 : vector<16xi1>
        %or3A_238 = arith.ori %or3A, %and3A_237 : vector<16xi1>
        %and3A_239 = arith.constant 16383 : i32
        %and3A_240 = vector.broadcast %and3A_239 : i32 to vector<16xi32>
        %and3A_241 = arith.andi %get3A_143, %and3A_240 : vector<16xi32>
        %shift_right_arithmetic3A_242 = arith.constant 14 : i32
        %shift_right_arithmetic3A_243 = vector.broadcast %shift_right_arithmetic3A_242 : i32 to vector<16xi32>
        %shift_right_arithmetic3A_244 = arith.shrsi %get3A_143, %shift_right_arithmetic3A_243 : vector<16xi32>
        tpu.vector_store_idx %arg15[%and3A_241], %iota3A : memref<10000xi32, #tpu.memory_space<vmem>>[vector<16xi32>], vector<16xi32>,
        %gather3A_245 = tpu.vector_load_idx %arg5[%shift_right_arithmetic3A_244] : memref<10000xf32, #tpu.memory_space<vmem>>[vector<16xi32>], vector<16xf32>,
        %gather3A_246 = tpu.vector_load_idx %arg6[%shift_right_arithmetic3A_244] : memref<10000xf32, #tpu.memory_space<vmem>>[vector<16xi32>], vector<16xf32>,
        %gather3A_247 = tpu.vector_load_idx %arg7[%shift_right_arithmetic3A_244] : memref<10000xf32, #tpu.memory_space<vmem>>[vector<16xi32>], vector<16xf32>,
        %gather3A_248 = tpu.vector_load_idx %arg8[%shift_right_arithmetic3A_244] : memref<10000xf32, #tpu.memory_space<vmem>>[vector<16xi32>], vector<16xf32>,
        %gather3A_249 = tpu.vector_load_idx %arg15[%and3A_241] : memref<10000xi32, #tpu.memory_space<vmem>>[vector<16xi32>], vector<16xi32>,
        %eq3A_250 = arith.cmpi eq, %gather3A_249, %iota3A : vector<16xi32>
        %not3A_251 = arith.constant dense<true> : vector<16xi1>
        %not3A_252 = arith.xori %eq3A_250, %not3A_251 : vector<16xi1>
        tpu.vector_store_idx %arg15[%and3A_241], %iota3A masked %not3A_252 : memref<10000xi32, #tpu.memory_space<vmem>>[vector<16xi32>], vector<16xi32>, vector<16xi1>
        %gather3A_253 = tpu.vector_load_idx %arg9[%and3A_241] : memref<10000xf32, #tpu.memory_space<vmem>>[vector<16xi32>], vector<16xf32>,
        %gather3A_254 = tpu.vector_load_idx %arg10[%and3A_241] : memref<10000xf32, #tpu.memory_space<vmem>>[vector<16xi32>], vector<16xf32>,
        %gather3A_255 = tpu.vector_load_idx %arg11[%and3A_241] : memref<10000xf32, #tpu.memory_space<vmem>>[vector<16xi32>], vector<16xf32>,
        %gather3A_256 = tpu.vector_load_idx %arg12[%and3A_241] : memref<10000xf32, #tpu.memory_space<vmem>>[vector<16xi32>], vector<16xf32>,
        %gather3A_257 = tpu.vector_load_idx %arg15[%and3A_241] : memref<10000xi32, #tpu.memory_space<vmem>>[vector<16xi32>], vector<16xi32>,
        %eq3A_258 = arith.cmpi eq, %gather3A_257, %iota3A : vector<16xi32>
        %max3A_259 = arith.maximumf %gather3A_253, %gather3A_245 : vector<16xf32>
        %max3A_260 = arith.maximumf %gather3A_254, %gather3A_246 : vector<16xf32>
        %max3A_261 = arith.maximumf %gather3A_255, %gather3A_247 : vector<16xf32>
        %max3A_262 = arith.maximumf %gather3A_256, %gather3A_248 : vector<16xf32>
        %reshape3A_263 = vector.shape_cast %gather3A_249 : vector<16xi32> to vector<16x1xi32>
        %gather3A_264 = vector.shape_cast %reshape3A_263 : vector<16x1xi32> to vector<16xi32>
        %gather3A_265 = tpu.dynamic_gather %gather3A_245[%gather3A_264] in [0] : vector<16xf32>, vector<16xi32> -> vector<16xf32>
        %reshape3A_266 = vector.shape_cast %gather3A_249 : vector<16xi32> to vector<16x1xi32>
        %gather3A_267 = vector.shape_cast %reshape3A_266 : vector<16x1xi32> to vector<16xi32>
        %gather3A_268 = tpu.dynamic_gather %gather3A_246[%gather3A_267] in [0] : vector<16xf32>, vector<16xi32> -> vector<16xf32>
        %reshape3A_269 = vector.shape_cast %gather3A_249 : vector<16xi32> to vector<16x1xi32>
        %gather3A_270 = vector.shape_cast %reshape3A_269 : vector<16x1xi32> to vector<16xi32>
        %gather3A_271 = tpu.dynamic_gather %gather3A_247[%gather3A_270] in [0] : vector<16xf32>, vector<16xi32> -> vector<16xf32>
        %reshape3A_272 = vector.shape_cast %gather3A_249 : vector<16xi32> to vector<16x1xi32>
        %gather3A_273 = vector.shape_cast %reshape3A_272 : vector<16x1xi32> to vector<16xi32>
        %gather3A_274 = tpu.dynamic_gather %gather3A_248[%gather3A_273] in [0] : vector<16xf32>, vector<16xi32> -> vector<16xf32>
        %max3A_275 = arith.maximumf %max3A_259, %gather3A_265 : vector<16xf32>
        %select_n3A_276 = arith.select %eq3A_250, %max3A_259, %max3A_275 : vector<16xi1>, vector<16xf32>
        tpu.vector_store_idx %arg9[%and3A_241], %select_n3A_276 masked %eq3A_258 : memref<10000xf32, #tpu.memory_space<vmem>>[vector<16xi32>], vector<16xf32>, vector<16xi1>
        %max3A_277 = arith.maximumf %max3A_260, %gather3A_268 : vector<16xf32>
        %select_n3A_278 = arith.select %eq3A_250, %max3A_260, %max3A_277 : vector<16xi1>, vector<16xf32>
        tpu.vector_store_idx %arg10[%and3A_241], %select_n3A_278 masked %eq3A_258 : memref<10000xf32, #tpu.memory_space<vmem>>[vector<16xi32>], vector<16xf32>, vector<16xi1>
        %max3A_279 = arith.maximumf %max3A_261, %gather3A_271 : vector<16xf32>
        %select_n3A_280 = arith.select %eq3A_250, %max3A_261, %max3A_279 : vector<16xi1>, vector<16xf32>
        tpu.vector_store_idx %arg11[%and3A_241], %select_n3A_280 masked %eq3A_258 : memref<10000xf32, #tpu.memory_space<vmem>>[vector<16xi32>], vector<16xf32>, vector<16xi1>
        %max3A_281 = arith.maximumf %max3A_262, %gather3A_274 : vector<16xf32>
        %select_n3A_282 = arith.select %eq3A_250, %max3A_262, %max3A_281 : vector<16xi1>, vector<16xf32>
        tpu.vector_store_idx %arg12[%and3A_241], %select_n3A_282 masked %eq3A_258 : memref<10000xf32, #tpu.memory_space<vmem>>[vector<16xi32>], vector<16xf32>, vector<16xi1>
        %not3A_283 = arith.constant dense<true> : vector<16xi1>
        %not3A_284 = arith.xori %eq3A_258, %not3A_283 : vector<16xi1>
        %and3A_285 = arith.andi %not3A_252, %not3A_284 : vector<16xi1>
        %or3A_286 = arith.ori %or3A_238, %and3A_285 : vector<16xi1>
        %and3A_287 = arith.constant 16383 : i32
        %and3A_288 = vector.broadcast %and3A_287 : i32 to vector<16xi32>
        %and3A_289 = arith.andi %get3A_151, %and3A_288 : vector<16xi32>
        %shift_right_arithmetic3A_290 = arith.constant 14 : i32
        %shift_right_arithmetic3A_291 = vector.broadcast %shift_right_arithmetic3A_290 : i32 to vector<16xi32>
        %shift_right_arithmetic3A_292 = arith.shrsi %get3A_151, %shift_right_arithmetic3A_291 : vector<16xi32>
        tpu.vector_store_idx %arg16[%and3A_289], %iota3A : memref<10000xi32, #tpu.memory_space<vmem>>[vector<16xi32>], vector<16xi32>,
        %gather3A_293 = tpu.vector_load_idx %arg5[%shift_right_arithmetic3A_292] : memref<10000xf32, #tpu.memory_space<vmem>>[vector<16xi32>], vector<16xf32>,
        %gather3A_294 = tpu.vector_load_idx %arg6[%shift_right_arithmetic3A_292] : memref<10000xf32, #tpu.memory_space<vmem>>[vector<16xi32>], vector<16xf32>,
        %gather3A_295 = tpu.vector_load_idx %arg7[%shift_right_arithmetic3A_292] : memref<10000xf32, #tpu.memory_space<vmem>>[vector<16xi32>], vector<16xf32>,
        %gather3A_296 = tpu.vector_load_idx %arg8[%shift_right_arithmetic3A_292] : memref<10000xf32, #tpu.memory_space<vmem>>[vector<16xi32>], vector<16xf32>,
        %gather3A_297 = tpu.vector_load_idx %arg16[%and3A_289] : memref<10000xi32, #tpu.memory_space<vmem>>[vector<16xi32>], vector<16xi32>,
        %eq3A_298 = arith.cmpi eq, %gather3A_297, %iota3A : vector<16xi32>
        %not3A_299 = arith.constant dense<true> : vector<16xi1>
        %not3A_300 = arith.xori %eq3A_298, %not3A_299 : vector<16xi1>
        tpu.vector_store_idx %arg16[%and3A_289], %iota3A masked %not3A_300 : memref<10000xi32, #tpu.memory_space<vmem>>[vector<16xi32>], vector<16xi32>, vector<16xi1>
        %gather3A_301 = tpu.vector_load_idx %arg9[%and3A_289] : memref<10000xf32, #tpu.memory_space<vmem>>[vector<16xi32>], vector<16xf32>,
        %gather3A_302 = tpu.vector_load_idx %arg10[%and3A_289] : memref<10000xf32, #tpu.memory_space<vmem>>[vector<16xi32>], vector<16xf32>,
        %gather3A_303 = tpu.vector_load_idx %arg11[%and3A_289] : memref<10000xf32, #tpu.memory_space<vmem>>[vector<16xi32>], vector<16xf32>,
        %gather3A_304 = tpu.vector_load_idx %arg12[%and3A_289] : memref<10000xf32, #tpu.memory_space<vmem>>[vector<16xi32>], vector<16xf32>,
        %gather3A_305 = tpu.vector_load_idx %arg16[%and3A_289] : memref<10000xi32, #tpu.memory_space<vmem>>[vector<16xi32>], vector<16xi32>,
        %eq3A_306 = arith.cmpi eq, %gather3A_305, %iota3A : vector<16xi32>
        %max3A_307 = arith.maximumf %gather3A_301, %gather3A_293 : vector<16xf32>
        %max3A_308 = arith.maximumf %gather3A_302, %gather3A_294 : vector<16xf32>
        %max3A_309 = arith.maximumf %gather3A_303, %gather3A_295 : vector<16xf32>
        %max3A_310 = arith.maximumf %gather3A_304, %gather3A_296 : vector<16xf32>
        %reshape3A_311 = vector.shape_cast %gather3A_297 : vector<16xi32> to vector<16x1xi32>
        %gather3A_312 = vector.shape_cast %reshape3A_311 : vector<16x1xi32> to vector<16xi32>
        %gather3A_313 = tpu.dynamic_gather %gather3A_293[%gather3A_312] in [0] : vector<16xf32>, vector<16xi32> -> vector<16xf32>
        %reshape3A_314 = vector.shape_cast %gather3A_297 : vector<16xi32> to vector<16x1xi32>
        %gather3A_315 = vector.shape_cast %reshape3A_314 : vector<16x1xi32> to vector<16xi32>
        %gather3A_316 = tpu.dynamic_gather %gather3A_294[%gather3A_315] in [0] : vector<16xf32>, vector<16xi32> -> vector<16xf32>
        %reshape3A_317 = vector.shape_cast %gather3A_297 : vector<16xi32> to vector<16x1xi32>
        %gather3A_318 = vector.shape_cast %reshape3A_317 : vector<16x1xi32> to vector<16xi32>
        %gather3A_319 = tpu.dynamic_gather %gather3A_295[%gather3A_318] in [0] : vector<16xf32>, vector<16xi32> -> vector<16xf32>
        %reshape3A_320 = vector.shape_cast %gather3A_297 : vector<16xi32> to vector<16x1xi32>
        %gather3A_321 = vector.shape_cast %reshape3A_320 : vector<16x1xi32> to vector<16xi32>
        %gather3A_322 = tpu.dynamic_gather %gather3A_296[%gather3A_321] in [0] : vector<16xf32>, vector<16xi32> -> vector<16xf32>
        %max3A_323 = arith.maximumf %max3A_307, %gather3A_313 : vector<16xf32>
        %select_n3A_324 = arith.select %eq3A_298, %max3A_307, %max3A_323 : vector<16xi1>, vector<16xf32>
        tpu.vector_store_idx %arg9[%and3A_289], %select_n3A_324 masked %eq3A_306 : memref<10000xf32, #tpu.memory_space<vmem>>[vector<16xi32>], vector<16xf32>, vector<16xi1>
        %max3A_325 = arith.maximumf %max3A_308, %gather3A_316 : vector<16xf32>
        %select_n3A_326 = arith.select %eq3A_298, %max3A_308, %max3A_325 : vector<16xi1>, vector<16xf32>
        tpu.vector_store_idx %arg10[%and3A_289], %select_n3A_326 masked %eq3A_306 : memref<10000xf32, #tpu.memory_space<vmem>>[vector<16xi32>], vector<16xf32>, vector<16xi1>
        %max3A_327 = arith.maximumf %max3A_309, %gather3A_319 : vector<16xf32>
        %select_n3A_328 = arith.select %eq3A_298, %max3A_309, %max3A_327 : vector<16xi1>, vector<16xf32>
        tpu.vector_store_idx %arg11[%and3A_289], %select_n3A_328 masked %eq3A_306 : memref<10000xf32, #tpu.memory_space<vmem>>[vector<16xi32>], vector<16xf32>, vector<16xi1>
        %max3A_329 = arith.maximumf %max3A_310, %gather3A_322 : vector<16xf32>
        %select_n3A_330 = arith.select %eq3A_298, %max3A_310, %max3A_329 : vector<16xi1>, vector<16xf32>
        tpu.vector_store_idx %arg12[%and3A_289], %select_n3A_330 masked %eq3A_306 : memref<10000xf32, #tpu.memory_space<vmem>>[vector<16xi32>], vector<16xf32>, vector<16xi1>
        %not3A_331 = arith.constant dense<true> : vector<16xi1>
        %not3A_332 = arith.xori %eq3A_306, %not3A_331 : vector<16xi1>
        %and3A_333 = arith.andi %not3A_300, %not3A_332 : vector<16xi1>
        %or3A_334 = arith.ori %or3A_286, %and3A_333 : vector<16xi1>
        scf.yield %or3A_334 : vector<16xi1>
      }
      %scan3A_104 = arith.constant 125 : i32
      %reduce_or3A_105 = arith.constant 1.000000e+00 : f32
      %reduce_or3A_106 = arith.constant 0.000000e+00 : f32
      %reduce_or3A_107 = vector.broadcast %reduce_or3A_105 : f32 to vector<16xf32>
      %reduce_or3A_108 = vector.broadcast %reduce_or3A_106 : f32 to vector<16xf32>
      %reduce_or3A_109 = arith.select %scan3A_103, %reduce_or3A_107, %reduce_or3A_108 : vector<16xi1>, vector<16xf32>
      %reduce_or3A_110 = arith.constant true
      %reduce_or3A_111 = vector.broadcast %reduce_or3A_110 : i1 to vector<16xi1>
      %reduce_or3A_112 = tpu.scan <max>, %reduce_or3A_109 masked %reduce_or3A_111 : vector<16xf32>, vector<16xi1> -> vector<16xf32>
      %reduce_or3A_113 = vector.extract %reduce_or3A_112[15] : f32 from vector<16xf32>
      %reduce_or3A_114 = arith.constant 0.000000e+00 : f32
      %reduce_or3A_115 = arith.cmpf ogt, %reduce_or3A_113, %reduce_or3A_114 : f32
      %convert_element_type3A_116 = arith.extui %reduce_or3A_115 : i1 to i32
      %cond3A_117 = arith.constant 0 : i32
      %cond3A_118 = arith.cmpi ne, %convert_element_type3A_116, %cond3A_117 : i32
      scf.if %cond3A_118 {
        %scan3A_119 = arith.constant 0 : i32
        %scan3A_120 = arith.constant 0 : i32
        %scan3A_121 = arith.constant 500 : i32
        %scan3A_122 = arith.addi %scan3A_120, %scan3A_121 : i32
        %scan3A_123 = arith.constant 1 : i32
        scf.for %scan3A_125 = %scan3A_120 to %scan3A_122 step %scan3A_123  : i32 {
          %mul3A_126 = arith.constant 16 : i32
          %mul3A_127 = arith.muli %scan3A_125, %mul3A_126 : i32
          %get3A = arith.index_cast %mul3A_127 : i32 to index
          %get3A_128 = tpu.vector_load %arg14[%get3A] {strides = array<i32>} : memref<8000xi32, #tpu.memory_space<vmem>>, vector<16xi32>,
          %and3A = arith.constant 16383 : i32
          %and3A_129 = vector.broadcast %and3A : i32 to vector<16xi32>
          %and3A_130 = arith.andi %get3A_128, %and3A_129 : vector<16xi32>
          %shift_right_arithmetic3A = arith.constant 14 : i32
          %shift_right_arithmetic3A_131 = vector.broadcast %shift_right_arithmetic3A : i32 to vector<16xi32>
          %shift_right_arithmetic3A_132 = arith.shrsi %get3A_128, %shift_right_arithmetic3A_131 : vector<16xi32>
          %gather3A = tpu.vector_load_idx %arg5[%shift_right_arithmetic3A_132] : memref<10000xf32, #tpu.memory_space<vmem>>[vector<16xi32>], vector<16xf32>,
          %gather3A_133 = tpu.vector_load_idx %arg6[%shift_right_arithmetic3A_132] : memref<10000xf32, #tpu.memory_space<vmem>>[vector<16xi32>], vector<16xf32>,
          %gather3A_134 = tpu.vector_load_idx %arg7[%shift_right_arithmetic3A_132] : memref<10000xf32, #tpu.memory_space<vmem>>[vector<16xi32>], vector<16xf32>,
          %gather3A_135 = tpu.vector_load_idx %arg8[%shift_right_arithmetic3A_132] : memref<10000xf32, #tpu.memory_space<vmem>>[vector<16xi32>], vector<16xf32>,
          %while3A = scf.while (%while3A_136 = %broadcast_in_dim3A_23) : (vector<16xi1>) -> vector<16xi1> {
            %reduce_or3A_137 = arith.constant 1.000000e+00 : f32
            %reduce_or3A_138 = arith.constant 0.000000e+00 : f32
            %reduce_or3A_139 = vector.broadcast %reduce_or3A_137 : f32 to vector<16xf32>
            %reduce_or3A_140 = vector.broadcast %reduce_or3A_138 : f32 to vector<16xf32>
            %reduce_or3A_141 = arith.select %while3A_136, %reduce_or3A_139, %reduce_or3A_140 : vector<16xi1>, vector<16xf32>
            %reduce_or3A_142 = arith.constant true
            %reduce_or3A_143 = vector.broadcast %reduce_or3A_142 : i1 to vector<16xi1>
            %reduce_or3A_144 = tpu.scan <max>, %reduce_or3A_141 masked %reduce_or3A_143 : vector<16xf32>, vector<16xi1> -> vector<16xf32>
            %reduce_or3A_145 = vector.extract %reduce_or3A_144[15] : f32 from vector<16xf32>
            %reduce_or3A_146 = arith.constant 0.000000e+00 : f32
            %reduce_or3A_147 = arith.cmpf ogt, %reduce_or3A_145, %reduce_or3A_146 : f32
            scf.condition(%reduce_or3A_147) %while3A_136 : vector<16xi1>
          } do {
          ^bb0(%while3A_136: vector<16xi1>):
            tpu.vector_store_idx %arg15[%and3A_130], %iota3A masked %while3A_136 : memref<10000xi32, #tpu.memory_space<vmem>>[vector<16xi32>], vector<16xi32>, vector<16xi1>
            %gather3A_137 = tpu.vector_load_idx %arg15[%and3A_130] masked %while3A_136 : memref<10000xi32, #tpu.memory_space<vmem>>[vector<16xi32>], vector<16xi32>, vector<16xi1>
            %eq3A = arith.cmpi eq, %gather3A_137, %iota3A : vector<16xi32>
            %and3A_138 = arith.andi %eq3A, %while3A_136 : vector<16xi1>
            %gather3A_139 = tpu.vector_load_idx %arg9[%and3A_130] masked %and3A_138 : memref<10000xf32, #tpu.memory_space<vmem>>[vector<16xi32>], vector<16xf32>, vector<16xi1>
            %max3A = arith.maximumf %gather3A_139, %gather3A : vector<16xf32>
            tpu.vector_store_idx %arg9[%and3A_130], %max3A masked %and3A_138 : memref<10000xf32, #tpu.memory_space<vmem>>[vector<16xi32>], vector<16xf32>, vector<16xi1>
            %gather3A_140 = tpu.vector_load_idx %arg10[%and3A_130] masked %and3A_138 : memref<10000xf32, #tpu.memory_space<vmem>>[vector<16xi32>], vector<16xf32>, vector<16xi1>
            %max3A_141 = arith.maximumf %gather3A_140, %gather3A_133 : vector<16xf32>
            tpu.vector_store_idx %arg10[%and3A_130], %max3A_141 masked %and3A_138 : memref<10000xf32, #tpu.memory_space<vmem>>[vector<16xi32>], vector<16xf32>, vector<16xi1>
            %gather3A_142 = tpu.vector_load_idx %arg11[%and3A_130] masked %and3A_138 : memref<10000xf32, #tpu.memory_space<vmem>>[vector<16xi32>], vector<16xf32>, vector<16xi1>
            %max3A_143 = arith.maximumf %gather3A_142, %gather3A_134 : vector<16xf32>
            tpu.vector_store_idx %arg11[%and3A_130], %max3A_143 masked %and3A_138 : memref<10000xf32, #tpu.memory_space<vmem>>[vector<16xi32>], vector<16xf32>, vector<16xi1>
            %gather3A_144 = tpu.vector_load_idx %arg12[%and3A_130] masked %and3A_138 : memref<10000xf32, #tpu.memory_space<vmem>>[vector<16xi32>], vector<16xf32>, vector<16xi1>
            %max3A_145 = arith.maximumf %gather3A_144, %gather3A_135 : vector<16xf32>
            tpu.vector_store_idx %arg12[%and3A_130], %max3A_145 masked %and3A_138 : memref<10000xf32, #tpu.memory_space<vmem>>[vector<16xi32>], vector<16xf32>, vector<16xi1>
            %not3A = arith.constant dense<true> : vector<16xi1>
            %not3A_146 = arith.xori %and3A_138, %not3A : vector<16xi1>
            %and3A_147 = arith.andi %while3A_136, %not3A_146 : vector<16xi1>
            scf.yield %and3A_147 : vector<16xi1>
          }
        }
        %scan3A_124 = arith.constant 500 : i32
      } else {
      }
    }
    %scan3A_34 = arith.constant 10 : i32
    %add3A_35 = arith.constant 0 : i32
    %add3A_36 = arith.addi %mul3A_0, %add3A_35 : i32
    "tpu.region"() ({
      %run_scoped3A = tpu.sem_alloc : memref<!tpu.dma_semaphore, #tpu.memory_space<semaphore_mem>>
      %dma_start3A_43 = arith.constant 0 : i32
      %dma_start3A_44 = tpu.memref_slice %arg4[%arg0, %add3A_36, %dma_start3A_43] : memref<2x64x10000xf32, #tpu.memory_space<hbm>> -> memref<1x1x10000xf32, #tpu.memory_space<hbm>>
      %dma_start3A_45 = tpu.memref_squeeze %dma_start3A_44 : memref<1x1x10000xf32, #tpu.memory_space<hbm>> -> memref<10000xf32, #tpu.memory_space<hbm>>
      %dma_start3A_46 = arith.constant 0 : i32
      %dma_start3A_47 = tpu.memref_slice %arg4[%arg0, %add3A_36, %dma_start3A_46] : memref<2x64x10000xf32, #tpu.memory_space<hbm>> -> memref<1x1x10000xf32, #tpu.memory_space<hbm>>
      %dma_start3A_48 = tpu.memref_squeeze %dma_start3A_47 : memref<1x1x10000xf32, #tpu.memory_space<hbm>> -> memref<10000xf32, #tpu.memory_space<hbm>>
      tpu.enqueue_dma source(%arg9 : memref<10000xf32, #tpu.memory_space<vmem>>) target(%dma_start3A_48 : memref<10000xf32, #tpu.memory_space<hbm>>) target_semaphore(%run_scoped3A : memref<!tpu.dma_semaphore, #tpu.memory_space<semaphore_mem>>)
      %dma_wait3A = arith.constant 0 : i32
      %dma_wait3A_49 = tpu.memref_slice %arg4[%arg0, %add3A_36, %dma_wait3A] : memref<2x64x10000xf32, #tpu.memory_space<hbm>> -> memref<1x1x10000xf32, #tpu.memory_space<hbm>>
      %dma_wait3A_50 = tpu.memref_squeeze %dma_wait3A_49 : memref<1x1x10000xf32, #tpu.memory_space<hbm>> -> memref<10000xf32, #tpu.memory_space<hbm>>
      %dma_wait3A_51 = arith.constant 0 : i32
      %dma_wait3A_52 = tpu.memref_slice %arg4[%arg0, %add3A_36, %dma_wait3A_51] : memref<2x64x10000xf32, #tpu.memory_space<hbm>> -> memref<1x1x10000xf32, #tpu.memory_space<hbm>>
      %dma_wait3A_53 = tpu.memref_squeeze %dma_wait3A_52 : memref<1x1x10000xf32, #tpu.memory_space<hbm>> -> memref<10000xf32, #tpu.memory_space<hbm>>
      tpu.wait_dma2 semaphore(%run_scoped3A : memref<!tpu.dma_semaphore, #tpu.memory_space<semaphore_mem>>) src(%arg9 : memref<10000xf32, #tpu.memory_space<vmem>>) dst(%dma_wait3A_53 : memref<10000xf32, #tpu.memory_space<hbm>>)
      tpu.yield
    }) : () -> ()
    %add3A_37 = arith.constant 1 : i32
    %add3A_38 = arith.addi %mul3A_0, %add3A_37 : i32
    "tpu.region"() ({
      %run_scoped3A = tpu.sem_alloc : memref<!tpu.dma_semaphore, #tpu.memory_space<semaphore_mem>>
      %dma_start3A_43 = arith.constant 0 : i32
      %dma_start3A_44 = tpu.memref_slice %arg4[%arg0, %add3A_38, %dma_start3A_43] : memref<2x64x10000xf32, #tpu.memory_space<hbm>> -> memref<1x1x10000xf32, #tpu.memory_space<hbm>>
      %dma_start3A_45 = tpu.memref_squeeze %dma_start3A_44 : memref<1x1x10000xf32, #tpu.memory_space<hbm>> -> memref<10000xf32, #tpu.memory_space<hbm>>
      %dma_start3A_46 = arith.constant 0 : i32
      %dma_start3A_47 = tpu.memref_slice %arg4[%arg0, %add3A_38, %dma_start3A_46] : memref<2x64x10000xf32, #tpu.memory_space<hbm>> -> memref<1x1x10000xf32, #tpu.memory_space<hbm>>
      %dma_start3A_48 = tpu.memref_squeeze %dma_start3A_47 : memref<1x1x10000xf32, #tpu.memory_space<hbm>> -> memref<10000xf32, #tpu.memory_space<hbm>>
      tpu.enqueue_dma source(%arg10 : memref<10000xf32, #tpu.memory_space<vmem>>) target(%dma_start3A_48 : memref<10000xf32, #tpu.memory_space<hbm>>) target_semaphore(%run_scoped3A : memref<!tpu.dma_semaphore, #tpu.memory_space<semaphore_mem>>)
      %dma_wait3A = arith.constant 0 : i32
      %dma_wait3A_49 = tpu.memref_slice %arg4[%arg0, %add3A_38, %dma_wait3A] : memref<2x64x10000xf32, #tpu.memory_space<hbm>> -> memref<1x1x10000xf32, #tpu.memory_space<hbm>>
      %dma_wait3A_50 = tpu.memref_squeeze %dma_wait3A_49 : memref<1x1x10000xf32, #tpu.memory_space<hbm>> -> memref<10000xf32, #tpu.memory_space<hbm>>
      %dma_wait3A_51 = arith.constant 0 : i32
      %dma_wait3A_52 = tpu.memref_slice %arg4[%arg0, %add3A_38, %dma_wait3A_51] : memref<2x64x10000xf32, #tpu.memory_space<hbm>> -> memref<1x1x10000xf32, #tpu.memory_space<hbm>>
      %dma_wait3A_53 = tpu.memref_squeeze %dma_wait3A_52 : memref<1x1x10000xf32, #tpu.memory_space<hbm>> -> memref<10000xf32, #tpu.memory_space<hbm>>
      tpu.wait_dma2 semaphore(%run_scoped3A : memref<!tpu.dma_semaphore, #tpu.memory_space<semaphore_mem>>) src(%arg10 : memref<10000xf32, #tpu.memory_space<vmem>>) dst(%dma_wait3A_53 : memref<10000xf32, #tpu.memory_space<hbm>>)
      tpu.yield
    }) : () -> ()
    %add3A_39 = arith.constant 2 : i32
    %add3A_40 = arith.addi %mul3A_0, %add3A_39 : i32
    "tpu.region"() ({
      %run_scoped3A = tpu.sem_alloc : memref<!tpu.dma_semaphore, #tpu.memory_space<semaphore_mem>>
      %dma_start3A_43 = arith.constant 0 : i32
      %dma_start3A_44 = tpu.memref_slice %arg4[%arg0, %add3A_40, %dma_start3A_43] : memref<2x64x10000xf32, #tpu.memory_space<hbm>> -> memref<1x1x10000xf32, #tpu.memory_space<hbm>>
      %dma_start3A_45 = tpu.memref_squeeze %dma_start3A_44 : memref<1x1x10000xf32, #tpu.memory_space<hbm>> -> memref<10000xf32, #tpu.memory_space<hbm>>
      %dma_start3A_46 = arith.constant 0 : i32
      %dma_start3A_47 = tpu.memref_slice %arg4[%arg0, %add3A_40, %dma_start3A_46] : memref<2x64x10000xf32, #tpu.memory_space<hbm>> -> memref<1x1x10000xf32, #tpu.memory_space<hbm>>
      %dma_start3A_48 = tpu.memref_squeeze %dma_start3A_47 : memref<1x1x10000xf32, #tpu.memory_space<hbm>> -> memref<10000xf32, #tpu.memory_space<hbm>>
      tpu.enqueue_dma source(%arg11 : memref<10000xf32, #tpu.memory_space<vmem>>) target(%dma_start3A_48 : memref<10000xf32, #tpu.memory_space<hbm>>) target_semaphore(%run_scoped3A : memref<!tpu.dma_semaphore, #tpu.memory_space<semaphore_mem>>)
      %dma_wait3A = arith.constant 0 : i32
      %dma_wait3A_49 = tpu.memref_slice %arg4[%arg0, %add3A_40, %dma_wait3A] : memref<2x64x10000xf32, #tpu.memory_space<hbm>> -> memref<1x1x10000xf32, #tpu.memory_space<hbm>>
      %dma_wait3A_50 = tpu.memref_squeeze %dma_wait3A_49 : memref<1x1x10000xf32, #tpu.memory_space<hbm>> -> memref<10000xf32, #tpu.memory_space<hbm>>
      %dma_wait3A_51 = arith.constant 0 : i32
      %dma_wait3A_52 = tpu.memref_slice %arg4[%arg0, %add3A_40, %dma_wait3A_51] : memref<2x64x10000xf32, #tpu.memory_space<hbm>> -> memref<1x1x10000xf32, #tpu.memory_space<hbm>>
      %dma_wait3A_53 = tpu.memref_squeeze %dma_wait3A_52 : memref<1x1x10000xf32, #tpu.memory_space<hbm>> -> memref<10000xf32, #tpu.memory_space<hbm>>
      tpu.wait_dma2 semaphore(%run_scoped3A : memref<!tpu.dma_semaphore, #tpu.memory_space<semaphore_mem>>) src(%arg11 : memref<10000xf32, #tpu.memory_space<vmem>>) dst(%dma_wait3A_53 : memref<10000xf32, #tpu.memory_space<hbm>>)
      tpu.yield
    }) : () -> ()
    %add3A_41 = arith.constant 3 : i32
    %add3A_42 = arith.addi %mul3A_0, %add3A_41 : i32
    "tpu.region"() ({
      %run_scoped3A = tpu.sem_alloc : memref<!tpu.dma_semaphore, #tpu.memory_space<semaphore_mem>>
      %dma_start3A_43 = arith.constant 0 : i32
      %dma_start3A_44 = tpu.memref_slice %arg4[%arg0, %add3A_42, %dma_start3A_43] : memref<2x64x10000xf32, #tpu.memory_space<hbm>> -> memref<1x1x10000xf32, #tpu.memory_space<hbm>>
      %dma_start3A_45 = tpu.memref_squeeze %dma_start3A_44 : memref<1x1x10000xf32, #tpu.memory_space<hbm>> -> memref<10000xf32, #tpu.memory_space<hbm>>
      %dma_start3A_46 = arith.constant 0 : i32
      %dma_start3A_47 = tpu.memref_slice %arg4[%arg0, %add3A_42, %dma_start3A_46] : memref<2x64x10000xf32, #tpu.memory_space<hbm>> -> memref<1x1x10000xf32, #tpu.memory_space<hbm>>
      %dma_start3A_48 = tpu.memref_squeeze %dma_start3A_47 : memref<1x1x10000xf32, #tpu.memory_space<hbm>> -> memref<10000xf32, #tpu.memory_space<hbm>>
      tpu.enqueue_dma source(%arg12 : memref<10000xf32, #tpu.memory_space<vmem>>) target(%dma_start3A_48 : memref<10000xf32, #tpu.memory_space<hbm>>) target_semaphore(%run_scoped3A : memref<!tpu.dma_semaphore, #tpu.memory_space<semaphore_mem>>)
      %dma_wait3A = arith.constant 0 : i32
      %dma_wait3A_49 = tpu.memref_slice %arg4[%arg0, %add3A_42, %dma_wait3A] : memref<2x64x10000xf32, #tpu.memory_space<hbm>> -> memref<1x1x10000xf32, #tpu.memory_space<hbm>>
      %dma_wait3A_50 = tpu.memref_squeeze %dma_wait3A_49 : memref<1x1x10000xf32, #tpu.memory_space<hbm>> -> memref<10000xf32, #tpu.memory_space<hbm>>
      %dma_wait3A_51 = arith.constant 0 : i32
      %dma_wait3A_52 = tpu.memref_slice %arg4[%arg0, %add3A_42, %dma_wait3A_51] : memref<2x64x10000xf32, #tpu.memory_space<hbm>> -> memref<1x1x10000xf32, #tpu.memory_space<hbm>>
      %dma_wait3A_53 = tpu.memref_squeeze %dma_wait3A_52 : memref<1x1x10000xf32, #tpu.memory_space<hbm>> -> memref<10000xf32, #tpu.memory_space<hbm>>
      tpu.wait_dma2 semaphore(%run_scoped3A : memref<!tpu.dma_semaphore, #tpu.memory_space<semaphore_mem>>) src(%arg12 : memref<10000xf32, #tpu.memory_space<vmem>>) dst(%dma_wait3A_53 : memref<10000xf32, #tpu.memory_space<hbm>>)
      tpu.yield
    }) : () -> ()
    return
  }
}

#map = affine_map<(d0, d1) -> (0, 0)>
#map1 = affine_map<(d0, d1) -> (0)>
#map2 = affine_map<(d0, d1) -> (0, 0, 0)>
module attributes {stable_mosaic.version = 14 : i64} {
  func.func @_segmax_body(%arg0: i32, %arg1: i32, %arg2: memref<128x10000xf32, #tpu.memory_space<hbm>>, %arg3: memref<320000xi32, #tpu.memory_space<hbm>>, %arg4: memref<2x64x10000xf32, #tpu.memory_space<hbm>>, %arg5: memref<10000xf32, #tpu.memory_space<vmem>>, %arg6: memref<10000xf32, #tpu.memory_space<vmem>>, %arg7: memref<10000xf32, #tpu.memory_space<vmem>>, %arg8: memref<10000xf32, #tpu.memory_space<vmem>>, %arg9: memref<10000xf32, #tpu.memory_space<vmem>>, %arg10: memref<10000xf32, #tpu.memory_space<vmem>>, %arg11: memref<10000xf32, #tpu.memory_space<vmem>>, %arg12: memref<10000xf32, #tpu.memory_space<vmem>>, %arg13: memref<8000xi32, #tpu.memory_space<vmem>>, %arg14: memref<8000xi32, #tpu.memory_space<vmem>>, %arg15: memref<10000xi32, #tpu.memory_space<vmem>>, %arg16: memref<10000xi32, #tpu.memory_space<vmem>>, %arg17: memref<!tpu.dma_semaphore, #tpu.memory_space<semaphore_mem>>, %arg18: memref<!tpu.dma_semaphore, #tpu.memory_space<semaphore_mem>>) attributes {dimension_semantics = [#tpu.dimension_semantics<core_parallel>, #tpu.dimension_semantics<subcore_parallel>], iteration_bounds = array<i64: 2, 16>, scalar_prefetch = 0 : i64, scratch_operands = 14 : i64, tpu.core_type = #tpu.core_type<sc_vector_subcore>, window_params = [{transform_indices = #map}, {transform_indices = #map1}, {transform_indices = #map2}]} {
    %mul3A = arith.constant 4 : i32
    %mul3A_0 = arith.muli %mul3A, %arg1 : i32
    %add3A = arith.constant 64 : i32
    %add3A_1 = arith.addi %add3A, %mul3A_0 : i32
    %add3A_2 = arith.constant 0 : i32
    %add3A_3 = arith.addi %add3A_1, %add3A_2 : i32
    "tpu.region"() ({
      %run_scoped3A = tpu.sem_alloc : memref<!tpu.dma_semaphore, #tpu.memory_space<semaphore_mem>>
      %dma_start3A_43 = arith.constant 0 : i32
      %dma_start3A_44 = tpu.memref_slice %arg2[%add3A_3, %dma_start3A_43] : memref<128x10000xf32, #tpu.memory_space<hbm>> -> memref<1x10000xf32, #tpu.memory_space<hbm>>
      %dma_start3A_45 = tpu.memref_squeeze %dma_start3A_44 : memref<1x10000xf32, #tpu.memory_space<hbm>> -> memref<10000xf32, #tpu.memory_space<hbm>>
      %dma_start3A_46 = arith.constant 0 : i32
      %dma_start3A_47 = tpu.memref_slice %arg2[%add3A_3, %dma_start3A_46] : memref<128x10000xf32, #tpu.memory_space<hbm>> -> memref<1x10000xf32, #tpu.memory_space<hbm>>
      %dma_start3A_48 = tpu.memref_squeeze %dma_start3A_47 : memref<1x10000xf32, #tpu.memory_space<hbm>> -> memref<10000xf32, #tpu.memory_space<hbm>>
      tpu.enqueue_dma source(%dma_start3A_48 : memref<10000xf32, #tpu.memory_space<hbm>>) target(%arg5 : memref<10000xf32, #tpu.memory_space<vmem>>) target_semaphore(%run_scoped3A : memref<!tpu.dma_semaphore, #tpu.memory_space<semaphore_mem>>)
      %dma_wait3A = arith.constant 0 : i32
      %dma_wait3A_49 = tpu.memref_slice %arg2[%add3A_3, %dma_wait3A] : memref<128x10000xf32, #tpu.memory_space<hbm>> -> memref<1x10000xf32, #tpu.memory_space<hbm>>
      %dma_wait3A_50 = tpu.memref_squeeze %dma_wait3A_49 : memref<1x10000xf32, #tpu.memory_space<hbm>> -> memref<10000xf32, #tpu.memory_space<hbm>>
      %dma_wait3A_51 = arith.constant 0 : i32
      %dma_wait3A_52 = tpu.memref_slice %arg2[%add3A_3, %dma_wait3A_51] : memref<128x10000xf32, #tpu.memory_space<hbm>> -> memref<1x10000xf32, #tpu.memory_space<hbm>>
      %dma_wait3A_53 = tpu.memref_squeeze %dma_wait3A_52 : memref<1x10000xf32, #tpu.memory_space<hbm>> -> memref<10000xf32, #tpu.memory_space<hbm>>
      tpu.wait_dma2 semaphore(%run_scoped3A : memref<!tpu.dma_semaphore, #tpu.memory_space<semaphore_mem>>) src(%dma_wait3A_53 : memref<10000xf32, #tpu.memory_space<hbm>>) dst(%arg5 : memref<10000xf32, #tpu.memory_space<vmem>>)
      tpu.yield
    }) : () -> ()
    %add3A_4 = arith.constant 64 : i32
    %add3A_5 = arith.addi %add3A_4, %mul3A_0 : i32
    %add3A_6 = arith.constant 1 : i32
    %add3A_7 = arith.addi %add3A_5, %add3A_6 : i32
    "tpu.region"() ({
      %run_scoped3A = tpu.sem_alloc : memref<!tpu.dma_semaphore, #tpu.memory_space<semaphore_mem>>
      %dma_start3A_43 = arith.constant 0 : i32
      %dma_start3A_44 = tpu.memref_slice %arg2[%add3A_7, %dma_start3A_43] : memref<128x10000xf32, #tpu.memory_space<hbm>> -> memref<1x10000xf32, #tpu.memory_space<hbm>>
      %dma_start3A_45 = tpu.memref_squeeze %dma_start3A_44 : memref<1x10000xf32, #tpu.memory_space<hbm>> -> memref<10000xf32, #tpu.memory_space<hbm>>
      %dma_start3A_46 = arith.constant 0 : i32
      %dma_start3A_47 = tpu.memref_slice %arg2[%add3A_7, %dma_start3A_46] : memref<128x10000xf32, #tpu.memory_space<hbm>> -> memref<1x10000xf32, #tpu.memory_space<hbm>>
      %dma_start3A_48 = tpu.memref_squeeze %dma_start3A_47 : memref<1x10000xf32, #tpu.memory_space<hbm>> -> memref<10000xf32, #tpu.memory_space<hbm>>
      tpu.enqueue_dma source(%dma_start3A_48 : memref<10000xf32, #tpu.memory_space<hbm>>) target(%arg6 : memref<10000xf32, #tpu.memory_space<vmem>>) target_semaphore(%run_scoped3A : memref<!tpu.dma_semaphore, #tpu.memory_space<semaphore_mem>>)
      %dma_wait3A = arith.constant 0 : i32
      %dma_wait3A_49 = tpu.memref_slice %arg2[%add3A_7, %dma_wait3A] : memref<128x10000xf32, #tpu.memory_space<hbm>> -> memref<1x10000xf32, #tpu.memory_space<hbm>>
      %dma_wait3A_50 = tpu.memref_squeeze %dma_wait3A_49 : memref<1x10000xf32, #tpu.memory_space<hbm>> -> memref<10000xf32, #tpu.memory_space<hbm>>
      %dma_wait3A_51 = arith.constant 0 : i32
      %dma_wait3A_52 = tpu.memref_slice %arg2[%add3A_7, %dma_wait3A_51] : memref<128x10000xf32, #tpu.memory_space<hbm>> -> memref<1x10000xf32, #tpu.memory_space<hbm>>
      %dma_wait3A_53 = tpu.memref_squeeze %dma_wait3A_52 : memref<1x10000xf32, #tpu.memory_space<hbm>> -> memref<10000xf32, #tpu.memory_space<hbm>>
      tpu.wait_dma2 semaphore(%run_scoped3A : memref<!tpu.dma_semaphore, #tpu.memory_space<semaphore_mem>>) src(%dma_wait3A_53 : memref<10000xf32, #tpu.memory_space<hbm>>) dst(%arg6 : memref<10000xf32, #tpu.memory_space<vmem>>)
      tpu.yield
    }) : () -> ()
    %add3A_8 = arith.constant 64 : i32
    %add3A_9 = arith.addi %add3A_8, %mul3A_0 : i32
    %add3A_10 = arith.constant 2 : i32
    %add3A_11 = arith.addi %add3A_9, %add3A_10 : i32
    "tpu.region"() ({
      %run_scoped3A = tpu.sem_alloc : memref<!tpu.dma_semaphore, #tpu.memory_space<semaphore_mem>>
      %dma_start3A_43 = arith.constant 0 : i32
      %dma_start3A_44 = tpu.memref_slice %arg2[%add3A_11, %dma_start3A_43] : memref<128x10000xf32, #tpu.memory_space<hbm>> -> memref<1x10000xf32, #tpu.memory_space<hbm>>
      %dma_start3A_45 = tpu.memref_squeeze %dma_start3A_44 : memref<1x10000xf32, #tpu.memory_space<hbm>> -> memref<10000xf32, #tpu.memory_space<hbm>>
      %dma_start3A_46 = arith.constant 0 : i32
      %dma_start3A_47 = tpu.memref_slice %arg2[%add3A_11, %dma_start3A_46] : memref<128x10000xf32, #tpu.memory_space<hbm>> -> memref<1x10000xf32, #tpu.memory_space<hbm>>
      %dma_start3A_48 = tpu.memref_squeeze %dma_start3A_47 : memref<1x10000xf32, #tpu.memory_space<hbm>> -> memref<10000xf32, #tpu.memory_space<hbm>>
      tpu.enqueue_dma source(%dma_start3A_48 : memref<10000xf32, #tpu.memory_space<hbm>>) target(%arg7 : memref<10000xf32, #tpu.memory_space<vmem>>) target_semaphore(%run_scoped3A : memref<!tpu.dma_semaphore, #tpu.memory_space<semaphore_mem>>)
      %dma_wait3A = arith.constant 0 : i32
      %dma_wait3A_49 = tpu.memref_slice %arg2[%add3A_11, %dma_wait3A] : memref<128x10000xf32, #tpu.memory_space<hbm>> -> memref<1x10000xf32, #tpu.memory_space<hbm>>
      %dma_wait3A_50 = tpu.memref_squeeze %dma_wait3A_49 : memref<1x10000xf32, #tpu.memory_space<hbm>> -> memref<10000xf32, #tpu.memory_space<hbm>>
      %dma_wait3A_51 = arith.constant 0 : i32
      %dma_wait3A_52 = tpu.memref_slice %arg2[%add3A_11, %dma_wait3A_51] : memref<128x10000xf32, #tpu.memory_space<hbm>> -> memref<1x10000xf32, #tpu.memory_space<hbm>>
      %dma_wait3A_53 = tpu.memref_squeeze %dma_wait3A_52 : memref<1x10000xf32, #tpu.memory_space<hbm>> -> memref<10000xf32, #tpu.memory_space<hbm>>
      tpu.wait_dma2 semaphore(%run_scoped3A : memref<!tpu.dma_semaphore, #tpu.memory_space<semaphore_mem>>) src(%dma_wait3A_53 : memref<10000xf32, #tpu.memory_space<hbm>>) dst(%arg7 : memref<10000xf32, #tpu.memory_space<vmem>>)
      tpu.yield
    }) : () -> ()
    %add3A_12 = arith.constant 64 : i32
    %add3A_13 = arith.addi %add3A_12, %mul3A_0 : i32
    %add3A_14 = arith.constant 3 : i32
    %add3A_15 = arith.addi %add3A_13, %add3A_14 : i32
    "tpu.region"() ({
      %run_scoped3A = tpu.sem_alloc : memref<!tpu.dma_semaphore, #tpu.memory_space<semaphore_mem>>
      %dma_start3A_43 = arith.constant 0 : i32
      %dma_start3A_44 = tpu.memref_slice %arg2[%add3A_15, %dma_start3A_43] : memref<128x10000xf32, #tpu.memory_space<hbm>> -> memref<1x10000xf32, #tpu.memory_space<hbm>>
      %dma_start3A_45 = tpu.memref_squeeze %dma_start3A_44 : memref<1x10000xf32, #tpu.memory_space<hbm>> -> memref<10000xf32, #tpu.memory_space<hbm>>
      %dma_start3A_46 = arith.constant 0 : i32
      %dma_start3A_47 = tpu.memref_slice %arg2[%add3A_15, %dma_start3A_46] : memref<128x10000xf32, #tpu.memory_space<hbm>> -> memref<1x10000xf32, #tpu.memory_space<hbm>>
      %dma_start3A_48 = tpu.memref_squeeze %dma_start3A_47 : memref<1x10000xf32, #tpu.memory_space<hbm>> -> memref<10000xf32, #tpu.memory_space<hbm>>
      tpu.enqueue_dma source(%dma_start3A_48 : memref<10000xf32, #tpu.memory_space<hbm>>) target(%arg8 : memref<10000xf32, #tpu.memory_space<vmem>>) target_semaphore(%run_scoped3A : memref<!tpu.dma_semaphore, #tpu.memory_space<semaphore_mem>>)
      %dma_wait3A = arith.constant 0 : i32
      %dma_wait3A_49 = tpu.memref_slice %arg2[%add3A_15, %dma_wait3A] : memref<128x10000xf32, #tpu.memory_space<hbm>> -> memref<1x10000xf32, #tpu.memory_space<hbm>>
      %dma_wait3A_50 = tpu.memref_squeeze %dma_wait3A_49 : memref<1x10000xf32, #tpu.memory_space<hbm>> -> memref<10000xf32, #tpu.memory_space<hbm>>
      %dma_wait3A_51 = arith.constant 0 : i32
      %dma_wait3A_52 = tpu.memref_slice %arg2[%add3A_15, %dma_wait3A_51] : memref<128x10000xf32, #tpu.memory_space<hbm>> -> memref<1x10000xf32, #tpu.memory_space<hbm>>
      %dma_wait3A_53 = tpu.memref_squeeze %dma_wait3A_52 : memref<1x10000xf32, #tpu.memory_space<hbm>> -> memref<10000xf32, #tpu.memory_space<hbm>>
      tpu.wait_dma2 semaphore(%run_scoped3A : memref<!tpu.dma_semaphore, #tpu.memory_space<semaphore_mem>>) src(%dma_wait3A_53 : memref<10000xf32, #tpu.memory_space<hbm>>) dst(%arg8 : memref<10000xf32, #tpu.memory_space<vmem>>)
      tpu.yield
    }) : () -> ()
    %broadcast_in_dim3A = arith.constant -3.000000e+38 : f32
    %broadcast_in_dim3A_16 = vector.broadcast %broadcast_in_dim3A : f32 to vector<16xf32>
    %scan3A = arith.constant 0 : i32
    %scan3A_17 = arith.constant 0 : i32
    %scan3A_18 = arith.constant 625 : i32
    %scan3A_19 = arith.addi %scan3A_17, %scan3A_18 : i32
    %scan3A_20 = arith.constant 1 : i32
    scf.for %scan3A_43 = %scan3A_17 to %scan3A_19 step %scan3A_20  : i32 {
      %mul3A_44 = arith.constant 16 : i32
      %mul3A_45 = arith.muli %scan3A_43, %mul3A_44 : i32
      %swap3A = arith.index_cast %mul3A_45 : i32 to index
      %swap3A_46 = tpu.vector_load %arg9[%swap3A] {strides = array<i32>} : memref<10000xf32, #tpu.memory_space<vmem>>, vector<16xf32>,
      tpu.vector_store %arg9[%swap3A], %broadcast_in_dim3A_16 {strides = array<i32>} : memref<10000xf32, #tpu.memory_space<vmem>>, vector<16xf32>,
      %mul3A_47 = arith.constant 16 : i32
      %mul3A_48 = arith.muli %scan3A_43, %mul3A_47 : i32
      %swap3A_49 = arith.index_cast %mul3A_48 : i32 to index
      %swap3A_50 = tpu.vector_load %arg10[%swap3A_49] {strides = array<i32>} : memref<10000xf32, #tpu.memory_space<vmem>>, vector<16xf32>,
      tpu.vector_store %arg10[%swap3A_49], %broadcast_in_dim3A_16 {strides = array<i32>} : memref<10000xf32, #tpu.memory_space<vmem>>, vector<16xf32>,
      %mul3A_51 = arith.constant 16 : i32
      %mul3A_52 = arith.muli %scan3A_43, %mul3A_51 : i32
      %swap3A_53 = arith.index_cast %mul3A_52 : i32 to index
      %swap3A_54 = tpu.vector_load %arg11[%swap3A_53] {strides = array<i32>} : memref<10000xf32, #tpu.memory_space<vmem>>, vector<16xf32>,
      tpu.vector_store %arg11[%swap3A_53], %broadcast_in_dim3A_16 {strides = array<i32>} : memref<10000xf32, #tpu.memory_space<vmem>>, vector<16xf32>,
      %mul3A_55 = arith.constant 16 : i32
      %mul3A_56 = arith.muli %scan3A_43, %mul3A_55 : i32
      %swap3A_57 = arith.index_cast %mul3A_56 : i32 to index
      %swap3A_58 = tpu.vector_load %arg12[%swap3A_57] {strides = array<i32>} : memref<10000xf32, #tpu.memory_space<vmem>>, vector<16xf32>,
      tpu.vector_store %arg12[%swap3A_57], %broadcast_in_dim3A_16 {strides = array<i32>} : memref<10000xf32, #tpu.memory_space<vmem>>, vector<16xf32>,
    }
    %scan3A_21 = arith.constant 625 : i32
    %iota3A = tpu.iota {dimensions = array<i32: 0>} : vector<16xi32>
    %broadcast_in_dim3A_22 = arith.constant true
    %broadcast_in_dim3A_23 = vector.broadcast %broadcast_in_dim3A_22 : i1 to vector<16xi1>
    %mul3A_24 = arith.constant 160000 : i32
    %mul3A_25 = arith.muli %arg0, %mul3A_24 : i32
    %add3A_26 = arith.constant 0 : i32
    %add3A_27 = arith.addi %mul3A_25, %add3A_26 : i32
    %dma_start3A = tpu.memref_slice %arg3[%add3A_27] : memref<320000xi32, #tpu.memory_space<hbm>> -> memref<8000xi32, #tpu.memory_space<hbm>>
    %dma_start3A_28 = tpu.memref_slice %arg3[%add3A_27] : memref<320000xi32, #tpu.memory_space<hbm>> -> memref<8000xi32, #tpu.memory_space<hbm>>
    tpu.enqueue_dma source(%dma_start3A_28 : memref<8000xi32, #tpu.memory_space<hbm>>) target(%arg13 : memref<8000xi32, #tpu.memory_space<vmem>>) target_semaphore(%arg17 : memref<!tpu.dma_semaphore, #tpu.memory_space<semaphore_mem>>)
    %scan3A_29 = arith.constant 0 : i32
    %scan3A_30 = arith.constant 0 : i32
    %scan3A_31 = arith.constant 10 : i32
    %scan3A_32 = arith.addi %scan3A_30, %scan3A_31 : i32
    %scan3A_33 = arith.constant 1 : i32
    scf.for %scan3A_43 = %scan3A_30 to %scan3A_32 step %scan3A_33  : i32 {
      %mul3A_44 = arith.constant 2 : i32
      %mul3A_45 = arith.muli %scan3A_43, %mul3A_44 : i32
      %add3A_46 = arith.constant 0 : i32
      %add3A_47 = arith.addi %mul3A_45, %add3A_46 : i32
      %mul3A_48 = arith.constant 160000 : i32
      %mul3A_49 = arith.muli %arg0, %mul3A_48 : i32
      %mul3A_50 = arith.constant 8000 : i32
      %mul3A_51 = arith.muli %add3A_47, %mul3A_50 : i32
      %add3A_52 = arith.addi %mul3A_49, %mul3A_51 : i32
      %dma_wait3A = tpu.memref_slice %arg3[%add3A_52] : memref<320000xi32, #tpu.memory_space<hbm>> -> memref<8000xi32, #tpu.memory_space<hbm>>
      %dma_wait3A_53 = tpu.memref_slice %arg3[%add3A_52] : memref<320000xi32, #tpu.memory_space<hbm>> -> memref<8000xi32, #tpu.memory_space<hbm>>
      tpu.wait_dma2 semaphore(%arg17 : memref<!tpu.dma_semaphore, #tpu.memory_space<semaphore_mem>>) src(%dma_wait3A_53 : memref<8000xi32, #tpu.memory_space<hbm>>) dst(%arg13 : memref<8000xi32, #tpu.memory_space<vmem>>)
      %add3A_54 = arith.constant 1 : i32
      %add3A_55 = arith.addi %add3A_47, %add3A_54 : i32
      %lt3A = arith.constant 20 : i32
      %lt3A_56 = arith.cmpi slt, %add3A_55, %lt3A : i32
      %convert_element_type3A = arith.extui %lt3A_56 : i1 to i32
      %cond3A = arith.constant 0 : i32
      %cond3A_57 = arith.cmpi ne, %convert_element_type3A, %cond3A : i32
      scf.if %cond3A_57 {
        %add3A_119 = arith.constant 1 : i32
        %add3A_120 = arith.addi %add3A_47, %add3A_119 : i32
        %mul3A_121 = arith.constant 160000 : i32
        %mul3A_122 = arith.muli %arg0, %mul3A_121 : i32
        %mul3A_123 = arith.constant 8000 : i32
        %mul3A_124 = arith.muli %add3A_120, %mul3A_123 : i32
        %add3A_125 = arith.addi %mul3A_122, %mul3A_124 : i32
        %dma_start3A_126 = tpu.memref_slice %arg3[%add3A_125] : memref<320000xi32, #tpu.memory_space<hbm>> -> memref<8000xi32, #tpu.memory_space<hbm>>
        %dma_start3A_127 = tpu.memref_slice %arg3[%add3A_125] : memref<320000xi32, #tpu.memory_space<hbm>> -> memref<8000xi32, #tpu.memory_space<hbm>>
        tpu.enqueue_dma source(%dma_start3A_127 : memref<8000xi32, #tpu.memory_space<hbm>>) target(%arg14 : memref<8000xi32, #tpu.memory_space<vmem>>) target_semaphore(%arg18 : memref<!tpu.dma_semaphore, #tpu.memory_space<semaphore_mem>>)
      } else {
      }
      %broadcast_in_dim3A_58 = arith.constant false
      %broadcast_in_dim3A_59 = vector.broadcast %broadcast_in_dim3A_58 : i1 to vector<16xi1>
      %scan3A_60 = arith.constant 0 : i32
      %scan3A_61 = arith.constant 125 : i32
      %scan3A_62 = arith.addi %scan3A_60, %scan3A_61 : i32
      %scan3A_63 = arith.constant 1 : i32
      %scan3A_64 = scf.for %scan3A_119 = %scan3A_60 to %scan3A_62 step %scan3A_63 iter_args(%scan3A_120 = %broadcast_in_dim3A_59) -> (vector<16xi1>)  : i32 {
        %mul3A_121 = arith.constant 4 : i32
        %mul3A_122 = arith.muli %mul3A_121, %scan3A_119 : i32
        %add3A_123 = arith.constant 0 : i32
        %add3A_124 = arith.addi %mul3A_122, %add3A_123 : i32
        %mul3A_125 = arith.constant 16 : i32
        %mul3A_126 = arith.muli %add3A_124, %mul3A_125 : i32
        %get3A = arith.index_cast %mul3A_126 : i32 to index
        %get3A_127 = tpu.vector_load %arg13[%get3A] {strides = array<i32>} : memref<8000xi32, #tpu.memory_space<vmem>>, vector<16xi32>,
        %mul3A_128 = arith.constant 4 : i32
        %mul3A_129 = arith.muli %mul3A_128, %scan3A_119 : i32
        %add3A_130 = arith.constant 1 : i32
        %add3A_131 = arith.addi %mul3A_129, %add3A_130 : i32
        %mul3A_132 = arith.constant 16 : i32
        %mul3A_133 = arith.muli %add3A_131, %mul3A_132 : i32
        %get3A_134 = arith.index_cast %mul3A_133 : i32 to index
        %get3A_135 = tpu.vector_load %arg13[%get3A_134] {strides = array<i32>} : memref<8000xi32, #tpu.memory_space<vmem>>, vector<16xi32>,
        %mul3A_136 = arith.constant 4 : i32
        %mul3A_137 = arith.muli %mul3A_136, %scan3A_119 : i32
        %add3A_138 = arith.constant 2 : i32
        %add3A_139 = arith.addi %mul3A_137, %add3A_138 : i32
        %mul3A_140 = arith.constant 16 : i32
        %mul3A_141 = arith.muli %add3A_139, %mul3A_140 : i32
        %get3A_142 = arith.index_cast %mul3A_141 : i32 to index
        %get3A_143 = tpu.vector_load %arg13[%get3A_142] {strides = array<i32>} : memref<8000xi32, #tpu.memory_space<vmem>>, vector<16xi32>,
        %mul3A_144 = arith.constant 4 : i32
        %mul3A_145 = arith.muli %mul3A_144, %scan3A_119 : i32
        %add3A_146 = arith.constant 3 : i32
        %add3A_147 = arith.addi %mul3A_145, %add3A_146 : i32
        %mul3A_148 = arith.constant 16 : i32
        %mul3A_149 = arith.muli %add3A_147, %mul3A_148 : i32
        %get3A_150 = arith.index_cast %mul3A_149 : i32 to index
        %get3A_151 = tpu.vector_load %arg13[%get3A_150] {strides = array<i32>} : memref<8000xi32, #tpu.memory_space<vmem>>, vector<16xi32>,
        %and3A = arith.constant 16383 : i32
        %and3A_152 = vector.broadcast %and3A : i32 to vector<16xi32>
        %and3A_153 = arith.andi %get3A_127, %and3A_152 : vector<16xi32>
        %shift_right_arithmetic3A = arith.constant 14 : i32
        %shift_right_arithmetic3A_154 = vector.broadcast %shift_right_arithmetic3A : i32 to vector<16xi32>
        %shift_right_arithmetic3A_155 = arith.shrsi %get3A_127, %shift_right_arithmetic3A_154 : vector<16xi32>
        tpu.vector_store_idx %arg15[%and3A_153], %iota3A : memref<10000xi32, #tpu.memory_space<vmem>>[vector<16xi32>], vector<16xi32>,
        %gather3A = tpu.vector_load_idx %arg5[%shift_right_arithmetic3A_155] : memref<10000xf32, #tpu.memory_space<vmem>>[vector<16xi32>], vector<16xf32>,
        %gather3A_156 = tpu.vector_load_idx %arg6[%shift_right_arithmetic3A_155] : memref<10000xf32, #tpu.memory_space<vmem>>[vector<16xi32>], vector<16xf32>,
        %gather3A_157 = tpu.vector_load_idx %arg7[%shift_right_arithmetic3A_155] : memref<10000xf32, #tpu.memory_space<vmem>>[vector<16xi32>], vector<16xf32>,
        %gather3A_158 = tpu.vector_load_idx %arg8[%shift_right_arithmetic3A_155] : memref<10000xf32, #tpu.memory_space<vmem>>[vector<16xi32>], vector<16xf32>,
        %gather3A_159 = tpu.vector_load_idx %arg15[%and3A_153] : memref<10000xi32, #tpu.memory_space<vmem>>[vector<16xi32>], vector<16xi32>,
        %eq3A = arith.cmpi eq, %gather3A_159, %iota3A : vector<16xi32>
        %not3A = arith.constant dense<true> : vector<16xi1>
        %not3A_160 = arith.xori %eq3A, %not3A : vector<16xi1>
        tpu.vector_store_idx %arg15[%and3A_153], %iota3A masked %not3A_160 : memref<10000xi32, #tpu.memory_space<vmem>>[vector<16xi32>], vector<16xi32>, vector<16xi1>
        %gather3A_161 = tpu.vector_load_idx %arg9[%and3A_153] : memref<10000xf32, #tpu.memory_space<vmem>>[vector<16xi32>], vector<16xf32>,
        %gather3A_162 = tpu.vector_load_idx %arg10[%and3A_153] : memref<10000xf32, #tpu.memory_space<vmem>>[vector<16xi32>], vector<16xf32>,
        %gather3A_163 = tpu.vector_load_idx %arg11[%and3A_153] : memref<10000xf32, #tpu.memory_space<vmem>>[vector<16xi32>], vector<16xf32>,
        %gather3A_164 = tpu.vector_load_idx %arg12[%and3A_153] : memref<10000xf32, #tpu.memory_space<vmem>>[vector<16xi32>], vector<16xf32>,
        %gather3A_165 = tpu.vector_load_idx %arg15[%and3A_153] : memref<10000xi32, #tpu.memory_space<vmem>>[vector<16xi32>], vector<16xi32>,
        %eq3A_166 = arith.cmpi eq, %gather3A_165, %iota3A : vector<16xi32>
        %max3A = arith.maximumf %gather3A_161, %gather3A : vector<16xf32>
        %max3A_167 = arith.maximumf %gather3A_162, %gather3A_156 : vector<16xf32>
        %max3A_168 = arith.maximumf %gather3A_163, %gather3A_157 : vector<16xf32>
        %max3A_169 = arith.maximumf %gather3A_164, %gather3A_158 : vector<16xf32>
        %reshape3A = vector.shape_cast %gather3A_159 : vector<16xi32> to vector<16x1xi32>
        %gather3A_170 = vector.shape_cast %reshape3A : vector<16x1xi32> to vector<16xi32>
        %gather3A_171 = tpu.dynamic_gather %gather3A[%gather3A_170] in [0] : vector<16xf32>, vector<16xi32> -> vector<16xf32>
        %reshape3A_172 = vector.shape_cast %gather3A_159 : vector<16xi32> to vector<16x1xi32>
        %gather3A_173 = vector.shape_cast %reshape3A_172 : vector<16x1xi32> to vector<16xi32>
        %gather3A_174 = tpu.dynamic_gather %gather3A_156[%gather3A_173] in [0] : vector<16xf32>, vector<16xi32> -> vector<16xf32>
        %reshape3A_175 = vector.shape_cast %gather3A_159 : vector<16xi32> to vector<16x1xi32>
        %gather3A_176 = vector.shape_cast %reshape3A_175 : vector<16x1xi32> to vector<16xi32>
        %gather3A_177 = tpu.dynamic_gather %gather3A_157[%gather3A_176] in [0] : vector<16xf32>, vector<16xi32> -> vector<16xf32>
        %reshape3A_178 = vector.shape_cast %gather3A_159 : vector<16xi32> to vector<16x1xi32>
        %gather3A_179 = vector.shape_cast %reshape3A_178 : vector<16x1xi32> to vector<16xi32>
        %gather3A_180 = tpu.dynamic_gather %gather3A_158[%gather3A_179] in [0] : vector<16xf32>, vector<16xi32> -> vector<16xf32>
        %max3A_181 = arith.maximumf %max3A, %gather3A_171 : vector<16xf32>
        %select_n3A = arith.select %eq3A, %max3A, %max3A_181 : vector<16xi1>, vector<16xf32>
        tpu.vector_store_idx %arg9[%and3A_153], %select_n3A masked %eq3A_166 : memref<10000xf32, #tpu.memory_space<vmem>>[vector<16xi32>], vector<16xf32>, vector<16xi1>
        %max3A_182 = arith.maximumf %max3A_167, %gather3A_174 : vector<16xf32>
        %select_n3A_183 = arith.select %eq3A, %max3A_167, %max3A_182 : vector<16xi1>, vector<16xf32>
        tpu.vector_store_idx %arg10[%and3A_153], %select_n3A_183 masked %eq3A_166 : memref<10000xf32, #tpu.memory_space<vmem>>[vector<16xi32>], vector<16xf32>, vector<16xi1>
        %max3A_184 = arith.maximumf %max3A_168, %gather3A_177 : vector<16xf32>
        %select_n3A_185 = arith.select %eq3A, %max3A_168, %max3A_184 : vector<16xi1>, vector<16xf32>
        tpu.vector_store_idx %arg11[%and3A_153], %select_n3A_185 masked %eq3A_166 : memref<10000xf32, #tpu.memory_space<vmem>>[vector<16xi32>], vector<16xf32>, vector<16xi1>
        %max3A_186 = arith.maximumf %max3A_169, %gather3A_180 : vector<16xf32>
        %select_n3A_187 = arith.select %eq3A, %max3A_169, %max3A_186 : vector<16xi1>, vector<16xf32>
        tpu.vector_store_idx %arg12[%and3A_153], %select_n3A_187 masked %eq3A_166 : memref<10000xf32, #tpu.memory_space<vmem>>[vector<16xi32>], vector<16xf32>, vector<16xi1>
        %not3A_188 = arith.constant dense<true> : vector<16xi1>
        %not3A_189 = arith.xori %eq3A_166, %not3A_188 : vector<16xi1>
        %and3A_190 = arith.andi %not3A_160, %not3A_189 : vector<16xi1>
        %or3A = arith.ori %scan3A_120, %and3A_190 : vector<16xi1>
        %and3A_191 = arith.constant 16383 : i32
        %and3A_192 = vector.broadcast %and3A_191 : i32 to vector<16xi32>
        %and3A_193 = arith.andi %get3A_135, %and3A_192 : vector<16xi32>
        %shift_right_arithmetic3A_194 = arith.constant 14 : i32
        %shift_right_arithmetic3A_195 = vector.broadcast %shift_right_arithmetic3A_194 : i32 to vector<16xi32>
        %shift_right_arithmetic3A_196 = arith.shrsi %get3A_135, %shift_right_arithmetic3A_195 : vector<16xi32>
        tpu.vector_store_idx %arg16[%and3A_193], %iota3A : memref<10000xi32, #tpu.memory_space<vmem>>[vector<16xi32>], vector<16xi32>,
        %gather3A_197 = tpu.vector_load_idx %arg5[%shift_right_arithmetic3A_196] : memref<10000xf32, #tpu.memory_space<vmem>>[vector<16xi32>], vector<16xf32>,
        %gather3A_198 = tpu.vector_load_idx %arg6[%shift_right_arithmetic3A_196] : memref<10000xf32, #tpu.memory_space<vmem>>[vector<16xi32>], vector<16xf32>,
        %gather3A_199 = tpu.vector_load_idx %arg7[%shift_right_arithmetic3A_196] : memref<10000xf32, #tpu.memory_space<vmem>>[vector<16xi32>], vector<16xf32>,
        %gather3A_200 = tpu.vector_load_idx %arg8[%shift_right_arithmetic3A_196] : memref<10000xf32, #tpu.memory_space<vmem>>[vector<16xi32>], vector<16xf32>,
        %gather3A_201 = tpu.vector_load_idx %arg16[%and3A_193] : memref<10000xi32, #tpu.memory_space<vmem>>[vector<16xi32>], vector<16xi32>,
        %eq3A_202 = arith.cmpi eq, %gather3A_201, %iota3A : vector<16xi32>
        %not3A_203 = arith.constant dense<true> : vector<16xi1>
        %not3A_204 = arith.xori %eq3A_202, %not3A_203 : vector<16xi1>
        tpu.vector_store_idx %arg16[%and3A_193], %iota3A masked %not3A_204 : memref<10000xi32, #tpu.memory_space<vmem>>[vector<16xi32>], vector<16xi32>, vector<16xi1>
        %gather3A_205 = tpu.vector_load_idx %arg9[%and3A_193] : memref<10000xf32, #tpu.memory_space<vmem>>[vector<16xi32>], vector<16xf32>,
        %gather3A_206 = tpu.vector_load_idx %arg10[%and3A_193] : memref<10000xf32, #tpu.memory_space<vmem>>[vector<16xi32>], vector<16xf32>,
        %gather3A_207 = tpu.vector_load_idx %arg11[%and3A_193] : memref<10000xf32, #tpu.memory_space<vmem>>[vector<16xi32>], vector<16xf32>,
        %gather3A_208 = tpu.vector_load_idx %arg12[%and3A_193] : memref<10000xf32, #tpu.memory_space<vmem>>[vector<16xi32>], vector<16xf32>,
        %gather3A_209 = tpu.vector_load_idx %arg16[%and3A_193] : memref<10000xi32, #tpu.memory_space<vmem>>[vector<16xi32>], vector<16xi32>,
        %eq3A_210 = arith.cmpi eq, %gather3A_209, %iota3A : vector<16xi32>
        %max3A_211 = arith.maximumf %gather3A_205, %gather3A_197 : vector<16xf32>
        %max3A_212 = arith.maximumf %gather3A_206, %gather3A_198 : vector<16xf32>
        %max3A_213 = arith.maximumf %gather3A_207, %gather3A_199 : vector<16xf32>
        %max3A_214 = arith.maximumf %gather3A_208, %gather3A_200 : vector<16xf32>
        %reshape3A_215 = vector.shape_cast %gather3A_201 : vector<16xi32> to vector<16x1xi32>
        %gather3A_216 = vector.shape_cast %reshape3A_215 : vector<16x1xi32> to vector<16xi32>
        %gather3A_217 = tpu.dynamic_gather %gather3A_197[%gather3A_216] in [0] : vector<16xf32>, vector<16xi32> -> vector<16xf32>
        %reshape3A_218 = vector.shape_cast %gather3A_201 : vector<16xi32> to vector<16x1xi32>
        %gather3A_219 = vector.shape_cast %reshape3A_218 : vector<16x1xi32> to vector<16xi32>
        %gather3A_220 = tpu.dynamic_gather %gather3A_198[%gather3A_219] in [0] : vector<16xf32>, vector<16xi32> -> vector<16xf32>
        %reshape3A_221 = vector.shape_cast %gather3A_201 : vector<16xi32> to vector<16x1xi32>
        %gather3A_222 = vector.shape_cast %reshape3A_221 : vector<16x1xi32> to vector<16xi32>
        %gather3A_223 = tpu.dynamic_gather %gather3A_199[%gather3A_222] in [0] : vector<16xf32>, vector<16xi32> -> vector<16xf32>
        %reshape3A_224 = vector.shape_cast %gather3A_201 : vector<16xi32> to vector<16x1xi32>
        %gather3A_225 = vector.shape_cast %reshape3A_224 : vector<16x1xi32> to vector<16xi32>
        %gather3A_226 = tpu.dynamic_gather %gather3A_200[%gather3A_225] in [0] : vector<16xf32>, vector<16xi32> -> vector<16xf32>
        %max3A_227 = arith.maximumf %max3A_211, %gather3A_217 : vector<16xf32>
        %select_n3A_228 = arith.select %eq3A_202, %max3A_211, %max3A_227 : vector<16xi1>, vector<16xf32>
        tpu.vector_store_idx %arg9[%and3A_193], %select_n3A_228 masked %eq3A_210 : memref<10000xf32, #tpu.memory_space<vmem>>[vector<16xi32>], vector<16xf32>, vector<16xi1>
        %max3A_229 = arith.maximumf %max3A_212, %gather3A_220 : vector<16xf32>
        %select_n3A_230 = arith.select %eq3A_202, %max3A_212, %max3A_229 : vector<16xi1>, vector<16xf32>
        tpu.vector_store_idx %arg10[%and3A_193], %select_n3A_230 masked %eq3A_210 : memref<10000xf32, #tpu.memory_space<vmem>>[vector<16xi32>], vector<16xf32>, vector<16xi1>
        %max3A_231 = arith.maximumf %max3A_213, %gather3A_223 : vector<16xf32>
        %select_n3A_232 = arith.select %eq3A_202, %max3A_213, %max3A_231 : vector<16xi1>, vector<16xf32>
        tpu.vector_store_idx %arg11[%and3A_193], %select_n3A_232 masked %eq3A_210 : memref<10000xf32, #tpu.memory_space<vmem>>[vector<16xi32>], vector<16xf32>, vector<16xi1>
        %max3A_233 = arith.maximumf %max3A_214, %gather3A_226 : vector<16xf32>
        %select_n3A_234 = arith.select %eq3A_202, %max3A_214, %max3A_233 : vector<16xi1>, vector<16xf32>
        tpu.vector_store_idx %arg12[%and3A_193], %select_n3A_234 masked %eq3A_210 : memref<10000xf32, #tpu.memory_space<vmem>>[vector<16xi32>], vector<16xf32>, vector<16xi1>
        %not3A_235 = arith.constant dense<true> : vector<16xi1>
        %not3A_236 = arith.xori %eq3A_210, %not3A_235 : vector<16xi1>
        %and3A_237 = arith.andi %not3A_204, %not3A_236 : vector<16xi1>
        %or3A_238 = arith.ori %or3A, %and3A_237 : vector<16xi1>
        %and3A_239 = arith.constant 16383 : i32
        %and3A_240 = vector.broadcast %and3A_239 : i32 to vector<16xi32>
        %and3A_241 = arith.andi %get3A_143, %and3A_240 : vector<16xi32>
        %shift_right_arithmetic3A_242 = arith.constant 14 : i32
        %shift_right_arithmetic3A_243 = vector.broadcast %shift_right_arithmetic3A_242 : i32 to vector<16xi32>
        %shift_right_arithmetic3A_244 = arith.shrsi %get3A_143, %shift_right_arithmetic3A_243 : vector<16xi32>
        tpu.vector_store_idx %arg15[%and3A_241], %iota3A : memref<10000xi32, #tpu.memory_space<vmem>>[vector<16xi32>], vector<16xi32>,
        %gather3A_245 = tpu.vector_load_idx %arg5[%shift_right_arithmetic3A_244] : memref<10000xf32, #tpu.memory_space<vmem>>[vector<16xi32>], vector<16xf32>,
        %gather3A_246 = tpu.vector_load_idx %arg6[%shift_right_arithmetic3A_244] : memref<10000xf32, #tpu.memory_space<vmem>>[vector<16xi32>], vector<16xf32>,
        %gather3A_247 = tpu.vector_load_idx %arg7[%shift_right_arithmetic3A_244] : memref<10000xf32, #tpu.memory_space<vmem>>[vector<16xi32>], vector<16xf32>,
        %gather3A_248 = tpu.vector_load_idx %arg8[%shift_right_arithmetic3A_244] : memref<10000xf32, #tpu.memory_space<vmem>>[vector<16xi32>], vector<16xf32>,
        %gather3A_249 = tpu.vector_load_idx %arg15[%and3A_241] : memref<10000xi32, #tpu.memory_space<vmem>>[vector<16xi32>], vector<16xi32>,
        %eq3A_250 = arith.cmpi eq, %gather3A_249, %iota3A : vector<16xi32>
        %not3A_251 = arith.constant dense<true> : vector<16xi1>
        %not3A_252 = arith.xori %eq3A_250, %not3A_251 : vector<16xi1>
        tpu.vector_store_idx %arg15[%and3A_241], %iota3A masked %not3A_252 : memref<10000xi32, #tpu.memory_space<vmem>>[vector<16xi32>], vector<16xi32>, vector<16xi1>
        %gather3A_253 = tpu.vector_load_idx %arg9[%and3A_241] : memref<10000xf32, #tpu.memory_space<vmem>>[vector<16xi32>], vector<16xf32>,
        %gather3A_254 = tpu.vector_load_idx %arg10[%and3A_241] : memref<10000xf32, #tpu.memory_space<vmem>>[vector<16xi32>], vector<16xf32>,
        %gather3A_255 = tpu.vector_load_idx %arg11[%and3A_241] : memref<10000xf32, #tpu.memory_space<vmem>>[vector<16xi32>], vector<16xf32>,
        %gather3A_256 = tpu.vector_load_idx %arg12[%and3A_241] : memref<10000xf32, #tpu.memory_space<vmem>>[vector<16xi32>], vector<16xf32>,
        %gather3A_257 = tpu.vector_load_idx %arg15[%and3A_241] : memref<10000xi32, #tpu.memory_space<vmem>>[vector<16xi32>], vector<16xi32>,
        %eq3A_258 = arith.cmpi eq, %gather3A_257, %iota3A : vector<16xi32>
        %max3A_259 = arith.maximumf %gather3A_253, %gather3A_245 : vector<16xf32>
        %max3A_260 = arith.maximumf %gather3A_254, %gather3A_246 : vector<16xf32>
        %max3A_261 = arith.maximumf %gather3A_255, %gather3A_247 : vector<16xf32>
        %max3A_262 = arith.maximumf %gather3A_256, %gather3A_248 : vector<16xf32>
        %reshape3A_263 = vector.shape_cast %gather3A_249 : vector<16xi32> to vector<16x1xi32>
        %gather3A_264 = vector.shape_cast %reshape3A_263 : vector<16x1xi32> to vector<16xi32>
        %gather3A_265 = tpu.dynamic_gather %gather3A_245[%gather3A_264] in [0] : vector<16xf32>, vector<16xi32> -> vector<16xf32>
        %reshape3A_266 = vector.shape_cast %gather3A_249 : vector<16xi32> to vector<16x1xi32>
        %gather3A_267 = vector.shape_cast %reshape3A_266 : vector<16x1xi32> to vector<16xi32>
        %gather3A_268 = tpu.dynamic_gather %gather3A_246[%gather3A_267] in [0] : vector<16xf32>, vector<16xi32> -> vector<16xf32>
        %reshape3A_269 = vector.shape_cast %gather3A_249 : vector<16xi32> to vector<16x1xi32>
        %gather3A_270 = vector.shape_cast %reshape3A_269 : vector<16x1xi32> to vector<16xi32>
        %gather3A_271 = tpu.dynamic_gather %gather3A_247[%gather3A_270] in [0] : vector<16xf32>, vector<16xi32> -> vector<16xf32>
        %reshape3A_272 = vector.shape_cast %gather3A_249 : vector<16xi32> to vector<16x1xi32>
        %gather3A_273 = vector.shape_cast %reshape3A_272 : vector<16x1xi32> to vector<16xi32>
        %gather3A_274 = tpu.dynamic_gather %gather3A_248[%gather3A_273] in [0] : vector<16xf32>, vector<16xi32> -> vector<16xf32>
        %max3A_275 = arith.maximumf %max3A_259, %gather3A_265 : vector<16xf32>
        %select_n3A_276 = arith.select %eq3A_250, %max3A_259, %max3A_275 : vector<16xi1>, vector<16xf32>
        tpu.vector_store_idx %arg9[%and3A_241], %select_n3A_276 masked %eq3A_258 : memref<10000xf32, #tpu.memory_space<vmem>>[vector<16xi32>], vector<16xf32>, vector<16xi1>
        %max3A_277 = arith.maximumf %max3A_260, %gather3A_268 : vector<16xf32>
        %select_n3A_278 = arith.select %eq3A_250, %max3A_260, %max3A_277 : vector<16xi1>, vector<16xf32>
        tpu.vector_store_idx %arg10[%and3A_241], %select_n3A_278 masked %eq3A_258 : memref<10000xf32, #tpu.memory_space<vmem>>[vector<16xi32>], vector<16xf32>, vector<16xi1>
        %max3A_279 = arith.maximumf %max3A_261, %gather3A_271 : vector<16xf32>
        %select_n3A_280 = arith.select %eq3A_250, %max3A_261, %max3A_279 : vector<16xi1>, vector<16xf32>
        tpu.vector_store_idx %arg11[%and3A_241], %select_n3A_280 masked %eq3A_258 : memref<10000xf32, #tpu.memory_space<vmem>>[vector<16xi32>], vector<16xf32>, vector<16xi1>
        %max3A_281 = arith.maximumf %max3A_262, %gather3A_274 : vector<16xf32>
        %select_n3A_282 = arith.select %eq3A_250, %max3A_262, %max3A_281 : vector<16xi1>, vector<16xf32>
        tpu.vector_store_idx %arg12[%and3A_241], %select_n3A_282 masked %eq3A_258 : memref<10000xf32, #tpu.memory_space<vmem>>[vector<16xi32>], vector<16xf32>, vector<16xi1>
        %not3A_283 = arith.constant dense<true> : vector<16xi1>
        %not3A_284 = arith.xori %eq3A_258, %not3A_283 : vector<16xi1>
        %and3A_285 = arith.andi %not3A_252, %not3A_284 : vector<16xi1>
        %or3A_286 = arith.ori %or3A_238, %and3A_285 : vector<16xi1>
        %and3A_287 = arith.constant 16383 : i32
        %and3A_288 = vector.broadcast %and3A_287 : i32 to vector<16xi32>
        %and3A_289 = arith.andi %get3A_151, %and3A_288 : vector<16xi32>
        %shift_right_arithmetic3A_290 = arith.constant 14 : i32
        %shift_right_arithmetic3A_291 = vector.broadcast %shift_right_arithmetic3A_290 : i32 to vector<16xi32>
        %shift_right_arithmetic3A_292 = arith.shrsi %get3A_151, %shift_right_arithmetic3A_291 : vector<16xi32>
        tpu.vector_store_idx %arg16[%and3A_289], %iota3A : memref<10000xi32, #tpu.memory_space<vmem>>[vector<16xi32>], vector<16xi32>,
        %gather3A_293 = tpu.vector_load_idx %arg5[%shift_right_arithmetic3A_292] : memref<10000xf32, #tpu.memory_space<vmem>>[vector<16xi32>], vector<16xf32>,
        %gather3A_294 = tpu.vector_load_idx %arg6[%shift_right_arithmetic3A_292] : memref<10000xf32, #tpu.memory_space<vmem>>[vector<16xi32>], vector<16xf32>,
        %gather3A_295 = tpu.vector_load_idx %arg7[%shift_right_arithmetic3A_292] : memref<10000xf32, #tpu.memory_space<vmem>>[vector<16xi32>], vector<16xf32>,
        %gather3A_296 = tpu.vector_load_idx %arg8[%shift_right_arithmetic3A_292] : memref<10000xf32, #tpu.memory_space<vmem>>[vector<16xi32>], vector<16xf32>,
        %gather3A_297 = tpu.vector_load_idx %arg16[%and3A_289] : memref<10000xi32, #tpu.memory_space<vmem>>[vector<16xi32>], vector<16xi32>,
        %eq3A_298 = arith.cmpi eq, %gather3A_297, %iota3A : vector<16xi32>
        %not3A_299 = arith.constant dense<true> : vector<16xi1>
        %not3A_300 = arith.xori %eq3A_298, %not3A_299 : vector<16xi1>
        tpu.vector_store_idx %arg16[%and3A_289], %iota3A masked %not3A_300 : memref<10000xi32, #tpu.memory_space<vmem>>[vector<16xi32>], vector<16xi32>, vector<16xi1>
        %gather3A_301 = tpu.vector_load_idx %arg9[%and3A_289] : memref<10000xf32, #tpu.memory_space<vmem>>[vector<16xi32>], vector<16xf32>,
        %gather3A_302 = tpu.vector_load_idx %arg10[%and3A_289] : memref<10000xf32, #tpu.memory_space<vmem>>[vector<16xi32>], vector<16xf32>,
        %gather3A_303 = tpu.vector_load_idx %arg11[%and3A_289] : memref<10000xf32, #tpu.memory_space<vmem>>[vector<16xi32>], vector<16xf32>,
        %gather3A_304 = tpu.vector_load_idx %arg12[%and3A_289] : memref<10000xf32, #tpu.memory_space<vmem>>[vector<16xi32>], vector<16xf32>,
        %gather3A_305 = tpu.vector_load_idx %arg16[%and3A_289] : memref<10000xi32, #tpu.memory_space<vmem>>[vector<16xi32>], vector<16xi32>,
        %eq3A_306 = arith.cmpi eq, %gather3A_305, %iota3A : vector<16xi32>
        %max3A_307 = arith.maximumf %gather3A_301, %gather3A_293 : vector<16xf32>
        %max3A_308 = arith.maximumf %gather3A_302, %gather3A_294 : vector<16xf32>
        %max3A_309 = arith.maximumf %gather3A_303, %gather3A_295 : vector<16xf32>
        %max3A_310 = arith.maximumf %gather3A_304, %gather3A_296 : vector<16xf32>
        %reshape3A_311 = vector.shape_cast %gather3A_297 : vector<16xi32> to vector<16x1xi32>
        %gather3A_312 = vector.shape_cast %reshape3A_311 : vector<16x1xi32> to vector<16xi32>
        %gather3A_313 = tpu.dynamic_gather %gather3A_293[%gather3A_312] in [0] : vector<16xf32>, vector<16xi32> -> vector<16xf32>
        %reshape3A_314 = vector.shape_cast %gather3A_297 : vector<16xi32> to vector<16x1xi32>
        %gather3A_315 = vector.shape_cast %reshape3A_314 : vector<16x1xi32> to vector<16xi32>
        %gather3A_316 = tpu.dynamic_gather %gather3A_294[%gather3A_315] in [0] : vector<16xf32>, vector<16xi32> -> vector<16xf32>
        %reshape3A_317 = vector.shape_cast %gather3A_297 : vector<16xi32> to vector<16x1xi32>
        %gather3A_318 = vector.shape_cast %reshape3A_317 : vector<16x1xi32> to vector<16xi32>
        %gather3A_319 = tpu.dynamic_gather %gather3A_295[%gather3A_318] in [0] : vector<16xf32>, vector<16xi32> -> vector<16xf32>
        %reshape3A_320 = vector.shape_cast %gather3A_297 : vector<16xi32> to vector<16x1xi32>
        %gather3A_321 = vector.shape_cast %reshape3A_320 : vector<16x1xi32> to vector<16xi32>
        %gather3A_322 = tpu.dynamic_gather %gather3A_296[%gather3A_321] in [0] : vector<16xf32>, vector<16xi32> -> vector<16xf32>
        %max3A_323 = arith.maximumf %max3A_307, %gather3A_313 : vector<16xf32>
        %select_n3A_324 = arith.select %eq3A_298, %max3A_307, %max3A_323 : vector<16xi1>, vector<16xf32>
        tpu.vector_store_idx %arg9[%and3A_289], %select_n3A_324 masked %eq3A_306 : memref<10000xf32, #tpu.memory_space<vmem>>[vector<16xi32>], vector<16xf32>, vector<16xi1>
        %max3A_325 = arith.maximumf %max3A_308, %gather3A_316 : vector<16xf32>
        %select_n3A_326 = arith.select %eq3A_298, %max3A_308, %max3A_325 : vector<16xi1>, vector<16xf32>
        tpu.vector_store_idx %arg10[%and3A_289], %select_n3A_326 masked %eq3A_306 : memref<10000xf32, #tpu.memory_space<vmem>>[vector<16xi32>], vector<16xf32>, vector<16xi1>
        %max3A_327 = arith.maximumf %max3A_309, %gather3A_319 : vector<16xf32>
        %select_n3A_328 = arith.select %eq3A_298, %max3A_309, %max3A_327 : vector<16xi1>, vector<16xf32>
        tpu.vector_store_idx %arg11[%and3A_289], %select_n3A_328 masked %eq3A_306 : memref<10000xf32, #tpu.memory_space<vmem>>[vector<16xi32>], vector<16xf32>, vector<16xi1>
        %max3A_329 = arith.maximumf %max3A_310, %gather3A_322 : vector<16xf32>
        %select_n3A_330 = arith.select %eq3A_298, %max3A_310, %max3A_329 : vector<16xi1>, vector<16xf32>
        tpu.vector_store_idx %arg12[%and3A_289], %select_n3A_330 masked %eq3A_306 : memref<10000xf32, #tpu.memory_space<vmem>>[vector<16xi32>], vector<16xf32>, vector<16xi1>
        %not3A_331 = arith.constant dense<true> : vector<16xi1>
        %not3A_332 = arith.xori %eq3A_306, %not3A_331 : vector<16xi1>
        %and3A_333 = arith.andi %not3A_300, %not3A_332 : vector<16xi1>
        %or3A_334 = arith.ori %or3A_286, %and3A_333 : vector<16xi1>
        scf.yield %or3A_334 : vector<16xi1>
      }
      %scan3A_65 = arith.constant 125 : i32
      %reduce_or3A = arith.constant 1.000000e+00 : f32
      %reduce_or3A_66 = arith.constant 0.000000e+00 : f32
      %reduce_or3A_67 = vector.broadcast %reduce_or3A : f32 to vector<16xf32>
      %reduce_or3A_68 = vector.broadcast %reduce_or3A_66 : f32 to vector<16xf32>
      %reduce_or3A_69 = arith.select %scan3A_64, %reduce_or3A_67, %reduce_or3A_68 : vector<16xi1>, vector<16xf32>
      %reduce_or3A_70 = arith.constant true
      %reduce_or3A_71 = vector.broadcast %reduce_or3A_70 : i1 to vector<16xi1>
      %reduce_or3A_72 = tpu.scan <max>, %reduce_or3A_69 masked %reduce_or3A_71 : vector<16xf32>, vector<16xi1> -> vector<16xf32>
      %reduce_or3A_73 = vector.extract %reduce_or3A_72[15] : f32 from vector<16xf32>
      %reduce_or3A_74 = arith.constant 0.000000e+00 : f32
      %reduce_or3A_75 = arith.cmpf ogt, %reduce_or3A_73, %reduce_or3A_74 : f32
      %convert_element_type3A_76 = arith.extui %reduce_or3A_75 : i1 to i32
      %cond3A_77 = arith.constant 0 : i32
      %cond3A_78 = arith.cmpi ne, %convert_element_type3A_76, %cond3A_77 : i32
      scf.if %cond3A_78 {
        %scan3A_119 = arith.constant 0 : i32
        %scan3A_120 = arith.constant 0 : i32
        %scan3A_121 = arith.constant 500 : i32
        %scan3A_122 = arith.addi %scan3A_120, %scan3A_121 : i32
        %scan3A_123 = arith.constant 1 : i32
        scf.for %scan3A_125 = %scan3A_120 to %scan3A_122 step %scan3A_123  : i32 {
          %mul3A_126 = arith.constant 16 : i32
          %mul3A_127 = arith.muli %scan3A_125, %mul3A_126 : i32
          %get3A = arith.index_cast %mul3A_127 : i32 to index
          %get3A_128 = tpu.vector_load %arg13[%get3A] {strides = array<i32>} : memref<8000xi32, #tpu.memory_space<vmem>>, vector<16xi32>,
          %and3A = arith.constant 16383 : i32
          %and3A_129 = vector.broadcast %and3A : i32 to vector<16xi32>
          %and3A_130 = arith.andi %get3A_128, %and3A_129 : vector<16xi32>
          %shift_right_arithmetic3A = arith.constant 14 : i32
          %shift_right_arithmetic3A_131 = vector.broadcast %shift_right_arithmetic3A : i32 to vector<16xi32>
          %shift_right_arithmetic3A_132 = arith.shrsi %get3A_128, %shift_right_arithmetic3A_131 : vector<16xi32>
          %gather3A = tpu.vector_load_idx %arg5[%shift_right_arithmetic3A_132] : memref<10000xf32, #tpu.memory_space<vmem>>[vector<16xi32>], vector<16xf32>,
          %gather3A_133 = tpu.vector_load_idx %arg6[%shift_right_arithmetic3A_132] : memref<10000xf32, #tpu.memory_space<vmem>>[vector<16xi32>], vector<16xf32>,
          %gather3A_134 = tpu.vector_load_idx %arg7[%shift_right_arithmetic3A_132] : memref<10000xf32, #tpu.memory_space<vmem>>[vector<16xi32>], vector<16xf32>,
          %gather3A_135 = tpu.vector_load_idx %arg8[%shift_right_arithmetic3A_132] : memref<10000xf32, #tpu.memory_space<vmem>>[vector<16xi32>], vector<16xf32>,
          %while3A = scf.while (%while3A_136 = %broadcast_in_dim3A_23) : (vector<16xi1>) -> vector<16xi1> {
            %reduce_or3A_137 = arith.constant 1.000000e+00 : f32
            %reduce_or3A_138 = arith.constant 0.000000e+00 : f32
            %reduce_or3A_139 = vector.broadcast %reduce_or3A_137 : f32 to vector<16xf32>
            %reduce_or3A_140 = vector.broadcast %reduce_or3A_138 : f32 to vector<16xf32>
            %reduce_or3A_141 = arith.select %while3A_136, %reduce_or3A_139, %reduce_or3A_140 : vector<16xi1>, vector<16xf32>
            %reduce_or3A_142 = arith.constant true
            %reduce_or3A_143 = vector.broadcast %reduce_or3A_142 : i1 to vector<16xi1>
            %reduce_or3A_144 = tpu.scan <max>, %reduce_or3A_141 masked %reduce_or3A_143 : vector<16xf32>, vector<16xi1> -> vector<16xf32>
            %reduce_or3A_145 = vector.extract %reduce_or3A_144[15] : f32 from vector<16xf32>
            %reduce_or3A_146 = arith.constant 0.000000e+00 : f32
            %reduce_or3A_147 = arith.cmpf ogt, %reduce_or3A_145, %reduce_or3A_146 : f32
            scf.condition(%reduce_or3A_147) %while3A_136 : vector<16xi1>
          } do {
          ^bb0(%while3A_136: vector<16xi1>):
            tpu.vector_store_idx %arg15[%and3A_130], %iota3A masked %while3A_136 : memref<10000xi32, #tpu.memory_space<vmem>>[vector<16xi32>], vector<16xi32>, vector<16xi1>
            %gather3A_137 = tpu.vector_load_idx %arg15[%and3A_130] masked %while3A_136 : memref<10000xi32, #tpu.memory_space<vmem>>[vector<16xi32>], vector<16xi32>, vector<16xi1>
            %eq3A = arith.cmpi eq, %gather3A_137, %iota3A : vector<16xi32>
            %and3A_138 = arith.andi %eq3A, %while3A_136 : vector<16xi1>
            %gather3A_139 = tpu.vector_load_idx %arg9[%and3A_130] masked %and3A_138 : memref<10000xf32, #tpu.memory_space<vmem>>[vector<16xi32>], vector<16xf32>, vector<16xi1>
            %max3A = arith.maximumf %gather3A_139, %gather3A : vector<16xf32>
            tpu.vector_store_idx %arg9[%and3A_130], %max3A masked %and3A_138 : memref<10000xf32, #tpu.memory_space<vmem>>[vector<16xi32>], vector<16xf32>, vector<16xi1>
            %gather3A_140 = tpu.vector_load_idx %arg10[%and3A_130] masked %and3A_138 : memref<10000xf32, #tpu.memory_space<vmem>>[vector<16xi32>], vector<16xf32>, vector<16xi1>
            %max3A_141 = arith.maximumf %gather3A_140, %gather3A_133 : vector<16xf32>
            tpu.vector_store_idx %arg10[%and3A_130], %max3A_141 masked %and3A_138 : memref<10000xf32, #tpu.memory_space<vmem>>[vector<16xi32>], vector<16xf32>, vector<16xi1>
            %gather3A_142 = tpu.vector_load_idx %arg11[%and3A_130] masked %and3A_138 : memref<10000xf32, #tpu.memory_space<vmem>>[vector<16xi32>], vector<16xf32>, vector<16xi1>
            %max3A_143 = arith.maximumf %gather3A_142, %gather3A_134 : vector<16xf32>
            tpu.vector_store_idx %arg11[%and3A_130], %max3A_143 masked %and3A_138 : memref<10000xf32, #tpu.memory_space<vmem>>[vector<16xi32>], vector<16xf32>, vector<16xi1>
            %gather3A_144 = tpu.vector_load_idx %arg12[%and3A_130] masked %and3A_138 : memref<10000xf32, #tpu.memory_space<vmem>>[vector<16xi32>], vector<16xf32>, vector<16xi1>
            %max3A_145 = arith.maximumf %gather3A_144, %gather3A_135 : vector<16xf32>
            tpu.vector_store_idx %arg12[%and3A_130], %max3A_145 masked %and3A_138 : memref<10000xf32, #tpu.memory_space<vmem>>[vector<16xi32>], vector<16xf32>, vector<16xi1>
            %not3A = arith.constant dense<true> : vector<16xi1>
            %not3A_146 = arith.xori %and3A_138, %not3A : vector<16xi1>
            %and3A_147 = arith.andi %while3A_136, %not3A_146 : vector<16xi1>
            scf.yield %and3A_147 : vector<16xi1>
          }
        }
        %scan3A_124 = arith.constant 500 : i32
      } else {
      }
      %mul3A_79 = arith.constant 2 : i32
      %mul3A_80 = arith.muli %scan3A_43, %mul3A_79 : i32
      %add3A_81 = arith.constant 1 : i32
      %add3A_82 = arith.addi %mul3A_80, %add3A_81 : i32
      %mul3A_83 = arith.constant 160000 : i32
      %mul3A_84 = arith.muli %arg0, %mul3A_83 : i32
      %mul3A_85 = arith.constant 8000 : i32
      %mul3A_86 = arith.muli %add3A_82, %mul3A_85 : i32
      %add3A_87 = arith.addi %mul3A_84, %mul3A_86 : i32
      %dma_wait3A_88 = tpu.memref_slice %arg3[%add3A_87] : memref<320000xi32, #tpu.memory_space<hbm>> -> memref<8000xi32, #tpu.memory_space<hbm>>
      %dma_wait3A_89 = tpu.memref_slice %arg3[%add3A_87] : memref<320000xi32, #tpu.memory_space<hbm>> -> memref<8000xi32, #tpu.memory_space<hbm>>
      tpu.wait_dma2 semaphore(%arg18 : memref<!tpu.dma_semaphore, #tpu.memory_space<semaphore_mem>>) src(%dma_wait3A_89 : memref<8000xi32, #tpu.memory_space<hbm>>) dst(%arg14 : memref<8000xi32, #tpu.memory_space<vmem>>)
      %add3A_90 = arith.constant 1 : i32
      %add3A_91 = arith.addi %add3A_82, %add3A_90 : i32
      %lt3A_92 = arith.constant 20 : i32
      %lt3A_93 = arith.cmpi slt, %add3A_91, %lt3A_92 : i32
      %convert_element_type3A_94 = arith.extui %lt3A_93 : i1 to i32
      %cond3A_95 = arith.constant 0 : i32
      %cond3A_96 = arith.cmpi ne, %convert_element_type3A_94, %cond3A_95 : i32
      scf.if %cond3A_96 {
        %add3A_119 = arith.constant 1 : i32
        %add3A_120 = arith.addi %add3A_82, %add3A_119 : i32
        %mul3A_121 = arith.constant 160000 : i32
        %mul3A_122 = arith.muli %arg0, %mul3A_121 : i32
        %mul3A_123 = arith.constant 8000 : i32
        %mul3A_124 = arith.muli %add3A_120, %mul3A_123 : i32
        %add3A_125 = arith.addi %mul3A_122, %mul3A_124 : i32
        %dma_start3A_126 = tpu.memref_slice %arg3[%add3A_125] : memref<320000xi32, #tpu.memory_space<hbm>> -> memref<8000xi32, #tpu.memory_space<hbm>>
        %dma_start3A_127 = tpu.memref_slice %arg3[%add3A_125] : memref<320000xi32, #tpu.memory_space<hbm>> -> memref<8000xi32, #tpu.memory_space<hbm>>
        tpu.enqueue_dma source(%dma_start3A_127 : memref<8000xi32, #tpu.memory_space<hbm>>) target(%arg13 : memref<8000xi32, #tpu.memory_space<vmem>>) target_semaphore(%arg17 : memref<!tpu.dma_semaphore, #tpu.memory_space<semaphore_mem>>)
      } else {
      }
      %broadcast_in_dim3A_97 = arith.constant false
      %broadcast_in_dim3A_98 = vector.broadcast %broadcast_in_dim3A_97 : i1 to vector<16xi1>
      %scan3A_99 = arith.constant 0 : i32
      %scan3A_100 = arith.constant 125 : i32
      %scan3A_101 = arith.addi %scan3A_99, %scan3A_100 : i32
      %scan3A_102 = arith.constant 1 : i32
      %scan3A_103 = scf.for %scan3A_119 = %scan3A_99 to %scan3A_101 step %scan3A_102 iter_args(%scan3A_120 = %broadcast_in_dim3A_98) -> (vector<16xi1>)  : i32 {
        %mul3A_121 = arith.constant 4 : i32
        %mul3A_122 = arith.muli %mul3A_121, %scan3A_119 : i32
        %add3A_123 = arith.constant 0 : i32
        %add3A_124 = arith.addi %mul3A_122, %add3A_123 : i32
        %mul3A_125 = arith.constant 16 : i32
        %mul3A_126 = arith.muli %add3A_124, %mul3A_125 : i32
        %get3A = arith.index_cast %mul3A_126 : i32 to index
        %get3A_127 = tpu.vector_load %arg14[%get3A] {strides = array<i32>} : memref<8000xi32, #tpu.memory_space<vmem>>, vector<16xi32>,
        %mul3A_128 = arith.constant 4 : i32
        %mul3A_129 = arith.muli %mul3A_128, %scan3A_119 : i32
        %add3A_130 = arith.constant 1 : i32
        %add3A_131 = arith.addi %mul3A_129, %add3A_130 : i32
        %mul3A_132 = arith.constant 16 : i32
        %mul3A_133 = arith.muli %add3A_131, %mul3A_132 : i32
        %get3A_134 = arith.index_cast %mul3A_133 : i32 to index
        %get3A_135 = tpu.vector_load %arg14[%get3A_134] {strides = array<i32>} : memref<8000xi32, #tpu.memory_space<vmem>>, vector<16xi32>,
        %mul3A_136 = arith.constant 4 : i32
        %mul3A_137 = arith.muli %mul3A_136, %scan3A_119 : i32
        %add3A_138 = arith.constant 2 : i32
        %add3A_139 = arith.addi %mul3A_137, %add3A_138 : i32
        %mul3A_140 = arith.constant 16 : i32
        %mul3A_141 = arith.muli %add3A_139, %mul3A_140 : i32
        %get3A_142 = arith.index_cast %mul3A_141 : i32 to index
        %get3A_143 = tpu.vector_load %arg14[%get3A_142] {strides = array<i32>} : memref<8000xi32, #tpu.memory_space<vmem>>, vector<16xi32>,
        %mul3A_144 = arith.constant 4 : i32
        %mul3A_145 = arith.muli %mul3A_144, %scan3A_119 : i32
        %add3A_146 = arith.constant 3 : i32
        %add3A_147 = arith.addi %mul3A_145, %add3A_146 : i32
        %mul3A_148 = arith.constant 16 : i32
        %mul3A_149 = arith.muli %add3A_147, %mul3A_148 : i32
        %get3A_150 = arith.index_cast %mul3A_149 : i32 to index
        %get3A_151 = tpu.vector_load %arg14[%get3A_150] {strides = array<i32>} : memref<8000xi32, #tpu.memory_space<vmem>>, vector<16xi32>,
        %and3A = arith.constant 16383 : i32
        %and3A_152 = vector.broadcast %and3A : i32 to vector<16xi32>
        %and3A_153 = arith.andi %get3A_127, %and3A_152 : vector<16xi32>
        %shift_right_arithmetic3A = arith.constant 14 : i32
        %shift_right_arithmetic3A_154 = vector.broadcast %shift_right_arithmetic3A : i32 to vector<16xi32>
        %shift_right_arithmetic3A_155 = arith.shrsi %get3A_127, %shift_right_arithmetic3A_154 : vector<16xi32>
        tpu.vector_store_idx %arg15[%and3A_153], %iota3A : memref<10000xi32, #tpu.memory_space<vmem>>[vector<16xi32>], vector<16xi32>,
        %gather3A = tpu.vector_load_idx %arg5[%shift_right_arithmetic3A_155] : memref<10000xf32, #tpu.memory_space<vmem>>[vector<16xi32>], vector<16xf32>,
        %gather3A_156 = tpu.vector_load_idx %arg6[%shift_right_arithmetic3A_155] : memref<10000xf32, #tpu.memory_space<vmem>>[vector<16xi32>], vector<16xf32>,
        %gather3A_157 = tpu.vector_load_idx %arg7[%shift_right_arithmetic3A_155] : memref<10000xf32, #tpu.memory_space<vmem>>[vector<16xi32>], vector<16xf32>,
        %gather3A_158 = tpu.vector_load_idx %arg8[%shift_right_arithmetic3A_155] : memref<10000xf32, #tpu.memory_space<vmem>>[vector<16xi32>], vector<16xf32>,
        %gather3A_159 = tpu.vector_load_idx %arg15[%and3A_153] : memref<10000xi32, #tpu.memory_space<vmem>>[vector<16xi32>], vector<16xi32>,
        %eq3A = arith.cmpi eq, %gather3A_159, %iota3A : vector<16xi32>
        %not3A = arith.constant dense<true> : vector<16xi1>
        %not3A_160 = arith.xori %eq3A, %not3A : vector<16xi1>
        tpu.vector_store_idx %arg15[%and3A_153], %iota3A masked %not3A_160 : memref<10000xi32, #tpu.memory_space<vmem>>[vector<16xi32>], vector<16xi32>, vector<16xi1>
        %gather3A_161 = tpu.vector_load_idx %arg9[%and3A_153] : memref<10000xf32, #tpu.memory_space<vmem>>[vector<16xi32>], vector<16xf32>,
        %gather3A_162 = tpu.vector_load_idx %arg10[%and3A_153] : memref<10000xf32, #tpu.memory_space<vmem>>[vector<16xi32>], vector<16xf32>,
        %gather3A_163 = tpu.vector_load_idx %arg11[%and3A_153] : memref<10000xf32, #tpu.memory_space<vmem>>[vector<16xi32>], vector<16xf32>,
        %gather3A_164 = tpu.vector_load_idx %arg12[%and3A_153] : memref<10000xf32, #tpu.memory_space<vmem>>[vector<16xi32>], vector<16xf32>,
        %gather3A_165 = tpu.vector_load_idx %arg15[%and3A_153] : memref<10000xi32, #tpu.memory_space<vmem>>[vector<16xi32>], vector<16xi32>,
        %eq3A_166 = arith.cmpi eq, %gather3A_165, %iota3A : vector<16xi32>
        %max3A = arith.maximumf %gather3A_161, %gather3A : vector<16xf32>
        %max3A_167 = arith.maximumf %gather3A_162, %gather3A_156 : vector<16xf32>
        %max3A_168 = arith.maximumf %gather3A_163, %gather3A_157 : vector<16xf32>
        %max3A_169 = arith.maximumf %gather3A_164, %gather3A_158 : vector<16xf32>
        %reshape3A = vector.shape_cast %gather3A_159 : vector<16xi32> to vector<16x1xi32>
        %gather3A_170 = vector.shape_cast %reshape3A : vector<16x1xi32> to vector<16xi32>
        %gather3A_171 = tpu.dynamic_gather %gather3A[%gather3A_170] in [0] : vector<16xf32>, vector<16xi32> -> vector<16xf32>
        %reshape3A_172 = vector.shape_cast %gather3A_159 : vector<16xi32> to vector<16x1xi32>
        %gather3A_173 = vector.shape_cast %reshape3A_172 : vector<16x1xi32> to vector<16xi32>
        %gather3A_174 = tpu.dynamic_gather %gather3A_156[%gather3A_173] in [0] : vector<16xf32>, vector<16xi32> -> vector<16xf32>
        %reshape3A_175 = vector.shape_cast %gather3A_159 : vector<16xi32> to vector<16x1xi32>
        %gather3A_176 = vector.shape_cast %reshape3A_175 : vector<16x1xi32> to vector<16xi32>
        %gather3A_177 = tpu.dynamic_gather %gather3A_157[%gather3A_176] in [0] : vector<16xf32>, vector<16xi32> -> vector<16xf32>
        %reshape3A_178 = vector.shape_cast %gather3A_159 : vector<16xi32> to vector<16x1xi32>
        %gather3A_179 = vector.shape_cast %reshape3A_178 : vector<16x1xi32> to vector<16xi32>
        %gather3A_180 = tpu.dynamic_gather %gather3A_158[%gather3A_179] in [0] : vector<16xf32>, vector<16xi32> -> vector<16xf32>
        %max3A_181 = arith.maximumf %max3A, %gather3A_171 : vector<16xf32>
        %select_n3A = arith.select %eq3A, %max3A, %max3A_181 : vector<16xi1>, vector<16xf32>
        tpu.vector_store_idx %arg9[%and3A_153], %select_n3A masked %eq3A_166 : memref<10000xf32, #tpu.memory_space<vmem>>[vector<16xi32>], vector<16xf32>, vector<16xi1>
        %max3A_182 = arith.maximumf %max3A_167, %gather3A_174 : vector<16xf32>
        %select_n3A_183 = arith.select %eq3A, %max3A_167, %max3A_182 : vector<16xi1>, vector<16xf32>
        tpu.vector_store_idx %arg10[%and3A_153], %select_n3A_183 masked %eq3A_166 : memref<10000xf32, #tpu.memory_space<vmem>>[vector<16xi32>], vector<16xf32>, vector<16xi1>
        %max3A_184 = arith.maximumf %max3A_168, %gather3A_177 : vector<16xf32>
        %select_n3A_185 = arith.select %eq3A, %max3A_168, %max3A_184 : vector<16xi1>, vector<16xf32>
        tpu.vector_store_idx %arg11[%and3A_153], %select_n3A_185 masked %eq3A_166 : memref<10000xf32, #tpu.memory_space<vmem>>[vector<16xi32>], vector<16xf32>, vector<16xi1>
        %max3A_186 = arith.maximumf %max3A_169, %gather3A_180 : vector<16xf32>
        %select_n3A_187 = arith.select %eq3A, %max3A_169, %max3A_186 : vector<16xi1>, vector<16xf32>
        tpu.vector_store_idx %arg12[%and3A_153], %select_n3A_187 masked %eq3A_166 : memref<10000xf32, #tpu.memory_space<vmem>>[vector<16xi32>], vector<16xf32>, vector<16xi1>
        %not3A_188 = arith.constant dense<true> : vector<16xi1>
        %not3A_189 = arith.xori %eq3A_166, %not3A_188 : vector<16xi1>
        %and3A_190 = arith.andi %not3A_160, %not3A_189 : vector<16xi1>
        %or3A = arith.ori %scan3A_120, %and3A_190 : vector<16xi1>
        %and3A_191 = arith.constant 16383 : i32
        %and3A_192 = vector.broadcast %and3A_191 : i32 to vector<16xi32>
        %and3A_193 = arith.andi %get3A_135, %and3A_192 : vector<16xi32>
        %shift_right_arithmetic3A_194 = arith.constant 14 : i32
        %shift_right_arithmetic3A_195 = vector.broadcast %shift_right_arithmetic3A_194 : i32 to vector<16xi32>
        %shift_right_arithmetic3A_196 = arith.shrsi %get3A_135, %shift_right_arithmetic3A_195 : vector<16xi32>
        tpu.vector_store_idx %arg16[%and3A_193], %iota3A : memref<10000xi32, #tpu.memory_space<vmem>>[vector<16xi32>], vector<16xi32>,
        %gather3A_197 = tpu.vector_load_idx %arg5[%shift_right_arithmetic3A_196] : memref<10000xf32, #tpu.memory_space<vmem>>[vector<16xi32>], vector<16xf32>,
        %gather3A_198 = tpu.vector_load_idx %arg6[%shift_right_arithmetic3A_196] : memref<10000xf32, #tpu.memory_space<vmem>>[vector<16xi32>], vector<16xf32>,
        %gather3A_199 = tpu.vector_load_idx %arg7[%shift_right_arithmetic3A_196] : memref<10000xf32, #tpu.memory_space<vmem>>[vector<16xi32>], vector<16xf32>,
        %gather3A_200 = tpu.vector_load_idx %arg8[%shift_right_arithmetic3A_196] : memref<10000xf32, #tpu.memory_space<vmem>>[vector<16xi32>], vector<16xf32>,
        %gather3A_201 = tpu.vector_load_idx %arg16[%and3A_193] : memref<10000xi32, #tpu.memory_space<vmem>>[vector<16xi32>], vector<16xi32>,
        %eq3A_202 = arith.cmpi eq, %gather3A_201, %iota3A : vector<16xi32>
        %not3A_203 = arith.constant dense<true> : vector<16xi1>
        %not3A_204 = arith.xori %eq3A_202, %not3A_203 : vector<16xi1>
        tpu.vector_store_idx %arg16[%and3A_193], %iota3A masked %not3A_204 : memref<10000xi32, #tpu.memory_space<vmem>>[vector<16xi32>], vector<16xi32>, vector<16xi1>
        %gather3A_205 = tpu.vector_load_idx %arg9[%and3A_193] : memref<10000xf32, #tpu.memory_space<vmem>>[vector<16xi32>], vector<16xf32>,
        %gather3A_206 = tpu.vector_load_idx %arg10[%and3A_193] : memref<10000xf32, #tpu.memory_space<vmem>>[vector<16xi32>], vector<16xf32>,
        %gather3A_207 = tpu.vector_load_idx %arg11[%and3A_193] : memref<10000xf32, #tpu.memory_space<vmem>>[vector<16xi32>], vector<16xf32>,
        %gather3A_208 = tpu.vector_load_idx %arg12[%and3A_193] : memref<10000xf32, #tpu.memory_space<vmem>>[vector<16xi32>], vector<16xf32>,
        %gather3A_209 = tpu.vector_load_idx %arg16[%and3A_193] : memref<10000xi32, #tpu.memory_space<vmem>>[vector<16xi32>], vector<16xi32>,
        %eq3A_210 = arith.cmpi eq, %gather3A_209, %iota3A : vector<16xi32>
        %max3A_211 = arith.maximumf %gather3A_205, %gather3A_197 : vector<16xf32>
        %max3A_212 = arith.maximumf %gather3A_206, %gather3A_198 : vector<16xf32>
        %max3A_213 = arith.maximumf %gather3A_207, %gather3A_199 : vector<16xf32>
        %max3A_214 = arith.maximumf %gather3A_208, %gather3A_200 : vector<16xf32>
        %reshape3A_215 = vector.shape_cast %gather3A_201 : vector<16xi32> to vector<16x1xi32>
        %gather3A_216 = vector.shape_cast %reshape3A_215 : vector<16x1xi32> to vector<16xi32>
        %gather3A_217 = tpu.dynamic_gather %gather3A_197[%gather3A_216] in [0] : vector<16xf32>, vector<16xi32> -> vector<16xf32>
        %reshape3A_218 = vector.shape_cast %gather3A_201 : vector<16xi32> to vector<16x1xi32>
        %gather3A_219 = vector.shape_cast %reshape3A_218 : vector<16x1xi32> to vector<16xi32>
        %gather3A_220 = tpu.dynamic_gather %gather3A_198[%gather3A_219] in [0] : vector<16xf32>, vector<16xi32> -> vector<16xf32>
        %reshape3A_221 = vector.shape_cast %gather3A_201 : vector<16xi32> to vector<16x1xi32>
        %gather3A_222 = vector.shape_cast %reshape3A_221 : vector<16x1xi32> to vector<16xi32>
        %gather3A_223 = tpu.dynamic_gather %gather3A_199[%gather3A_222] in [0] : vector<16xf32>, vector<16xi32> -> vector<16xf32>
        %reshape3A_224 = vector.shape_cast %gather3A_201 : vector<16xi32> to vector<16x1xi32>
        %gather3A_225 = vector.shape_cast %reshape3A_224 : vector<16x1xi32> to vector<16xi32>
        %gather3A_226 = tpu.dynamic_gather %gather3A_200[%gather3A_225] in [0] : vector<16xf32>, vector<16xi32> -> vector<16xf32>
        %max3A_227 = arith.maximumf %max3A_211, %gather3A_217 : vector<16xf32>
        %select_n3A_228 = arith.select %eq3A_202, %max3A_211, %max3A_227 : vector<16xi1>, vector<16xf32>
        tpu.vector_store_idx %arg9[%and3A_193], %select_n3A_228 masked %eq3A_210 : memref<10000xf32, #tpu.memory_space<vmem>>[vector<16xi32>], vector<16xf32>, vector<16xi1>
        %max3A_229 = arith.maximumf %max3A_212, %gather3A_220 : vector<16xf32>
        %select_n3A_230 = arith.select %eq3A_202, %max3A_212, %max3A_229 : vector<16xi1>, vector<16xf32>
        tpu.vector_store_idx %arg10[%and3A_193], %select_n3A_230 masked %eq3A_210 : memref<10000xf32, #tpu.memory_space<vmem>>[vector<16xi32>], vector<16xf32>, vector<16xi1>
        %max3A_231 = arith.maximumf %max3A_213, %gather3A_223 : vector<16xf32>
        %select_n3A_232 = arith.select %eq3A_202, %max3A_213, %max3A_231 : vector<16xi1>, vector<16xf32>
        tpu.vector_store_idx %arg11[%and3A_193], %select_n3A_232 masked %eq3A_210 : memref<10000xf32, #tpu.memory_space<vmem>>[vector<16xi32>], vector<16xf32>, vector<16xi1>
        %max3A_233 = arith.maximumf %max3A_214, %gather3A_226 : vector<16xf32>
        %select_n3A_234 = arith.select %eq3A_202, %max3A_214, %max3A_233 : vector<16xi1>, vector<16xf32>
        tpu.vector_store_idx %arg12[%and3A_193], %select_n3A_234 masked %eq3A_210 : memref<10000xf32, #tpu.memory_space<vmem>>[vector<16xi32>], vector<16xf32>, vector<16xi1>
        %not3A_235 = arith.constant dense<true> : vector<16xi1>
        %not3A_236 = arith.xori %eq3A_210, %not3A_235 : vector<16xi1>
        %and3A_237 = arith.andi %not3A_204, %not3A_236 : vector<16xi1>
        %or3A_238 = arith.ori %or3A, %and3A_237 : vector<16xi1>
        %and3A_239 = arith.constant 16383 : i32
        %and3A_240 = vector.broadcast %and3A_239 : i32 to vector<16xi32>
        %and3A_241 = arith.andi %get3A_143, %and3A_240 : vector<16xi32>
        %shift_right_arithmetic3A_242 = arith.constant 14 : i32
        %shift_right_arithmetic3A_243 = vector.broadcast %shift_right_arithmetic3A_242 : i32 to vector<16xi32>
        %shift_right_arithmetic3A_244 = arith.shrsi %get3A_143, %shift_right_arithmetic3A_243 : vector<16xi32>
        tpu.vector_store_idx %arg15[%and3A_241], %iota3A : memref<10000xi32, #tpu.memory_space<vmem>>[vector<16xi32>], vector<16xi32>,
        %gather3A_245 = tpu.vector_load_idx %arg5[%shift_right_arithmetic3A_244] : memref<10000xf32, #tpu.memory_space<vmem>>[vector<16xi32>], vector<16xf32>,
        %gather3A_246 = tpu.vector_load_idx %arg6[%shift_right_arithmetic3A_244] : memref<10000xf32, #tpu.memory_space<vmem>>[vector<16xi32>], vector<16xf32>,
        %gather3A_247 = tpu.vector_load_idx %arg7[%shift_right_arithmetic3A_244] : memref<10000xf32, #tpu.memory_space<vmem>>[vector<16xi32>], vector<16xf32>,
        %gather3A_248 = tpu.vector_load_idx %arg8[%shift_right_arithmetic3A_244] : memref<10000xf32, #tpu.memory_space<vmem>>[vector<16xi32>], vector<16xf32>,
        %gather3A_249 = tpu.vector_load_idx %arg15[%and3A_241] : memref<10000xi32, #tpu.memory_space<vmem>>[vector<16xi32>], vector<16xi32>,
        %eq3A_250 = arith.cmpi eq, %gather3A_249, %iota3A : vector<16xi32>
        %not3A_251 = arith.constant dense<true> : vector<16xi1>
        %not3A_252 = arith.xori %eq3A_250, %not3A_251 : vector<16xi1>
        tpu.vector_store_idx %arg15[%and3A_241], %iota3A masked %not3A_252 : memref<10000xi32, #tpu.memory_space<vmem>>[vector<16xi32>], vector<16xi32>, vector<16xi1>
        %gather3A_253 = tpu.vector_load_idx %arg9[%and3A_241] : memref<10000xf32, #tpu.memory_space<vmem>>[vector<16xi32>], vector<16xf32>,
        %gather3A_254 = tpu.vector_load_idx %arg10[%and3A_241] : memref<10000xf32, #tpu.memory_space<vmem>>[vector<16xi32>], vector<16xf32>,
        %gather3A_255 = tpu.vector_load_idx %arg11[%and3A_241] : memref<10000xf32, #tpu.memory_space<vmem>>[vector<16xi32>], vector<16xf32>,
        %gather3A_256 = tpu.vector_load_idx %arg12[%and3A_241] : memref<10000xf32, #tpu.memory_space<vmem>>[vector<16xi32>], vector<16xf32>,
        %gather3A_257 = tpu.vector_load_idx %arg15[%and3A_241] : memref<10000xi32, #tpu.memory_space<vmem>>[vector<16xi32>], vector<16xi32>,
        %eq3A_258 = arith.cmpi eq, %gather3A_257, %iota3A : vector<16xi32>
        %max3A_259 = arith.maximumf %gather3A_253, %gather3A_245 : vector<16xf32>
        %max3A_260 = arith.maximumf %gather3A_254, %gather3A_246 : vector<16xf32>
        %max3A_261 = arith.maximumf %gather3A_255, %gather3A_247 : vector<16xf32>
        %max3A_262 = arith.maximumf %gather3A_256, %gather3A_248 : vector<16xf32>
        %reshape3A_263 = vector.shape_cast %gather3A_249 : vector<16xi32> to vector<16x1xi32>
        %gather3A_264 = vector.shape_cast %reshape3A_263 : vector<16x1xi32> to vector<16xi32>
        %gather3A_265 = tpu.dynamic_gather %gather3A_245[%gather3A_264] in [0] : vector<16xf32>, vector<16xi32> -> vector<16xf32>
        %reshape3A_266 = vector.shape_cast %gather3A_249 : vector<16xi32> to vector<16x1xi32>
        %gather3A_267 = vector.shape_cast %reshape3A_266 : vector<16x1xi32> to vector<16xi32>
        %gather3A_268 = tpu.dynamic_gather %gather3A_246[%gather3A_267] in [0] : vector<16xf32>, vector<16xi32> -> vector<16xf32>
        %reshape3A_269 = vector.shape_cast %gather3A_249 : vector<16xi32> to vector<16x1xi32>
        %gather3A_270 = vector.shape_cast %reshape3A_269 : vector<16x1xi32> to vector<16xi32>
        %gather3A_271 = tpu.dynamic_gather %gather3A_247[%gather3A_270] in [0] : vector<16xf32>, vector<16xi32> -> vector<16xf32>
        %reshape3A_272 = vector.shape_cast %gather3A_249 : vector<16xi32> to vector<16x1xi32>
        %gather3A_273 = vector.shape_cast %reshape3A_272 : vector<16x1xi32> to vector<16xi32>
        %gather3A_274 = tpu.dynamic_gather %gather3A_248[%gather3A_273] in [0] : vector<16xf32>, vector<16xi32> -> vector<16xf32>
        %max3A_275 = arith.maximumf %max3A_259, %gather3A_265 : vector<16xf32>
        %select_n3A_276 = arith.select %eq3A_250, %max3A_259, %max3A_275 : vector<16xi1>, vector<16xf32>
        tpu.vector_store_idx %arg9[%and3A_241], %select_n3A_276 masked %eq3A_258 : memref<10000xf32, #tpu.memory_space<vmem>>[vector<16xi32>], vector<16xf32>, vector<16xi1>
        %max3A_277 = arith.maximumf %max3A_260, %gather3A_268 : vector<16xf32>
        %select_n3A_278 = arith.select %eq3A_250, %max3A_260, %max3A_277 : vector<16xi1>, vector<16xf32>
        tpu.vector_store_idx %arg10[%and3A_241], %select_n3A_278 masked %eq3A_258 : memref<10000xf32, #tpu.memory_space<vmem>>[vector<16xi32>], vector<16xf32>, vector<16xi1>
        %max3A_279 = arith.maximumf %max3A_261, %gather3A_271 : vector<16xf32>
        %select_n3A_280 = arith.select %eq3A_250, %max3A_261, %max3A_279 : vector<16xi1>, vector<16xf32>
        tpu.vector_store_idx %arg11[%and3A_241], %select_n3A_280 masked %eq3A_258 : memref<10000xf32, #tpu.memory_space<vmem>>[vector<16xi32>], vector<16xf32>, vector<16xi1>
        %max3A_281 = arith.maximumf %max3A_262, %gather3A_274 : vector<16xf32>
        %select_n3A_282 = arith.select %eq3A_250, %max3A_262, %max3A_281 : vector<16xi1>, vector<16xf32>
        tpu.vector_store_idx %arg12[%and3A_241], %select_n3A_282 masked %eq3A_258 : memref<10000xf32, #tpu.memory_space<vmem>>[vector<16xi32>], vector<16xf32>, vector<16xi1>
        %not3A_283 = arith.constant dense<true> : vector<16xi1>
        %not3A_284 = arith.xori %eq3A_258, %not3A_283 : vector<16xi1>
        %and3A_285 = arith.andi %not3A_252, %not3A_284 : vector<16xi1>
        %or3A_286 = arith.ori %or3A_238, %and3A_285 : vector<16xi1>
        %and3A_287 = arith.constant 16383 : i32
        %and3A_288 = vector.broadcast %and3A_287 : i32 to vector<16xi32>
        %and3A_289 = arith.andi %get3A_151, %and3A_288 : vector<16xi32>
        %shift_right_arithmetic3A_290 = arith.constant 14 : i32
        %shift_right_arithmetic3A_291 = vector.broadcast %shift_right_arithmetic3A_290 : i32 to vector<16xi32>
        %shift_right_arithmetic3A_292 = arith.shrsi %get3A_151, %shift_right_arithmetic3A_291 : vector<16xi32>
        tpu.vector_store_idx %arg16[%and3A_289], %iota3A : memref<10000xi32, #tpu.memory_space<vmem>>[vector<16xi32>], vector<16xi32>,
        %gather3A_293 = tpu.vector_load_idx %arg5[%shift_right_arithmetic3A_292] : memref<10000xf32, #tpu.memory_space<vmem>>[vector<16xi32>], vector<16xf32>,
        %gather3A_294 = tpu.vector_load_idx %arg6[%shift_right_arithmetic3A_292] : memref<10000xf32, #tpu.memory_space<vmem>>[vector<16xi32>], vector<16xf32>,
        %gather3A_295 = tpu.vector_load_idx %arg7[%shift_right_arithmetic3A_292] : memref<10000xf32, #tpu.memory_space<vmem>>[vector<16xi32>], vector<16xf32>,
        %gather3A_296 = tpu.vector_load_idx %arg8[%shift_right_arithmetic3A_292] : memref<10000xf32, #tpu.memory_space<vmem>>[vector<16xi32>], vector<16xf32>,
        %gather3A_297 = tpu.vector_load_idx %arg16[%and3A_289] : memref<10000xi32, #tpu.memory_space<vmem>>[vector<16xi32>], vector<16xi32>,
        %eq3A_298 = arith.cmpi eq, %gather3A_297, %iota3A : vector<16xi32>
        %not3A_299 = arith.constant dense<true> : vector<16xi1>
        %not3A_300 = arith.xori %eq3A_298, %not3A_299 : vector<16xi1>
        tpu.vector_store_idx %arg16[%and3A_289], %iota3A masked %not3A_300 : memref<10000xi32, #tpu.memory_space<vmem>>[vector<16xi32>], vector<16xi32>, vector<16xi1>
        %gather3A_301 = tpu.vector_load_idx %arg9[%and3A_289] : memref<10000xf32, #tpu.memory_space<vmem>>[vector<16xi32>], vector<16xf32>,
        %gather3A_302 = tpu.vector_load_idx %arg10[%and3A_289] : memref<10000xf32, #tpu.memory_space<vmem>>[vector<16xi32>], vector<16xf32>,
        %gather3A_303 = tpu.vector_load_idx %arg11[%and3A_289] : memref<10000xf32, #tpu.memory_space<vmem>>[vector<16xi32>], vector<16xf32>,
        %gather3A_304 = tpu.vector_load_idx %arg12[%and3A_289] : memref<10000xf32, #tpu.memory_space<vmem>>[vector<16xi32>], vector<16xf32>,
        %gather3A_305 = tpu.vector_load_idx %arg16[%and3A_289] : memref<10000xi32, #tpu.memory_space<vmem>>[vector<16xi32>], vector<16xi32>,
        %eq3A_306 = arith.cmpi eq, %gather3A_305, %iota3A : vector<16xi32>
        %max3A_307 = arith.maximumf %gather3A_301, %gather3A_293 : vector<16xf32>
        %max3A_308 = arith.maximumf %gather3A_302, %gather3A_294 : vector<16xf32>
        %max3A_309 = arith.maximumf %gather3A_303, %gather3A_295 : vector<16xf32>
        %max3A_310 = arith.maximumf %gather3A_304, %gather3A_296 : vector<16xf32>
        %reshape3A_311 = vector.shape_cast %gather3A_297 : vector<16xi32> to vector<16x1xi32>
        %gather3A_312 = vector.shape_cast %reshape3A_311 : vector<16x1xi32> to vector<16xi32>
        %gather3A_313 = tpu.dynamic_gather %gather3A_293[%gather3A_312] in [0] : vector<16xf32>, vector<16xi32> -> vector<16xf32>
        %reshape3A_314 = vector.shape_cast %gather3A_297 : vector<16xi32> to vector<16x1xi32>
        %gather3A_315 = vector.shape_cast %reshape3A_314 : vector<16x1xi32> to vector<16xi32>
        %gather3A_316 = tpu.dynamic_gather %gather3A_294[%gather3A_315] in [0] : vector<16xf32>, vector<16xi32> -> vector<16xf32>
        %reshape3A_317 = vector.shape_cast %gather3A_297 : vector<16xi32> to vector<16x1xi32>
        %gather3A_318 = vector.shape_cast %reshape3A_317 : vector<16x1xi32> to vector<16xi32>
        %gather3A_319 = tpu.dynamic_gather %gather3A_295[%gather3A_318] in [0] : vector<16xf32>, vector<16xi32> -> vector<16xf32>
        %reshape3A_320 = vector.shape_cast %gather3A_297 : vector<16xi32> to vector<16x1xi32>
        %gather3A_321 = vector.shape_cast %reshape3A_320 : vector<16x1xi32> to vector<16xi32>
        %gather3A_322 = tpu.dynamic_gather %gather3A_296[%gather3A_321] in [0] : vector<16xf32>, vector<16xi32> -> vector<16xf32>
        %max3A_323 = arith.maximumf %max3A_307, %gather3A_313 : vector<16xf32>
        %select_n3A_324 = arith.select %eq3A_298, %max3A_307, %max3A_323 : vector<16xi1>, vector<16xf32>
        tpu.vector_store_idx %arg9[%and3A_289], %select_n3A_324 masked %eq3A_306 : memref<10000xf32, #tpu.memory_space<vmem>>[vector<16xi32>], vector<16xf32>, vector<16xi1>
        %max3A_325 = arith.maximumf %max3A_308, %gather3A_316 : vector<16xf32>
        %select_n3A_326 = arith.select %eq3A_298, %max3A_308, %max3A_325 : vector<16xi1>, vector<16xf32>
        tpu.vector_store_idx %arg10[%and3A_289], %select_n3A_326 masked %eq3A_306 : memref<10000xf32, #tpu.memory_space<vmem>>[vector<16xi32>], vector<16xf32>, vector<16xi1>
        %max3A_327 = arith.maximumf %max3A_309, %gather3A_319 : vector<16xf32>
        %select_n3A_328 = arith.select %eq3A_298, %max3A_309, %max3A_327 : vector<16xi1>, vector<16xf32>
        tpu.vector_store_idx %arg11[%and3A_289], %select_n3A_328 masked %eq3A_306 : memref<10000xf32, #tpu.memory_space<vmem>>[vector<16xi32>], vector<16xf32>, vector<16xi1>
        %max3A_329 = arith.maximumf %max3A_310, %gather3A_322 : vector<16xf32>
        %select_n3A_330 = arith.select %eq3A_298, %max3A_310, %max3A_329 : vector<16xi1>, vector<16xf32>
        tpu.vector_store_idx %arg12[%and3A_289], %select_n3A_330 masked %eq3A_306 : memref<10000xf32, #tpu.memory_space<vmem>>[vector<16xi32>], vector<16xf32>, vector<16xi1>
        %not3A_331 = arith.constant dense<true> : vector<16xi1>
        %not3A_332 = arith.xori %eq3A_306, %not3A_331 : vector<16xi1>
        %and3A_333 = arith.andi %not3A_300, %not3A_332 : vector<16xi1>
        %or3A_334 = arith.ori %or3A_286, %and3A_333 : vector<16xi1>
        scf.yield %or3A_334 : vector<16xi1>
      }
      %scan3A_104 = arith.constant 125 : i32
      %reduce_or3A_105 = arith.constant 1.000000e+00 : f32
      %reduce_or3A_106 = arith.constant 0.000000e+00 : f32
      %reduce_or3A_107 = vector.broadcast %reduce_or3A_105 : f32 to vector<16xf32>
      %reduce_or3A_108 = vector.broadcast %reduce_or3A_106 : f32 to vector<16xf32>
      %reduce_or3A_109 = arith.select %scan3A_103, %reduce_or3A_107, %reduce_or3A_108 : vector<16xi1>, vector<16xf32>
      %reduce_or3A_110 = arith.constant true
      %reduce_or3A_111 = vector.broadcast %reduce_or3A_110 : i1 to vector<16xi1>
      %reduce_or3A_112 = tpu.scan <max>, %reduce_or3A_109 masked %reduce_or3A_111 : vector<16xf32>, vector<16xi1> -> vector<16xf32>
      %reduce_or3A_113 = vector.extract %reduce_or3A_112[15] : f32 from vector<16xf32>
      %reduce_or3A_114 = arith.constant 0.000000e+00 : f32
      %reduce_or3A_115 = arith.cmpf ogt, %reduce_or3A_113, %reduce_or3A_114 : f32
      %convert_element_type3A_116 = arith.extui %reduce_or3A_115 : i1 to i32
      %cond3A_117 = arith.constant 0 : i32
      %cond3A_118 = arith.cmpi ne, %convert_element_type3A_116, %cond3A_117 : i32
      scf.if %cond3A_118 {
        %scan3A_119 = arith.constant 0 : i32
        %scan3A_120 = arith.constant 0 : i32
        %scan3A_121 = arith.constant 500 : i32
        %scan3A_122 = arith.addi %scan3A_120, %scan3A_121 : i32
        %scan3A_123 = arith.constant 1 : i32
        scf.for %scan3A_125 = %scan3A_120 to %scan3A_122 step %scan3A_123  : i32 {
          %mul3A_126 = arith.constant 16 : i32
          %mul3A_127 = arith.muli %scan3A_125, %mul3A_126 : i32
          %get3A = arith.index_cast %mul3A_127 : i32 to index
          %get3A_128 = tpu.vector_load %arg14[%get3A] {strides = array<i32>} : memref<8000xi32, #tpu.memory_space<vmem>>, vector<16xi32>,
          %and3A = arith.constant 16383 : i32
          %and3A_129 = vector.broadcast %and3A : i32 to vector<16xi32>
          %and3A_130 = arith.andi %get3A_128, %and3A_129 : vector<16xi32>
          %shift_right_arithmetic3A = arith.constant 14 : i32
          %shift_right_arithmetic3A_131 = vector.broadcast %shift_right_arithmetic3A : i32 to vector<16xi32>
          %shift_right_arithmetic3A_132 = arith.shrsi %get3A_128, %shift_right_arithmetic3A_131 : vector<16xi32>
          %gather3A = tpu.vector_load_idx %arg5[%shift_right_arithmetic3A_132] : memref<10000xf32, #tpu.memory_space<vmem>>[vector<16xi32>], vector<16xf32>,
          %gather3A_133 = tpu.vector_load_idx %arg6[%shift_right_arithmetic3A_132] : memref<10000xf32, #tpu.memory_space<vmem>>[vector<16xi32>], vector<16xf32>,
          %gather3A_134 = tpu.vector_load_idx %arg7[%shift_right_arithmetic3A_132] : memref<10000xf32, #tpu.memory_space<vmem>>[vector<16xi32>], vector<16xf32>,
          %gather3A_135 = tpu.vector_load_idx %arg8[%shift_right_arithmetic3A_132] : memref<10000xf32, #tpu.memory_space<vmem>>[vector<16xi32>], vector<16xf32>,
          %while3A = scf.while (%while3A_136 = %broadcast_in_dim3A_23) : (vector<16xi1>) -> vector<16xi1> {
            %reduce_or3A_137 = arith.constant 1.000000e+00 : f32
            %reduce_or3A_138 = arith.constant 0.000000e+00 : f32
            %reduce_or3A_139 = vector.broadcast %reduce_or3A_137 : f32 to vector<16xf32>
            %reduce_or3A_140 = vector.broadcast %reduce_or3A_138 : f32 to vector<16xf32>
            %reduce_or3A_141 = arith.select %while3A_136, %reduce_or3A_139, %reduce_or3A_140 : vector<16xi1>, vector<16xf32>
            %reduce_or3A_142 = arith.constant true
            %reduce_or3A_143 = vector.broadcast %reduce_or3A_142 : i1 to vector<16xi1>
            %reduce_or3A_144 = tpu.scan <max>, %reduce_or3A_141 masked %reduce_or3A_143 : vector<16xf32>, vector<16xi1> -> vector<16xf32>
            %reduce_or3A_145 = vector.extract %reduce_or3A_144[15] : f32 from vector<16xf32>
            %reduce_or3A_146 = arith.constant 0.000000e+00 : f32
            %reduce_or3A_147 = arith.cmpf ogt, %reduce_or3A_145, %reduce_or3A_146 : f32
            scf.condition(%reduce_or3A_147) %while3A_136 : vector<16xi1>
          } do {
          ^bb0(%while3A_136: vector<16xi1>):
            tpu.vector_store_idx %arg15[%and3A_130], %iota3A masked %while3A_136 : memref<10000xi32, #tpu.memory_space<vmem>>[vector<16xi32>], vector<16xi32>, vector<16xi1>
            %gather3A_137 = tpu.vector_load_idx %arg15[%and3A_130] masked %while3A_136 : memref<10000xi32, #tpu.memory_space<vmem>>[vector<16xi32>], vector<16xi32>, vector<16xi1>
            %eq3A = arith.cmpi eq, %gather3A_137, %iota3A : vector<16xi32>
            %and3A_138 = arith.andi %eq3A, %while3A_136 : vector<16xi1>
            %gather3A_139 = tpu.vector_load_idx %arg9[%and3A_130] masked %and3A_138 : memref<10000xf32, #tpu.memory_space<vmem>>[vector<16xi32>], vector<16xf32>, vector<16xi1>
            %max3A = arith.maximumf %gather3A_139, %gather3A : vector<16xf32>
            tpu.vector_store_idx %arg9[%and3A_130], %max3A masked %and3A_138 : memref<10000xf32, #tpu.memory_space<vmem>>[vector<16xi32>], vector<16xf32>, vector<16xi1>
            %gather3A_140 = tpu.vector_load_idx %arg10[%and3A_130] masked %and3A_138 : memref<10000xf32, #tpu.memory_space<vmem>>[vector<16xi32>], vector<16xf32>, vector<16xi1>
            %max3A_141 = arith.maximumf %gather3A_140, %gather3A_133 : vector<16xf32>
            tpu.vector_store_idx %arg10[%and3A_130], %max3A_141 masked %and3A_138 : memref<10000xf32, #tpu.memory_space<vmem>>[vector<16xi32>], vector<16xf32>, vector<16xi1>
            %gather3A_142 = tpu.vector_load_idx %arg11[%and3A_130] masked %and3A_138 : memref<10000xf32, #tpu.memory_space<vmem>>[vector<16xi32>], vector<16xf32>, vector<16xi1>
            %max3A_143 = arith.maximumf %gather3A_142, %gather3A_134 : vector<16xf32>
            tpu.vector_store_idx %arg11[%and3A_130], %max3A_143 masked %and3A_138 : memref<10000xf32, #tpu.memory_space<vmem>>[vector<16xi32>], vector<16xf32>, vector<16xi1>
            %gather3A_144 = tpu.vector_load_idx %arg12[%and3A_130] masked %and3A_138 : memref<10000xf32, #tpu.memory_space<vmem>>[vector<16xi32>], vector<16xf32>, vector<16xi1>
            %max3A_145 = arith.maximumf %gather3A_144, %gather3A_135 : vector<16xf32>
            tpu.vector_store_idx %arg12[%and3A_130], %max3A_145 masked %and3A_138 : memref<10000xf32, #tpu.memory_space<vmem>>[vector<16xi32>], vector<16xf32>, vector<16xi1>
            %not3A = arith.constant dense<true> : vector<16xi1>
            %not3A_146 = arith.xori %and3A_138, %not3A : vector<16xi1>
            %and3A_147 = arith.andi %while3A_136, %not3A_146 : vector<16xi1>
            scf.yield %and3A_147 : vector<16xi1>
          }
        }
        %scan3A_124 = arith.constant 500 : i32
      } else {
      }
    }
    %scan3A_34 = arith.constant 10 : i32
    %add3A_35 = arith.constant 0 : i32
    %add3A_36 = arith.addi %mul3A_0, %add3A_35 : i32
    "tpu.region"() ({
      %run_scoped3A = tpu.sem_alloc : memref<!tpu.dma_semaphore, #tpu.memory_space<semaphore_mem>>
      %dma_start3A_43 = arith.constant 0 : i32
      %dma_start3A_44 = tpu.memref_slice %arg4[%arg0, %add3A_36, %dma_start3A_43] : memref<2x64x10000xf32, #tpu.memory_space<hbm>> -> memref<1x1x10000xf32, #tpu.memory_space<hbm>>
      %dma_start3A_45 = tpu.memref_squeeze %dma_start3A_44 : memref<1x1x10000xf32, #tpu.memory_space<hbm>> -> memref<10000xf32, #tpu.memory_space<hbm>>
      %dma_start3A_46 = arith.constant 0 : i32
      %dma_start3A_47 = tpu.memref_slice %arg4[%arg0, %add3A_36, %dma_start3A_46] : memref<2x64x10000xf32, #tpu.memory_space<hbm>> -> memref<1x1x10000xf32, #tpu.memory_space<hbm>>
      %dma_start3A_48 = tpu.memref_squeeze %dma_start3A_47 : memref<1x1x10000xf32, #tpu.memory_space<hbm>> -> memref<10000xf32, #tpu.memory_space<hbm>>
      tpu.enqueue_dma source(%arg9 : memref<10000xf32, #tpu.memory_space<vmem>>) target(%dma_start3A_48 : memref<10000xf32, #tpu.memory_space<hbm>>) target_semaphore(%run_scoped3A : memref<!tpu.dma_semaphore, #tpu.memory_space<semaphore_mem>>)
      %dma_wait3A = arith.constant 0 : i32
      %dma_wait3A_49 = tpu.memref_slice %arg4[%arg0, %add3A_36, %dma_wait3A] : memref<2x64x10000xf32, #tpu.memory_space<hbm>> -> memref<1x1x10000xf32, #tpu.memory_space<hbm>>
      %dma_wait3A_50 = tpu.memref_squeeze %dma_wait3A_49 : memref<1x1x10000xf32, #tpu.memory_space<hbm>> -> memref<10000xf32, #tpu.memory_space<hbm>>
      %dma_wait3A_51 = arith.constant 0 : i32
      %dma_wait3A_52 = tpu.memref_slice %arg4[%arg0, %add3A_36, %dma_wait3A_51] : memref<2x64x10000xf32, #tpu.memory_space<hbm>> -> memref<1x1x10000xf32, #tpu.memory_space<hbm>>
      %dma_wait3A_53 = tpu.memref_squeeze %dma_wait3A_52 : memref<1x1x10000xf32, #tpu.memory_space<hbm>> -> memref<10000xf32, #tpu.memory_space<hbm>>
      tpu.wait_dma2 semaphore(%run_scoped3A : memref<!tpu.dma_semaphore, #tpu.memory_space<semaphore_mem>>) src(%arg9 : memref<10000xf32, #tpu.memory_space<vmem>>) dst(%dma_wait3A_53 : memref<10000xf32, #tpu.memory_space<hbm>>)
      tpu.yield
    }) : () -> ()
    %add3A_37 = arith.constant 1 : i32
    %add3A_38 = arith.addi %mul3A_0, %add3A_37 : i32
    "tpu.region"() ({
      %run_scoped3A = tpu.sem_alloc : memref<!tpu.dma_semaphore, #tpu.memory_space<semaphore_mem>>
      %dma_start3A_43 = arith.constant 0 : i32
      %dma_start3A_44 = tpu.memref_slice %arg4[%arg0, %add3A_38, %dma_start3A_43] : memref<2x64x10000xf32, #tpu.memory_space<hbm>> -> memref<1x1x10000xf32, #tpu.memory_space<hbm>>
      %dma_start3A_45 = tpu.memref_squeeze %dma_start3A_44 : memref<1x1x10000xf32, #tpu.memory_space<hbm>> -> memref<10000xf32, #tpu.memory_space<hbm>>
      %dma_start3A_46 = arith.constant 0 : i32
      %dma_start3A_47 = tpu.memref_slice %arg4[%arg0, %add3A_38, %dma_start3A_46] : memref<2x64x10000xf32, #tpu.memory_space<hbm>> -> memref<1x1x10000xf32, #tpu.memory_space<hbm>>
      %dma_start3A_48 = tpu.memref_squeeze %dma_start3A_47 : memref<1x1x10000xf32, #tpu.memory_space<hbm>> -> memref<10000xf32, #tpu.memory_space<hbm>>
      tpu.enqueue_dma source(%arg10 : memref<10000xf32, #tpu.memory_space<vmem>>) target(%dma_start3A_48 : memref<10000xf32, #tpu.memory_space<hbm>>) target_semaphore(%run_scoped3A : memref<!tpu.dma_semaphore, #tpu.memory_space<semaphore_mem>>)
      %dma_wait3A = arith.constant 0 : i32
      %dma_wait3A_49 = tpu.memref_slice %arg4[%arg0, %add3A_38, %dma_wait3A] : memref<2x64x10000xf32, #tpu.memory_space<hbm>> -> memref<1x1x10000xf32, #tpu.memory_space<hbm>>
      %dma_wait3A_50 = tpu.memref_squeeze %dma_wait3A_49 : memref<1x1x10000xf32, #tpu.memory_space<hbm>> -> memref<10000xf32, #tpu.memory_space<hbm>>
      %dma_wait3A_51 = arith.constant 0 : i32
      %dma_wait3A_52 = tpu.memref_slice %arg4[%arg0, %add3A_38, %dma_wait3A_51] : memref<2x64x10000xf32, #tpu.memory_space<hbm>> -> memref<1x1x10000xf32, #tpu.memory_space<hbm>>
      %dma_wait3A_53 = tpu.memref_squeeze %dma_wait3A_52 : memref<1x1x10000xf32, #tpu.memory_space<hbm>> -> memref<10000xf32, #tpu.memory_space<hbm>>
      tpu.wait_dma2 semaphore(%run_scoped3A : memref<!tpu.dma_semaphore, #tpu.memory_space<semaphore_mem>>) src(%arg10 : memref<10000xf32, #tpu.memory_space<vmem>>) dst(%dma_wait3A_53 : memref<10000xf32, #tpu.memory_space<hbm>>)
      tpu.yield
    }) : () -> ()
    %add3A_39 = arith.constant 2 : i32
    %add3A_40 = arith.addi %mul3A_0, %add3A_39 : i32
    "tpu.region"() ({
      %run_scoped3A = tpu.sem_alloc : memref<!tpu.dma_semaphore, #tpu.memory_space<semaphore_mem>>
      %dma_start3A_43 = arith.constant 0 : i32
      %dma_start3A_44 = tpu.memref_slice %arg4[%arg0, %add3A_40, %dma_start3A_43] : memref<2x64x10000xf32, #tpu.memory_space<hbm>> -> memref<1x1x10000xf32, #tpu.memory_space<hbm>>
      %dma_start3A_45 = tpu.memref_squeeze %dma_start3A_44 : memref<1x1x10000xf32, #tpu.memory_space<hbm>> -> memref<10000xf32, #tpu.memory_space<hbm>>
      %dma_start3A_46 = arith.constant 0 : i32
      %dma_start3A_47 = tpu.memref_slice %arg4[%arg0, %add3A_40, %dma_start3A_46] : memref<2x64x10000xf32, #tpu.memory_space<hbm>> -> memref<1x1x10000xf32, #tpu.memory_space<hbm>>
      %dma_start3A_48 = tpu.memref_squeeze %dma_start3A_47 : memref<1x1x10000xf32, #tpu.memory_space<hbm>> -> memref<10000xf32, #tpu.memory_space<hbm>>
      tpu.enqueue_dma source(%arg11 : memref<10000xf32, #tpu.memory_space<vmem>>) target(%dma_start3A_48 : memref<10000xf32, #tpu.memory_space<hbm>>) target_semaphore(%run_scoped3A : memref<!tpu.dma_semaphore, #tpu.memory_space<semaphore_mem>>)
      %dma_wait3A = arith.constant 0 : i32
      %dma_wait3A_49 = tpu.memref_slice %arg4[%arg0, %add3A_40, %dma_wait3A] : memref<2x64x10000xf32, #tpu.memory_space<hbm>> -> memref<1x1x10000xf32, #tpu.memory_space<hbm>>
      %dma_wait3A_50 = tpu.memref_squeeze %dma_wait3A_49 : memref<1x1x10000xf32, #tpu.memory_space<hbm>> -> memref<10000xf32, #tpu.memory_space<hbm>>
      %dma_wait3A_51 = arith.constant 0 : i32
      %dma_wait3A_52 = tpu.memref_slice %arg4[%arg0, %add3A_40, %dma_wait3A_51] : memref<2x64x10000xf32, #tpu.memory_space<hbm>> -> memref<1x1x10000xf32, #tpu.memory_space<hbm>>
      %dma_wait3A_53 = tpu.memref_squeeze %dma_wait3A_52 : memref<1x1x10000xf32, #tpu.memory_space<hbm>> -> memref<10000xf32, #tpu.memory_space<hbm>>
      tpu.wait_dma2 semaphore(%run_scoped3A : memref<!tpu.dma_semaphore, #tpu.memory_space<semaphore_mem>>) src(%arg11 : memref<10000xf32, #tpu.memory_space<vmem>>) dst(%dma_wait3A_53 : memref<10000xf32, #tpu.memory_space<hbm>>)
      tpu.yield
    }) : () -> ()
    %add3A_41 = arith.constant 3 : i32
    %add3A_42 = arith.addi %mul3A_0, %add3A_41 : i32
    "tpu.region"() ({
      %run_scoped3A = tpu.sem_alloc : memref<!tpu.dma_semaphore, #tpu.memory_space<semaphore_mem>>
      %dma_start3A_43 = arith.constant 0 : i32
      %dma_start3A_44 = tpu.memref_slice %arg4[%arg0, %add3A_42, %dma_start3A_43] : memref<2x64x10000xf32, #tpu.memory_space<hbm>> -> memref<1x1x10000xf32, #tpu.memory_space<hbm>>
      %dma_start3A_45 = tpu.memref_squeeze %dma_start3A_44 : memref<1x1x10000xf32, #tpu.memory_space<hbm>> -> memref<10000xf32, #tpu.memory_space<hbm>>
      %dma_start3A_46 = arith.constant 0 : i32
      %dma_start3A_47 = tpu.memref_slice %arg4[%arg0, %add3A_42, %dma_start3A_46] : memref<2x64x10000xf32, #tpu.memory_space<hbm>> -> memref<1x1x10000xf32, #tpu.memory_space<hbm>>
      %dma_start3A_48 = tpu.memref_squeeze %dma_start3A_47 : memref<1x1x10000xf32, #tpu.memory_space<hbm>> -> memref<10000xf32, #tpu.memory_space<hbm>>
      tpu.enqueue_dma source(%arg12 : memref<10000xf32, #tpu.memory_space<vmem>>) target(%dma_start3A_48 : memref<10000xf32, #tpu.memory_space<hbm>>) target_semaphore(%run_scoped3A : memref<!tpu.dma_semaphore, #tpu.memory_space<semaphore_mem>>)
      %dma_wait3A = arith.constant 0 : i32
      %dma_wait3A_49 = tpu.memref_slice %arg4[%arg0, %add3A_42, %dma_wait3A] : memref<2x64x10000xf32, #tpu.memory_space<hbm>> -> memref<1x1x10000xf32, #tpu.memory_space<hbm>>
      %dma_wait3A_50 = tpu.memref_squeeze %dma_wait3A_49 : memref<1x1x10000xf32, #tpu.memory_space<hbm>> -> memref<10000xf32, #tpu.memory_space<hbm>>
      %dma_wait3A_51 = arith.constant 0 : i32
      %dma_wait3A_52 = tpu.memref_slice %arg4[%arg0, %add3A_42, %dma_wait3A_51] : memref<2x64x10000xf32, #tpu.memory_space<hbm>> -> memref<1x1x10000xf32, #tpu.memory_space<hbm>>
      %dma_wait3A_53 = tpu.memref_squeeze %dma_wait3A_52 : memref<1x1x10000xf32, #tpu.memory_space<hbm>> -> memref<10000xf32, #tpu.memory_space<hbm>>
      tpu.wait_dma2 semaphore(%run_scoped3A : memref<!tpu.dma_semaphore, #tpu.memory_space<semaphore_mem>>) src(%arg12 : memref<10000xf32, #tpu.memory_space<vmem>>) dst(%dma_wait3A_53 : memref<10000xf32, #tpu.memory_space<hbm>>)
      tpu.yield
    }) : () -> ()
    return
  }
}

#map = affine_map<(d0, d1) -> (0, 0)>
#map1 = affine_map<(d0, d1) -> (0)>
#map2 = affine_map<(d0, d1) -> (0, 0, 0)>
module attributes {stable_mosaic.version = 14 : i64} {
  func.func @_segmax_body(%arg0: i32, %arg1: i32, %arg2: memref<128x10000xf32, #tpu.memory_space<hbm>>, %arg3: memref<320000xi32, #tpu.memory_space<hbm>>, %arg4: memref<2x64x10000xf32, #tpu.memory_space<hbm>>, %arg5: memref<10000xf32, #tpu.memory_space<vmem>>, %arg6: memref<10000xf32, #tpu.memory_space<vmem>>, %arg7: memref<10000xf32, #tpu.memory_space<vmem>>, %arg8: memref<10000xf32, #tpu.memory_space<vmem>>, %arg9: memref<10000xf32, #tpu.memory_space<vmem>>, %arg10: memref<10000xf32, #tpu.memory_space<vmem>>, %arg11: memref<10000xf32, #tpu.memory_space<vmem>>, %arg12: memref<10000xf32, #tpu.memory_space<vmem>>, %arg13: memref<8000xi32, #tpu.memory_space<vmem>>, %arg14: memref<8000xi32, #tpu.memory_space<vmem>>, %arg15: memref<10000xi32, #tpu.memory_space<vmem>>, %arg16: memref<10000xi32, #tpu.memory_space<vmem>>, %arg17: memref<!tpu.dma_semaphore, #tpu.memory_space<semaphore_mem>>, %arg18: memref<!tpu.dma_semaphore, #tpu.memory_space<semaphore_mem>>) attributes {dimension_semantics = [#tpu.dimension_semantics<core_parallel>, #tpu.dimension_semantics<subcore_parallel>], iteration_bounds = array<i64: 2, 16>, scalar_prefetch = 0 : i64, scratch_operands = 14 : i64, tpu.core_type = #tpu.core_type<sc_vector_subcore>, window_params = [{transform_indices = #map}, {transform_indices = #map1}, {transform_indices = #map2}]} {
    %mul3A = arith.constant 4 : i32
    %mul3A_0 = arith.muli %mul3A, %arg1 : i32
    %add3A = arith.constant 64 : i32
    %add3A_1 = arith.addi %add3A, %mul3A_0 : i32
    %add3A_2 = arith.constant 0 : i32
    %add3A_3 = arith.addi %add3A_1, %add3A_2 : i32
    "tpu.region"() ({
      %run_scoped3A = tpu.sem_alloc : memref<!tpu.dma_semaphore, #tpu.memory_space<semaphore_mem>>
      %dma_start3A_43 = arith.constant 0 : i32
      %dma_start3A_44 = tpu.memref_slice %arg2[%add3A_3, %dma_start3A_43] : memref<128x10000xf32, #tpu.memory_space<hbm>> -> memref<1x10000xf32, #tpu.memory_space<hbm>>
      %dma_start3A_45 = tpu.memref_squeeze %dma_start3A_44 : memref<1x10000xf32, #tpu.memory_space<hbm>> -> memref<10000xf32, #tpu.memory_space<hbm>>
      %dma_start3A_46 = arith.constant 0 : i32
      %dma_start3A_47 = tpu.memref_slice %arg2[%add3A_3, %dma_start3A_46] : memref<128x10000xf32, #tpu.memory_space<hbm>> -> memref<1x10000xf32, #tpu.memory_space<hbm>>
      %dma_start3A_48 = tpu.memref_squeeze %dma_start3A_47 : memref<1x10000xf32, #tpu.memory_space<hbm>> -> memref<10000xf32, #tpu.memory_space<hbm>>
      tpu.enqueue_dma source(%dma_start3A_48 : memref<10000xf32, #tpu.memory_space<hbm>>) target(%arg5 : memref<10000xf32, #tpu.memory_space<vmem>>) target_semaphore(%run_scoped3A : memref<!tpu.dma_semaphore, #tpu.memory_space<semaphore_mem>>)
      %dma_wait3A = arith.constant 0 : i32
      %dma_wait3A_49 = tpu.memref_slice %arg2[%add3A_3, %dma_wait3A] : memref<128x10000xf32, #tpu.memory_space<hbm>> -> memref<1x10000xf32, #tpu.memory_space<hbm>>
      %dma_wait3A_50 = tpu.memref_squeeze %dma_wait3A_49 : memref<1x10000xf32, #tpu.memory_space<hbm>> -> memref<10000xf32, #tpu.memory_space<hbm>>
      %dma_wait3A_51 = arith.constant 0 : i32
      %dma_wait3A_52 = tpu.memref_slice %arg2[%add3A_3, %dma_wait3A_51] : memref<128x10000xf32, #tpu.memory_space<hbm>> -> memref<1x10000xf32, #tpu.memory_space<hbm>>
      %dma_wait3A_53 = tpu.memref_squeeze %dma_wait3A_52 : memref<1x10000xf32, #tpu.memory_space<hbm>> -> memref<10000xf32, #tpu.memory_space<hbm>>
      tpu.wait_dma2 semaphore(%run_scoped3A : memref<!tpu.dma_semaphore, #tpu.memory_space<semaphore_mem>>) src(%dma_wait3A_53 : memref<10000xf32, #tpu.memory_space<hbm>>) dst(%arg5 : memref<10000xf32, #tpu.memory_space<vmem>>)
      tpu.yield
    }) : () -> ()
    %add3A_4 = arith.constant 64 : i32
    %add3A_5 = arith.addi %add3A_4, %mul3A_0 : i32
    %add3A_6 = arith.constant 1 : i32
    %add3A_7 = arith.addi %add3A_5, %add3A_6 : i32
    "tpu.region"() ({
      %run_scoped3A = tpu.sem_alloc : memref<!tpu.dma_semaphore, #tpu.memory_space<semaphore_mem>>
      %dma_start3A_43 = arith.constant 0 : i32
      %dma_start3A_44 = tpu.memref_slice %arg2[%add3A_7, %dma_start3A_43] : memref<128x10000xf32, #tpu.memory_space<hbm>> -> memref<1x10000xf32, #tpu.memory_space<hbm>>
      %dma_start3A_45 = tpu.memref_squeeze %dma_start3A_44 : memref<1x10000xf32, #tpu.memory_space<hbm>> -> memref<10000xf32, #tpu.memory_space<hbm>>
      %dma_start3A_46 = arith.constant 0 : i32
      %dma_start3A_47 = tpu.memref_slice %arg2[%add3A_7, %dma_start3A_46] : memref<128x10000xf32, #tpu.memory_space<hbm>> -> memref<1x10000xf32, #tpu.memory_space<hbm>>
      %dma_start3A_48 = tpu.memref_squeeze %dma_start3A_47 : memref<1x10000xf32, #tpu.memory_space<hbm>> -> memref<10000xf32, #tpu.memory_space<hbm>>
      tpu.enqueue_dma source(%dma_start3A_48 : memref<10000xf32, #tpu.memory_space<hbm>>) target(%arg6 : memref<10000xf32, #tpu.memory_space<vmem>>) target_semaphore(%run_scoped3A : memref<!tpu.dma_semaphore, #tpu.memory_space<semaphore_mem>>)
      %dma_wait3A = arith.constant 0 : i32
      %dma_wait3A_49 = tpu.memref_slice %arg2[%add3A_7, %dma_wait3A] : memref<128x10000xf32, #tpu.memory_space<hbm>> -> memref<1x10000xf32, #tpu.memory_space<hbm>>
      %dma_wait3A_50 = tpu.memref_squeeze %dma_wait3A_49 : memref<1x10000xf32, #tpu.memory_space<hbm>> -> memref<10000xf32, #tpu.memory_space<hbm>>
      %dma_wait3A_51 = arith.constant 0 : i32
      %dma_wait3A_52 = tpu.memref_slice %arg2[%add3A_7, %dma_wait3A_51] : memref<128x10000xf32, #tpu.memory_space<hbm>> -> memref<1x10000xf32, #tpu.memory_space<hbm>>
      %dma_wait3A_53 = tpu.memref_squeeze %dma_wait3A_52 : memref<1x10000xf32, #tpu.memory_space<hbm>> -> memref<10000xf32, #tpu.memory_space<hbm>>
      tpu.wait_dma2 semaphore(%run_scoped3A : memref<!tpu.dma_semaphore, #tpu.memory_space<semaphore_mem>>) src(%dma_wait3A_53 : memref<10000xf32, #tpu.memory_space<hbm>>) dst(%arg6 : memref<10000xf32, #tpu.memory_space<vmem>>)
      tpu.yield
    }) : () -> ()
    %add3A_8 = arith.constant 64 : i32
    %add3A_9 = arith.addi %add3A_8, %mul3A_0 : i32
    %add3A_10 = arith.constant 2 : i32
    %add3A_11 = arith.addi %add3A_9, %add3A_10 : i32
    "tpu.region"() ({
      %run_scoped3A = tpu.sem_alloc : memref<!tpu.dma_semaphore, #tpu.memory_space<semaphore_mem>>
      %dma_start3A_43 = arith.constant 0 : i32
      %dma_start3A_44 = tpu.memref_slice %arg2[%add3A_11, %dma_start3A_43] : memref<128x10000xf32, #tpu.memory_space<hbm>> -> memref<1x10000xf32, #tpu.memory_space<hbm>>
      %dma_start3A_45 = tpu.memref_squeeze %dma_start3A_44 : memref<1x10000xf32, #tpu.memory_space<hbm>> -> memref<10000xf32, #tpu.memory_space<hbm>>
      %dma_start3A_46 = arith.constant 0 : i32
      %dma_start3A_47 = tpu.memref_slice %arg2[%add3A_11, %dma_start3A_46] : memref<128x10000xf32, #tpu.memory_space<hbm>> -> memref<1x10000xf32, #tpu.memory_space<hbm>>
      %dma_start3A_48 = tpu.memref_squeeze %dma_start3A_47 : memref<1x10000xf32, #tpu.memory_space<hbm>> -> memref<10000xf32, #tpu.memory_space<hbm>>
      tpu.enqueue_dma source(%dma_start3A_48 : memref<10000xf32, #tpu.memory_space<hbm>>) target(%arg7 : memref<10000xf32, #tpu.memory_space<vmem>>) target_semaphore(%run_scoped3A : memref<!tpu.dma_semaphore, #tpu.memory_space<semaphore_mem>>)
      %dma_wait3A = arith.constant 0 : i32
      %dma_wait3A_49 = tpu.memref_slice %arg2[%add3A_11, %dma_wait3A] : memref<128x10000xf32, #tpu.memory_space<hbm>> -> memref<1x10000xf32, #tpu.memory_space<hbm>>
      %dma_wait3A_50 = tpu.memref_squeeze %dma_wait3A_49 : memref<1x10000xf32, #tpu.memory_space<hbm>> -> memref<10000xf32, #tpu.memory_space<hbm>>
      %dma_wait3A_51 = arith.constant 0 : i32
      %dma_wait3A_52 = tpu.memref_slice %arg2[%add3A_11, %dma_wait3A_51] : memref<128x10000xf32, #tpu.memory_space<hbm>> -> memref<1x10000xf32, #tpu.memory_space<hbm>>
      %dma_wait3A_53 = tpu.memref_squeeze %dma_wait3A_52 : memref<1x10000xf32, #tpu.memory_space<hbm>> -> memref<10000xf32, #tpu.memory_space<hbm>>
      tpu.wait_dma2 semaphore(%run_scoped3A : memref<!tpu.dma_semaphore, #tpu.memory_space<semaphore_mem>>) src(%dma_wait3A_53 : memref<10000xf32, #tpu.memory_space<hbm>>) dst(%arg7 : memref<10000xf32, #tpu.memory_space<vmem>>)
      tpu.yield
    }) : () -> ()
    %add3A_12 = arith.constant 64 : i32
    %add3A_13 = arith.addi %add3A_12, %mul3A_0 : i32
    %add3A_14 = arith.constant 3 : i32
    %add3A_15 = arith.addi %add3A_13, %add3A_14 : i32
    "tpu.region"() ({
      %run_scoped3A = tpu.sem_alloc : memref<!tpu.dma_semaphore, #tpu.memory_space<semaphore_mem>>
      %dma_start3A_43 = arith.constant 0 : i32
      %dma_start3A_44 = tpu.memref_slice %arg2[%add3A_15, %dma_start3A_43] : memref<128x10000xf32, #tpu.memory_space<hbm>> -> memref<1x10000xf32, #tpu.memory_space<hbm>>
      %dma_start3A_45 = tpu.memref_squeeze %dma_start3A_44 : memref<1x10000xf32, #tpu.memory_space<hbm>> -> memref<10000xf32, #tpu.memory_space<hbm>>
      %dma_start3A_46 = arith.constant 0 : i32
      %dma_start3A_47 = tpu.memref_slice %arg2[%add3A_15, %dma_start3A_46] : memref<128x10000xf32, #tpu.memory_space<hbm>> -> memref<1x10000xf32, #tpu.memory_space<hbm>>
      %dma_start3A_48 = tpu.memref_squeeze %dma_start3A_47 : memref<1x10000xf32, #tpu.memory_space<hbm>> -> memref<10000xf32, #tpu.memory_space<hbm>>
      tpu.enqueue_dma source(%dma_start3A_48 : memref<10000xf32, #tpu.memory_space<hbm>>) target(%arg8 : memref<10000xf32, #tpu.memory_space<vmem>>) target_semaphore(%run_scoped3A : memref<!tpu.dma_semaphore, #tpu.memory_space<semaphore_mem>>)
      %dma_wait3A = arith.constant 0 : i32
      %dma_wait3A_49 = tpu.memref_slice %arg2[%add3A_15, %dma_wait3A] : memref<128x10000xf32, #tpu.memory_space<hbm>> -> memref<1x10000xf32, #tpu.memory_space<hbm>>
      %dma_wait3A_50 = tpu.memref_squeeze %dma_wait3A_49 : memref<1x10000xf32, #tpu.memory_space<hbm>> -> memref<10000xf32, #tpu.memory_space<hbm>>
      %dma_wait3A_51 = arith.constant 0 : i32
      %dma_wait3A_52 = tpu.memref_slice %arg2[%add3A_15, %dma_wait3A_51] : memref<128x10000xf32, #tpu.memory_space<hbm>> -> memref<1x10000xf32, #tpu.memory_space<hbm>>
      %dma_wait3A_53 = tpu.memref_squeeze %dma_wait3A_52 : memref<1x10000xf32, #tpu.memory_space<hbm>> -> memref<10000xf32, #tpu.memory_space<hbm>>
      tpu.wait_dma2 semaphore(%run_scoped3A : memref<!tpu.dma_semaphore, #tpu.memory_space<semaphore_mem>>) src(%dma_wait3A_53 : memref<10000xf32, #tpu.memory_space<hbm>>) dst(%arg8 : memref<10000xf32, #tpu.memory_space<vmem>>)
      tpu.yield
    }) : () -> ()
    %broadcast_in_dim3A = arith.constant -3.000000e+38 : f32
    %broadcast_in_dim3A_16 = vector.broadcast %broadcast_in_dim3A : f32 to vector<16xf32>
    %scan3A = arith.constant 0 : i32
    %scan3A_17 = arith.constant 0 : i32
    %scan3A_18 = arith.constant 625 : i32
    %scan3A_19 = arith.addi %scan3A_17, %scan3A_18 : i32
    %scan3A_20 = arith.constant 1 : i32
    scf.for %scan3A_43 = %scan3A_17 to %scan3A_19 step %scan3A_20  : i32 {
      %mul3A_44 = arith.constant 16 : i32
      %mul3A_45 = arith.muli %scan3A_43, %mul3A_44 : i32
      %swap3A = arith.index_cast %mul3A_45 : i32 to index
      %swap3A_46 = tpu.vector_load %arg9[%swap3A] {strides = array<i32>} : memref<10000xf32, #tpu.memory_space<vmem>>, vector<16xf32>,
      tpu.vector_store %arg9[%swap3A], %broadcast_in_dim3A_16 {strides = array<i32>} : memref<10000xf32, #tpu.memory_space<vmem>>, vector<16xf32>,
      %mul3A_47 = arith.constant 16 : i32
      %mul3A_48 = arith.muli %scan3A_43, %mul3A_47 : i32
      %swap3A_49 = arith.index_cast %mul3A_48 : i32 to index
      %swap3A_50 = tpu.vector_load %arg10[%swap3A_49] {strides = array<i32>} : memref<10000xf32, #tpu.memory_space<vmem>>, vector<16xf32>,
      tpu.vector_store %arg10[%swap3A_49], %broadcast_in_dim3A_16 {strides = array<i32>} : memref<10000xf32, #tpu.memory_space<vmem>>, vector<16xf32>,
      %mul3A_51 = arith.constant 16 : i32
      %mul3A_52 = arith.muli %scan3A_43, %mul3A_51 : i32
      %swap3A_53 = arith.index_cast %mul3A_52 : i32 to index
      %swap3A_54 = tpu.vector_load %arg11[%swap3A_53] {strides = array<i32>} : memref<10000xf32, #tpu.memory_space<vmem>>, vector<16xf32>,
      tpu.vector_store %arg11[%swap3A_53], %broadcast_in_dim3A_16 {strides = array<i32>} : memref<10000xf32, #tpu.memory_space<vmem>>, vector<16xf32>,
      %mul3A_55 = arith.constant 16 : i32
      %mul3A_56 = arith.muli %scan3A_43, %mul3A_55 : i32
      %swap3A_57 = arith.index_cast %mul3A_56 : i32 to index
      %swap3A_58 = tpu.vector_load %arg12[%swap3A_57] {strides = array<i32>} : memref<10000xf32, #tpu.memory_space<vmem>>, vector<16xf32>,
      tpu.vector_store %arg12[%swap3A_57], %broadcast_in_dim3A_16 {strides = array<i32>} : memref<10000xf32, #tpu.memory_space<vmem>>, vector<16xf32>,
    }
    %scan3A_21 = arith.constant 625 : i32
    %iota3A = tpu.iota {dimensions = array<i32: 0>} : vector<16xi32>
    %broadcast_in_dim3A_22 = arith.constant true
    %broadcast_in_dim3A_23 = vector.broadcast %broadcast_in_dim3A_22 : i1 to vector<16xi1>
    %mul3A_24 = arith.constant 160000 : i32
    %mul3A_25 = arith.muli %arg0, %mul3A_24 : i32
    %add3A_26 = arith.constant 0 : i32
    %add3A_27 = arith.addi %mul3A_25, %add3A_26 : i32
    %dma_start3A = tpu.memref_slice %arg3[%add3A_27] : memref<320000xi32, #tpu.memory_space<hbm>> -> memref<8000xi32, #tpu.memory_space<hbm>>
    %dma_start3A_28 = tpu.memref_slice %arg3[%add3A_27] : memref<320000xi32, #tpu.memory_space<hbm>> -> memref<8000xi32, #tpu.memory_space<hbm>>
    tpu.enqueue_dma source(%dma_start3A_28 : memref<8000xi32, #tpu.memory_space<hbm>>) target(%arg13 : memref<8000xi32, #tpu.memory_space<vmem>>) target_semaphore(%arg17 : memref<!tpu.dma_semaphore, #tpu.memory_space<semaphore_mem>>)
    %scan3A_29 = arith.constant 0 : i32
    %scan3A_30 = arith.constant 0 : i32
    %scan3A_31 = arith.constant 10 : i32
    %scan3A_32 = arith.addi %scan3A_30, %scan3A_31 : i32
    %scan3A_33 = arith.constant 1 : i32
    scf.for %scan3A_43 = %scan3A_30 to %scan3A_32 step %scan3A_33  : i32 {
      %mul3A_44 = arith.constant 2 : i32
      %mul3A_45 = arith.muli %scan3A_43, %mul3A_44 : i32
      %add3A_46 = arith.constant 0 : i32
      %add3A_47 = arith.addi %mul3A_45, %add3A_46 : i32
      %mul3A_48 = arith.constant 160000 : i32
      %mul3A_49 = arith.muli %arg0, %mul3A_48 : i32
      %mul3A_50 = arith.constant 8000 : i32
      %mul3A_51 = arith.muli %add3A_47, %mul3A_50 : i32
      %add3A_52 = arith.addi %mul3A_49, %mul3A_51 : i32
      %dma_wait3A = tpu.memref_slice %arg3[%add3A_52] : memref<320000xi32, #tpu.memory_space<hbm>> -> memref<8000xi32, #tpu.memory_space<hbm>>
      %dma_wait3A_53 = tpu.memref_slice %arg3[%add3A_52] : memref<320000xi32, #tpu.memory_space<hbm>> -> memref<8000xi32, #tpu.memory_space<hbm>>
      tpu.wait_dma2 semaphore(%arg17 : memref<!tpu.dma_semaphore, #tpu.memory_space<semaphore_mem>>) src(%dma_wait3A_53 : memref<8000xi32, #tpu.memory_space<hbm>>) dst(%arg13 : memref<8000xi32, #tpu.memory_space<vmem>>)
      %add3A_54 = arith.constant 1 : i32
      %add3A_55 = arith.addi %add3A_47, %add3A_54 : i32
      %lt3A = arith.constant 20 : i32
      %lt3A_56 = arith.cmpi slt, %add3A_55, %lt3A : i32
      %convert_element_type3A = arith.extui %lt3A_56 : i1 to i32
      %cond3A = arith.constant 0 : i32
      %cond3A_57 = arith.cmpi ne, %convert_element_type3A, %cond3A : i32
      scf.if %cond3A_57 {
        %add3A_119 = arith.constant 1 : i32
        %add3A_120 = arith.addi %add3A_47, %add3A_119 : i32
        %mul3A_121 = arith.constant 160000 : i32
        %mul3A_122 = arith.muli %arg0, %mul3A_121 : i32
        %mul3A_123 = arith.constant 8000 : i32
        %mul3A_124 = arith.muli %add3A_120, %mul3A_123 : i32
        %add3A_125 = arith.addi %mul3A_122, %mul3A_124 : i32
        %dma_start3A_126 = tpu.memref_slice %arg3[%add3A_125] : memref<320000xi32, #tpu.memory_space<hbm>> -> memref<8000xi32, #tpu.memory_space<hbm>>
        %dma_start3A_127 = tpu.memref_slice %arg3[%add3A_125] : memref<320000xi32, #tpu.memory_space<hbm>> -> memref<8000xi32, #tpu.memory_space<hbm>>
        tpu.enqueue_dma source(%dma_start3A_127 : memref<8000xi32, #tpu.memory_space<hbm>>) target(%arg14 : memref<8000xi32, #tpu.memory_space<vmem>>) target_semaphore(%arg18 : memref<!tpu.dma_semaphore, #tpu.memory_space<semaphore_mem>>)
      } else {
      }
      %broadcast_in_dim3A_58 = arith.constant false
      %broadcast_in_dim3A_59 = vector.broadcast %broadcast_in_dim3A_58 : i1 to vector<16xi1>
      %scan3A_60 = arith.constant 0 : i32
      %scan3A_61 = arith.constant 125 : i32
      %scan3A_62 = arith.addi %scan3A_60, %scan3A_61 : i32
      %scan3A_63 = arith.constant 1 : i32
      %scan3A_64 = scf.for %scan3A_119 = %scan3A_60 to %scan3A_62 step %scan3A_63 iter_args(%scan3A_120 = %broadcast_in_dim3A_59) -> (vector<16xi1>)  : i32 {
        %mul3A_121 = arith.constant 4 : i32
        %mul3A_122 = arith.muli %mul3A_121, %scan3A_119 : i32
        %add3A_123 = arith.constant 0 : i32
        %add3A_124 = arith.addi %mul3A_122, %add3A_123 : i32
        %mul3A_125 = arith.constant 16 : i32
        %mul3A_126 = arith.muli %add3A_124, %mul3A_125 : i32
        %get3A = arith.index_cast %mul3A_126 : i32 to index
        %get3A_127 = tpu.vector_load %arg13[%get3A] {strides = array<i32>} : memref<8000xi32, #tpu.memory_space<vmem>>, vector<16xi32>,
        %mul3A_128 = arith.constant 4 : i32
        %mul3A_129 = arith.muli %mul3A_128, %scan3A_119 : i32
        %add3A_130 = arith.constant 1 : i32
        %add3A_131 = arith.addi %mul3A_129, %add3A_130 : i32
        %mul3A_132 = arith.constant 16 : i32
        %mul3A_133 = arith.muli %add3A_131, %mul3A_132 : i32
        %get3A_134 = arith.index_cast %mul3A_133 : i32 to index
        %get3A_135 = tpu.vector_load %arg13[%get3A_134] {strides = array<i32>} : memref<8000xi32, #tpu.memory_space<vmem>>, vector<16xi32>,
        %mul3A_136 = arith.constant 4 : i32
        %mul3A_137 = arith.muli %mul3A_136, %scan3A_119 : i32
        %add3A_138 = arith.constant 2 : i32
        %add3A_139 = arith.addi %mul3A_137, %add3A_138 : i32
        %mul3A_140 = arith.constant 16 : i32
        %mul3A_141 = arith.muli %add3A_139, %mul3A_140 : i32
        %get3A_142 = arith.index_cast %mul3A_141 : i32 to index
        %get3A_143 = tpu.vector_load %arg13[%get3A_142] {strides = array<i32>} : memref<8000xi32, #tpu.memory_space<vmem>>, vector<16xi32>,
        %mul3A_144 = arith.constant 4 : i32
        %mul3A_145 = arith.muli %mul3A_144, %scan3A_119 : i32
        %add3A_146 = arith.constant 3 : i32
        %add3A_147 = arith.addi %mul3A_145, %add3A_146 : i32
        %mul3A_148 = arith.constant 16 : i32
        %mul3A_149 = arith.muli %add3A_147, %mul3A_148 : i32
        %get3A_150 = arith.index_cast %mul3A_149 : i32 to index
        %get3A_151 = tpu.vector_load %arg13[%get3A_150] {strides = array<i32>} : memref<8000xi32, #tpu.memory_space<vmem>>, vector<16xi32>,
        %and3A = arith.constant 16383 : i32
        %and3A_152 = vector.broadcast %and3A : i32 to vector<16xi32>
        %and3A_153 = arith.andi %get3A_127, %and3A_152 : vector<16xi32>
        %shift_right_arithmetic3A = arith.constant 14 : i32
        %shift_right_arithmetic3A_154 = vector.broadcast %shift_right_arithmetic3A : i32 to vector<16xi32>
        %shift_right_arithmetic3A_155 = arith.shrsi %get3A_127, %shift_right_arithmetic3A_154 : vector<16xi32>
        tpu.vector_store_idx %arg15[%and3A_153], %iota3A : memref<10000xi32, #tpu.memory_space<vmem>>[vector<16xi32>], vector<16xi32>,
        %gather3A = tpu.vector_load_idx %arg5[%shift_right_arithmetic3A_155] : memref<10000xf32, #tpu.memory_space<vmem>>[vector<16xi32>], vector<16xf32>,
        %gather3A_156 = tpu.vector_load_idx %arg6[%shift_right_arithmetic3A_155] : memref<10000xf32, #tpu.memory_space<vmem>>[vector<16xi32>], vector<16xf32>,
        %gather3A_157 = tpu.vector_load_idx %arg7[%shift_right_arithmetic3A_155] : memref<10000xf32, #tpu.memory_space<vmem>>[vector<16xi32>], vector<16xf32>,
        %gather3A_158 = tpu.vector_load_idx %arg8[%shift_right_arithmetic3A_155] : memref<10000xf32, #tpu.memory_space<vmem>>[vector<16xi32>], vector<16xf32>,
        %gather3A_159 = tpu.vector_load_idx %arg15[%and3A_153] : memref<10000xi32, #tpu.memory_space<vmem>>[vector<16xi32>], vector<16xi32>,
        %eq3A = arith.cmpi eq, %gather3A_159, %iota3A : vector<16xi32>
        %not3A = arith.constant dense<true> : vector<16xi1>
        %not3A_160 = arith.xori %eq3A, %not3A : vector<16xi1>
        tpu.vector_store_idx %arg15[%and3A_153], %iota3A masked %not3A_160 : memref<10000xi32, #tpu.memory_space<vmem>>[vector<16xi32>], vector<16xi32>, vector<16xi1>
        %gather3A_161 = tpu.vector_load_idx %arg9[%and3A_153] : memref<10000xf32, #tpu.memory_space<vmem>>[vector<16xi32>], vector<16xf32>,
        %gather3A_162 = tpu.vector_load_idx %arg10[%and3A_153] : memref<10000xf32, #tpu.memory_space<vmem>>[vector<16xi32>], vector<16xf32>,
        %gather3A_163 = tpu.vector_load_idx %arg11[%and3A_153] : memref<10000xf32, #tpu.memory_space<vmem>>[vector<16xi32>], vector<16xf32>,
        %gather3A_164 = tpu.vector_load_idx %arg12[%and3A_153] : memref<10000xf32, #tpu.memory_space<vmem>>[vector<16xi32>], vector<16xf32>,
        %gather3A_165 = tpu.vector_load_idx %arg15[%and3A_153] : memref<10000xi32, #tpu.memory_space<vmem>>[vector<16xi32>], vector<16xi32>,
        %eq3A_166 = arith.cmpi eq, %gather3A_165, %iota3A : vector<16xi32>
        %max3A = arith.maximumf %gather3A_161, %gather3A : vector<16xf32>
        %max3A_167 = arith.maximumf %gather3A_162, %gather3A_156 : vector<16xf32>
        %max3A_168 = arith.maximumf %gather3A_163, %gather3A_157 : vector<16xf32>
        %max3A_169 = arith.maximumf %gather3A_164, %gather3A_158 : vector<16xf32>
        %reshape3A = vector.shape_cast %gather3A_159 : vector<16xi32> to vector<16x1xi32>
        %gather3A_170 = vector.shape_cast %reshape3A : vector<16x1xi32> to vector<16xi32>
        %gather3A_171 = tpu.dynamic_gather %gather3A[%gather3A_170] in [0] : vector<16xf32>, vector<16xi32> -> vector<16xf32>
        %reshape3A_172 = vector.shape_cast %gather3A_159 : vector<16xi32> to vector<16x1xi32>
        %gather3A_173 = vector.shape_cast %reshape3A_172 : vector<16x1xi32> to vector<16xi32>
        %gather3A_174 = tpu.dynamic_gather %gather3A_156[%gather3A_173] in [0] : vector<16xf32>, vector<16xi32> -> vector<16xf32>
        %reshape3A_175 = vector.shape_cast %gather3A_159 : vector<16xi32> to vector<16x1xi32>
        %gather3A_176 = vector.shape_cast %reshape3A_175 : vector<16x1xi32> to vector<16xi32>
        %gather3A_177 = tpu.dynamic_gather %gather3A_157[%gather3A_176] in [0] : vector<16xf32>, vector<16xi32> -> vector<16xf32>
        %reshape3A_178 = vector.shape_cast %gather3A_159 : vector<16xi32> to vector<16x1xi32>
        %gather3A_179 = vector.shape_cast %reshape3A_178 : vector<16x1xi32> to vector<16xi32>
        %gather3A_180 = tpu.dynamic_gather %gather3A_158[%gather3A_179] in [0] : vector<16xf32>, vector<16xi32> -> vector<16xf32>
        %max3A_181 = arith.maximumf %max3A, %gather3A_171 : vector<16xf32>
        %select_n3A = arith.select %eq3A, %max3A, %max3A_181 : vector<16xi1>, vector<16xf32>
        tpu.vector_store_idx %arg9[%and3A_153], %select_n3A masked %eq3A_166 : memref<10000xf32, #tpu.memory_space<vmem>>[vector<16xi32>], vector<16xf32>, vector<16xi1>
        %max3A_182 = arith.maximumf %max3A_167, %gather3A_174 : vector<16xf32>
        %select_n3A_183 = arith.select %eq3A, %max3A_167, %max3A_182 : vector<16xi1>, vector<16xf32>
        tpu.vector_store_idx %arg10[%and3A_153], %select_n3A_183 masked %eq3A_166 : memref<10000xf32, #tpu.memory_space<vmem>>[vector<16xi32>], vector<16xf32>, vector<16xi1>
        %max3A_184 = arith.maximumf %max3A_168, %gather3A_177 : vector<16xf32>
        %select_n3A_185 = arith.select %eq3A, %max3A_168, %max3A_184 : vector<16xi1>, vector<16xf32>
        tpu.vector_store_idx %arg11[%and3A_153], %select_n3A_185 masked %eq3A_166 : memref<10000xf32, #tpu.memory_space<vmem>>[vector<16xi32>], vector<16xf32>, vector<16xi1>
        %max3A_186 = arith.maximumf %max3A_169, %gather3A_180 : vector<16xf32>
        %select_n3A_187 = arith.select %eq3A, %max3A_169, %max3A_186 : vector<16xi1>, vector<16xf32>
        tpu.vector_store_idx %arg12[%and3A_153], %select_n3A_187 masked %eq3A_166 : memref<10000xf32, #tpu.memory_space<vmem>>[vector<16xi32>], vector<16xf32>, vector<16xi1>
        %not3A_188 = arith.constant dense<true> : vector<16xi1>
        %not3A_189 = arith.xori %eq3A_166, %not3A_188 : vector<16xi1>
        %and3A_190 = arith.andi %not3A_160, %not3A_189 : vector<16xi1>
        %or3A = arith.ori %scan3A_120, %and3A_190 : vector<16xi1>
        %and3A_191 = arith.constant 16383 : i32
        %and3A_192 = vector.broadcast %and3A_191 : i32 to vector<16xi32>
        %and3A_193 = arith.andi %get3A_135, %and3A_192 : vector<16xi32>
        %shift_right_arithmetic3A_194 = arith.constant 14 : i32
        %shift_right_arithmetic3A_195 = vector.broadcast %shift_right_arithmetic3A_194 : i32 to vector<16xi32>
        %shift_right_arithmetic3A_196 = arith.shrsi %get3A_135, %shift_right_arithmetic3A_195 : vector<16xi32>
        tpu.vector_store_idx %arg16[%and3A_193], %iota3A : memref<10000xi32, #tpu.memory_space<vmem>>[vector<16xi32>], vector<16xi32>,
        %gather3A_197 = tpu.vector_load_idx %arg5[%shift_right_arithmetic3A_196] : memref<10000xf32, #tpu.memory_space<vmem>>[vector<16xi32>], vector<16xf32>,
        %gather3A_198 = tpu.vector_load_idx %arg6[%shift_right_arithmetic3A_196] : memref<10000xf32, #tpu.memory_space<vmem>>[vector<16xi32>], vector<16xf32>,
        %gather3A_199 = tpu.vector_load_idx %arg7[%shift_right_arithmetic3A_196] : memref<10000xf32, #tpu.memory_space<vmem>>[vector<16xi32>], vector<16xf32>,
        %gather3A_200 = tpu.vector_load_idx %arg8[%shift_right_arithmetic3A_196] : memref<10000xf32, #tpu.memory_space<vmem>>[vector<16xi32>], vector<16xf32>,
        %gather3A_201 = tpu.vector_load_idx %arg16[%and3A_193] : memref<10000xi32, #tpu.memory_space<vmem>>[vector<16xi32>], vector<16xi32>,
        %eq3A_202 = arith.cmpi eq, %gather3A_201, %iota3A : vector<16xi32>
        %not3A_203 = arith.constant dense<true> : vector<16xi1>
        %not3A_204 = arith.xori %eq3A_202, %not3A_203 : vector<16xi1>
        tpu.vector_store_idx %arg16[%and3A_193], %iota3A masked %not3A_204 : memref<10000xi32, #tpu.memory_space<vmem>>[vector<16xi32>], vector<16xi32>, vector<16xi1>
        %gather3A_205 = tpu.vector_load_idx %arg9[%and3A_193] : memref<10000xf32, #tpu.memory_space<vmem>>[vector<16xi32>], vector<16xf32>,
        %gather3A_206 = tpu.vector_load_idx %arg10[%and3A_193] : memref<10000xf32, #tpu.memory_space<vmem>>[vector<16xi32>], vector<16xf32>,
        %gather3A_207 = tpu.vector_load_idx %arg11[%and3A_193] : memref<10000xf32, #tpu.memory_space<vmem>>[vector<16xi32>], vector<16xf32>,
        %gather3A_208 = tpu.vector_load_idx %arg12[%and3A_193] : memref<10000xf32, #tpu.memory_space<vmem>>[vector<16xi32>], vector<16xf32>,
        %gather3A_209 = tpu.vector_load_idx %arg16[%and3A_193] : memref<10000xi32, #tpu.memory_space<vmem>>[vector<16xi32>], vector<16xi32>,
        %eq3A_210 = arith.cmpi eq, %gather3A_209, %iota3A : vector<16xi32>
        %max3A_211 = arith.maximumf %gather3A_205, %gather3A_197 : vector<16xf32>
        %max3A_212 = arith.maximumf %gather3A_206, %gather3A_198 : vector<16xf32>
        %max3A_213 = arith.maximumf %gather3A_207, %gather3A_199 : vector<16xf32>
        %max3A_214 = arith.maximumf %gather3A_208, %gather3A_200 : vector<16xf32>
        %reshape3A_215 = vector.shape_cast %gather3A_201 : vector<16xi32> to vector<16x1xi32>
        %gather3A_216 = vector.shape_cast %reshape3A_215 : vector<16x1xi32> to vector<16xi32>
        %gather3A_217 = tpu.dynamic_gather %gather3A_197[%gather3A_216] in [0] : vector<16xf32>, vector<16xi32> -> vector<16xf32>
        %reshape3A_218 = vector.shape_cast %gather3A_201 : vector<16xi32> to vector<16x1xi32>
        %gather3A_219 = vector.shape_cast %reshape3A_218 : vector<16x1xi32> to vector<16xi32>
        %gather3A_220 = tpu.dynamic_gather %gather3A_198[%gather3A_219] in [0] : vector<16xf32>, vector<16xi32> -> vector<16xf32>
        %reshape3A_221 = vector.shape_cast %gather3A_201 : vector<16xi32> to vector<16x1xi32>
        %gather3A_222 = vector.shape_cast %reshape3A_221 : vector<16x1xi32> to vector<16xi32>
        %gather3A_223 = tpu.dynamic_gather %gather3A_199[%gather3A_222] in [0] : vector<16xf32>, vector<16xi32> -> vector<16xf32>
        %reshape3A_224 = vector.shape_cast %gather3A_201 : vector<16xi32> to vector<16x1xi32>
        %gather3A_225 = vector.shape_cast %reshape3A_224 : vector<16x1xi32> to vector<16xi32>
        %gather3A_226 = tpu.dynamic_gather %gather3A_200[%gather3A_225] in [0] : vector<16xf32>, vector<16xi32> -> vector<16xf32>
        %max3A_227 = arith.maximumf %max3A_211, %gather3A_217 : vector<16xf32>
        %select_n3A_228 = arith.select %eq3A_202, %max3A_211, %max3A_227 : vector<16xi1>, vector<16xf32>
        tpu.vector_store_idx %arg9[%and3A_193], %select_n3A_228 masked %eq3A_210 : memref<10000xf32, #tpu.memory_space<vmem>>[vector<16xi32>], vector<16xf32>, vector<16xi1>
        %max3A_229 = arith.maximumf %max3A_212, %gather3A_220 : vector<16xf32>
        %select_n3A_230 = arith.select %eq3A_202, %max3A_212, %max3A_229 : vector<16xi1>, vector<16xf32>
        tpu.vector_store_idx %arg10[%and3A_193], %select_n3A_230 masked %eq3A_210 : memref<10000xf32, #tpu.memory_space<vmem>>[vector<16xi32>], vector<16xf32>, vector<16xi1>
        %max3A_231 = arith.maximumf %max3A_213, %gather3A_223 : vector<16xf32>
        %select_n3A_232 = arith.select %eq3A_202, %max3A_213, %max3A_231 : vector<16xi1>, vector<16xf32>
        tpu.vector_store_idx %arg11[%and3A_193], %select_n3A_232 masked %eq3A_210 : memref<10000xf32, #tpu.memory_space<vmem>>[vector<16xi32>], vector<16xf32>, vector<16xi1>
        %max3A_233 = arith.maximumf %max3A_214, %gather3A_226 : vector<16xf32>
        %select_n3A_234 = arith.select %eq3A_202, %max3A_214, %max3A_233 : vector<16xi1>, vector<16xf32>
        tpu.vector_store_idx %arg12[%and3A_193], %select_n3A_234 masked %eq3A_210 : memref<10000xf32, #tpu.memory_space<vmem>>[vector<16xi32>], vector<16xf32>, vector<16xi1>
        %not3A_235 = arith.constant dense<true> : vector<16xi1>
        %not3A_236 = arith.xori %eq3A_210, %not3A_235 : vector<16xi1>
        %and3A_237 = arith.andi %not3A_204, %not3A_236 : vector<16xi1>
        %or3A_238 = arith.ori %or3A, %and3A_237 : vector<16xi1>
        %and3A_239 = arith.constant 16383 : i32
        %and3A_240 = vector.broadcast %and3A_239 : i32 to vector<16xi32>
        %and3A_241 = arith.andi %get3A_143, %and3A_240 : vector<16xi32>
        %shift_right_arithmetic3A_242 = arith.constant 14 : i32
        %shift_right_arithmetic3A_243 = vector.broadcast %shift_right_arithmetic3A_242 : i32 to vector<16xi32>
        %shift_right_arithmetic3A_244 = arith.shrsi %get3A_143, %shift_right_arithmetic3A_243 : vector<16xi32>
        tpu.vector_store_idx %arg15[%and3A_241], %iota3A : memref<10000xi32, #tpu.memory_space<vmem>>[vector<16xi32>], vector<16xi32>,
        %gather3A_245 = tpu.vector_load_idx %arg5[%shift_right_arithmetic3A_244] : memref<10000xf32, #tpu.memory_space<vmem>>[vector<16xi32>], vector<16xf32>,
        %gather3A_246 = tpu.vector_load_idx %arg6[%shift_right_arithmetic3A_244] : memref<10000xf32, #tpu.memory_space<vmem>>[vector<16xi32>], vector<16xf32>,
        %gather3A_247 = tpu.vector_load_idx %arg7[%shift_right_arithmetic3A_244] : memref<10000xf32, #tpu.memory_space<vmem>>[vector<16xi32>], vector<16xf32>,
        %gather3A_248 = tpu.vector_load_idx %arg8[%shift_right_arithmetic3A_244] : memref<10000xf32, #tpu.memory_space<vmem>>[vector<16xi32>], vector<16xf32>,
        %gather3A_249 = tpu.vector_load_idx %arg15[%and3A_241] : memref<10000xi32, #tpu.memory_space<vmem>>[vector<16xi32>], vector<16xi32>,
        %eq3A_250 = arith.cmpi eq, %gather3A_249, %iota3A : vector<16xi32>
        %not3A_251 = arith.constant dense<true> : vector<16xi1>
        %not3A_252 = arith.xori %eq3A_250, %not3A_251 : vector<16xi1>
        tpu.vector_store_idx %arg15[%and3A_241], %iota3A masked %not3A_252 : memref<10000xi32, #tpu.memory_space<vmem>>[vector<16xi32>], vector<16xi32>, vector<16xi1>
        %gather3A_253 = tpu.vector_load_idx %arg9[%and3A_241] : memref<10000xf32, #tpu.memory_space<vmem>>[vector<16xi32>], vector<16xf32>,
        %gather3A_254 = tpu.vector_load_idx %arg10[%and3A_241] : memref<10000xf32, #tpu.memory_space<vmem>>[vector<16xi32>], vector<16xf32>,
        %gather3A_255 = tpu.vector_load_idx %arg11[%and3A_241] : memref<10000xf32, #tpu.memory_space<vmem>>[vector<16xi32>], vector<16xf32>,
        %gather3A_256 = tpu.vector_load_idx %arg12[%and3A_241] : memref<10000xf32, #tpu.memory_space<vmem>>[vector<16xi32>], vector<16xf32>,
        %gather3A_257 = tpu.vector_load_idx %arg15[%and3A_241] : memref<10000xi32, #tpu.memory_space<vmem>>[vector<16xi32>], vector<16xi32>,
        %eq3A_258 = arith.cmpi eq, %gather3A_257, %iota3A : vector<16xi32>
        %max3A_259 = arith.maximumf %gather3A_253, %gather3A_245 : vector<16xf32>
        %max3A_260 = arith.maximumf %gather3A_254, %gather3A_246 : vector<16xf32>
        %max3A_261 = arith.maximumf %gather3A_255, %gather3A_247 : vector<16xf32>
        %max3A_262 = arith.maximumf %gather3A_256, %gather3A_248 : vector<16xf32>
        %reshape3A_263 = vector.shape_cast %gather3A_249 : vector<16xi32> to vector<16x1xi32>
        %gather3A_264 = vector.shape_cast %reshape3A_263 : vector<16x1xi32> to vector<16xi32>
        %gather3A_265 = tpu.dynamic_gather %gather3A_245[%gather3A_264] in [0] : vector<16xf32>, vector<16xi32> -> vector<16xf32>
        %reshape3A_266 = vector.shape_cast %gather3A_249 : vector<16xi32> to vector<16x1xi32>
        %gather3A_267 = vector.shape_cast %reshape3A_266 : vector<16x1xi32> to vector<16xi32>
        %gather3A_268 = tpu.dynamic_gather %gather3A_246[%gather3A_267] in [0] : vector<16xf32>, vector<16xi32> -> vector<16xf32>
        %reshape3A_269 = vector.shape_cast %gather3A_249 : vector<16xi32> to vector<16x1xi32>
        %gather3A_270 = vector.shape_cast %reshape3A_269 : vector<16x1xi32> to vector<16xi32>
        %gather3A_271 = tpu.dynamic_gather %gather3A_247[%gather3A_270] in [0] : vector<16xf32>, vector<16xi32> -> vector<16xf32>
        %reshape3A_272 = vector.shape_cast %gather3A_249 : vector<16xi32> to vector<16x1xi32>
        %gather3A_273 = vector.shape_cast %reshape3A_272 : vector<16x1xi32> to vector<16xi32>
        %gather3A_274 = tpu.dynamic_gather %gather3A_248[%gather3A_273] in [0] : vector<16xf32>, vector<16xi32> -> vector<16xf32>
        %max3A_275 = arith.maximumf %max3A_259, %gather3A_265 : vector<16xf32>
        %select_n3A_276 = arith.select %eq3A_250, %max3A_259, %max3A_275 : vector<16xi1>, vector<16xf32>
        tpu.vector_store_idx %arg9[%and3A_241], %select_n3A_276 masked %eq3A_258 : memref<10000xf32, #tpu.memory_space<vmem>>[vector<16xi32>], vector<16xf32>, vector<16xi1>
        %max3A_277 = arith.maximumf %max3A_260, %gather3A_268 : vector<16xf32>
        %select_n3A_278 = arith.select %eq3A_250, %max3A_260, %max3A_277 : vector<16xi1>, vector<16xf32>
        tpu.vector_store_idx %arg10[%and3A_241], %select_n3A_278 masked %eq3A_258 : memref<10000xf32, #tpu.memory_space<vmem>>[vector<16xi32>], vector<16xf32>, vector<16xi1>
        %max3A_279 = arith.maximumf %max3A_261, %gather3A_271 : vector<16xf32>
        %select_n3A_280 = arith.select %eq3A_250, %max3A_261, %max3A_279 : vector<16xi1>, vector<16xf32>
        tpu.vector_store_idx %arg11[%and3A_241], %select_n3A_280 masked %eq3A_258 : memref<10000xf32, #tpu.memory_space<vmem>>[vector<16xi32>], vector<16xf32>, vector<16xi1>
        %max3A_281 = arith.maximumf %max3A_262, %gather3A_274 : vector<16xf32>
        %select_n3A_282 = arith.select %eq3A_250, %max3A_262, %max3A_281 : vector<16xi1>, vector<16xf32>
        tpu.vector_store_idx %arg12[%and3A_241], %select_n3A_282 masked %eq3A_258 : memref<10000xf32, #tpu.memory_space<vmem>>[vector<16xi32>], vector<16xf32>, vector<16xi1>
        %not3A_283 = arith.constant dense<true> : vector<16xi1>
        %not3A_284 = arith.xori %eq3A_258, %not3A_283 : vector<16xi1>
        %and3A_285 = arith.andi %not3A_252, %not3A_284 : vector<16xi1>
        %or3A_286 = arith.ori %or3A_238, %and3A_285 : vector<16xi1>
        %and3A_287 = arith.constant 16383 : i32
        %and3A_288 = vector.broadcast %and3A_287 : i32 to vector<16xi32>
        %and3A_289 = arith.andi %get3A_151, %and3A_288 : vector<16xi32>
        %shift_right_arithmetic3A_290 = arith.constant 14 : i32
        %shift_right_arithmetic3A_291 = vector.broadcast %shift_right_arithmetic3A_290 : i32 to vector<16xi32>
        %shift_right_arithmetic3A_292 = arith.shrsi %get3A_151, %shift_right_arithmetic3A_291 : vector<16xi32>
        tpu.vector_store_idx %arg16[%and3A_289], %iota3A : memref<10000xi32, #tpu.memory_space<vmem>>[vector<16xi32>], vector<16xi32>,
        %gather3A_293 = tpu.vector_load_idx %arg5[%shift_right_arithmetic3A_292] : memref<10000xf32, #tpu.memory_space<vmem>>[vector<16xi32>], vector<16xf32>,
        %gather3A_294 = tpu.vector_load_idx %arg6[%shift_right_arithmetic3A_292] : memref<10000xf32, #tpu.memory_space<vmem>>[vector<16xi32>], vector<16xf32>,
        %gather3A_295 = tpu.vector_load_idx %arg7[%shift_right_arithmetic3A_292] : memref<10000xf32, #tpu.memory_space<vmem>>[vector<16xi32>], vector<16xf32>,
        %gather3A_296 = tpu.vector_load_idx %arg8[%shift_right_arithmetic3A_292] : memref<10000xf32, #tpu.memory_space<vmem>>[vector<16xi32>], vector<16xf32>,
        %gather3A_297 = tpu.vector_load_idx %arg16[%and3A_289] : memref<10000xi32, #tpu.memory_space<vmem>>[vector<16xi32>], vector<16xi32>,
        %eq3A_298 = arith.cmpi eq, %gather3A_297, %iota3A : vector<16xi32>
        %not3A_299 = arith.constant dense<true> : vector<16xi1>
        %not3A_300 = arith.xori %eq3A_298, %not3A_299 : vector<16xi1>
        tpu.vector_store_idx %arg16[%and3A_289], %iota3A masked %not3A_300 : memref<10000xi32, #tpu.memory_space<vmem>>[vector<16xi32>], vector<16xi32>, vector<16xi1>
        %gather3A_301 = tpu.vector_load_idx %arg9[%and3A_289] : memref<10000xf32, #tpu.memory_space<vmem>>[vector<16xi32>], vector<16xf32>,
        %gather3A_302 = tpu.vector_load_idx %arg10[%and3A_289] : memref<10000xf32, #tpu.memory_space<vmem>>[vector<16xi32>], vector<16xf32>,
        %gather3A_303 = tpu.vector_load_idx %arg11[%and3A_289] : memref<10000xf32, #tpu.memory_space<vmem>>[vector<16xi32>], vector<16xf32>,
        %gather3A_304 = tpu.vector_load_idx %arg12[%and3A_289] : memref<10000xf32, #tpu.memory_space<vmem>>[vector<16xi32>], vector<16xf32>,
        %gather3A_305 = tpu.vector_load_idx %arg16[%and3A_289] : memref<10000xi32, #tpu.memory_space<vmem>>[vector<16xi32>], vector<16xi32>,
        %eq3A_306 = arith.cmpi eq, %gather3A_305, %iota3A : vector<16xi32>
        %max3A_307 = arith.maximumf %gather3A_301, %gather3A_293 : vector<16xf32>
        %max3A_308 = arith.maximumf %gather3A_302, %gather3A_294 : vector<16xf32>
        %max3A_309 = arith.maximumf %gather3A_303, %gather3A_295 : vector<16xf32>
        %max3A_310 = arith.maximumf %gather3A_304, %gather3A_296 : vector<16xf32>
        %reshape3A_311 = vector.shape_cast %gather3A_297 : vector<16xi32> to vector<16x1xi32>
        %gather3A_312 = vector.shape_cast %reshape3A_311 : vector<16x1xi32> to vector<16xi32>
        %gather3A_313 = tpu.dynamic_gather %gather3A_293[%gather3A_312] in [0] : vector<16xf32>, vector<16xi32> -> vector<16xf32>
        %reshape3A_314 = vector.shape_cast %gather3A_297 : vector<16xi32> to vector<16x1xi32>
        %gather3A_315 = vector.shape_cast %reshape3A_314 : vector<16x1xi32> to vector<16xi32>
        %gather3A_316 = tpu.dynamic_gather %gather3A_294[%gather3A_315] in [0] : vector<16xf32>, vector<16xi32> -> vector<16xf32>
        %reshape3A_317 = vector.shape_cast %gather3A_297 : vector<16xi32> to vector<16x1xi32>
        %gather3A_318 = vector.shape_cast %reshape3A_317 : vector<16x1xi32> to vector<16xi32>
        %gather3A_319 = tpu.dynamic_gather %gather3A_295[%gather3A_318] in [0] : vector<16xf32>, vector<16xi32> -> vector<16xf32>
        %reshape3A_320 = vector.shape_cast %gather3A_297 : vector<16xi32> to vector<16x1xi32>
        %gather3A_321 = vector.shape_cast %reshape3A_320 : vector<16x1xi32> to vector<16xi32>
        %gather3A_322 = tpu.dynamic_gather %gather3A_296[%gather3A_321] in [0] : vector<16xf32>, vector<16xi32> -> vector<16xf32>
        %max3A_323 = arith.maximumf %max3A_307, %gather3A_313 : vector<16xf32>
        %select_n3A_324 = arith.select %eq3A_298, %max3A_307, %max3A_323 : vector<16xi1>, vector<16xf32>
        tpu.vector_store_idx %arg9[%and3A_289], %select_n3A_324 masked %eq3A_306 : memref<10000xf32, #tpu.memory_space<vmem>>[vector<16xi32>], vector<16xf32>, vector<16xi1>
        %max3A_325 = arith.maximumf %max3A_308, %gather3A_316 : vector<16xf32>
        %select_n3A_326 = arith.select %eq3A_298, %max3A_308, %max3A_325 : vector<16xi1>, vector<16xf32>
        tpu.vector_store_idx %arg10[%and3A_289], %select_n3A_326 masked %eq3A_306 : memref<10000xf32, #tpu.memory_space<vmem>>[vector<16xi32>], vector<16xf32>, vector<16xi1>
        %max3A_327 = arith.maximumf %max3A_309, %gather3A_319 : vector<16xf32>
        %select_n3A_328 = arith.select %eq3A_298, %max3A_309, %max3A_327 : vector<16xi1>, vector<16xf32>
        tpu.vector_store_idx %arg11[%and3A_289], %select_n3A_328 masked %eq3A_306 : memref<10000xf32, #tpu.memory_space<vmem>>[vector<16xi32>], vector<16xf32>, vector<16xi1>
        %max3A_329 = arith.maximumf %max3A_310, %gather3A_322 : vector<16xf32>
        %select_n3A_330 = arith.select %eq3A_298, %max3A_310, %max3A_329 : vector<16xi1>, vector<16xf32>
        tpu.vector_store_idx %arg12[%and3A_289], %select_n3A_330 masked %eq3A_306 : memref<10000xf32, #tpu.memory_space<vmem>>[vector<16xi32>], vector<16xf32>, vector<16xi1>
        %not3A_331 = arith.constant dense<true> : vector<16xi1>
        %not3A_332 = arith.xori %eq3A_306, %not3A_331 : vector<16xi1>
        %and3A_333 = arith.andi %not3A_300, %not3A_332 : vector<16xi1>
        %or3A_334 = arith.ori %or3A_286, %and3A_333 : vector<16xi1>
        scf.yield %or3A_334 : vector<16xi1>
      }
      %scan3A_65 = arith.constant 125 : i32
      %reduce_or3A = arith.constant 1.000000e+00 : f32
      %reduce_or3A_66 = arith.constant 0.000000e+00 : f32
      %reduce_or3A_67 = vector.broadcast %reduce_or3A : f32 to vector<16xf32>
      %reduce_or3A_68 = vector.broadcast %reduce_or3A_66 : f32 to vector<16xf32>
      %reduce_or3A_69 = arith.select %scan3A_64, %reduce_or3A_67, %reduce_or3A_68 : vector<16xi1>, vector<16xf32>
      %reduce_or3A_70 = arith.constant true
      %reduce_or3A_71 = vector.broadcast %reduce_or3A_70 : i1 to vector<16xi1>
      %reduce_or3A_72 = tpu.scan <max>, %reduce_or3A_69 masked %reduce_or3A_71 : vector<16xf32>, vector<16xi1> -> vector<16xf32>
      %reduce_or3A_73 = vector.extract %reduce_or3A_72[15] : f32 from vector<16xf32>
      %reduce_or3A_74 = arith.constant 0.000000e+00 : f32
      %reduce_or3A_75 = arith.cmpf ogt, %reduce_or3A_73, %reduce_or3A_74 : f32
      %convert_element_type3A_76 = arith.extui %reduce_or3A_75 : i1 to i32
      %cond3A_77 = arith.constant 0 : i32
      %cond3A_78 = arith.cmpi ne, %convert_element_type3A_76, %cond3A_77 : i32
      scf.if %cond3A_78 {
        %scan3A_119 = arith.constant 0 : i32
        %scan3A_120 = arith.constant 0 : i32
        %scan3A_121 = arith.constant 500 : i32
        %scan3A_122 = arith.addi %scan3A_120, %scan3A_121 : i32
        %scan3A_123 = arith.constant 1 : i32
        scf.for %scan3A_125 = %scan3A_120 to %scan3A_122 step %scan3A_123  : i32 {
          %mul3A_126 = arith.constant 16 : i32
          %mul3A_127 = arith.muli %scan3A_125, %mul3A_126 : i32
          %get3A = arith.index_cast %mul3A_127 : i32 to index
          %get3A_128 = tpu.vector_load %arg13[%get3A] {strides = array<i32>} : memref<8000xi32, #tpu.memory_space<vmem>>, vector<16xi32>,
          %and3A = arith.constant 16383 : i32
          %and3A_129 = vector.broadcast %and3A : i32 to vector<16xi32>
          %and3A_130 = arith.andi %get3A_128, %and3A_129 : vector<16xi32>
          %shift_right_arithmetic3A = arith.constant 14 : i32
          %shift_right_arithmetic3A_131 = vector.broadcast %shift_right_arithmetic3A : i32 to vector<16xi32>
          %shift_right_arithmetic3A_132 = arith.shrsi %get3A_128, %shift_right_arithmetic3A_131 : vector<16xi32>
          %gather3A = tpu.vector_load_idx %arg5[%shift_right_arithmetic3A_132] : memref<10000xf32, #tpu.memory_space<vmem>>[vector<16xi32>], vector<16xf32>,
          %gather3A_133 = tpu.vector_load_idx %arg6[%shift_right_arithmetic3A_132] : memref<10000xf32, #tpu.memory_space<vmem>>[vector<16xi32>], vector<16xf32>,
          %gather3A_134 = tpu.vector_load_idx %arg7[%shift_right_arithmetic3A_132] : memref<10000xf32, #tpu.memory_space<vmem>>[vector<16xi32>], vector<16xf32>,
          %gather3A_135 = tpu.vector_load_idx %arg8[%shift_right_arithmetic3A_132] : memref<10000xf32, #tpu.memory_space<vmem>>[vector<16xi32>], vector<16xf32>,
          %while3A = scf.while (%while3A_136 = %broadcast_in_dim3A_23) : (vector<16xi1>) -> vector<16xi1> {
            %reduce_or3A_137 = arith.constant 1.000000e+00 : f32
            %reduce_or3A_138 = arith.constant 0.000000e+00 : f32
            %reduce_or3A_139 = vector.broadcast %reduce_or3A_137 : f32 to vector<16xf32>
            %reduce_or3A_140 = vector.broadcast %reduce_or3A_138 : f32 to vector<16xf32>
            %reduce_or3A_141 = arith.select %while3A_136, %reduce_or3A_139, %reduce_or3A_140 : vector<16xi1>, vector<16xf32>
            %reduce_or3A_142 = arith.constant true
            %reduce_or3A_143 = vector.broadcast %reduce_or3A_142 : i1 to vector<16xi1>
            %reduce_or3A_144 = tpu.scan <max>, %reduce_or3A_141 masked %reduce_or3A_143 : vector<16xf32>, vector<16xi1> -> vector<16xf32>
            %reduce_or3A_145 = vector.extract %reduce_or3A_144[15] : f32 from vector<16xf32>
            %reduce_or3A_146 = arith.constant 0.000000e+00 : f32
            %reduce_or3A_147 = arith.cmpf ogt, %reduce_or3A_145, %reduce_or3A_146 : f32
            scf.condition(%reduce_or3A_147) %while3A_136 : vector<16xi1>
          } do {
          ^bb0(%while3A_136: vector<16xi1>):
            tpu.vector_store_idx %arg15[%and3A_130], %iota3A masked %while3A_136 : memref<10000xi32, #tpu.memory_space<vmem>>[vector<16xi32>], vector<16xi32>, vector<16xi1>
            %gather3A_137 = tpu.vector_load_idx %arg15[%and3A_130] masked %while3A_136 : memref<10000xi32, #tpu.memory_space<vmem>>[vector<16xi32>], vector<16xi32>, vector<16xi1>
            %eq3A = arith.cmpi eq, %gather3A_137, %iota3A : vector<16xi32>
            %and3A_138 = arith.andi %eq3A, %while3A_136 : vector<16xi1>
            %gather3A_139 = tpu.vector_load_idx %arg9[%and3A_130] masked %and3A_138 : memref<10000xf32, #tpu.memory_space<vmem>>[vector<16xi32>], vector<16xf32>, vector<16xi1>
            %max3A = arith.maximumf %gather3A_139, %gather3A : vector<16xf32>
            tpu.vector_store_idx %arg9[%and3A_130], %max3A masked %and3A_138 : memref<10000xf32, #tpu.memory_space<vmem>>[vector<16xi32>], vector<16xf32>, vector<16xi1>
            %gather3A_140 = tpu.vector_load_idx %arg10[%and3A_130] masked %and3A_138 : memref<10000xf32, #tpu.memory_space<vmem>>[vector<16xi32>], vector<16xf32>, vector<16xi1>
            %max3A_141 = arith.maximumf %gather3A_140, %gather3A_133 : vector<16xf32>
            tpu.vector_store_idx %arg10[%and3A_130], %max3A_141 masked %and3A_138 : memref<10000xf32, #tpu.memory_space<vmem>>[vector<16xi32>], vector<16xf32>, vector<16xi1>
            %gather3A_142 = tpu.vector_load_idx %arg11[%and3A_130] masked %and3A_138 : memref<10000xf32, #tpu.memory_space<vmem>>[vector<16xi32>], vector<16xf32>, vector<16xi1>
            %max3A_143 = arith.maximumf %gather3A_142, %gather3A_134 : vector<16xf32>
            tpu.vector_store_idx %arg11[%and3A_130], %max3A_143 masked %and3A_138 : memref<10000xf32, #tpu.memory_space<vmem>>[vector<16xi32>], vector<16xf32>, vector<16xi1>
            %gather3A_144 = tpu.vector_load_idx %arg12[%and3A_130] masked %and3A_138 : memref<10000xf32, #tpu.memory_space<vmem>>[vector<16xi32>], vector<16xf32>, vector<16xi1>
            %max3A_145 = arith.maximumf %gather3A_144, %gather3A_135 : vector<16xf32>
            tpu.vector_store_idx %arg12[%and3A_130], %max3A_145 masked %and3A_138 : memref<10000xf32, #tpu.memory_space<vmem>>[vector<16xi32>], vector<16xf32>, vector<16xi1>
            %not3A = arith.constant dense<true> : vector<16xi1>
            %not3A_146 = arith.xori %and3A_138, %not3A : vector<16xi1>
            %and3A_147 = arith.andi %while3A_136, %not3A_146 : vector<16xi1>
            scf.yield %and3A_147 : vector<16xi1>
          }
        }
        %scan3A_124 = arith.constant 500 : i32
      } else {
      }
      %mul3A_79 = arith.constant 2 : i32
      %mul3A_80 = arith.muli %scan3A_43, %mul3A_79 : i32
      %add3A_81 = arith.constant 1 : i32
      %add3A_82 = arith.addi %mul3A_80, %add3A_81 : i32
      %mul3A_83 = arith.constant 160000 : i32
      %mul3A_84 = arith.muli %arg0, %mul3A_83 : i32
      %mul3A_85 = arith.constant 8000 : i32
      %mul3A_86 = arith.muli %add3A_82, %mul3A_85 : i32
      %add3A_87 = arith.addi %mul3A_84, %mul3A_86 : i32
      %dma_wait3A_88 = tpu.memref_slice %arg3[%add3A_87] : memref<320000xi32, #tpu.memory_space<hbm>> -> memref<8000xi32, #tpu.memory_space<hbm>>
      %dma_wait3A_89 = tpu.memref_slice %arg3[%add3A_87] : memref<320000xi32, #tpu.memory_space<hbm>> -> memref<8000xi32, #tpu.memory_space<hbm>>
      tpu.wait_dma2 semaphore(%arg18 : memref<!tpu.dma_semaphore, #tpu.memory_space<semaphore_mem>>) src(%dma_wait3A_89 : memref<8000xi32, #tpu.memory_space<hbm>>) dst(%arg14 : memref<8000xi32, #tpu.memory_space<vmem>>)
      %add3A_90 = arith.constant 1 : i32
      %add3A_91 = arith.addi %add3A_82, %add3A_90 : i32
      %lt3A_92 = arith.constant 20 : i32
      %lt3A_93 = arith.cmpi slt, %add3A_91, %lt3A_92 : i32
      %convert_element_type3A_94 = arith.extui %lt3A_93 : i1 to i32
      %cond3A_95 = arith.constant 0 : i32
      %cond3A_96 = arith.cmpi ne, %convert_element_type3A_94, %cond3A_95 : i32
      scf.if %cond3A_96 {
        %add3A_119 = arith.constant 1 : i32
        %add3A_120 = arith.addi %add3A_82, %add3A_119 : i32
        %mul3A_121 = arith.constant 160000 : i32
        %mul3A_122 = arith.muli %arg0, %mul3A_121 : i32
        %mul3A_123 = arith.constant 8000 : i32
        %mul3A_124 = arith.muli %add3A_120, %mul3A_123 : i32
        %add3A_125 = arith.addi %mul3A_122, %mul3A_124 : i32
        %dma_start3A_126 = tpu.memref_slice %arg3[%add3A_125] : memref<320000xi32, #tpu.memory_space<hbm>> -> memref<8000xi32, #tpu.memory_space<hbm>>
        %dma_start3A_127 = tpu.memref_slice %arg3[%add3A_125] : memref<320000xi32, #tpu.memory_space<hbm>> -> memref<8000xi32, #tpu.memory_space<hbm>>
        tpu.enqueue_dma source(%dma_start3A_127 : memref<8000xi32, #tpu.memory_space<hbm>>) target(%arg13 : memref<8000xi32, #tpu.memory_space<vmem>>) target_semaphore(%arg17 : memref<!tpu.dma_semaphore, #tpu.memory_space<semaphore_mem>>)
      } else {
      }
      %broadcast_in_dim3A_97 = arith.constant false
      %broadcast_in_dim3A_98 = vector.broadcast %broadcast_in_dim3A_97 : i1 to vector<16xi1>
      %scan3A_99 = arith.constant 0 : i32
      %scan3A_100 = arith.constant 125 : i32
      %scan3A_101 = arith.addi %scan3A_99, %scan3A_100 : i32
      %scan3A_102 = arith.constant 1 : i32
      %scan3A_103 = scf.for %scan3A_119 = %scan3A_99 to %scan3A_101 step %scan3A_102 iter_args(%scan3A_120 = %broadcast_in_dim3A_98) -> (vector<16xi1>)  : i32 {
        %mul3A_121 = arith.constant 4 : i32
        %mul3A_122 = arith.muli %mul3A_121, %scan3A_119 : i32
        %add3A_123 = arith.constant 0 : i32
        %add3A_124 = arith.addi %mul3A_122, %add3A_123 : i32
        %mul3A_125 = arith.constant 16 : i32
        %mul3A_126 = arith.muli %add3A_124, %mul3A_125 : i32
        %get3A = arith.index_cast %mul3A_126 : i32 to index
        %get3A_127 = tpu.vector_load %arg14[%get3A] {strides = array<i32>} : memref<8000xi32, #tpu.memory_space<vmem>>, vector<16xi32>,
        %mul3A_128 = arith.constant 4 : i32
        %mul3A_129 = arith.muli %mul3A_128, %scan3A_119 : i32
        %add3A_130 = arith.constant 1 : i32
        %add3A_131 = arith.addi %mul3A_129, %add3A_130 : i32
        %mul3A_132 = arith.constant 16 : i32
        %mul3A_133 = arith.muli %add3A_131, %mul3A_132 : i32
        %get3A_134 = arith.index_cast %mul3A_133 : i32 to index
        %get3A_135 = tpu.vector_load %arg14[%get3A_134] {strides = array<i32>} : memref<8000xi32, #tpu.memory_space<vmem>>, vector<16xi32>,
        %mul3A_136 = arith.constant 4 : i32
        %mul3A_137 = arith.muli %mul3A_136, %scan3A_119 : i32
        %add3A_138 = arith.constant 2 : i32
        %add3A_139 = arith.addi %mul3A_137, %add3A_138 : i32
        %mul3A_140 = arith.constant 16 : i32
        %mul3A_141 = arith.muli %add3A_139, %mul3A_140 : i32
        %get3A_142 = arith.index_cast %mul3A_141 : i32 to index
        %get3A_143 = tpu.vector_load %arg14[%get3A_142] {strides = array<i32>} : memref<8000xi32, #tpu.memory_space<vmem>>, vector<16xi32>,
        %mul3A_144 = arith.constant 4 : i32
        %mul3A_145 = arith.muli %mul3A_144, %scan3A_119 : i32
        %add3A_146 = arith.constant 3 : i32
        %add3A_147 = arith.addi %mul3A_145, %add3A_146 : i32
        %mul3A_148 = arith.constant 16 : i32
        %mul3A_149 = arith.muli %add3A_147, %mul3A_148 : i32
        %get3A_150 = arith.index_cast %mul3A_149 : i32 to index
        %get3A_151 = tpu.vector_load %arg14[%get3A_150] {strides = array<i32>} : memref<8000xi32, #tpu.memory_space<vmem>>, vector<16xi32>,
        %and3A = arith.constant 16383 : i32
        %and3A_152 = vector.broadcast %and3A : i32 to vector<16xi32>
        %and3A_153 = arith.andi %get3A_127, %and3A_152 : vector<16xi32>
        %shift_right_arithmetic3A = arith.constant 14 : i32
        %shift_right_arithmetic3A_154 = vector.broadcast %shift_right_arithmetic3A : i32 to vector<16xi32>
        %shift_right_arithmetic3A_155 = arith.shrsi %get3A_127, %shift_right_arithmetic3A_154 : vector<16xi32>
        tpu.vector_store_idx %arg15[%and3A_153], %iota3A : memref<10000xi32, #tpu.memory_space<vmem>>[vector<16xi32>], vector<16xi32>,
        %gather3A = tpu.vector_load_idx %arg5[%shift_right_arithmetic3A_155] : memref<10000xf32, #tpu.memory_space<vmem>>[vector<16xi32>], vector<16xf32>,
        %gather3A_156 = tpu.vector_load_idx %arg6[%shift_right_arithmetic3A_155] : memref<10000xf32, #tpu.memory_space<vmem>>[vector<16xi32>], vector<16xf32>,
        %gather3A_157 = tpu.vector_load_idx %arg7[%shift_right_arithmetic3A_155] : memref<10000xf32, #tpu.memory_space<vmem>>[vector<16xi32>], vector<16xf32>,
        %gather3A_158 = tpu.vector_load_idx %arg8[%shift_right_arithmetic3A_155] : memref<10000xf32, #tpu.memory_space<vmem>>[vector<16xi32>], vector<16xf32>,
        %gather3A_159 = tpu.vector_load_idx %arg15[%and3A_153] : memref<10000xi32, #tpu.memory_space<vmem>>[vector<16xi32>], vector<16xi32>,
        %eq3A = arith.cmpi eq, %gather3A_159, %iota3A : vector<16xi32>
        %not3A = arith.constant dense<true> : vector<16xi1>
        %not3A_160 = arith.xori %eq3A, %not3A : vector<16xi1>
        tpu.vector_store_idx %arg15[%and3A_153], %iota3A masked %not3A_160 : memref<10000xi32, #tpu.memory_space<vmem>>[vector<16xi32>], vector<16xi32>, vector<16xi1>
        %gather3A_161 = tpu.vector_load_idx %arg9[%and3A_153] : memref<10000xf32, #tpu.memory_space<vmem>>[vector<16xi32>], vector<16xf32>,
        %gather3A_162 = tpu.vector_load_idx %arg10[%and3A_153] : memref<10000xf32, #tpu.memory_space<vmem>>[vector<16xi32>], vector<16xf32>,
        %gather3A_163 = tpu.vector_load_idx %arg11[%and3A_153] : memref<10000xf32, #tpu.memory_space<vmem>>[vector<16xi32>], vector<16xf32>,
        %gather3A_164 = tpu.vector_load_idx %arg12[%and3A_153] : memref<10000xf32, #tpu.memory_space<vmem>>[vector<16xi32>], vector<16xf32>,
        %gather3A_165 = tpu.vector_load_idx %arg15[%and3A_153] : memref<10000xi32, #tpu.memory_space<vmem>>[vector<16xi32>], vector<16xi32>,
        %eq3A_166 = arith.cmpi eq, %gather3A_165, %iota3A : vector<16xi32>
        %max3A = arith.maximumf %gather3A_161, %gather3A : vector<16xf32>
        %max3A_167 = arith.maximumf %gather3A_162, %gather3A_156 : vector<16xf32>
        %max3A_168 = arith.maximumf %gather3A_163, %gather3A_157 : vector<16xf32>
        %max3A_169 = arith.maximumf %gather3A_164, %gather3A_158 : vector<16xf32>
        %reshape3A = vector.shape_cast %gather3A_159 : vector<16xi32> to vector<16x1xi32>
        %gather3A_170 = vector.shape_cast %reshape3A : vector<16x1xi32> to vector<16xi32>
        %gather3A_171 = tpu.dynamic_gather %gather3A[%gather3A_170] in [0] : vector<16xf32>, vector<16xi32> -> vector<16xf32>
        %reshape3A_172 = vector.shape_cast %gather3A_159 : vector<16xi32> to vector<16x1xi32>
        %gather3A_173 = vector.shape_cast %reshape3A_172 : vector<16x1xi32> to vector<16xi32>
        %gather3A_174 = tpu.dynamic_gather %gather3A_156[%gather3A_173] in [0] : vector<16xf32>, vector<16xi32> -> vector<16xf32>
        %reshape3A_175 = vector.shape_cast %gather3A_159 : vector<16xi32> to vector<16x1xi32>
        %gather3A_176 = vector.shape_cast %reshape3A_175 : vector<16x1xi32> to vector<16xi32>
        %gather3A_177 = tpu.dynamic_gather %gather3A_157[%gather3A_176] in [0] : vector<16xf32>, vector<16xi32> -> vector<16xf32>
        %reshape3A_178 = vector.shape_cast %gather3A_159 : vector<16xi32> to vector<16x1xi32>
        %gather3A_179 = vector.shape_cast %reshape3A_178 : vector<16x1xi32> to vector<16xi32>
        %gather3A_180 = tpu.dynamic_gather %gather3A_158[%gather3A_179] in [0] : vector<16xf32>, vector<16xi32> -> vector<16xf32>
        %max3A_181 = arith.maximumf %max3A, %gather3A_171 : vector<16xf32>
        %select_n3A = arith.select %eq3A, %max3A, %max3A_181 : vector<16xi1>, vector<16xf32>
        tpu.vector_store_idx %arg9[%and3A_153], %select_n3A masked %eq3A_166 : memref<10000xf32, #tpu.memory_space<vmem>>[vector<16xi32>], vector<16xf32>, vector<16xi1>
        %max3A_182 = arith.maximumf %max3A_167, %gather3A_174 : vector<16xf32>
        %select_n3A_183 = arith.select %eq3A, %max3A_167, %max3A_182 : vector<16xi1>, vector<16xf32>
        tpu.vector_store_idx %arg10[%and3A_153], %select_n3A_183 masked %eq3A_166 : memref<10000xf32, #tpu.memory_space<vmem>>[vector<16xi32>], vector<16xf32>, vector<16xi1>
        %max3A_184 = arith.maximumf %max3A_168, %gather3A_177 : vector<16xf32>
        %select_n3A_185 = arith.select %eq3A, %max3A_168, %max3A_184 : vector<16xi1>, vector<16xf32>
        tpu.vector_store_idx %arg11[%and3A_153], %select_n3A_185 masked %eq3A_166 : memref<10000xf32, #tpu.memory_space<vmem>>[vector<16xi32>], vector<16xf32>, vector<16xi1>
        %max3A_186 = arith.maximumf %max3A_169, %gather3A_180 : vector<16xf32>
        %select_n3A_187 = arith.select %eq3A, %max3A_169, %max3A_186 : vector<16xi1>, vector<16xf32>
        tpu.vector_store_idx %arg12[%and3A_153], %select_n3A_187 masked %eq3A_166 : memref<10000xf32, #tpu.memory_space<vmem>>[vector<16xi32>], vector<16xf32>, vector<16xi1>
        %not3A_188 = arith.constant dense<true> : vector<16xi1>
        %not3A_189 = arith.xori %eq3A_166, %not3A_188 : vector<16xi1>
        %and3A_190 = arith.andi %not3A_160, %not3A_189 : vector<16xi1>
        %or3A = arith.ori %scan3A_120, %and3A_190 : vector<16xi1>
        %and3A_191 = arith.constant 16383 : i32
        %and3A_192 = vector.broadcast %and3A_191 : i32 to vector<16xi32>
        %and3A_193 = arith.andi %get3A_135, %and3A_192 : vector<16xi32>
        %shift_right_arithmetic3A_194 = arith.constant 14 : i32
        %shift_right_arithmetic3A_195 = vector.broadcast %shift_right_arithmetic3A_194 : i32 to vector<16xi32>
        %shift_right_arithmetic3A_196 = arith.shrsi %get3A_135, %shift_right_arithmetic3A_195 : vector<16xi32>
        tpu.vector_store_idx %arg16[%and3A_193], %iota3A : memref<10000xi32, #tpu.memory_space<vmem>>[vector<16xi32>], vector<16xi32>,
        %gather3A_197 = tpu.vector_load_idx %arg5[%shift_right_arithmetic3A_196] : memref<10000xf32, #tpu.memory_space<vmem>>[vector<16xi32>], vector<16xf32>,
        %gather3A_198 = tpu.vector_load_idx %arg6[%shift_right_arithmetic3A_196] : memref<10000xf32, #tpu.memory_space<vmem>>[vector<16xi32>], vector<16xf32>,
        %gather3A_199 = tpu.vector_load_idx %arg7[%shift_right_arithmetic3A_196] : memref<10000xf32, #tpu.memory_space<vmem>>[vector<16xi32>], vector<16xf32>,
        %gather3A_200 = tpu.vector_load_idx %arg8[%shift_right_arithmetic3A_196] : memref<10000xf32, #tpu.memory_space<vmem>>[vector<16xi32>], vector<16xf32>,
        %gather3A_201 = tpu.vector_load_idx %arg16[%and3A_193] : memref<10000xi32, #tpu.memory_space<vmem>>[vector<16xi32>], vector<16xi32>,
        %eq3A_202 = arith.cmpi eq, %gather3A_201, %iota3A : vector<16xi32>
        %not3A_203 = arith.constant dense<true> : vector<16xi1>
        %not3A_204 = arith.xori %eq3A_202, %not3A_203 : vector<16xi1>
        tpu.vector_store_idx %arg16[%and3A_193], %iota3A masked %not3A_204 : memref<10000xi32, #tpu.memory_space<vmem>>[vector<16xi32>], vector<16xi32>, vector<16xi1>
        %gather3A_205 = tpu.vector_load_idx %arg9[%and3A_193] : memref<10000xf32, #tpu.memory_space<vmem>>[vector<16xi32>], vector<16xf32>,
        %gather3A_206 = tpu.vector_load_idx %arg10[%and3A_193] : memref<10000xf32, #tpu.memory_space<vmem>>[vector<16xi32>], vector<16xf32>,
        %gather3A_207 = tpu.vector_load_idx %arg11[%and3A_193] : memref<10000xf32, #tpu.memory_space<vmem>>[vector<16xi32>], vector<16xf32>,
        %gather3A_208 = tpu.vector_load_idx %arg12[%and3A_193] : memref<10000xf32, #tpu.memory_space<vmem>>[vector<16xi32>], vector<16xf32>,
        %gather3A_209 = tpu.vector_load_idx %arg16[%and3A_193] : memref<10000xi32, #tpu.memory_space<vmem>>[vector<16xi32>], vector<16xi32>,
        %eq3A_210 = arith.cmpi eq, %gather3A_209, %iota3A : vector<16xi32>
        %max3A_211 = arith.maximumf %gather3A_205, %gather3A_197 : vector<16xf32>
        %max3A_212 = arith.maximumf %gather3A_206, %gather3A_198 : vector<16xf32>
        %max3A_213 = arith.maximumf %gather3A_207, %gather3A_199 : vector<16xf32>
        %max3A_214 = arith.maximumf %gather3A_208, %gather3A_200 : vector<16xf32>
        %reshape3A_215 = vector.shape_cast %gather3A_201 : vector<16xi32> to vector<16x1xi32>
        %gather3A_216 = vector.shape_cast %reshape3A_215 : vector<16x1xi32> to vector<16xi32>
        %gather3A_217 = tpu.dynamic_gather %gather3A_197[%gather3A_216] in [0] : vector<16xf32>, vector<16xi32> -> vector<16xf32>
        %reshape3A_218 = vector.shape_cast %gather3A_201 : vector<16xi32> to vector<16x1xi32>
        %gather3A_219 = vector.shape_cast %reshape3A_218 : vector<16x1xi32> to vector<16xi32>
        %gather3A_220 = tpu.dynamic_gather %gather3A_198[%gather3A_219] in [0] : vector<16xf32>, vector<16xi32> -> vector<16xf32>
        %reshape3A_221 = vector.shape_cast %gather3A_201 : vector<16xi32> to vector<16x1xi32>
        %gather3A_222 = vector.shape_cast %reshape3A_221 : vector<16x1xi32> to vector<16xi32>
        %gather3A_223 = tpu.dynamic_gather %gather3A_199[%gather3A_222] in [0] : vector<16xf32>, vector<16xi32> -> vector<16xf32>
        %reshape3A_224 = vector.shape_cast %gather3A_201 : vector<16xi32> to vector<16x1xi32>
        %gather3A_225 = vector.shape_cast %reshape3A_224 : vector<16x1xi32> to vector<16xi32>
        %gather3A_226 = tpu.dynamic_gather %gather3A_200[%gather3A_225] in [0] : vector<16xf32>, vector<16xi32> -> vector<16xf32>
        %max3A_227 = arith.maximumf %max3A_211, %gather3A_217 : vector<16xf32>
        %select_n3A_228 = arith.select %eq3A_202, %max3A_211, %max3A_227 : vector<16xi1>, vector<16xf32>
        tpu.vector_store_idx %arg9[%and3A_193], %select_n3A_228 masked %eq3A_210 : memref<10000xf32, #tpu.memory_space<vmem>>[vector<16xi32>], vector<16xf32>, vector<16xi1>
        %max3A_229 = arith.maximumf %max3A_212, %gather3A_220 : vector<16xf32>
        %select_n3A_230 = arith.select %eq3A_202, %max3A_212, %max3A_229 : vector<16xi1>, vector<16xf32>
        tpu.vector_store_idx %arg10[%and3A_193], %select_n3A_230 masked %eq3A_210 : memref<10000xf32, #tpu.memory_space<vmem>>[vector<16xi32>], vector<16xf32>, vector<16xi1>
        %max3A_231 = arith.maximumf %max3A_213, %gather3A_223 : vector<16xf32>
        %select_n3A_232 = arith.select %eq3A_202, %max3A_213, %max3A_231 : vector<16xi1>, vector<16xf32>
        tpu.vector_store_idx %arg11[%and3A_193], %select_n3A_232 masked %eq3A_210 : memref<10000xf32, #tpu.memory_space<vmem>>[vector<16xi32>], vector<16xf32>, vector<16xi1>
        %max3A_233 = arith.maximumf %max3A_214, %gather3A_226 : vector<16xf32>
        %select_n3A_234 = arith.select %eq3A_202, %max3A_214, %max3A_233 : vector<16xi1>, vector<16xf32>
        tpu.vector_store_idx %arg12[%and3A_193], %select_n3A_234 masked %eq3A_210 : memref<10000xf32, #tpu.memory_space<vmem>>[vector<16xi32>], vector<16xf32>, vector<16xi1>
        %not3A_235 = arith.constant dense<true> : vector<16xi1>
        %not3A_236 = arith.xori %eq3A_210, %not3A_235 : vector<16xi1>
        %and3A_237 = arith.andi %not3A_204, %not3A_236 : vector<16xi1>
        %or3A_238 = arith.ori %or3A, %and3A_237 : vector<16xi1>
        %and3A_239 = arith.constant 16383 : i32
        %and3A_240 = vector.broadcast %and3A_239 : i32 to vector<16xi32>
        %and3A_241 = arith.andi %get3A_143, %and3A_240 : vector<16xi32>
        %shift_right_arithmetic3A_242 = arith.constant 14 : i32
        %shift_right_arithmetic3A_243 = vector.broadcast %shift_right_arithmetic3A_242 : i32 to vector<16xi32>
        %shift_right_arithmetic3A_244 = arith.shrsi %get3A_143, %shift_right_arithmetic3A_243 : vector<16xi32>
        tpu.vector_store_idx %arg15[%and3A_241], %iota3A : memref<10000xi32, #tpu.memory_space<vmem>>[vector<16xi32>], vector<16xi32>,
        %gather3A_245 = tpu.vector_load_idx %arg5[%shift_right_arithmetic3A_244] : memref<10000xf32, #tpu.memory_space<vmem>>[vector<16xi32>], vector<16xf32>,
        %gather3A_246 = tpu.vector_load_idx %arg6[%shift_right_arithmetic3A_244] : memref<10000xf32, #tpu.memory_space<vmem>>[vector<16xi32>], vector<16xf32>,
        %gather3A_247 = tpu.vector_load_idx %arg7[%shift_right_arithmetic3A_244] : memref<10000xf32, #tpu.memory_space<vmem>>[vector<16xi32>], vector<16xf32>,
        %gather3A_248 = tpu.vector_load_idx %arg8[%shift_right_arithmetic3A_244] : memref<10000xf32, #tpu.memory_space<vmem>>[vector<16xi32>], vector<16xf32>,
        %gather3A_249 = tpu.vector_load_idx %arg15[%and3A_241] : memref<10000xi32, #tpu.memory_space<vmem>>[vector<16xi32>], vector<16xi32>,
        %eq3A_250 = arith.cmpi eq, %gather3A_249, %iota3A : vector<16xi32>
        %not3A_251 = arith.constant dense<true> : vector<16xi1>
        %not3A_252 = arith.xori %eq3A_250, %not3A_251 : vector<16xi1>
        tpu.vector_store_idx %arg15[%and3A_241], %iota3A masked %not3A_252 : memref<10000xi32, #tpu.memory_space<vmem>>[vector<16xi32>], vector<16xi32>, vector<16xi1>
        %gather3A_253 = tpu.vector_load_idx %arg9[%and3A_241] : memref<10000xf32, #tpu.memory_space<vmem>>[vector<16xi32>], vector<16xf32>,
        %gather3A_254 = tpu.vector_load_idx %arg10[%and3A_241] : memref<10000xf32, #tpu.memory_space<vmem>>[vector<16xi32>], vector<16xf32>,
        %gather3A_255 = tpu.vector_load_idx %arg11[%and3A_241] : memref<10000xf32, #tpu.memory_space<vmem>>[vector<16xi32>], vector<16xf32>,
        %gather3A_256 = tpu.vector_load_idx %arg12[%and3A_241] : memref<10000xf32, #tpu.memory_space<vmem>>[vector<16xi32>], vector<16xf32>,
        %gather3A_257 = tpu.vector_load_idx %arg15[%and3A_241] : memref<10000xi32, #tpu.memory_space<vmem>>[vector<16xi32>], vector<16xi32>,
        %eq3A_258 = arith.cmpi eq, %gather3A_257, %iota3A : vector<16xi32>
        %max3A_259 = arith.maximumf %gather3A_253, %gather3A_245 : vector<16xf32>
        %max3A_260 = arith.maximumf %gather3A_254, %gather3A_246 : vector<16xf32>
        %max3A_261 = arith.maximumf %gather3A_255, %gather3A_247 : vector<16xf32>
        %max3A_262 = arith.maximumf %gather3A_256, %gather3A_248 : vector<16xf32>
        %reshape3A_263 = vector.shape_cast %gather3A_249 : vector<16xi32> to vector<16x1xi32>
        %gather3A_264 = vector.shape_cast %reshape3A_263 : vector<16x1xi32> to vector<16xi32>
        %gather3A_265 = tpu.dynamic_gather %gather3A_245[%gather3A_264] in [0] : vector<16xf32>, vector<16xi32> -> vector<16xf32>
        %reshape3A_266 = vector.shape_cast %gather3A_249 : vector<16xi32> to vector<16x1xi32>
        %gather3A_267 = vector.shape_cast %reshape3A_266 : vector<16x1xi32> to vector<16xi32>
        %gather3A_268 = tpu.dynamic_gather %gather3A_246[%gather3A_267] in [0] : vector<16xf32>, vector<16xi32> -> vector<16xf32>
        %reshape3A_269 = vector.shape_cast %gather3A_249 : vector<16xi32> to vector<16x1xi32>
        %gather3A_270 = vector.shape_cast %reshape3A_269 : vector<16x1xi32> to vector<16xi32>
        %gather3A_271 = tpu.dynamic_gather %gather3A_247[%gather3A_270] in [0] : vector<16xf32>, vector<16xi32> -> vector<16xf32>
        %reshape3A_272 = vector.shape_cast %gather3A_249 : vector<16xi32> to vector<16x1xi32>
        %gather3A_273 = vector.shape_cast %reshape3A_272 : vector<16x1xi32> to vector<16xi32>
        %gather3A_274 = tpu.dynamic_gather %gather3A_248[%gather3A_273] in [0] : vector<16xf32>, vector<16xi32> -> vector<16xf32>
        %max3A_275 = arith.maximumf %max3A_259, %gather3A_265 : vector<16xf32>
        %select_n3A_276 = arith.select %eq3A_250, %max3A_259, %max3A_275 : vector<16xi1>, vector<16xf32>
        tpu.vector_store_idx %arg9[%and3A_241], %select_n3A_276 masked %eq3A_258 : memref<10000xf32, #tpu.memory_space<vmem>>[vector<16xi32>], vector<16xf32>, vector<16xi1>
        %max3A_277 = arith.maximumf %max3A_260, %gather3A_268 : vector<16xf32>
        %select_n3A_278 = arith.select %eq3A_250, %max3A_260, %max3A_277 : vector<16xi1>, vector<16xf32>
        tpu.vector_store_idx %arg10[%and3A_241], %select_n3A_278 masked %eq3A_258 : memref<10000xf32, #tpu.memory_space<vmem>>[vector<16xi32>], vector<16xf32>, vector<16xi1>
        %max3A_279 = arith.maximumf %max3A_261, %gather3A_271 : vector<16xf32>
        %select_n3A_280 = arith.select %eq3A_250, %max3A_261, %max3A_279 : vector<16xi1>, vector<16xf32>
        tpu.vector_store_idx %arg11[%and3A_241], %select_n3A_280 masked %eq3A_258 : memref<10000xf32, #tpu.memory_space<vmem>>[vector<16xi32>], vector<16xf32>, vector<16xi1>
        %max3A_281 = arith.maximumf %max3A_262, %gather3A_274 : vector<16xf32>
        %select_n3A_282 = arith.select %eq3A_250, %max3A_262, %max3A_281 : vector<16xi1>, vector<16xf32>
        tpu.vector_store_idx %arg12[%and3A_241], %select_n3A_282 masked %eq3A_258 : memref<10000xf32, #tpu.memory_space<vmem>>[vector<16xi32>], vector<16xf32>, vector<16xi1>
        %not3A_283 = arith.constant dense<true> : vector<16xi1>
        %not3A_284 = arith.xori %eq3A_258, %not3A_283 : vector<16xi1>
        %and3A_285 = arith.andi %not3A_252, %not3A_284 : vector<16xi1>
        %or3A_286 = arith.ori %or3A_238, %and3A_285 : vector<16xi1>
        %and3A_287 = arith.constant 16383 : i32
        %and3A_288 = vector.broadcast %and3A_287 : i32 to vector<16xi32>
        %and3A_289 = arith.andi %get3A_151, %and3A_288 : vector<16xi32>
        %shift_right_arithmetic3A_290 = arith.constant 14 : i32
        %shift_right_arithmetic3A_291 = vector.broadcast %shift_right_arithmetic3A_290 : i32 to vector<16xi32>
        %shift_right_arithmetic3A_292 = arith.shrsi %get3A_151, %shift_right_arithmetic3A_291 : vector<16xi32>
        tpu.vector_store_idx %arg16[%and3A_289], %iota3A : memref<10000xi32, #tpu.memory_space<vmem>>[vector<16xi32>], vector<16xi32>,
        %gather3A_293 = tpu.vector_load_idx %arg5[%shift_right_arithmetic3A_292] : memref<10000xf32, #tpu.memory_space<vmem>>[vector<16xi32>], vector<16xf32>,
        %gather3A_294 = tpu.vector_load_idx %arg6[%shift_right_arithmetic3A_292] : memref<10000xf32, #tpu.memory_space<vmem>>[vector<16xi32>], vector<16xf32>,
        %gather3A_295 = tpu.vector_load_idx %arg7[%shift_right_arithmetic3A_292] : memref<10000xf32, #tpu.memory_space<vmem>>[vector<16xi32>], vector<16xf32>,
        %gather3A_296 = tpu.vector_load_idx %arg8[%shift_right_arithmetic3A_292] : memref<10000xf32, #tpu.memory_space<vmem>>[vector<16xi32>], vector<16xf32>,
        %gather3A_297 = tpu.vector_load_idx %arg16[%and3A_289] : memref<10000xi32, #tpu.memory_space<vmem>>[vector<16xi32>], vector<16xi32>,
        %eq3A_298 = arith.cmpi eq, %gather3A_297, %iota3A : vector<16xi32>
        %not3A_299 = arith.constant dense<true> : vector<16xi1>
        %not3A_300 = arith.xori %eq3A_298, %not3A_299 : vector<16xi1>
        tpu.vector_store_idx %arg16[%and3A_289], %iota3A masked %not3A_300 : memref<10000xi32, #tpu.memory_space<vmem>>[vector<16xi32>], vector<16xi32>, vector<16xi1>
        %gather3A_301 = tpu.vector_load_idx %arg9[%and3A_289] : memref<10000xf32, #tpu.memory_space<vmem>>[vector<16xi32>], vector<16xf32>,
        %gather3A_302 = tpu.vector_load_idx %arg10[%and3A_289] : memref<10000xf32, #tpu.memory_space<vmem>>[vector<16xi32>], vector<16xf32>,
        %gather3A_303 = tpu.vector_load_idx %arg11[%and3A_289] : memref<10000xf32, #tpu.memory_space<vmem>>[vector<16xi32>], vector<16xf32>,
        %gather3A_304 = tpu.vector_load_idx %arg12[%and3A_289] : memref<10000xf32, #tpu.memory_space<vmem>>[vector<16xi32>], vector<16xf32>,
        %gather3A_305 = tpu.vector_load_idx %arg16[%and3A_289] : memref<10000xi32, #tpu.memory_space<vmem>>[vector<16xi32>], vector<16xi32>,
        %eq3A_306 = arith.cmpi eq, %gather3A_305, %iota3A : vector<16xi32>
        %max3A_307 = arith.maximumf %gather3A_301, %gather3A_293 : vector<16xf32>
        %max3A_308 = arith.maximumf %gather3A_302, %gather3A_294 : vector<16xf32>
        %max3A_309 = arith.maximumf %gather3A_303, %gather3A_295 : vector<16xf32>
        %max3A_310 = arith.maximumf %gather3A_304, %gather3A_296 : vector<16xf32>
        %reshape3A_311 = vector.shape_cast %gather3A_297 : vector<16xi32> to vector<16x1xi32>
        %gather3A_312 = vector.shape_cast %reshape3A_311 : vector<16x1xi32> to vector<16xi32>
        %gather3A_313 = tpu.dynamic_gather %gather3A_293[%gather3A_312] in [0] : vector<16xf32>, vector<16xi32> -> vector<16xf32>
        %reshape3A_314 = vector.shape_cast %gather3A_297 : vector<16xi32> to vector<16x1xi32>
        %gather3A_315 = vector.shape_cast %reshape3A_314 : vector<16x1xi32> to vector<16xi32>
        %gather3A_316 = tpu.dynamic_gather %gather3A_294[%gather3A_315] in [0] : vector<16xf32>, vector<16xi32> -> vector<16xf32>
        %reshape3A_317 = vector.shape_cast %gather3A_297 : vector<16xi32> to vector<16x1xi32>
        %gather3A_318 = vector.shape_cast %reshape3A_317 : vector<16x1xi32> to vector<16xi32>
        %gather3A_319 = tpu.dynamic_gather %gather3A_295[%gather3A_318] in [0] : vector<16xf32>, vector<16xi32> -> vector<16xf32>
        %reshape3A_320 = vector.shape_cast %gather3A_297 : vector<16xi32> to vector<16x1xi32>
        %gather3A_321 = vector.shape_cast %reshape3A_320 : vector<16x1xi32> to vector<16xi32>
        %gather3A_322 = tpu.dynamic_gather %gather3A_296[%gather3A_321] in [0] : vector<16xf32>, vector<16xi32> -> vector<16xf32>
        %max3A_323 = arith.maximumf %max3A_307, %gather3A_313 : vector<16xf32>
        %select_n3A_324 = arith.select %eq3A_298, %max3A_307, %max3A_323 : vector<16xi1>, vector<16xf32>
        tpu.vector_store_idx %arg9[%and3A_289], %select_n3A_324 masked %eq3A_306 : memref<10000xf32, #tpu.memory_space<vmem>>[vector<16xi32>], vector<16xf32>, vector<16xi1>
        %max3A_325 = arith.maximumf %max3A_308, %gather3A_316 : vector<16xf32>
        %select_n3A_326 = arith.select %eq3A_298, %max3A_308, %max3A_325 : vector<16xi1>, vector<16xf32>
        tpu.vector_store_idx %arg10[%and3A_289], %select_n3A_326 masked %eq3A_306 : memref<10000xf32, #tpu.memory_space<vmem>>[vector<16xi32>], vector<16xf32>, vector<16xi1>
        %max3A_327 = arith.maximumf %max3A_309, %gather3A_319 : vector<16xf32>
        %select_n3A_328 = arith.select %eq3A_298, %max3A_309, %max3A_327 : vector<16xi1>, vector<16xf32>
        tpu.vector_store_idx %arg11[%and3A_289], %select_n3A_328 masked %eq3A_306 : memref<10000xf32, #tpu.memory_space<vmem>>[vector<16xi32>], vector<16xf32>, vector<16xi1>
        %max3A_329 = arith.maximumf %max3A_310, %gather3A_322 : vector<16xf32>
        %select_n3A_330 = arith.select %eq3A_298, %max3A_310, %max3A_329 : vector<16xi1>, vector<16xf32>
        tpu.vector_store_idx %arg12[%and3A_289], %select_n3A_330 masked %eq3A_306 : memref<10000xf32, #tpu.memory_space<vmem>>[vector<16xi32>], vector<16xf32>, vector<16xi1>
        %not3A_331 = arith.constant dense<true> : vector<16xi1>
        %not3A_332 = arith.xori %eq3A_306, %not3A_331 : vector<16xi1>
        %and3A_333 = arith.andi %not3A_300, %not3A_332 : vector<16xi1>
        %or3A_334 = arith.ori %or3A_286, %and3A_333 : vector<16xi1>
        scf.yield %or3A_334 : vector<16xi1>
      }
      %scan3A_104 = arith.constant 125 : i32
      %reduce_or3A_105 = arith.constant 1.000000e+00 : f32
      %reduce_or3A_106 = arith.constant 0.000000e+00 : f32
      %reduce_or3A_107 = vector.broadcast %reduce_or3A_105 : f32 to vector<16xf32>
      %reduce_or3A_108 = vector.broadcast %reduce_or3A_106 : f32 to vector<16xf32>
      %reduce_or3A_109 = arith.select %scan3A_103, %reduce_or3A_107, %reduce_or3A_108 : vector<16xi1>, vector<16xf32>
      %reduce_or3A_110 = arith.constant true
      %reduce_or3A_111 = vector.broadcast %reduce_or3A_110 : i1 to vector<16xi1>
      %reduce_or3A_112 = tpu.scan <max>, %reduce_or3A_109 masked %reduce_or3A_111 : vector<16xf32>, vector<16xi1> -> vector<16xf32>
      %reduce_or3A_113 = vector.extract %reduce_or3A_112[15] : f32 from vector<16xf32>
      %reduce_or3A_114 = arith.constant 0.000000e+00 : f32
      %reduce_or3A_115 = arith.cmpf ogt, %reduce_or3A_113, %reduce_or3A_114 : f32
      %convert_element_type3A_116 = arith.extui %reduce_or3A_115 : i1 to i32
      %cond3A_117 = arith.constant 0 : i32
      %cond3A_118 = arith.cmpi ne, %convert_element_type3A_116, %cond3A_117 : i32
      scf.if %cond3A_118 {
        %scan3A_119 = arith.constant 0 : i32
        %scan3A_120 = arith.constant 0 : i32
        %scan3A_121 = arith.constant 500 : i32
        %scan3A_122 = arith.addi %scan3A_120, %scan3A_121 : i32
        %scan3A_123 = arith.constant 1 : i32
        scf.for %scan3A_125 = %scan3A_120 to %scan3A_122 step %scan3A_123  : i32 {
          %mul3A_126 = arith.constant 16 : i32
          %mul3A_127 = arith.muli %scan3A_125, %mul3A_126 : i32
          %get3A = arith.index_cast %mul3A_127 : i32 to index
          %get3A_128 = tpu.vector_load %arg14[%get3A] {strides = array<i32>} : memref<8000xi32, #tpu.memory_space<vmem>>, vector<16xi32>,
          %and3A = arith.constant 16383 : i32
          %and3A_129 = vector.broadcast %and3A : i32 to vector<16xi32>
          %and3A_130 = arith.andi %get3A_128, %and3A_129 : vector<16xi32>
          %shift_right_arithmetic3A = arith.constant 14 : i32
          %shift_right_arithmetic3A_131 = vector.broadcast %shift_right_arithmetic3A : i32 to vector<16xi32>
          %shift_right_arithmetic3A_132 = arith.shrsi %get3A_128, %shift_right_arithmetic3A_131 : vector<16xi32>
          %gather3A = tpu.vector_load_idx %arg5[%shift_right_arithmetic3A_132] : memref<10000xf32, #tpu.memory_space<vmem>>[vector<16xi32>], vector<16xf32>,
          %gather3A_133 = tpu.vector_load_idx %arg6[%shift_right_arithmetic3A_132] : memref<10000xf32, #tpu.memory_space<vmem>>[vector<16xi32>], vector<16xf32>,
          %gather3A_134 = tpu.vector_load_idx %arg7[%shift_right_arithmetic3A_132] : memref<10000xf32, #tpu.memory_space<vmem>>[vector<16xi32>], vector<16xf32>,
          %gather3A_135 = tpu.vector_load_idx %arg8[%shift_right_arithmetic3A_132] : memref<10000xf32, #tpu.memory_space<vmem>>[vector<16xi32>], vector<16xf32>,
          %while3A = scf.while (%while3A_136 = %broadcast_in_dim3A_23) : (vector<16xi1>) -> vector<16xi1> {
            %reduce_or3A_137 = arith.constant 1.000000e+00 : f32
            %reduce_or3A_138 = arith.constant 0.000000e+00 : f32
            %reduce_or3A_139 = vector.broadcast %reduce_or3A_137 : f32 to vector<16xf32>
            %reduce_or3A_140 = vector.broadcast %reduce_or3A_138 : f32 to vector<16xf32>
            %reduce_or3A_141 = arith.select %while3A_136, %reduce_or3A_139, %reduce_or3A_140 : vector<16xi1>, vector<16xf32>
            %reduce_or3A_142 = arith.constant true
            %reduce_or3A_143 = vector.broadcast %reduce_or3A_142 : i1 to vector<16xi1>
            %reduce_or3A_144 = tpu.scan <max>, %reduce_or3A_141 masked %reduce_or3A_143 : vector<16xf32>, vector<16xi1> -> vector<16xf32>
            %reduce_or3A_145 = vector.extract %reduce_or3A_144[15] : f32 from vector<16xf32>
            %reduce_or3A_146 = arith.constant 0.000000e+00 : f32
            %reduce_or3A_147 = arith.cmpf ogt, %reduce_or3A_145, %reduce_or3A_146 : f32
            scf.condition(%reduce_or3A_147) %while3A_136 : vector<16xi1>
          } do {
          ^bb0(%while3A_136: vector<16xi1>):
            tpu.vector_store_idx %arg15[%and3A_130], %iota3A masked %while3A_136 : memref<10000xi32, #tpu.memory_space<vmem>>[vector<16xi32>], vector<16xi32>, vector<16xi1>
            %gather3A_137 = tpu.vector_load_idx %arg15[%and3A_130] masked %while3A_136 : memref<10000xi32, #tpu.memory_space<vmem>>[vector<16xi32>], vector<16xi32>, vector<16xi1>
            %eq3A = arith.cmpi eq, %gather3A_137, %iota3A : vector<16xi32>
            %and3A_138 = arith.andi %eq3A, %while3A_136 : vector<16xi1>
            %gather3A_139 = tpu.vector_load_idx %arg9[%and3A_130] masked %and3A_138 : memref<10000xf32, #tpu.memory_space<vmem>>[vector<16xi32>], vector<16xf32>, vector<16xi1>
            %max3A = arith.maximumf %gather3A_139, %gather3A : vector<16xf32>
            tpu.vector_store_idx %arg9[%and3A_130], %max3A masked %and3A_138 : memref<10000xf32, #tpu.memory_space<vmem>>[vector<16xi32>], vector<16xf32>, vector<16xi1>
            %gather3A_140 = tpu.vector_load_idx %arg10[%and3A_130] masked %and3A_138 : memref<10000xf32, #tpu.memory_space<vmem>>[vector<16xi32>], vector<16xf32>, vector<16xi1>
            %max3A_141 = arith.maximumf %gather3A_140, %gather3A_133 : vector<16xf32>
            tpu.vector_store_idx %arg10[%and3A_130], %max3A_141 masked %and3A_138 : memref<10000xf32, #tpu.memory_space<vmem>>[vector<16xi32>], vector<16xf32>, vector<16xi1>
            %gather3A_142 = tpu.vector_load_idx %arg11[%and3A_130] masked %and3A_138 : memref<10000xf32, #tpu.memory_space<vmem>>[vector<16xi32>], vector<16xf32>, vector<16xi1>
            %max3A_143 = arith.maximumf %gather3A_142, %gather3A_134 : vector<16xf32>
            tpu.vector_store_idx %arg11[%and3A_130], %max3A_143 masked %and3A_138 : memref<10000xf32, #tpu.memory_space<vmem>>[vector<16xi32>], vector<16xf32>, vector<16xi1>
            %gather3A_144 = tpu.vector_load_idx %arg12[%and3A_130] masked %and3A_138 : memref<10000xf32, #tpu.memory_space<vmem>>[vector<16xi32>], vector<16xf32>, vector<16xi1>
            %max3A_145 = arith.maximumf %gather3A_144, %gather3A_135 : vector<16xf32>
            tpu.vector_store_idx %arg12[%and3A_130], %max3A_145 masked %and3A_138 : memref<10000xf32, #tpu.memory_space<vmem>>[vector<16xi32>], vector<16xf32>, vector<16xi1>
            %not3A = arith.constant dense<true> : vector<16xi1>
            %not3A_146 = arith.xori %and3A_138, %not3A : vector<16xi1>
            %and3A_147 = arith.andi %while3A_136, %not3A_146 : vector<16xi1>
            scf.yield %and3A_147 : vector<16xi1>
          }
        }
        %scan3A_124 = arith.constant 500 : i32
      } else {
      }
    }
    %scan3A_34 = arith.constant 10 : i32
    %add3A_35 = arith.constant 0 : i32
    %add3A_36 = arith.addi %mul3A_0, %add3A_35 : i32
    "tpu.region"() ({
      %run_scoped3A = tpu.sem_alloc : memref<!tpu.dma_semaphore, #tpu.memory_space<semaphore_mem>>
      %dma_start3A_43 = arith.constant 0 : i32
      %dma_start3A_44 = tpu.memref_slice %arg4[%arg0, %add3A_36, %dma_start3A_43] : memref<2x64x10000xf32, #tpu.memory_space<hbm>> -> memref<1x1x10000xf32, #tpu.memory_space<hbm>>
      %dma_start3A_45 = tpu.memref_squeeze %dma_start3A_44 : memref<1x1x10000xf32, #tpu.memory_space<hbm>> -> memref<10000xf32, #tpu.memory_space<hbm>>
      %dma_start3A_46 = arith.constant 0 : i32
      %dma_start3A_47 = tpu.memref_slice %arg4[%arg0, %add3A_36, %dma_start3A_46] : memref<2x64x10000xf32, #tpu.memory_space<hbm>> -> memref<1x1x10000xf32, #tpu.memory_space<hbm>>
      %dma_start3A_48 = tpu.memref_squeeze %dma_start3A_47 : memref<1x1x10000xf32, #tpu.memory_space<hbm>> -> memref<10000xf32, #tpu.memory_space<hbm>>
      tpu.enqueue_dma source(%arg9 : memref<10000xf32, #tpu.memory_space<vmem>>) target(%dma_start3A_48 : memref<10000xf32, #tpu.memory_space<hbm>>) target_semaphore(%run_scoped3A : memref<!tpu.dma_semaphore, #tpu.memory_space<semaphore_mem>>)
      %dma_wait3A = arith.constant 0 : i32
      %dma_wait3A_49 = tpu.memref_slice %arg4[%arg0, %add3A_36, %dma_wait3A] : memref<2x64x10000xf32, #tpu.memory_space<hbm>> -> memref<1x1x10000xf32, #tpu.memory_space<hbm>>
      %dma_wait3A_50 = tpu.memref_squeeze %dma_wait3A_49 : memref<1x1x10000xf32, #tpu.memory_space<hbm>> -> memref<10000xf32, #tpu.memory_space<hbm>>
      %dma_wait3A_51 = arith.constant 0 : i32
      %dma_wait3A_52 = tpu.memref_slice %arg4[%arg0, %add3A_36, %dma_wait3A_51] : memref<2x64x10000xf32, #tpu.memory_space<hbm>> -> memref<1x1x10000xf32, #tpu.memory_space<hbm>>
      %dma_wait3A_53 = tpu.memref_squeeze %dma_wait3A_52 : memref<1x1x10000xf32, #tpu.memory_space<hbm>> -> memref<10000xf32, #tpu.memory_space<hbm>>
      tpu.wait_dma2 semaphore(%run_scoped3A : memref<!tpu.dma_semaphore, #tpu.memory_space<semaphore_mem>>) src(%arg9 : memref<10000xf32, #tpu.memory_space<vmem>>) dst(%dma_wait3A_53 : memref<10000xf32, #tpu.memory_space<hbm>>)
      tpu.yield
    }) : () -> ()
    %add3A_37 = arith.constant 1 : i32
    %add3A_38 = arith.addi %mul3A_0, %add3A_37 : i32
    "tpu.region"() ({
      %run_scoped3A = tpu.sem_alloc : memref<!tpu.dma_semaphore, #tpu.memory_space<semaphore_mem>>
      %dma_start3A_43 = arith.constant 0 : i32
      %dma_start3A_44 = tpu.memref_slice %arg4[%arg0, %add3A_38, %dma_start3A_43] : memref<2x64x10000xf32, #tpu.memory_space<hbm>> -> memref<1x1x10000xf32, #tpu.memory_space<hbm>>
      %dma_start3A_45 = tpu.memref_squeeze %dma_start3A_44 : memref<1x1x10000xf32, #tpu.memory_space<hbm>> -> memref<10000xf32, #tpu.memory_space<hbm>>
      %dma_start3A_46 = arith.constant 0 : i32
      %dma_start3A_47 = tpu.memref_slice %arg4[%arg0, %add3A_38, %dma_start3A_46] : memref<2x64x10000xf32, #tpu.memory_space<hbm>> -> memref<1x1x10000xf32, #tpu.memory_space<hbm>>
      %dma_start3A_48 = tpu.memref_squeeze %dma_start3A_47 : memref<1x1x10000xf32, #tpu.memory_space<hbm>> -> memref<10000xf32, #tpu.memory_space<hbm>>
      tpu.enqueue_dma source(%arg10 : memref<10000xf32, #tpu.memory_space<vmem>>) target(%dma_start3A_48 : memref<10000xf32, #tpu.memory_space<hbm>>) target_semaphore(%run_scoped3A : memref<!tpu.dma_semaphore, #tpu.memory_space<semaphore_mem>>)
      %dma_wait3A = arith.constant 0 : i32
      %dma_wait3A_49 = tpu.memref_slice %arg4[%arg0, %add3A_38, %dma_wait3A] : memref<2x64x10000xf32, #tpu.memory_space<hbm>> -> memref<1x1x10000xf32, #tpu.memory_space<hbm>>
      %dma_wait3A_50 = tpu.memref_squeeze %dma_wait3A_49 : memref<1x1x10000xf32, #tpu.memory_space<hbm>> -> memref<10000xf32, #tpu.memory_space<hbm>>
      %dma_wait3A_51 = arith.constant 0 : i32
      %dma_wait3A_52 = tpu.memref_slice %arg4[%arg0, %add3A_38, %dma_wait3A_51] : memref<2x64x10000xf32, #tpu.memory_space<hbm>> -> memref<1x1x10000xf32, #tpu.memory_space<hbm>>
      %dma_wait3A_53 = tpu.memref_squeeze %dma_wait3A_52 : memref<1x1x10000xf32, #tpu.memory_space<hbm>> -> memref<10000xf32, #tpu.memory_space<hbm>>
      tpu.wait_dma2 semaphore(%run_scoped3A : memref<!tpu.dma_semaphore, #tpu.memory_space<semaphore_mem>>) src(%arg10 : memref<10000xf32, #tpu.memory_space<vmem>>) dst(%dma_wait3A_53 : memref<10000xf32, #tpu.memory_space<hbm>>)
      tpu.yield
    }) : () -> ()
    %add3A_39 = arith.constant 2 : i32
    %add3A_40 = arith.addi %mul3A_0, %add3A_39 : i32
    "tpu.region"() ({
      %run_scoped3A = tpu.sem_alloc : memref<!tpu.dma_semaphore, #tpu.memory_space<semaphore_mem>>
      %dma_start3A_43 = arith.constant 0 : i32
      %dma_start3A_44 = tpu.memref_slice %arg4[%arg0, %add3A_40, %dma_start3A_43] : memref<2x64x10000xf32, #tpu.memory_space<hbm>> -> memref<1x1x10000xf32, #tpu.memory_space<hbm>>
      %dma_start3A_45 = tpu.memref_squeeze %dma_start3A_44 : memref<1x1x10000xf32, #tpu.memory_space<hbm>> -> memref<10000xf32, #tpu.memory_space<hbm>>
      %dma_start3A_46 = arith.constant 0 : i32
      %dma_start3A_47 = tpu.memref_slice %arg4[%arg0, %add3A_40, %dma_start3A_46] : memref<2x64x10000xf32, #tpu.memory_space<hbm>> -> memref<1x1x10000xf32, #tpu.memory_space<hbm>>
      %dma_start3A_48 = tpu.memref_squeeze %dma_start3A_47 : memref<1x1x10000xf32, #tpu.memory_space<hbm>> -> memref<10000xf32, #tpu.memory_space<hbm>>
      tpu.enqueue_dma source(%arg11 : memref<10000xf32, #tpu.memory_space<vmem>>) target(%dma_start3A_48 : memref<10000xf32, #tpu.memory_space<hbm>>) target_semaphore(%run_scoped3A : memref<!tpu.dma_semaphore, #tpu.memory_space<semaphore_mem>>)
      %dma_wait3A = arith.constant 0 : i32
      %dma_wait3A_49 = tpu.memref_slice %arg4[%arg0, %add3A_40, %dma_wait3A] : memref<2x64x10000xf32, #tpu.memory_space<hbm>> -> memref<1x1x10000xf32, #tpu.memory_space<hbm>>
      %dma_wait3A_50 = tpu.memref_squeeze %dma_wait3A_49 : memref<1x1x10000xf32, #tpu.memory_space<hbm>> -> memref<10000xf32, #tpu.memory_space<hbm>>
      %dma_wait3A_51 = arith.constant 0 : i32
      %dma_wait3A_52 = tpu.memref_slice %arg4[%arg0, %add3A_40, %dma_wait3A_51] : memref<2x64x10000xf32, #tpu.memory_space<hbm>> -> memref<1x1x10000xf32, #tpu.memory_space<hbm>>
      %dma_wait3A_53 = tpu.memref_squeeze %dma_wait3A_52 : memref<1x1x10000xf32, #tpu.memory_space<hbm>> -> memref<10000xf32, #tpu.memory_space<hbm>>
      tpu.wait_dma2 semaphore(%run_scoped3A : memref<!tpu.dma_semaphore, #tpu.memory_space<semaphore_mem>>) src(%arg11 : memref<10000xf32, #tpu.memory_space<vmem>>) dst(%dma_wait3A_53 : memref<10000xf32, #tpu.memory_space<hbm>>)
      tpu.yield
    }) : () -> ()
    %add3A_41 = arith.constant 3 : i32
    %add3A_42 = arith.addi %mul3A_0, %add3A_41 : i32
    "tpu.region"() ({
      %run_scoped3A = tpu.sem_alloc : memref<!tpu.dma_semaphore, #tpu.memory_space<semaphore_mem>>
      %dma_start3A_43 = arith.constant 0 : i32
      %dma_start3A_44 = tpu.memref_slice %arg4[%arg0, %add3A_42, %dma_start3A_43] : memref<2x64x10000xf32, #tpu.memory_space<hbm>> -> memref<1x1x10000xf32, #tpu.memory_space<hbm>>
      %dma_start3A_45 = tpu.memref_squeeze %dma_start3A_44 : memref<1x1x10000xf32, #tpu.memory_space<hbm>> -> memref<10000xf32, #tpu.memory_space<hbm>>
      %dma_start3A_46 = arith.constant 0 : i32
      %dma_start3A_47 = tpu.memref_slice %arg4[%arg0, %add3A_42, %dma_start3A_46] : memref<2x64x10000xf32, #tpu.memory_space<hbm>> -> memref<1x1x10000xf32, #tpu.memory_space<hbm>>
      %dma_start3A_48 = tpu.memref_squeeze %dma_start3A_47 : memref<1x1x10000xf32, #tpu.memory_space<hbm>> -> memref<10000xf32, #tpu.memory_space<hbm>>
      tpu.enqueue_dma source(%arg12 : memref<10000xf32, #tpu.memory_space<vmem>>) target(%dma_start3A_48 : memref<10000xf32, #tpu.memory_space<hbm>>) target_semaphore(%run_scoped3A : memref<!tpu.dma_semaphore, #tpu.memory_space<semaphore_mem>>)
      %dma_wait3A = arith.constant 0 : i32
      %dma_wait3A_49 = tpu.memref_slice %arg4[%arg0, %add3A_42, %dma_wait3A] : memref<2x64x10000xf32, #tpu.memory_space<hbm>> -> memref<1x1x10000xf32, #tpu.memory_space<hbm>>
      %dma_wait3A_50 = tpu.memref_squeeze %dma_wait3A_49 : memref<1x1x10000xf32, #tpu.memory_space<hbm>> -> memref<10000xf32, #tpu.memory_space<hbm>>
      %dma_wait3A_51 = arith.constant 0 : i32
      %dma_wait3A_52 = tpu.memref_slice %arg4[%arg0, %add3A_42, %dma_wait3A_51] : memref<2x64x10000xf32, #tpu.memory_space<hbm>> -> memref<1x1x10000xf32, #tpu.memory_space<hbm>>
      %dma_wait3A_53 = tpu.memref_squeeze %dma_wait3A_52 : memref<1x1x10000xf32, #tpu.memory_space<hbm>> -> memref<10000xf32, #tpu.memory_space<hbm>>
      tpu.wait_dma2 semaphore(%run_scoped3A : memref<!tpu.dma_semaphore, #tpu.memory_space<semaphore_mem>>) src(%arg12 : memref<10000xf32, #tpu.memory_space<vmem>>) dst(%dma_wait3A_53 : memref<10000xf32, #tpu.memory_space<hbm>>)
      tpu.yield
    }) : () -> ()
    return
  }
}

module attributes {stable_mosaic.version = 14 : i64} {
  func.func @_pack_body(%arg0: memref<2x320000xi32, #tpu.memory_space<vmem>>, %arg1: memref<320000xi32, #tpu.memory_space<vmem>>) attributes {dimension_semantics = [], scalar_prefetch = 0 : i64, scratch_operands = 0 : i64, tpu.core_type = #tpu.core_type<tc>} {
    %get3A = arith.constant 1 : index
    %get3A_0 = arith.constant 0 : index
    %get3A_1 = vector.load %arg0[%get3A, %get3A_0] : memref<2x320000xi32, #tpu.memory_space<vmem>>, vector<1x320000xi32>
    %get3A_2 = vector.shape_cast %get3A_1 : vector<1x320000xi32> to vector<320000xi32>
    %get3A_3 = arith.constant 0 : index
    %get3A_4 = arith.constant 0 : index
    %get3A_5 = vector.load %arg0[%get3A_3, %get3A_4] : memref<2x320000xi32, #tpu.memory_space<vmem>>, vector<1x320000xi32>
    %get3A_6 = vector.shape_cast %get3A_5 : vector<1x320000xi32> to vector<320000xi32>
    %shift_left3A = arith.constant 14 : i32
    %shift_left3A_7 = vector.broadcast %shift_left3A : i32 to vector<320000xi32>
    %shift_left3A_8 = arith.shli %get3A_6, %shift_left3A_7 : vector<320000xi32>
    %or3A = arith.ori %get3A_2, %shift_left3A_8 : vector<320000xi32>
    %swap3A = arith.constant 0 : index
    %swap3A_9 = vector.load %arg1[%swap3A] : memref<320000xi32, #tpu.memory_space<vmem>>, vector<320000xi32>
    tpu.vector_store %arg1[%swap3A], %or3A {strides = array<i32>} : memref<320000xi32, #tpu.memory_space<vmem>>, vector<320000xi32>,
    return
  }
}

module attributes {stable_mosaic.version = 14 : i64} {
  func.func @_tc0_body(%arg0: memref<128x10000xf32, #tpu.memory_space<vmem>>, %arg1: memref<64x128xf32, #tpu.memory_space<vmem>>, %arg2: memref<64x1xf32, #tpu.memory_space<vmem>>, %arg3: memref<128x64xf32, #tpu.memory_space<vmem>>, %arg4: memref<128x1xf32, #tpu.memory_space<vmem>>, %arg5: memref<64x10000xf32, #tpu.memory_space<vmem>>, %arg6: memref<128x10000xf32, #tpu.memory_space<vmem>>) attributes {dimension_semantics = [], scalar_prefetch = 0 : i64, scratch_operands = 0 : i64, tpu.core_type = #tpu.core_type<tc>} {
    %get3A = arith.constant 0 : index
    %get3A_0 = arith.constant 0 : index
    %get3A_1 = vector.load %arg1[%get3A, %get3A_0] : memref<64x128xf32, #tpu.memory_space<vmem>>, vector<64x128xf32>
    %get3A_2 = arith.constant 0 : index
    %get3A_3 = arith.constant 0 : index
    %get3A_4 = vector.load %arg0[%get3A_2, %get3A_3] : memref<128x10000xf32, #tpu.memory_space<vmem>>, vector<128x10000xf32>
    %dot_general3A = arith.constant dense<0.000000e+00> : vector<64x10000xf32>
    %dot_general3A_5 = tpu.matmul %get3A_1, %get3A_4, %dot_general3A {dimension_numbers = #tpu.dot_dimension_numbers<[1], [0], [0], [1], [0, 0, 1, 1], [], []>, transpose_lhs_hint = false} : vector<64x128xf32>, vector<128x10000xf32>, vector<64x10000xf32> -> vector<64x10000xf32>
    %get3A_6 = arith.constant 0 : index
    %get3A_7 = arith.constant 0 : index
    %get3A_8 = vector.load %arg2[%get3A_6, %get3A_7] : memref<64x1xf32, #tpu.memory_space<vmem>>, vector<64x1xf32>
    %add3A = vector.broadcast %get3A_8 : vector<64x1xf32> to vector<64x10000xf32>
    %add3A_9 = arith.addf %dot_general3A_5, %add3A : vector<64x10000xf32>
    %swap3A = arith.constant 0 : index
    %swap3A_10 = arith.constant 0 : index
    %swap3A_11 = vector.load %arg5[%swap3A, %swap3A_10] : memref<64x10000xf32, #tpu.memory_space<vmem>>, vector<64x10000xf32>
    tpu.vector_store %arg5[%swap3A, %swap3A_10], %add3A_9 {strides = array<i32>} : memref<64x10000xf32, #tpu.memory_space<vmem>>, vector<64x10000xf32>,
    %get3A_12 = arith.constant 0 : index
    %get3A_13 = arith.constant 0 : index
    %get3A_14 = vector.load %arg3[%get3A_12, %get3A_13] : memref<128x64xf32, #tpu.memory_space<vmem>>, vector<128x64xf32>
    %dot_general3A_15 = arith.constant dense<0.000000e+00> : vector<128x10000xf32>
    %dot_general3A_16 = tpu.matmul %get3A_14, %add3A_9, %dot_general3A_15 {dimension_numbers = #tpu.dot_dimension_numbers<[1], [0], [0], [1], [0, 0, 1, 1], [], []>, transpose_lhs_hint = false} : vector<128x64xf32>, vector<64x10000xf32>, vector<128x10000xf32> -> vector<128x10000xf32>
    %get3A_17 = arith.constant 0 : index
    %get3A_18 = arith.constant 0 : index
    %get3A_19 = vector.load %arg4[%get3A_17, %get3A_18] : memref<128x1xf32, #tpu.memory_space<vmem>>, vector<128x1xf32>
    %add3A_20 = vector.broadcast %get3A_19 : vector<128x1xf32> to vector<128x10000xf32>
    %add3A_21 = arith.addf %dot_general3A_16, %add3A_20 : vector<128x10000xf32>
    %swap3A_22 = arith.constant 0 : index
    %swap3A_23 = arith.constant 0 : index
    %swap3A_24 = vector.load %arg6[%swap3A_22, %swap3A_23] : memref<128x10000xf32, #tpu.memory_space<vmem>>, vector<128x10000xf32>
    tpu.vector_store %arg6[%swap3A_22, %swap3A_23], %add3A_21 {strides = array<i32>} : memref<128x10000xf32, #tpu.memory_space<vmem>>, vector<128x10000xf32>,
    return
  }
}

module attributes {stable_mosaic.version = 14 : i64} {
  func.func @_tcb_body(%arg0: memref<128x10000xf32, #tpu.memory_space<vmem>>, %arg1: memref<2x64x10000xf32, #tpu.memory_space<vmem>>, %arg2: memref<128x128xf32, #tpu.memory_space<vmem>>, %arg3: memref<128x1xf32, #tpu.memory_space<vmem>>, %arg4: memref<64x10000xf32, #tpu.memory_space<vmem>>, %arg5: memref<64x10000xf32, #tpu.memory_space<vmem>>, %arg6: memref<128x10000xf32, #tpu.memory_space<vmem>>) attributes {dimension_semantics = [], scalar_prefetch = 0 : i64, scratch_operands = 0 : i64, tpu.core_type = #tpu.core_type<tc>} {
    %get3A = arith.constant 0 : index
    %get3A_0 = arith.constant 0 : index
    %get3A_1 = arith.constant 0 : index
    %get3A_2 = vector.load %arg1[%get3A, %get3A_0, %get3A_1] : memref<2x64x10000xf32, #tpu.memory_space<vmem>>, vector<1x64x10000xf32>
    %get3A_3 = vector.shape_cast %get3A_2 : vector<1x64x10000xf32> to vector<64x10000xf32>
    %get3A_4 = arith.constant 1 : index
    %get3A_5 = arith.constant 0 : index
    %get3A_6 = arith.constant 0 : index
    %get3A_7 = vector.load %arg1[%get3A_4, %get3A_5, %get3A_6] : memref<2x64x10000xf32, #tpu.memory_space<vmem>>, vector<1x64x10000xf32>
    %get3A_8 = vector.shape_cast %get3A_7 : vector<1x64x10000xf32> to vector<64x10000xf32>
    %max3A = arith.maximumf %get3A_3, %get3A_8 : vector<64x10000xf32>
    %gt3A = arith.constant -1.000000e+30 : f32
    %gt3A_9 = vector.broadcast %gt3A : f32 to vector<64x10000xf32>
    %gt3A_10 = arith.cmpf ogt, %max3A, %gt3A_9 : vector<64x10000xf32>
    %get3A_11 = arith.constant 0 : index
    %get3A_12 = arith.constant 0 : index
    %get3A_13 = vector.load %arg0[%get3A_11, %get3A_12] : memref<128x10000xf32, #tpu.memory_space<vmem>>, vector<64x10000xf32>
    %add3A = arith.addf %get3A_13, %max3A : vector<64x10000xf32>
    %jit3A = arith.constant 0.000000e+00 : f32
    %broadcast_in_dim3A = vector.broadcast %jit3A : f32 to vector<64x10000xf32>
    %select_n3A = arith.select %gt3A_10, %add3A, %broadcast_in_dim3A : vector<64x10000xi1>, vector<64x10000xf32>
    %swap3A = arith.constant 0 : index
    %swap3A_14 = arith.constant 0 : index
    %swap3A_15 = vector.load %arg5[%swap3A, %swap3A_14] : memref<64x10000xf32, #tpu.memory_space<vmem>>, vector<64x10000xf32>
    tpu.vector_store %arg5[%swap3A, %swap3A_14], %select_n3A {strides = array<i32>} : memref<64x10000xf32, #tpu.memory_space<vmem>>, vector<64x10000xf32>,
    %get3A_16 = arith.constant 0 : index
    %get3A_17 = arith.constant 0 : index
    %get3A_18 = vector.load %arg4[%get3A_16, %get3A_17] : memref<64x10000xf32, #tpu.memory_space<vmem>>, vector<64x10000xf32>
    %concatenate3A = tpu.concatenate %get3A_18, %select_n3A in 0 : vector<64x10000xf32>, vector<64x10000xf32> -> vector<128x10000xf32>
    %get3A_19 = arith.constant 0 : index
    %get3A_20 = arith.constant 0 : index
    %get3A_21 = vector.load %arg2[%get3A_19, %get3A_20] : memref<128x128xf32, #tpu.memory_space<vmem>>, vector<128x128xf32>
    %dot_general3A = arith.constant dense<0.000000e+00> : vector<128x10000xf32>
    %dot_general3A_22 = tpu.matmul %get3A_21, %concatenate3A, %dot_general3A {dimension_numbers = #tpu.dot_dimension_numbers<[1], [0], [0], [1], [0, 0, 1, 1], [], []>, transpose_lhs_hint = false} : vector<128x128xf32>, vector<128x10000xf32>, vector<128x10000xf32> -> vector<128x10000xf32>
    %get3A_23 = arith.constant 0 : index
    %get3A_24 = arith.constant 0 : index
    %get3A_25 = vector.load %arg3[%get3A_23, %get3A_24] : memref<128x1xf32, #tpu.memory_space<vmem>>, vector<128x1xf32>
    %add3A_26 = vector.broadcast %get3A_25 : vector<128x1xf32> to vector<128x10000xf32>
    %add3A_27 = arith.addf %dot_general3A_22, %add3A_26 : vector<128x10000xf32>
    %swap3A_28 = arith.constant 0 : index
    %swap3A_29 = arith.constant 0 : index
    %swap3A_30 = vector.load %arg6[%swap3A_28, %swap3A_29] : memref<128x10000xf32, #tpu.memory_space<vmem>>, vector<128x10000xf32>
    tpu.vector_store %arg6[%swap3A_28, %swap3A_29], %add3A_27 {strides = array<i32>} : memref<128x10000xf32, #tpu.memory_space<vmem>>, vector<128x10000xf32>,
    return
  }
}

module attributes {stable_mosaic.version = 14 : i64} {
  func.func @_tcb_body(%arg0: memref<128x10000xf32, #tpu.memory_space<vmem>>, %arg1: memref<2x64x10000xf32, #tpu.memory_space<vmem>>, %arg2: memref<128x192xf32, #tpu.memory_space<vmem>>, %arg3: memref<128x1xf32, #tpu.memory_space<vmem>>, %arg4: memref<64x10000xf32, #tpu.memory_space<vmem>>, %arg5: memref<64x10000xf32, #tpu.memory_space<vmem>>, %arg6: memref<64x10000xf32, #tpu.memory_space<vmem>>, %arg7: memref<128x10000xf32, #tpu.memory_space<vmem>>) attributes {dimension_semantics = [], scalar_prefetch = 0 : i64, scratch_operands = 0 : i64, tpu.core_type = #tpu.core_type<tc>} {
    %get3A = arith.constant 0 : index
    %get3A_0 = arith.constant 0 : index
    %get3A_1 = arith.constant 0 : index
    %get3A_2 = vector.load %arg1[%get3A, %get3A_0, %get3A_1] : memref<2x64x10000xf32, #tpu.memory_space<vmem>>, vector<1x64x10000xf32>
    %get3A_3 = vector.shape_cast %get3A_2 : vector<1x64x10000xf32> to vector<64x10000xf32>
    %get3A_4 = arith.constant 1 : index
    %get3A_5 = arith.constant 0 : index
    %get3A_6 = arith.constant 0 : index
    %get3A_7 = vector.load %arg1[%get3A_4, %get3A_5, %get3A_6] : memref<2x64x10000xf32, #tpu.memory_space<vmem>>, vector<1x64x10000xf32>
    %get3A_8 = vector.shape_cast %get3A_7 : vector<1x64x10000xf32> to vector<64x10000xf32>
    %max3A = arith.maximumf %get3A_3, %get3A_8 : vector<64x10000xf32>
    %gt3A = arith.constant -1.000000e+30 : f32
    %gt3A_9 = vector.broadcast %gt3A : f32 to vector<64x10000xf32>
    %gt3A_10 = arith.cmpf ogt, %max3A, %gt3A_9 : vector<64x10000xf32>
    %get3A_11 = arith.constant 0 : index
    %get3A_12 = arith.constant 0 : index
    %get3A_13 = vector.load %arg0[%get3A_11, %get3A_12] : memref<128x10000xf32, #tpu.memory_space<vmem>>, vector<64x10000xf32>
    %add3A = arith.addf %get3A_13, %max3A : vector<64x10000xf32>
    %jit3A = arith.constant 0.000000e+00 : f32
    %broadcast_in_dim3A = vector.broadcast %jit3A : f32 to vector<64x10000xf32>
    %select_n3A = arith.select %gt3A_10, %add3A, %broadcast_in_dim3A : vector<64x10000xi1>, vector<64x10000xf32>
    %swap3A = arith.constant 0 : index
    %swap3A_14 = arith.constant 0 : index
    %swap3A_15 = vector.load %arg6[%swap3A, %swap3A_14] : memref<64x10000xf32, #tpu.memory_space<vmem>>, vector<64x10000xf32>
    tpu.vector_store %arg6[%swap3A, %swap3A_14], %select_n3A {strides = array<i32>} : memref<64x10000xf32, #tpu.memory_space<vmem>>, vector<64x10000xf32>,
    %get3A_16 = arith.constant 0 : index
    %get3A_17 = arith.constant 0 : index
    %get3A_18 = vector.load %arg4[%get3A_16, %get3A_17] : memref<64x10000xf32, #tpu.memory_space<vmem>>, vector<64x10000xf32>
    %get3A_19 = arith.constant 0 : index
    %get3A_20 = arith.constant 0 : index
    %get3A_21 = vector.load %arg5[%get3A_19, %get3A_20] : memref<64x10000xf32, #tpu.memory_space<vmem>>, vector<64x10000xf32>
    %concatenate3A = tpu.concatenate %get3A_18, %get3A_21, %select_n3A in 0 : vector<64x10000xf32>, vector<64x10000xf32>, vector<64x10000xf32> -> vector<192x10000xf32>
    %get3A_22 = arith.constant 0 : index
    %get3A_23 = arith.constant 0 : index
    %get3A_24 = vector.load %arg2[%get3A_22, %get3A_23] : memref<128x192xf32, #tpu.memory_space<vmem>>, vector<128x192xf32>
    %dot_general3A = arith.constant dense<0.000000e+00> : vector<128x10000xf32>
    %dot_general3A_25 = tpu.matmul %get3A_24, %concatenate3A, %dot_general3A {dimension_numbers = #tpu.dot_dimension_numbers<[1], [0], [0], [1], [0, 0, 1, 1], [], []>, transpose_lhs_hint = false} : vector<128x192xf32>, vector<192x10000xf32>, vector<128x10000xf32> -> vector<128x10000xf32>
    %get3A_26 = arith.constant 0 : index
    %get3A_27 = arith.constant 0 : index
    %get3A_28 = vector.load %arg3[%get3A_26, %get3A_27] : memref<128x1xf32, #tpu.memory_space<vmem>>, vector<128x1xf32>
    %add3A_29 = vector.broadcast %get3A_28 : vector<128x1xf32> to vector<128x10000xf32>
    %add3A_30 = arith.addf %dot_general3A_25, %add3A_29 : vector<128x10000xf32>
    %swap3A_31 = arith.constant 0 : index
    %swap3A_32 = arith.constant 0 : index
    %swap3A_33 = vector.load %arg7[%swap3A_31, %swap3A_32] : memref<128x10000xf32, #tpu.memory_space<vmem>>, vector<128x10000xf32>
    tpu.vector_store %arg7[%swap3A_31, %swap3A_32], %add3A_30 {strides = array<i32>} : memref<128x10000xf32, #tpu.memory_space<vmem>>, vector<128x10000xf32>,
    return
  }
}

module attributes {stable_mosaic.version = 14 : i64} {
  func.func @_tcf_body(%arg0: memref<64x10000xf32, #tpu.memory_space<vmem>>, %arg1: memref<64x10000xf32, #tpu.memory_space<vmem>>, %arg2: memref<64x10000xf32, #tpu.memory_space<vmem>>, %arg3: memref<128x10000xf32, #tpu.memory_space<vmem>>, %arg4: memref<2x64x10000xf32, #tpu.memory_space<vmem>>, %arg5: memref<64x10000xf32, #tpu.memory_space<vmem>>) attributes {dimension_semantics = [], scalar_prefetch = 0 : i64, scratch_operands = 0 : i64, tpu.core_type = #tpu.core_type<tc>} {
    %get3A = arith.constant 0 : index
    %get3A_0 = arith.constant 0 : index
    %get3A_1 = arith.constant 0 : index
    %get3A_2 = vector.load %arg4[%get3A, %get3A_0, %get3A_1] : memref<2x64x10000xf32, #tpu.memory_space<vmem>>, vector<1x64x10000xf32>
    %get3A_3 = vector.shape_cast %get3A_2 : vector<1x64x10000xf32> to vector<64x10000xf32>
    %get3A_4 = arith.constant 1 : index
    %get3A_5 = arith.constant 0 : index
    %get3A_6 = arith.constant 0 : index
    %get3A_7 = vector.load %arg4[%get3A_4, %get3A_5, %get3A_6] : memref<2x64x10000xf32, #tpu.memory_space<vmem>>, vector<1x64x10000xf32>
    %get3A_8 = vector.shape_cast %get3A_7 : vector<1x64x10000xf32> to vector<64x10000xf32>
    %max3A = arith.maximumf %get3A_3, %get3A_8 : vector<64x10000xf32>
    %gt3A = arith.constant -1.000000e+30 : f32
    %gt3A_9 = vector.broadcast %gt3A : f32 to vector<64x10000xf32>
    %gt3A_10 = arith.cmpf ogt, %max3A, %gt3A_9 : vector<64x10000xf32>
    %get3A_11 = arith.constant 0 : index
    %get3A_12 = arith.constant 0 : index
    %get3A_13 = vector.load %arg3[%get3A_11, %get3A_12] : memref<128x10000xf32, #tpu.memory_space<vmem>>, vector<64x10000xf32>
    %add3A = arith.addf %get3A_13, %max3A : vector<64x10000xf32>
    %jit3A = arith.constant 0.000000e+00 : f32
    %broadcast_in_dim3A = vector.broadcast %jit3A : f32 to vector<64x10000xf32>
    %select_n3A = arith.select %gt3A_10, %add3A, %broadcast_in_dim3A : vector<64x10000xi1>, vector<64x10000xf32>
    %get3A_14 = arith.constant 0 : index
    %get3A_15 = arith.constant 0 : index
    %get3A_16 = vector.load %arg0[%get3A_14, %get3A_15] : memref<64x10000xf32, #tpu.memory_space<vmem>>, vector<64x10000xf32>
    %reshape3A = vector.shape_cast %get3A_16 : vector<64x10000xf32> to vector<16x4x10000xf32>
    %reduce_max3A = arith.constant dense<0xFF800000> : vector<16x10000xf32>
    %reduce_max3A_17 = vector.multi_reduction <maximumf>, %reshape3A, %reduce_max3A [1] : vector<16x4x10000xf32> to vector<16x10000xf32>
    %get3A_18 = arith.constant 0 : index
    %get3A_19 = arith.constant 0 : index
    %get3A_20 = vector.load %arg1[%get3A_18, %get3A_19] : memref<64x10000xf32, #tpu.memory_space<vmem>>, vector<64x10000xf32>
    %reshape3A_21 = vector.shape_cast %get3A_20 : vector<64x10000xf32> to vector<16x4x10000xf32>
    %reduce_max3A_22 = arith.constant dense<0xFF800000> : vector<16x10000xf32>
    %reduce_max3A_23 = vector.multi_reduction <maximumf>, %reshape3A_21, %reduce_max3A_22 [1] : vector<16x4x10000xf32> to vector<16x10000xf32>
    %get3A_24 = arith.constant 0 : index
    %get3A_25 = arith.constant 0 : index
    %get3A_26 = vector.load %arg2[%get3A_24, %get3A_25] : memref<64x10000xf32, #tpu.memory_space<vmem>>, vector<64x10000xf32>
    %reshape3A_27 = vector.shape_cast %get3A_26 : vector<64x10000xf32> to vector<16x4x10000xf32>
    %reduce_max3A_28 = arith.constant dense<0xFF800000> : vector<16x10000xf32>
    %reduce_max3A_29 = vector.multi_reduction <maximumf>, %reshape3A_27, %reduce_max3A_28 [1] : vector<16x4x10000xf32> to vector<16x10000xf32>
    %reshape3A_30 = vector.shape_cast %select_n3A : vector<64x10000xf32> to vector<16x4x10000xf32>
    %reduce_max3A_31 = arith.constant dense<0xFF800000> : vector<16x10000xf32>
    %reduce_max3A_32 = vector.multi_reduction <maximumf>, %reshape3A_30, %reduce_max3A_31 [1] : vector<16x4x10000xf32> to vector<16x10000xf32>
    %concatenate3A = tpu.concatenate %reduce_max3A_17, %reduce_max3A_23, %reduce_max3A_29, %reduce_max3A_32 in 0 : vector<16x10000xf32>, vector<16x10000xf32>, vector<16x10000xf32>, vector<16x10000xf32> -> vector<64x10000xf32>
    %swap3A = arith.constant 0 : index
    %swap3A_33 = arith.constant 0 : index
    %swap3A_34 = vector.load %arg5[%swap3A, %swap3A_33] : memref<64x10000xf32, #tpu.memory_space<vmem>>, vector<64x10000xf32>
    tpu.vector_store %arg5[%swap3A, %swap3A_33], %concatenate3A {strides = array<i32>} : memref<64x10000xf32, #tpu.memory_space<vmem>>, vector<64x10000xf32>,
    return
  }
}

</mosaic_0001>

<sc_bundles>
// kernel: kernel.10.cloned.1.call-start
scs
__scs_entry_jumppad:
0x0: {  	(pc) =	sbr.rel $0x88, $3  }
0x1: {  	(tag) =	ssettag $0x0;
	lr =	simm.s32 $0x1  }
0x2: {  	[smem:$0x3F97] =	sst lr;
	_ =	strace $0xD0000000  }
0x3: {  	_ = 	snop  }
0x4: {  	_ = 	snop  }
0x5: {  	_ = 	snop  }
0x6: {  	_ = 	snop  }
0x7: {  	_ = 	snop  }
__scs_overlays_trampoline_lowered:
0x8: {  	[smem:$0x3FA6] =	sst s0  }
0x9: {  	[smem:$0x3FA7] =	sst s1  }
0xa: {  	[smem:$0x3FA8] =	sst s2  }
0xb: {  	[smem:$0x3FA9] =	sst s3  }
0xc: {  	[smem:$0x3FAA] =	sst s4  }
0xd: {  	[smem:$0x3FAB] =	sst s5  }
0xe: {  	[smem:$0x3FAC] =	sst s6  }
0xf: {  	[smem:$0x3FAD] =	sst s7  }
0x10: {  	[smem:$0x3FAE] =	sst s8  }
0x11: {  	[smem:$0x3FAF] =	sst s9;
	s0 =	simm.s32 @!p0 $0x0  }
0x12: {  	s1 =	sld [smem:$0x3F95];
	s0 =	simm.s32 @p0 $0x1  }
0x13: {  	[smem:$0x3FB0] =	sst s0;
	s0 =	simm.s32 @!p1 $0x0  }
0x14: {  	s2 =	sld [smem:$0x3F94];
	s0 =	simm.s32 @p1 $0x1  }
0x15: {  	[smem:$0x3FB1] =	sst s0;
	s0 =	simm.s32 @!p2 $0x0  }
0x16: {  	s3 =	sld [smem:$0x3FDB];
	s0 =	simm.s32 @p2 $0x1  }
0x17: {  	s4 =	simm.s32 $0x1BF5;
	[smem:$0x3FB3] =	sst s0  }
0x18: {  	s0 =	sld [smem:$0x3F96];
	_ =	swait.ge [sflag:s4], $0x0  }
0x19: {  	s7 =	sld [smem:$0x3F97]  }
0x1a: {  	s8 =	sadd.s32 $0xFFFFE003, lr  }
0x1b: {  	s9 =	sadd.s32 $0xFFFFFEF7, lr;
	s5 =	simm.s32 $0xFFFFFFFF;
	p2 =	slt.u32 s8, $0xFFFFF086  }
0x1c: {  	p1 =	slt.u32 s9, $0xF7A;
	s5 =	simm.s32 @!p2 $0x0  }
0x1d: {  	s5 =	simm.s32 @p1 $0x1;
	p0 =	seq.s32 s7, s2  }
0x1e: {  	s7 =	smul.u32 @!p0 $0xF7A, s2;
	p2 =	seq.s32 @!p0 s5, $0x0  }
0x1f: {  	s9 =	smul.u32 $0xF7A, s1;
	s8 =	simm.s32 @!p0 $0x1BF5;
	p2 =	por !p2, p0  }
0x20: {  	[sflag:s8] =	ssyncset.s32 @!p0 $0xFFFFF086;
	s6 =	sadd.s32 @!p0 s3, s7;
	s7 =	simm.s32 @!p0 $0x108  }
0x21: {  	s3 =	sadd.s32 s3, s9;
	s6 =	sadd.s32 @!p0 $0x88, s6;
	s7 =	simm.s32 @p2 $0x1082  }
0x22: {  	[simem:s7], [sflag:s8] =	dma.local @!p0 [hbm:s6], $0xF7A  }
0x23: {  	s9 =	sor.u32 $0xD0000000, s2;
	s6 =	simm.s32 $0x108;
	_ =	swait.ge @!p0 [sflag:s8], $0x0  }
0x24: {  	s3 =	sadd.s32 $0x88, s3;
	s6 =	simm.s32 @!p1 $0x1082;
	[sflag:s4] =	ssyncset.s32 $0xFFFFF086  }
0x25: {  	[simem:s6], [sflag:s4] =	dma.local [hbm:s3], $0xF7A  }
0x26: {  	[smem:$0x3F97] =	sst s1;
	(tag) =	ssettag s2;
	_ =	strace s9  }
0x27: {  	s1 =	sld [smem:$0x3FA7]  }
0x28: {  	s2 =	sld [smem:$0x3FA8]  }
0x29: {  	s4 =	sld [smem:$0x3FAA]  }
0x2a: {  	p0 =	seq.s32 s5, $0x0;
	s5 =	sld [smem:$0x3FAB]  }
0x2b: {  	s6 =	sld [smem:$0x3FAC]  }
0x2c: {  	s7 =	sld [smem:$0x3FAD]  }
0x2d: {  	s3 =	simm.s32 $0x108;
	s8 =	sld [smem:$0x3FAE]  }
0x2e: {  	s3 =	simm.s32 @!p0 $0x1082;
	s9 =	sld [smem:$0x3FAF]  }
0x2f: {  	lr =	sadd.s32 s0, s3;
	s0 =	sld [smem:$0x3FA6]  }
0x30: {  	s3 =	sld [smem:$0x3FA9]  }
0x31: {  	[smem:$0x3FB2] =	sst s10  }
0x32: {  	s10 =	sld [smem:$0x3FB0];
	_ =	sdelay $0x3  }
0x33: {  	p0 =	seq.s32 s10, $0x1;
	s10 =	sld [smem:$0x3FB2];
	_ =	sdelay $0x3  }
0x34: {  	[smem:$0x3FB2] =	sst s10  }
0x35: {  	s10 =	sld [smem:$0x3FB1];
	_ =	sdelay $0x3  }
0x36: {  	p1 =	seq.s32 s10, $0x1;
	s10 =	sld [smem:$0x3FB2];
	_ =	sdelay $0x3  }
0x37: {  	[smem:$0x3FB2] =	sst s10  }
0x38: {  	s10 =	sld [smem:$0x3FB3]  }
0x39: {  	_ = 	snop;
	(pc) =	sbr.ind lr, $3  }
0x3a: {  	_ = 	snop  }
0x3b: {  	_ = 	snop  }
0x3c: {  	p2 =	seq.s32 s10, $0x1;
	s10 =	sld [smem:$0x3FB2]  }
0x3d: {  	_ =	shalt  }
0x3e: {  	_ =	shalt  }
0x3f: {  	_ =	shalt  }
0x40: {  	_ =	shalt  }
0x41: {  	_ =	shalt  }
0x42: {  	_ =	shalt  }
0x43: {  	_ =	shalt  }
0x44: {  	_ =	shalt  }
0x45: {  	_ =	shalt  }
0x46: {  	_ =	shalt  }
0x47: {  	_ =	shalt  }
0x48: {  	_ =	shalt  }
0x49: {  	_ =	shalt  }
0x4a: {  	_ =	shalt  }
0x4b: {  	_ =	shalt  }
0x4c: {  	_ =	shalt  }
0x4d: {  	_ =	shalt  }
0x4e: {  	_ =	shalt  }
0x4f: {  	_ =	shalt  }
0x50: {  	_ =	shalt  }
0x51: {  	_ =	shalt  }
0x52: {  	_ =	shalt  }
0x53: {  	_ =	shalt  }
0x54: {  	_ =	shalt  }
0x55: {  	_ =	shalt  }
0x56: {  	_ =	shalt  }
0x57: {  	_ =	shalt  }
0x58: {  	_ =	shalt  }
0x59: {  	_ =	shalt  }
0x5a: {  	_ =	shalt  }
0x5b: {  	_ =	shalt  }
0x5c: {  	_ =	shalt  }
0x5d: {  	_ =	shalt  }
0x5e: {  	_ =	shalt  }
0x5f: {  	_ =	shalt  }
0x60: {  	_ =	shalt  }
0x61: {  	_ =	shalt  }
0x62: {  	_ =	shalt  }
0x63: {  	_ =	shalt  }
0x64: {  	_ =	shalt  }
0x65: {  	_ =	shalt  }
0x66: {  	_ =	shalt  }
0x67: {  	_ =	shalt  }
0x68: {  	_ =	shalt  }
0x69: {  	_ =	shalt  }
0x6a: {  	_ =	shalt  }
0x6b: {  	_ =	shalt  }
0x6c: {  	_ =	shalt  }
0x6d: {  	_ =	shalt  }
0x6e: {  	_ =	shalt  }
0x6f: {  	_ =	shalt  }
0x70: {  	_ =	shalt  }
0x71: {  	_ =	shalt  }
0x72: {  	_ =	shalt  }
0x73: {  	_ =	shalt  }
0x74: {  	_ =	shalt  }
0x75: {  	_ =	shalt  }
0x76: {  	_ =	shalt  }
0x77: {  	_ =	shalt  }
0x78: {  	_ =	shalt  }
0x79: {  	_ =	shalt  }
0x7a: {  	_ =	shalt  }
0x7b: {  	_ =	shalt  }
0x7c: {  	_ =	shalt  }
0x7d: {  	_ =	shalt  }
0x7e: {  	_ =	shalt  }
0x7f: {  	_ =	shalt  }
0x80: {  	_ =	shalt  }
0x81: {  	_ =	shalt  }
0x82: {  	_ =	shalt  }
0x83: {  	_ =	shalt  }
0x84: {  	_ =	shalt  }
0x85: {  	_ =	shalt  }
0x86: {  	_ =	shalt  }
0x87: {  	_ =	shalt  }
.Lfunc_end0:
.L_simem_size_0:
called_computation_lowered:
.L_overlay_start_0:
0x88: {  	s2 =	sld [smem:$0x3FD9]  }
0x89: {  	s3 =	sld [smem:$0x3FFE];
	_ =	sdelay $0x1  }
0x8a: {  	s1 =	srdreg.scid  }
0x8b: {  	s0 =	sand.u32 $0x1, s1  }
0x8c: {  	s17 =	sshll.u32 s0, $0xA;
	s2 =	sadd.s32 s3, s2  }
0x8d: {  	s2 =	sadd.s32 s2, s17  }
0x8e: {  	[smem:$0x3FBE] =	sst s2  }
0x8f: {  	_ = 	snop  }
0x90: {  	s2 =	sld [smem:$0x3FD0];
	(tm) =	ssettm $0x1  }
0x91: {  	s18 =	sld [smem:$0x3FFB];
	_ =	sdelay $0x3  }
0x92: {  	_ =	strace s18  }
0x93: {  	s3 =	sld [smem:$0x3FFC];
	_ =	sdelay $0x3  }
0x94: {  	_ =	strace s3  }
0x95: {  	s3 =	sld [smem:$0x3FFD];
	_ =	sdelay $0x3  }
0x96: {  	_ =	strace s3  }
0x97: {  	_ =	strace $0x8FFFFFFF  }
0x98: {  	s19 =	sld [smem:$0x3FDB];
	_ =	sdelay $0x1  }
0x99: {  	s4 =	simm.s32 $_scs_section_size  }
0x9a: {  	s5 =	simm.s32 $_size__tile_overlayer_lowered;
	s6 =	simm.s32 $_tile_overlayer_lowered  }
0x9b: {  	s22 =	simm.s32 $0x1BFF;
	s21 =	sshll.u32 s6, $0x1;
	s3 =	sadd.s32 s4, s19  }
0x9c: {  	s7 =	simm.s32 $0x0;
	s20 =	sshll.u32 s5, $0x1;
	s5 =	sadd.s32 s21, s3  }
0x9d: {  	[timem:s7], [sflag:s22] =	dma.local [hbm:s5], s20  }
0x9e: {  	_ =	swait.ge [sflag:s22], s20  }
0x9f: {  	s4 =	ssub.s32 $0x0, s20;
	[sflag:s22] =	ssyncset.done $0x0  }
0xa0: {  	[sflag:s22] =	ssyncadd.s32 s4;
	_ =	sdelay $0x1  }
0xa1: {  	s23 =	simm.s32 $0x1B8B  }
0xa2: {  	_ =	swait.ge [sflag:s23], $0x1  }
0xa3: {  	[sflag:s23] =	ssyncset.done $0x0  }
0xa4: {  	s25 =	simm.s32 $0x1B8E;
	s24 =	sld [smem:$0x3FFE];
	[sflag:s23] =	ssyncadd.s32 $0xFFFFFFFF  }
0xa5: {  	s26 =	simm.s32 $execute0_lowered;
	[smem:$0x3FD2] =	sst s25  }
0xa6: {  	s5 =	sshll.u32 s26, $0x1;
	_ =	strace $0x80000046;
	[dreg:$0x1] =	wrdreg $0xFFFFFFFF  }
0xa7: {  	s28 =	simm.s32 $_size_execute0_lowered;
	s3 =	sadd.s32 s3, s5;
	[dreg:$0x0] =	wrdreg $0x0  }
0xa8: {  	s5 =	sshll.u32 s28, $0x1;
	[dreg:$0x2] =	wrdreg s3  }
0xa9: {  	[dreg:$0x3] =	wrdreg s5  }
0xaa: {  	[dreg:$0x4] =	wrdreg $0xC0  }
0xab: {  	_ =	task [dreg:s7], $0x5FFFF  }
0xac: {  	[dreg:$0x1] =	wrdreg $0xFFFFFFFF  }
0xad: {  	[dreg:$0x0] =	wrdreg $0x60  }
0xae: {  	[dreg:$0x2] =	wrdreg s24  }
0xaf: {  	[dreg:$0x3] =	wrdreg s2  }
0xb0: {  	[dreg:$0x4] =	wrdreg $0x9  }
0xb1: {  	_ =	task.clear_ibuf [dreg:s7], $0x5FFFF;
	_ =	strace $0x90000046  }
0xb2: {  	s29 =	simm.s32 $0x9;
	_ =	strace $0x80000048  }
0xb3: {  	_ =	swait.ge [sflag:s29], $0x1  }
0xb4: {  	[sflag:s29] =	ssyncadd.s32 $0xFFFFFFFF  }
0xb5: {  	_ =	strace $0x90000048  }
0xb6: {  	_ =	sfence  }
0xb7: {  	s30 =	sld [smem:$0x0];
	_ =	sdelay $0x2  }
0xb8: {  	s31 =	sshll.u32 s1, $0xD;
	s1 =	sshrl.u32 s1, $0x2  }
0xb9: {  	s3 =	sand.u32 $0x4000, s31;
	s1 =	sadd.s32 s1, s30  }
0xba: {  	s0 =	sor.u32 s3, s0;
	s1 =	sshll.u32 s1, $0x11  }
0xbb: {  	s0 =	sor.u32 s1, s0  }
0xbc: {  	s0 =	sadd.s32 $0x8F2B, s0  }
0xbd: {  	[sflag:s0] =	ssyncadd.remote.s32 $0x1  }
0xbe: {  	_ =	sfence.sel $0xFFFF  }
0xbf: {  	[dreg:$0x0] =	wrdreg $0xFFFFFFFF;
	(pc) =	sbr.abs _section_cstart, $3  }
0xc0: {  	[dreg:$0x1] =	wrdreg $0xFFFFFFFF  }
0xc1: {  	_ =	task.clear_ibuf [dreg:s7], $0x2FFFF;
	_ =	strace $0x9FFFFFFF  }
0xc2: {  	(tm) =	ssettm $0x7FFFFFFF  }
0xc3: {  	_ =	shalt  }
tec
execute0_lowered:
.L_overlay_start_1:
0x0: {  	(tag) =	ssettag $0x1  }
0x1: {  	s0 =	rddreg [dreg:$0x0]  }
0x2: {  	s1 =	rddreg [dreg:$0x1];
	s2 =	simm.s32 $0x0  }
0x3: {  	s8 =	stileid.u32;
	s3 =	srdreg.scid;
	s28 =	simm.s32 $0xC580  }
0x4: {  	s29 =	simm.s32 $0xED00;
	s30 =	simm.s32 $0x11480;
	[smem:$0x7FF] =	sst s2  }
0x5: {  	v0 =	vimm.f32 $1.000000000e+00;
	s31 =	simm.s32 $0x1A280;
	s4 =	sshrl.u32 s8, $0x1;
	_ =	strace $0x80000047  }
0x6: {  	s3 =	sand.u32 $0x1, s3;
	s6 =	sshll.u32 s8, $0x9;
	s4 =	smul.u32 $0x13C00, s4;
	(xrf0) =	vmax.scan.msk.f32 $0xffff, v0  }
0x7: {  	s7 =	sadd.s32 $0x3000, s0;
	s16 =	sshll.u32 s8, $0x2;
	s5 =	smul.u32 $0x9E000, s3  }
0x8: {  	s6 =	sand.u32 $0x200, s6;
	s15 =	ssub.s32 $0x2, s3;
	s9 =	sor.u32 $0x41, s16  }
0x9: {  	s20 =	sor.u32 $0x42, s16;
	s3 =	smul.u32 $0x27100, s3;
	s17 =	sshrl.u32 s15, $0x1  }
0xa: {  	s18 =	sshrl.u32 s9, $0x3;
	s19 =	sshll.u32 s9, $0x7;
	s10 =	sshrl.u32 s20, $0x3  }
0xb: {  	s9 =	sshll.u32 s20, $0x7;
	s20 =	simm.s32 $0x4F00;
	s5 =	sadd.s32 s5, s4  }
0xc: {  	s4 =	sor.u32 s6, s4;
	s8 =	sand.u32 $0x280, s19;
	s21 =	smul.u32 $0x13C00, s10;
	v0, _, _ =	vpop (xrf0)  }
0xd: {  	s9 =	sand.u32 $0x300, s9;
	s25 =	sshrl.u32 s3, $0x3;
	s19 =	simm.s32 $0x2780;
	(v2sf) =	vpush v0, $0xF  }
0xe: {  	s5 =	sor.u32 s6, s5;
	s4 =	sadd.s32 $0x9E000, s4;
	s6 =	sor.u32 $0x43, s16  }
0xf: {  	s16 =	simm.s32 $0x80;
	s5 =	sshrl.u32 s5, $0x3;
	s4 =	sshrl.u32 s4, $0x3  }
0x10: {  	s22 =	sshrl.u32 s6, $0x3;
	s6 =	sshll.u32 s6, $0x7;
	s0 =	sadd.s32 s5, s0  }
0x11: {  	s5 =	ssub.s32 s15, s17;
	s4 =	sadd.s32 s7, s4;
	s10 =	smul.u32 $0x13C00, s22  }
0x12: {  	s6 =	sand.u32 $0x380, s6;
	s17 =	simm.s32 $0x400;
	s22 =	simm.s32 $0x0  }
0x13: {  	[dreg:$0x3] =	wrdreg s4;
	s4 =	smul.u32 $0x13C00, s18;
	s11 =	sadd.s32 $0x2A800, s0  }
0x14: {  	s12 =	sadd.s32 $0x2A810, s0;
	s13 =	sadd.s32 $0x2A820, s0;
	s14 =	sadd.s32 $0x2A830, s0  }
0x15: {  	s15 =	smax.u32 s5, $0x1;
	s18 =	simm.s32 $0x3;
	s0 =	simm.s32 $0x2  }
0x16: {  	s6 =	sor.u32 s6, s10;
	s10 =	sadd.s32 $0x3E80, s3;
	s4 =	sor.u32 s8, s4  }
0x17: {  	s8 =	sor.u32 s9, s21;
	s6 =	sshrl.u32 s6, $0x3;
	s9 =	sadd.s32 $0x1F40, s3  }
0x18: {  	s21 =	simm.s32 $0x7680;
	s3 =	simm.s32 $0x0;
	s4 =	sshrl.u32 s4, $0x3  }
.Ltmp0:
0x19: {  	s23 =	sshrl.u32 s8, $0x3;
	s24 =	sadd.s32 s7, s6;
	(pc) =	sbr.rel .LBB2_1-.Ltmp0, $4  }
0x1a: {  	s8 =	sadd.s32 s1, s25;
	s4 =	sadd.s32 s7, s4;
	[dreg:$0x6] =	wrdreg s24  }
0x1b: {  	s25 =	simm.s32 $0x17B00;
	s24 =	simm.s32 $0x15B80;
	[dreg:$0x4] =	wrdreg s4  }
0x1c: {  	vm0 =	vmxor vm0, vm0;
	v1 =	vlaneseq.u32;
	s4 =	sadd.s32 s7, s23;
	s23 =	simm.s32 $0x1;
	s26 =	spop (v2sf)  }
0x1d: {  	v2 =	vimm.f32 $0.0e+00;
	vm1 =	vmmov $0xffff;
	v0 =	vimm.f32 $-3.000000010e+38;
	[dreg:$0x5] =	wrdreg s4;
	p0 =	sgt.f32 s26, $0.0e+00;
	s26 =	simm.s32 $0x9E00  }
.LBB2_19:
0x1e: {  	[hbm4b:s11+s16] =	stream.strided.scatter [tilespmem:s26], [sflag:$0x3], $0x2780, s17, s16, $0x38;
	[tilespmem:$0x1CA00] =	vst v63  }
0x1f: {  	_ =	swait.ge [sflag:s18], $0x2780  }
0x20: {  	[sflag:s18] =	ssyncset.done $0x0  }
0x21: {  	[sflag:s18] =	ssyncadd.s32 $0xFFFFD880  }
0x22: {  	[hbm4b:s12+s16] =	stream.strided.scatter [tilespmem:s28], [sflag:$0x3], $0x2780, s17, s16, $0x38;
	[tilespmem:$0x1CA00] =	vst v63  }
0x23: {  	_ =	swait.ge [sflag:s18], $0x2780  }
0x24: {  	[sflag:s18] =	ssyncset.done $0x0  }
0x25: {  	[sflag:s18] =	ssyncadd.s32 $0xFFFFD880  }
0x26: {  	[hbm4b:s13+s16] =	stream.strided.scatter [tilespmem:s29], [sflag:$0x3], $0x2780, s17, s16, $0x38;
	[tilespmem:$0x1CA00] =	vst v63  }
0x27: {  	s3 =	sadd.s32 $0x1, s3;
	_ =	swait.ge [sflag:s18], $0x2780  }
0x28: {  	p1 =	sne.s32 s3, s15;
	[sflag:s18] =	ssyncset.done $0x0  }
.Ltmp1:
0x29: {  	[sflag:s18] =	ssyncadd.s32 $0xFFFFD880;
	(pc) =	sbr.rel @!p1 .LBB2_20-.Ltmp1, $4  }
0x2a: {  	[hbm4b:s14+s16] =	stream.strided.scatter [tilespmem:s30], [sflag:$0x3], $0x2780, s17, s16, $0x38;
	[tilespmem:$0x1CA00] =	vst v63  }
0x2b: {  	_ =	swait.ge [sflag:s18], $0x2780  }
0x2c: {  	[sflag:s18] =	ssyncset.done $0x0  }
0x2d: {  	[sflag:s18] =	ssyncadd.s32 $0xFFFFD880  }
.LBB2_1:
0x2e: {  	s4 =	rddreg [dreg:$0x3]  }
0x2f: {  	[tilespmem:s2], [sflag:$0x3] =	stream.strided.gather [hbm4b:s4+s16], $0x2780, s17, s16, $0x38;
	[tilespmem:$0x1CA00] =	vst v63  }
0x30: {  	_ =	swait.ge [sflag:s18], $0x2780  }
0x31: {  	[sflag:s18] =	ssyncset.done $0x0  }
0x32: {  	s5 =	rddreg [dreg:$0x4];
	[sflag:s18] =	ssyncadd.s32 $0xFFFFD880  }
0x33: {  	[tilespmem:s19], [sflag:$0x3] =	stream.strided.gather [hbm4b:s5+s16], $0x2780, s17, s16, $0x38;
	[tilespmem:$0x1CA00] =	vst v63  }
0x34: {  	_ =	swait.ge [sflag:s18], $0x2780  }
0x35: {  	[sflag:s18] =	ssyncset.done $0x0  }
0x36: {  	s6 =	rddreg [dreg:$0x5];
	[sflag:s18] =	ssyncadd.s32 $0xFFFFD880  }
0x37: {  	[tilespmem:s20], [sflag:$0x3] =	stream.strided.gather [hbm4b:s6+s16], $0x2780, s17, s16, $0x38;
	[tilespmem:$0x1CA00] =	vst v63  }
0x38: {  	_ =	swait.ge [sflag:s18], $0x2780  }
0x39: {  	[sflag:s18] =	ssyncset.done $0x0  }
0x3a: {  	s7 =	rddreg [dreg:$0x6];
	[sflag:s18] =	ssyncadd.s32 $0xFFFFD880  }
0x3b: {  	[tilespmem:s21], [sflag:$0x3] =	stream.strided.gather [hbm4b:s7+s16], $0x2780, s17, s16, $0x38;
	[tilespmem:$0x1CA00] =	vst v63  }
0x3c: {  	_ =	swait.ge [sflag:s18], $0x2780  }
0x3d: {  	[sflag:s18] =	ssyncset.done $0x0  }
0x3e: {  	s4 =	simm.s32 $0x0;
	s5 =	simm.s32 $0x40;
	[sflag:s18] =	ssyncadd.s32 $0xFFFFD880  }
.LBB2_2:
0x3f: {  	p1 =	sne.s32 s5, $0x9C00;
	[tilespmem:s4+$0x11480] =	vst v0;
	s6 =	smov.u32 s5;
	s5 =	sadd.s32 $0x40, s5  }
.Ltmp2:
0x40: {  	[tilespmem:s4+$0xED00] =	vst v0;
	(pc) =	sbr.rel @p1 .LBB2_2-.Ltmp2, $3  }
0x41: {  	[tilespmem:s4+$0x9E00] =	vst v0  }
0x42: {  	[tilespmem:s4+$0xC580] =	vst v0;
	_ =	sdelay $0x1  }
0x43: {  	s4 =	sshra.s32 s6, $0x2  }
.Ltmp3:
0x44: {  	[tilespmem:s4+$0x11480] =	vst v0;
	(pc) =	sbr.rel .LBB2_4-.Ltmp3, $4  }
0x45: {  	[tilespmem:s4+$0xED00] =	vst v0  }
0x46: {  	[tilespmem:s4+$0x9E00] =	vst v0  }
0x47: {  	[tilespmem:s4+$0xC580] =	vst v0;
	s7 =	simm.s32 $0x13C00;
	s4 =	simm.s32 $0x0  }
0x48: {  	[tilespmem:s7], [sflag:$0x1] =	stream.linear.gather [hbm4b:s8+s22], $0x1F40, $0x38;
	[tilespmem:$0x1CA00] =	vst v63  }
.LBB2_18:
0x49: {  	s4 =	sadd.s32 $0x1, s4  }
0x4a: {  	p1 =	sne.s32 s4, $0xA  }
.Ltmp4:
0x4b: {  	_ = 	snop;
	(pc) =	sbr.rel @!p1 .LBB2_19-.Ltmp4, $1  }
0x4c: {  	_ =	sdelay $0x3  }
.LBB2_4:
0x4d: {  	s5 =	smul.u32 $0x3E80, s4;
	_ =	sdelay $0x1  }
0x4e: {  	_ =	swait.ge [sflag:s23], $0x1F40;
	s6 =	sadd.s32 s5, s9  }
0x4f: {  	[sflag:s23] =	ssyncset.done $0x0;
	s6 =	sshrl.u32 s6, $0x3  }
0x50: {  	[sflag:s23] =	ssyncadd.s32 $0xFFFFE0C0;
	s6 =	sadd.s32 s1, s6  }
0x51: {  	[tilespmem:s24], [sflag:$0x2] =	stream.linear.gather [hbm4b:s6+s22], $0x1F40, $0x38;
	[tilespmem:$0x1CA00] =	vst v63  }
0x52: {  	vm2 =	vmmov vm0;
	s6 =	simm.s32 $0x0  }
.LBB2_5:
0x53: {  	s7 =	sshra.s32 s6, $0x2  }
0x54: {  	v3 =	vld [tilespmem:s7+$0x13C00];
	_ =	sdelay $0x4  }
0x55: {  	v4 =	vand.u32 $0x3FFF, v3;
	_ =	sdelay $0x2  }
0x56: {  	v5 =	vld [tilespmem:s7+$0x13C10]  }
0x57: {  	v6 =	vld [tilespmem:s7+$0x13C20]  }
0x58: {  	v7 =	vld [tilespmem:s7+$0x13C30];
	[tilespmem:v4+s25+$0x0] =	vst.idx.msk $0xffff, v1  }
0x59: {  	v8 =	vld.idx.msk [tilespmem:v4+s25+$0x0], $0xffff;
	_ =	sdelay $0x2  }
0x5a: {  	v3 =	vshra.s32 v3, $0xE;
	_ =	sdelay $0x1  }
0x5b: {  	vm3 =	vne.s32 v8, v1;
	_ =	sdelay $0x2  }
0x5c: {  	v9 =	vld.idx.msk [tilespmem:v3+s2+$0x0], $0xffff  }
0x5d: {  	v10 =	vld.idx.msk [tilespmem:v3+s19+$0x0], $0xffff  }
0x5e: {  	v11 =	vld.idx.msk [tilespmem:v3+s20+$0x0], $0xffff  }
0x5f: {  	v3 =	vld.idx.msk [tilespmem:v3+s21+$0x0], $0xffff;
	[tilespmem:v4+s25+$0x0] =	vst.idx.msk vm3, v1  }
0x60: {  	v13 =	vld.idx.msk [tilespmem:v4+s25+$0x0], $0xffff  }
0x61: {  	v12 =	vld.idx.msk [tilespmem:v4+s26+$0x0], $0xffff  }
0x62: {  	v14 =	vld.idx.msk [tilespmem:v4+s28+$0x0], $0xffff  }
0x63: {  	v15 =	vld.idx.msk [tilespmem:v4+s29+$0x0], $0xffff  }
0x64: {  	v16 =	vld.idx.msk [tilespmem:v4+s30+$0x0], $0xffff  }
0x65: {  	vm4 =	veq.s32 v13, v1;
	_ =	sdelay $0x1  }
0x66: {  	v63 =	vand.u32 $0x3FFF, v5;
	v12 =	vmax.f32 v12, v9;
	v9 =	vperm.xlane v9, v8  }
0x67: {  	v14 =	vmax.f32 v14, v10;
	v15 =	vmax.f32 v15, v11;
	v10 =	vperm.xlane v10, v8  }
0x68: {  	v16 =	vmax.f32 v16, v3;
	v11 =	vperm.xlane v11, v8;
	v61 =	vmax.f32 v12, v9  }
0x69: {  	v3 =	vperm.xlane v3, v8;
	v62 =	vmax.f32 v14, v10;
	v8 =	vsel vm3, v61, v12  }
0x6a: {  	v21 =	vmax.f32 v15, v11;
	v20 =	vsel vm3, v62, v14;
	[tilespmem:v4+s26+$0x0] =	vst.idx.msk vm4, v8  }
0x6b: {  	v3 =	vmax.f32 v16, v3;
	v22 =	vsel vm3, v21, v15;
	[tilespmem:v4+s28+$0x0] =	vst.idx.msk vm4, v20  }
0x6c: {  	v3 =	vsel vm3, v3, v16;
	[tilespmem:v4+s29+$0x0] =	vst.idx.msk vm4, v22  }
0x6d: {  	[tilespmem:v4+s30+$0x0] =	vst.idx.msk vm4, v3  }
0x6e: {  	[tilespmem:v63+s31+$0x0] =	vst.idx.msk $0xffff, v1  }
0x6f: {  	v3 =	vld.idx.msk [tilespmem:v63+s31+$0x0], $0xffff;
	_ =	sdelay $0x2  }
0x70: {  	v23 =	vshra.s32 v5, $0xE;
	_ =	sdelay $0x1  }
0x71: {  	vm14 =	vne.s32 v3, v1;
	_ =	sdelay $0x2  }
0x72: {  	v5 =	vld.idx.msk [tilespmem:v23+s2+$0x0], $0xffff  }
0x73: {  	v8 =	vld.idx.msk [tilespmem:v23+s19+$0x0], $0xffff  }
0x74: {  	v24 =	vld.idx.msk [tilespmem:v23+s20+$0x0], $0xffff  }
0x75: {  	v4 =	vld.idx.msk [tilespmem:v23+s21+$0x0], $0xffff;
	[tilespmem:v63+s31+$0x0] =	vst.idx.msk vm14, v1  }
0x76: {  	v26 =	vld.idx.msk [tilespmem:v63+s31+$0x0], $0xffff  }
0x77: {  	v25 =	vld.idx.msk [tilespmem:v63+s26+$0x0], $0xffff  }
0x78: {  	v27 =	vld.idx.msk [tilespmem:v63+s28+$0x0], $0xffff  }
0x79: {  	v28 =	vld.idx.msk [tilespmem:v63+s29+$0x0], $0xffff  }
0x7a: {  	v29 =	vld.idx.msk [tilespmem:v63+s30+$0x0], $0xffff  }
0x7b: {  	vm5 =	veq.s32 v26, v1;
	_ =	sdelay $0x1  }
0x7c: {  	v32 =	vand.u32 $0x3FFF, v6;
	v11 =	vmax.f32 v25, v5;
	v5 =	vperm.xlane v5, v3  }
0x7d: {  	v9 =	vperm.xlane v24, v3;
	v14 =	vmax.f32 v27, v8;
	v8 =	vperm.xlane v8, v3  }
0x7e: {  	v15 =	vmax.f32 v28, v24;
	v16 =	vmax.f32 v29, v4;
	v30 =	vmax.f32 v11, v5  }
0x7f: {  	v3 =	vperm.xlane v4, v3;
	v31 =	vmax.f32 v14, v8;
	v4 =	vsel vm14, v30, v11  }
0x80: {  	v34 =	vmax.f32 v15, v9;
	v33 =	vsel vm14, v31, v14;
	[tilespmem:v63+s26+$0x0] =	vst.idx.msk vm5, v4  }
0x81: {  	v35 =	vsel vm14, v34, v15;
	v3 =	vmax.f32 v16, v3;
	[tilespmem:v63+s28+$0x0] =	vst.idx.msk vm5, v33  }
0x82: {  	v3 =	vsel vm14, v3, v16;
	[tilespmem:v63+s29+$0x0] =	vst.idx.msk vm5, v35  }
0x83: {  	[tilespmem:v63+s30+$0x0] =	vst.idx.msk vm5, v3  }
0x84: {  	[tilespmem:v32+s25+$0x0] =	vst.idx.msk $0xffff, v1  }
0x85: {  	v3 =	vld.idx.msk [tilespmem:v32+s25+$0x0], $0xffff;
	_ =	sdelay $0x2  }
0x86: {  	v36 =	vshra.s32 v6, $0xE;
	_ =	sdelay $0x1  }
0x87: {  	vm15 =	vne.s32 v3, v1;
	_ =	sdelay $0x2  }
0x88: {  	v37 =	vld.idx.msk [tilespmem:v36+s2+$0x0], $0xffff  }
0x89: {  	v6 =	vld.idx.msk [tilespmem:v36+s19+$0x0], $0xffff  }
0x8a: {  	v38 =	vld.idx.msk [tilespmem:v36+s20+$0x0], $0xffff  }
0x8b: {  	v4 =	vld.idx.msk [tilespmem:v36+s21+$0x0], $0xffff;
	[tilespmem:v32+s25+$0x0] =	vst.idx.msk vm15, v1  }
0x8c: {  	v39 =	vld.idx.msk [tilespmem:v32+s25+$0x0], $0xffff  }
0x8d: {  	v10 =	vld.idx.msk [tilespmem:v32+s26+$0x0], $0xffff  }
0x8e: {  	v40 =	vld.idx.msk [tilespmem:v32+s28+$0x0], $0xffff  }
0x8f: {  	v41 =	vld.idx.msk [tilespmem:v32+s29+$0x0], $0xffff  }
0x90: {  	v42 =	vld.idx.msk [tilespmem:v32+s30+$0x0], $0xffff  }
0x91: {  	vm6 =	veq.s32 v39, v1;
	_ =	sdelay $0x1  }
0x92: {  	v45 =	vand.u32 $0x3FFF, v7;
	v5 =	vperm.xlane v37, v3;
	v9 =	vperm.xlane v38, v3  }
0x93: {  	v10 =	vmax.f32 v10, v37;
	v14 =	vmax.f32 v40, v6;
	v6 =	vperm.xlane v6, v3  }
0x94: {  	v15 =	vmax.f32 v41, v38;
	v16 =	vmax.f32 v42, v4;
	v43 =	vmax.f32 v10, v5  }
0x95: {  	v3 =	vperm.xlane v4, v3;
	v4 =	vsel vm15, v43, v10;
	v44 =	vmax.f32 v14, v6  }
0x96: {  	v47 =	vmax.f32 v15, v9;
	v46 =	vsel vm15, v44, v14;
	[tilespmem:v32+s26+$0x0] =	vst.idx.msk vm6, v4  }
0x97: {  	v48 =	vsel vm15, v47, v15;
	v3 =	vmax.f32 v16, v3;
	[tilespmem:v32+s28+$0x0] =	vst.idx.msk vm6, v46  }
0x98: {  	v3 =	vsel vm15, v3, v16;
	[tilespmem:v32+s29+$0x0] =	vst.idx.msk vm6, v48  }
0x99: {  	[tilespmem:v32+s30+$0x0] =	vst.idx.msk vm6, v3  }
0x9a: {  	[tilespmem:v45+s31+$0x0] =	vst.idx.msk $0xffff, v1  }
0x9b: {  	v3 =	vld.idx.msk [tilespmem:v45+s31+$0x0], $0xffff;
	_ =	sdelay $0x2  }
0x9c: {  	v49 =	vshra.s32 v7, $0xE;
	_ =	sdelay $0x1  }
0x9d: {  	vm6 =	vne.s32 v3, v1;
	_ =	sdelay $0x2  }
0x9e: {  	v50 =	vld.idx.msk [tilespmem:v49+s2+$0x0], $0xffff  }
0x9f: {  	v7 =	vld.idx.msk [tilespmem:v49+s19+$0x0], $0xffff  }
0xa0: {  	v8 =	vld.idx.msk [tilespmem:v49+s20+$0x0], $0xffff  }
0xa1: {  	v4 =	vld.idx.msk [tilespmem:v49+s21+$0x0], $0xffff;
	[tilespmem:v45+s31+$0x0] =	vst.idx.msk vm6, v1  }
0xa2: {  	v51 =	vld.idx.msk [tilespmem:v45+s31+$0x0], $0xffff  }
0xa3: {  	v52 =	vld.idx.msk [tilespmem:v45+s26+$0x0], $0xffff  }
0xa4: {  	v53 =	vld.idx.msk [tilespmem:v45+s28+$0x0], $0xffff  }
0xa5: {  	vm7 =	vne.s32 v13, v1;
	v54 =	vld.idx.msk [tilespmem:v45+s29+$0x0], $0xffff  }
0xa6: {  	vm3 =	vmand vm3, vm7;
	vm11 =	vne.s32 v26, v1;
	v55 =	vld.idx.msk [tilespmem:v45+s30+$0x0], $0xffff  }
0xa7: {  	vm4 =	vmand vm14, vm11;
	vm12 =	vne.s32 v39, v1;
	vm8 =	veq.s32 v51, v1  }
0xa8: {  	vm3 =	vmor vm3, vm4;
	vm13 =	vmand vm15, vm12  }
0xa9: {  	v5 =	vperm.xlane v50, v3;
	vm14 =	vne.s32 v51, v1;
	v56 =	vmax.f32 v52, v50  }
0xaa: {  	v57 =	vmax.f32 v53, v7;
	v58 =	vmax.f32 v54, v8;
	v7 =	vperm.xlane v7, v3  }
0xab: {  	p1 =	sne.s32 s6, $0x7C00;
	v12 =	vmax.f32 v55, v4;
	v8 =	vperm.xlane v8, v3;
	v5 =	vmax.f32 v56, v5  }
.Ltmp5:
0xac: {  	v3 =	vperm.xlane v4, v3;
	v59 =	vsel vm6, v5, v56;
	v60 =	vmax.f32 v57, v7;
	(pc) =	sbr.rel @p1 .LBB2_5-.Ltmp5, $4  }
0xad: {  	vm3 =	vmor vm3, vm13;
	v62 =	vmax.f32 v58, v8;
	v61 =	vsel vm6, v60, v57;
	[tilespmem:v45+s26+$0x0] =	vst.idx.msk vm8, v59  }
0xae: {  	vm15 =	vmand vm6, vm14;
	v3 =	vmax.f32 v12, v3;
	v63 =	vsel vm6, v62, v58;
	[tilespmem:v45+s28+$0x0] =	vst.idx.msk vm8, v61  }
0xaf: {  	vm3 =	vmor vm3, vm15;
	v3 =	vsel vm6, v3, v12;
	[tilespmem:v45+s29+$0x0] =	vst.idx.msk vm8, v63  }
0xb0: {  	s6 =	sadd.s32 $0x100, s6;
	vm2 =	vmor vm2, vm3;
	[tilespmem:v45+s30+$0x0] =	vst.idx.msk vm8, v3  }
0xb1: {  	v3 =	vsel vm2, $0x3F800000, v2  }
0xb2: {  	(xrf0) =	vmax.scan.msk.f32 $0xffff, v3;
	_ =	sdelay $0x5  }
0xb3: {  	v3, _, _ =	vpop (xrf0)  }
0xb4: {  	(v2sf) =	vpush v3, $0xF;
	_ =	sdelay $0xe  }
0xb5: {  	s6 =	spop (v2sf)  }
0xb6: {  	p1 =	sgt.f32 s6, $0.0e+00  }
.Ltmp6:
0xb7: {  	_ = 	snop;
	(pc) =	sbr.rel @p1 .LBB2_7-.Ltmp6, $2  }
0xb8: {  	_ =	sdelay $0x2  }
0xb9: {  	s6 =	simm.s32 $0x0  }
.LBB2_11:
0xba: {  	p1 =	seq.s32 s4, $0x9  }
0xbb: {  	_ =	swait.ge [sflag:s0], $0x1F40;
	s5 =	sadd.s32 @!p1 s5, s10  }
0xbc: {  	[sflag:s0] =	ssyncset.done $0x0;
	s6 =	simm.s32 @!p1 $0x0;
	s5 =	sshrl.u32 @!p1 s5, $0x3  }
0xbd: {  	s7 =	simm.s32 @!p1 $0x13C00;
	[sflag:s0] =	ssyncadd.s32 $0xFFFFE0C0;
	s5 =	sadd.s32 @!p1 s1, s5  }
0xbe: {  	[tilespmem:s7], [sflag:$0x1] =	stream.linear.gather @!p1 [hbm4b:s5+s6], $0x1F40, $0x38;
	[tilespmem:$0x1CA00] =	vst v63  }
0xbf: {  	vm2 =	vmmov vm0;
	s5 =	simm.s32 $0x0  }
.LBB2_12:
0xc0: {  	s6 =	sshra.s32 s5, $0x2  }
0xc1: {  	v3 =	vld [tilespmem:s6+$0x15B80];
	_ =	sdelay $0x4  }
0xc2: {  	v4 =	vand.u32 $0x3FFF, v3;
	_ =	sdelay $0x2  }
0xc3: {  	v5 =	vld [tilespmem:s6+$0x15B90]  }
0xc4: {  	v6 =	vld [tilespmem:s6+$0x15BA0]  }
0xc5: {  	v7 =	vld [tilespmem:s6+$0x15BB0];
	[tilespmem:v4+s25+$0x0] =	vst.idx.msk $0xffff, v1  }
0xc6: {  	v8 =	vld.idx.msk [tilespmem:v4+s25+$0x0], $0xffff;
	_ =	sdelay $0x2  }
0xc7: {  	v3 =	vshra.s32 v3, $0xE;
	_ =	sdelay $0x1  }
0xc8: {  	vm3 =	vne.s32 v8, v1;
	_ =	sdelay $0x2  }
0xc9: {  	v9 =	vld.idx.msk [tilespmem:v3+s2+$0x0], $0xffff  }
0xca: {  	v10 =	vld.idx.msk [tilespmem:v3+s19+$0x0], $0xffff  }
0xcb: {  	v11 =	vld.idx.msk [tilespmem:v3+s20+$0x0], $0xffff  }
0xcc: {  	v3 =	vld.idx.msk [tilespmem:v3+s21+$0x0], $0xffff;
	[tilespmem:v4+s25+$0x0] =	vst.idx.msk vm3, v1  }
0xcd: {  	v13 =	vld.idx.msk [tilespmem:v4+s25+$0x0], $0xffff  }
0xce: {  	v12 =	vld.idx.msk [tilespmem:v4+s26+$0x0], $0xffff  }
0xcf: {  	v14 =	vld.idx.msk [tilespmem:v4+s28+$0x0], $0xffff  }
0xd0: {  	v15 =	vld.idx.msk [tilespmem:v4+s29+$0x0], $0xffff  }
0xd1: {  	v16 =	vld.idx.msk [tilespmem:v4+s30+$0x0], $0xffff  }
0xd2: {  	vm4 =	veq.s32 v13, v1;
	_ =	sdelay $0x1  }
0xd3: {  	v63 =	vand.u32 $0x3FFF, v5;
	v12 =	vmax.f32 v12, v9;
	v9 =	vperm.xlane v9, v8  }
0xd4: {  	v14 =	vmax.f32 v14, v10;
	v15 =	vmax.f32 v15, v11;
	v10 =	vperm.xlane v10, v8  }
0xd5: {  	v16 =	vmax.f32 v16, v3;
	v11 =	vperm.xlane v11, v8;
	v61 =	vmax.f32 v12, v9  }
0xd6: {  	v3 =	vperm.xlane v3, v8;
	v62 =	vmax.f32 v14, v10;
	v8 =	vsel vm3, v61, v12  }
0xd7: {  	v21 =	vmax.f32 v15, v11;
	v20 =	vsel vm3, v62, v14;
	[tilespmem:v4+s26+$0x0] =	vst.idx.msk vm4, v8  }
0xd8: {  	v3 =	vmax.f32 v16, v3;
	v22 =	vsel vm3, v21, v15;
	[tilespmem:v4+s28+$0x0] =	vst.idx.msk vm4, v20  }
0xd9: {  	v3 =	vsel vm3, v3, v16;
	[tilespmem:v4+s29+$0x0] =	vst.idx.msk vm4, v22  }
0xda: {  	[tilespmem:v4+s30+$0x0] =	vst.idx.msk vm4, v3  }
0xdb: {  	[tilespmem:v63+s31+$0x0] =	vst.idx.msk $0xffff, v1  }
0xdc: {  	v3 =	vld.idx.msk [tilespmem:v63+s31+$0x0], $0xffff;
	_ =	sdelay $0x2  }
0xdd: {  	v23 =	vshra.s32 v5, $0xE;
	_ =	sdelay $0x1  }
0xde: {  	vm14 =	vne.s32 v3, v1;
	_ =	sdelay $0x2  }
0xdf: {  	v5 =	vld.idx.msk [tilespmem:v23+s2+$0x0], $0xffff  }
0xe0: {  	v8 =	vld.idx.msk [tilespmem:v23+s19+$0x0], $0xffff  }
0xe1: {  	v24 =	vld.idx.msk [tilespmem:v23+s20+$0x0], $0xffff  }
0xe2: {  	v4 =	vld.idx.msk [tilespmem:v23+s21+$0x0], $0xffff;
	[tilespmem:v63+s31+$0x0] =	vst.idx.msk vm14, v1  }
0xe3: {  	v26 =	vld.idx.msk [tilespmem:v63+s31+$0x0], $0xffff  }
0xe4: {  	v25 =	vld.idx.msk [tilespmem:v63+s26+$0x0], $0xffff  }
0xe5: {  	v27 =	vld.idx.msk [tilespmem:v63+s28+$0x0], $0xffff  }
0xe6: {  	v28 =	vld.idx.msk [tilespmem:v63+s29+$0x0], $0xffff  }
0xe7: {  	v29 =	vld.idx.msk [tilespmem:v63+s30+$0x0], $0xffff  }
0xe8: {  	vm5 =	veq.s32 v26, v1;
	_ =	sdelay $0x1  }
0xe9: {  	v32 =	vand.u32 $0x3FFF, v6;
	v11 =	vmax.f32 v25, v5;
	v5 =	vperm.xlane v5, v3  }
0xea: {  	v9 =	vperm.xlane v24, v3;
	v14 =	vmax.f32 v27, v8;
	v8 =	vperm.xlane v8, v3  }
0xeb: {  	v15 =	vmax.f32 v28, v24;
	v16 =	vmax.f32 v29, v4;
	v30 =	vmax.f32 v11, v5  }
0xec: {  	v3 =	vperm.xlane v4, v3;
	v31 =	vmax.f32 v14, v8;
	v4 =	vsel vm14, v30, v11  }
0xed: {  	v34 =	vmax.f32 v15, v9;
	v33 =	vsel vm14, v31, v14;
	[tilespmem:v63+s26+$0x0] =	vst.idx.msk vm5, v4  }
0xee: {  	v35 =	vsel vm14, v34, v15;
	v3 =	vmax.f32 v16, v3;
	[tilespmem:v63+s28+$0x0] =	vst.idx.msk vm5, v33  }
0xef: {  	v3 =	vsel vm14, v3, v16;
	[tilespmem:v63+s29+$0x0] =	vst.idx.msk vm5, v35  }
0xf0: {  	[tilespmem:v63+s30+$0x0] =	vst.idx.msk vm5, v3  }
0xf1: {  	[tilespmem:v32+s25+$0x0] =	vst.idx.msk $0xffff, v1  }
0xf2: {  	v3 =	vld.idx.msk [tilespmem:v32+s25+$0x0], $0xffff;
	_ =	sdelay $0x2  }
0xf3: {  	v36 =	vshra.s32 v6, $0xE;
	_ =	sdelay $0x1  }
0xf4: {  	vm15 =	vne.s32 v3, v1;
	_ =	sdelay $0x2  }
0xf5: {  	v37 =	vld.idx.msk [tilespmem:v36+s2+$0x0], $0xffff  }
0xf6: {  	v6 =	vld.idx.msk [tilespmem:v36+s19+$0x0], $0xffff  }
0xf7: {  	v38 =	vld.idx.msk [tilespmem:v36+s20+$0x0], $0xffff  }
0xf8: {  	v4 =	vld.idx.msk [tilespmem:v36+s21+$0x0], $0xffff;
	[tilespmem:v32+s25+$0x0] =	vst.idx.msk vm15, v1  }
0xf9: {  	v39 =	vld.idx.msk [tilespmem:v32+s25+$0x0], $0xffff  }
0xfa: {  	v10 =	vld.idx.msk [tilespmem:v32+s26+$0x0], $0xffff  }
0xfb: {  	v40 =	vld.idx.msk [tilespmem:v32+s28+$0x0], $0xffff  }
0xfc: {  	v41 =	vld.idx.msk [tilespmem:v32+s29+$0x0], $0xffff  }
0xfd: {  	v42 =	vld.idx.msk [tilespmem:v32+s30+$0x0], $0xffff  }
0xfe: {  	vm6 =	veq.s32 v39, v1;
	_ =	sdelay $0x1  }
0xff: {  	v45 =	vand.u32 $0x3FFF, v7;
	v5 =	vperm.xlane v37, v3;
	v9 =	vperm.xlane v38, v3  }
0x100: {  	v10 =	vmax.f32 v10, v37;
	v14 =	vmax.f32 v40, v6;
	v6 =	vperm.xlane v6, v3  }
0x101: {  	v15 =	vmax.f32 v41, v38;
	v16 =	vmax.f32 v42, v4;
	v43 =	vmax.f32 v10, v5  }
0x102: {  	v3 =	vperm.xlane v4, v3;
	v4 =	vsel vm15, v43, v10;
	v44 =	vmax.f32 v14, v6  }
0x103: {  	v47 =	vmax.f32 v15, v9;
	v46 =	vsel vm15, v44, v14;
	[tilespmem:v32+s26+$0x0] =	vst.idx.msk vm6, v4  }
0x104: {  	v48 =	vsel vm15, v47, v15;
	v3 =	vmax.f32 v16, v3;
	[tilespmem:v32+s28+$0x0] =	vst.idx.msk vm6, v46  }
0x105: {  	v3 =	vsel vm15, v3, v16;
	[tilespmem:v32+s29+$0x0] =	vst.idx.msk vm6, v48  }
0x106: {  	[tilespmem:v32+s30+$0x0] =	vst.idx.msk vm6, v3  }
0x107: {  	[tilespmem:v45+s31+$0x0] =	vst.idx.msk $0xffff, v1  }
0x108: {  	v3 =	vld.idx.msk [tilespmem:v45+s31+$0x0], $0xffff;
	_ =	sdelay $0x2  }
0x109: {  	v49 =	vshra.s32 v7, $0xE;
	_ =	sdelay $0x1  }
0x10a: {  	vm6 =	vne.s32 v3, v1;
	_ =	sdelay $0x2  }
0x10b: {  	v50 =	vld.idx.msk [tilespmem:v49+s2+$0x0], $0xffff  }
0x10c: {  	v7 =	vld.idx.msk [tilespmem:v49+s19+$0x0], $0xffff  }
0x10d: {  	v8 =	vld.idx.msk [tilespmem:v49+s20+$0x0], $0xffff  }
0x10e: {  	v4 =	vld.idx.msk [tilespmem:v49+s21+$0x0], $0xffff;
	[tilespmem:v45+s31+$0x0] =	vst.idx.msk vm6, v1  }
0x10f: {  	v51 =	vld.idx.msk [tilespmem:v45+s31+$0x0], $0xffff  }
0x110: {  	v52 =	vld.idx.msk [tilespmem:v45+s26+$0x0], $0xffff  }
0x111: {  	v53 =	vld.idx.msk [tilespmem:v45+s28+$0x0], $0xffff  }
0x112: {  	vm7 =	vne.s32 v13, v1;
	v54 =	vld.idx.msk [tilespmem:v45+s29+$0x0], $0xffff  }
0x113: {  	vm3 =	vmand vm3, vm7;
	vm11 =	vne.s32 v26, v1;
	v55 =	vld.idx.msk [tilespmem:v45+s30+$0x0], $0xffff  }
0x114: {  	vm4 =	vmand vm14, vm11;
	vm12 =	vne.s32 v39, v1;
	vm8 =	veq.s32 v51, v1  }
0x115: {  	vm3 =	vmor vm3, vm4;
	vm13 =	vmand vm15, vm12  }
0x116: {  	v5 =	vperm.xlane v50, v3;
	vm14 =	vne.s32 v51, v1;
	v56 =	vmax.f32 v52, v50  }
0x117: {  	v57 =	vmax.f32 v53, v7;
	v58 =	vmax.f32 v54, v8;
	v7 =	vperm.xlane v7, v3  }
0x118: {  	p1 =	sne.s32 s5, $0x7C00;
	v12 =	vmax.f32 v55, v4;
	v8 =	vperm.xlane v8, v3;
	v5 =	vmax.f32 v56, v5  }
.Ltmp7:
0x119: {  	v3 =	vperm.xlane v4, v3;
	v59 =	vsel vm6, v5, v56;
	v60 =	vmax.f32 v57, v7;
	(pc) =	sbr.rel @p1 .LBB2_12-.Ltmp7, $4  }
0x11a: {  	vm3 =	vmor vm3, vm13;
	v62 =	vmax.f32 v58, v8;
	v61 =	vsel vm6, v60, v57;
	[tilespmem:v45+s26+$0x0] =	vst.idx.msk vm8, v59  }
0x11b: {  	vm15 =	vmand vm6, vm14;
	v3 =	vmax.f32 v12, v3;
	v63 =	vsel vm6, v62, v58;
	[tilespmem:v45+s28+$0x0] =	vst.idx.msk vm8, v61  }
0x11c: {  	vm3 =	vmor vm3, vm15;
	v3 =	vsel vm6, v3, v12;
	[tilespmem:v45+s29+$0x0] =	vst.idx.msk vm8, v63  }
0x11d: {  	s5 =	sadd.s32 $0x100, s5;
	vm2 =	vmor vm2, vm3;
	[tilespmem:v45+s30+$0x0] =	vst.idx.msk vm8, v3  }
0x11e: {  	v3 =	vsel vm2, $0x3F800000, v2  }
0x11f: {  	(xrf0) =	vmax.scan.msk.f32 $0xffff, v3;
	_ =	sdelay $0x5  }
0x120: {  	v3, _, _ =	vpop (xrf0)  }
0x121: {  	(v2sf) =	vpush v3, $0xF;
	_ =	sdelay $0xe  }
0x122: {  	s5 =	spop (v2sf)  }
0x123: {  	p1 =	sgt.f32 s5, $0.0e+00  }
.Ltmp8:
0x124: {  	_ = 	snop;
	(pc) =	sbr.rel @!p1 .LBB2_18-.Ltmp8, $4  }
.Ltmp9:
0x125: {  	_ = 	snop;
	(pc) =	sbr.rel @p1 .LBB2_14-.Ltmp9, $4  }
0x126: {  	_ = 	snop  }
0x127: {  	_ = 	snop  }
0x128: {  	s5 =	simm.s32 $0x0  }
0x129: {  	_ = 	snop  }
.LBB2_10:
0x12a: {  	s6 =	sadd.s32 $0x1, s6  }
0x12b: {  	p1 =	sne.s32 s6, $0x1F4  }
.Ltmp10:
0x12c: {  	_ = 	snop;
	(pc) =	sbr.rel @!p1 .LBB2_11-.Ltmp10, $1  }
0x12d: {  	_ =	sdelay $0x3  }
.LBB2_7:
.Ltmp11:
0x12e: {  	(pc) =	sbr.rel @!p0 .LBB2_10-.Ltmp11, $1  }
0x12f: {  	_ =	sdelay $0x3  }
0x130: {  	s7 =	sshll.u32 s6, $0x4  }
0x131: {  	s7 =	sand.u32 $0x3FFFFFF0, s7  }
0x132: {  	v7 =	vld [tilespmem:s7+$0x13C00];
	_ =	sdelay $0x4  }
0x133: {  	v6 =	vshra.s32 v7, $0xE;
	_ =	sdelay $0x2  }
0x134: {  	vm2 =	vmmov vm1  }
0x135: {  	v7 =	vand.u32 $0x3FFF, v7  }
0x136: {  	v3 =	vld.idx.msk [tilespmem:v6+s2+$0x0], $0xffff  }
0x137: {  	v4 =	vld.idx.msk [tilespmem:v6+s19+$0x0], $0xffff  }
0x138: {  	v5 =	vld.idx.msk [tilespmem:v6+s20+$0x0], $0xffff  }
0x139: {  	v6 =	vld.idx.msk [tilespmem:v6+s21+$0x0], $0xffff  }
.LBB2_9:
0x13a: {  	[tilespmem:v7+s25+$0x0] =	vst.idx.msk vm2, v1  }
0x13b: {  	v8 =	vld.idx.msk [tilespmem:v7+s25+$0x0], vm2;
	_ =	sdelay $0x4  }
0x13c: {  	vm3 =	veq.s32 v8, v1  }
0x13d: {  	vm3 =	vmand vm2, vm3;
	_ =	sdelay $0x2  }
0x13e: {  	vm2 =	vmxor vm2, vm3  }
0x13f: {  	v9 =	vsel vm2, $0x3F800000, v2  }
0x140: {  	(xrf0) =	vmax.scan.msk.f32 $0xffff, v9  }
0x141: {  	v8 =	vld.idx.msk [tilespmem:v7+s26+$0x0], vm3;
	_ =	sdelay $0x4  }
0x142: {  	v9, _, _ =	vpop (xrf0);
	v8 =	vmax.f32 v8, v3  }
0x143: {  	(v2sf) =	vpush v9, $0xF;
	[tilespmem:v7+s26+$0x0] =	vst.idx.msk vm3, v8  }
0x144: {  	v8 =	vld.idx.msk [tilespmem:v7+s28+$0x0], vm3;
	_ =	sdelay $0x4  }
0x145: {  	v8 =	vmax.f32 v8, v4  }
0x146: {  	[tilespmem:v7+s28+$0x0] =	vst.idx.msk vm3, v8  }
0x147: {  	v8 =	vld.idx.msk [tilespmem:v7+s29+$0x0], vm3;
	_ =	sdelay $0x4  }
0x148: {  	v8 =	vmax.f32 v8, v5  }
0x149: {  	[tilespmem:v7+s29+$0x0] =	vst.idx.msk vm3, v8  }
0x14a: {  	s7 =	spop (v2sf);
	v8 =	vld.idx.msk [tilespmem:v7+s30+$0x0], vm3  }
0x14b: {  	p1 =	sgt.f32 s7, $0.0e+00  }
.Ltmp12:
0x14c: {  	_ = 	snop;
	(pc) =	sbr.rel @p1 .LBB2_9-.Ltmp12, $3  }
0x14d: {  	_ =	sdelay $0x1  }
0x14e: {  	v8 =	vmax.f32 v8, v6  }
0x14f: {  	[tilespmem:v7+s30+$0x0] =	vst.idx.msk vm3, v8  }
.Ltmp13:
0x150: {  	_ = 	snop;
	(pc) =	sbr.rel .LBB2_10-.Ltmp13, $1  }
0x151: {  	_ =	sdelay $0x3  }
.LBB2_17:
0x152: {  	s5 =	sadd.s32 $0x1, s5  }
0x153: {  	p1 =	sne.s32 s5, $0x1F4  }
.Ltmp14:
0x154: {  	_ = 	snop;
	(pc) =	sbr.rel @!p1 .LBB2_18-.Ltmp14, $1  }
0x155: {  	_ =	sdelay $0x3  }
.LBB2_14:
.Ltmp15:
0x156: {  	(pc) =	sbr.rel @!p0 .LBB2_17-.Ltmp15, $1  }
0x157: {  	_ =	sdelay $0x3  }
0x158: {  	s6 =	sshll.u32 s5, $0x4  }
0x159: {  	s6 =	sand.u32 $0x3FFFFFF0, s6  }
0x15a: {  	v7 =	vld [tilespmem:s6+$0x15B80];
	_ =	sdelay $0x4  }
0x15b: {  	v6 =	vshra.s32 v7, $0xE;
	_ =	sdelay $0x2  }
0x15c: {  	vm2 =	vmmov $0xffff  }
0x15d: {  	v7 =	vand.u32 $0x3FFF, v7  }
0x15e: {  	v3 =	vld.idx.msk [tilespmem:v6+s2+$0x0], $0xffff  }
0x15f: {  	v4 =	vld.idx.msk [tilespmem:v6+s19+$0x0], $0xffff  }
0x160: {  	v5 =	vld.idx.msk [tilespmem:v6+s20+$0x0], $0xffff  }
0x161: {  	v6 =	vld.idx.msk [tilespmem:v6+s21+$0x0], $0xffff  }
.LBB2_16:
0x162: {  	[tilespmem:v7+s25+$0x0] =	vst.idx.msk vm2, v1  }
0x163: {  	v8 =	vld.idx.msk [tilespmem:v7+s25+$0x0], vm2;
	_ =	sdelay $0x4  }
0x164: {  	vm3 =	veq.s32 v8, v1  }
0x165: {  	vm3 =	vmand vm2, vm3;
	_ =	sdelay $0x2  }
0x166: {  	vm2 =	vmxor vm2, vm3  }
0x167: {  	v9 =	vsel vm2, $0x3F800000, v2  }
0x168: {  	(xrf0) =	vmax.scan.msk.f32 $0xffff, v9  }
0x169: {  	v8 =	vld.idx.msk [tilespmem:v7+s26+$0x0], vm3;
	_ =	sdelay $0x4  }
0x16a: {  	v9, _, _ =	vpop (xrf0);
	v8 =	vmax.f32 v8, v3  }
0x16b: {  	(v2sf) =	vpush v9, $0xF;
	[tilespmem:v7+s26+$0x0] =	vst.idx.msk vm3, v8  }
0x16c: {  	v8 =	vld.idx.msk [tilespmem:v7+s28+$0x0], vm3;
	_ =	sdelay $0x4  }
0x16d: {  	v8 =	vmax.f32 v8, v4  }
0x16e: {  	[tilespmem:v7+s28+$0x0] =	vst.idx.msk vm3, v8  }
0x16f: {  	v8 =	vld.idx.msk [tilespmem:v7+s29+$0x0], vm3;
	_ =	sdelay $0x4  }
0x170: {  	v8 =	vmax.f32 v8, v5  }
0x171: {  	[tilespmem:v7+s29+$0x0] =	vst.idx.msk vm3, v8  }
0x172: {  	s6 =	spop (v2sf);
	v8 =	vld.idx.msk [tilespmem:v7+s30+$0x0], vm3  }
0x173: {  	p1 =	sgt.f32 s6, $0.0e+00  }
.Ltmp16:
0x174: {  	_ = 	snop;
	(pc) =	sbr.rel @p1 .LBB2_16-.Ltmp16, $3  }
0x175: {  	_ =	sdelay $0x1  }
0x176: {  	v8 =	vmax.f32 v8, v6  }
0x177: {  	[tilespmem:v7+s30+$0x0] =	vst.idx.msk vm3, v8  }
.Ltmp17:
0x178: {  	_ = 	snop;
	(pc) =	sbr.rel .LBB2_17-.Ltmp17, $1  }
0x179: {  	_ =	sdelay $0x3  }
.LBB2_20:
0x17a: {  	_ =	sfence.sel $0x180000  }
0x17b: {  	[bflag:$0x0] =	sbarrier.arrive $0xFFFF  }
0x17c: {  	_ =	strace $0x90000047  }
0x17d: {  	s0 =	stileid.u32;
	[bflag:$0x2] =	sbarrier.arrive $0xFFFF  }
0x17e: {  	p0 =	sne.s32 s0, $0x0;
	s0 =	rddreg [dreg:$0x2]  }
0x17f: {  	s0 =	sadd.s32 @!p0 $0x100000, s0  }
0x180: {  	[sflag:s0] =	ssyncadd.tile.s32 @!p0 $0x1;
	_ =	shalt  }
.Lfunc_end2:
_tile_overlayer_lowered:
.L_overlay_start_2:
0x181: {  	(tag) =	ssettag $0x2  }
0x182: {  	s0 =	rddreg [dreg:$0x0];
	s2 =	stileid.u32  }
0x183: {  	s1 =	rddreg [dreg:$0x1];
	p0 =	sne.s32 s2, $0x0  }
0x184: {  	s3 =	rddreg [dreg:$0x2];
	[bflag:$0x3] =	sbarrier.arrive $0xFFFF;
	s2 =	simm.s32 @!p0 $0x1C03  }
0x185: {  	[timem:s3], [sflag:s2] =	dma.local @!p0 [hbm:s0], s1  }
0x186: {  	s0 =	simm.s32 @!p0 $0x3  }
0x187: {  	_ =	swait.ge @!p0 [sflag:s0], s1  }
0x188: {  	s1 =	ssub.s32 @!p0 $0x0, s1;
	[sflag:s0] =	ssyncset.done @!p0 $0x0  }
0x189: {  	[sflag:s0] =	ssyncadd.s32 @!p0 s1  }
0x18a: {  	[bflag:$0x3] =	sbarrier.arrive $0xFFFF  }
0x18b: {  	_ =	shalt  }

// kernel: kernel.13.cloned.1.call-start
scs
__scs_entry_jumppad:
0x0: {  	(pc) =	sbr.rel $0x88, $3  }
0x1: {  	(tag) =	ssettag $0x0;
	lr =	simm.s32 $0x1  }
0x2: {  	[smem:$0x3F97] =	sst lr;
	_ =	strace $0xD0000000  }
0x3: {  	_ = 	snop  }
0x4: {  	_ = 	snop  }
0x5: {  	_ = 	snop  }
0x6: {  	_ = 	snop  }
0x7: {  	_ = 	snop  }
__scs_overlays_trampoline_lowered:
0x8: {  	[smem:$0x3FA6] =	sst s0  }
0x9: {  	[smem:$0x3FA7] =	sst s1  }
0xa: {  	[smem:$0x3FA8] =	sst s2  }
0xb: {  	[smem:$0x3FA9] =	sst s3  }
0xc: {  	[smem:$0x3FAA] =	sst s4  }
0xd: {  	[smem:$0x3FAB] =	sst s5  }
0xe: {  	[smem:$0x3FAC] =	sst s6  }
0xf: {  	[smem:$0x3FAD] =	sst s7  }
0x10: {  	[smem:$0x3FAE] =	sst s8  }
0x11: {  	[smem:$0x3FAF] =	sst s9;
	s0 =	simm.s32 @!p0 $0x0  }
0x12: {  	s1 =	sld [smem:$0x3F95];
	s0 =	simm.s32 @p0 $0x1  }
0x13: {  	[smem:$0x3FB0] =	sst s0;
	s0 =	simm.s32 @!p1 $0x0  }
0x14: {  	s2 =	sld [smem:$0x3F94];
	s0 =	simm.s32 @p1 $0x1  }
0x15: {  	[smem:$0x3FB1] =	sst s0;
	s0 =	simm.s32 @!p2 $0x0  }
0x16: {  	s3 =	sld [smem:$0x3FDB];
	s0 =	simm.s32 @p2 $0x1  }
0x17: {  	s4 =	simm.s32 $0x1BF5;
	[smem:$0x3FB3] =	sst s0  }
0x18: {  	s0 =	sld [smem:$0x3F96];
	_ =	swait.ge [sflag:s4], $0x0  }
0x19: {  	s7 =	sld [smem:$0x3F97]  }
0x1a: {  	s8 =	sadd.s32 $0xFFFFE003, lr  }
0x1b: {  	s9 =	sadd.s32 $0xFFFFFEF7, lr;
	s5 =	simm.s32 $0xFFFFFFFF;
	p2 =	slt.u32 s8, $0xFFFFF086  }
0x1c: {  	p1 =	slt.u32 s9, $0xF7A;
	s5 =	simm.s32 @!p2 $0x0  }
0x1d: {  	s5 =	simm.s32 @p1 $0x1;
	p0 =	seq.s32 s7, s2  }
0x1e: {  	s7 =	smul.u32 @!p0 $0xF7A, s2;
	p2 =	seq.s32 @!p0 s5, $0x0  }
0x1f: {  	s9 =	smul.u32 $0xF7A, s1;
	s8 =	simm.s32 @!p0 $0x1BF5;
	p2 =	por !p2, p0  }
0x20: {  	[sflag:s8] =	ssyncset.s32 @!p0 $0xFFFFF086;
	s6 =	sadd.s32 @!p0 s3, s7;
	s7 =	simm.s32 @!p0 $0x108  }
0x21: {  	s3 =	sadd.s32 s3, s9;
	s6 =	sadd.s32 @!p0 $0x88, s6;
	s7 =	simm.s32 @p2 $0x1082  }
0x22: {  	[simem:s7], [sflag:s8] =	dma.local @!p0 [hbm:s6], $0xF7A  }
0x23: {  	s9 =	sor.u32 $0xD0000000, s2;
	s6 =	simm.s32 $0x108;
	_ =	swait.ge @!p0 [sflag:s8], $0x0  }
0x24: {  	s3 =	sadd.s32 $0x88, s3;
	s6 =	simm.s32 @!p1 $0x1082;
	[sflag:s4] =	ssyncset.s32 $0xFFFFF086  }
0x25: {  	[simem:s6], [sflag:s4] =	dma.local [hbm:s3], $0xF7A  }
0x26: {  	[smem:$0x3F97] =	sst s1;
	(tag) =	ssettag s2;
	_ =	strace s9  }
0x27: {  	s1 =	sld [smem:$0x3FA7]  }
0x28: {  	s2 =	sld [smem:$0x3FA8]  }
0x29: {  	s4 =	sld [smem:$0x3FAA]  }
0x2a: {  	p0 =	seq.s32 s5, $0x0;
	s5 =	sld [smem:$0x3FAB]  }
0x2b: {  	s6 =	sld [smem:$0x3FAC]  }
0x2c: {  	s7 =	sld [smem:$0x3FAD]  }
0x2d: {  	s3 =	simm.s32 $0x108;
	s8 =	sld [smem:$0x3FAE]  }
0x2e: {  	s3 =	simm.s32 @!p0 $0x1082;
	s9 =	sld [smem:$0x3FAF]  }
0x2f: {  	lr =	sadd.s32 s0, s3;
	s0 =	sld [smem:$0x3FA6]  }
0x30: {  	s3 =	sld [smem:$0x3FA9]  }
0x31: {  	[smem:$0x3FB2] =	sst s10  }
0x32: {  	s10 =	sld [smem:$0x3FB0];
	_ =	sdelay $0x3  }
0x33: {  	p0 =	seq.s32 s10, $0x1;
	s10 =	sld [smem:$0x3FB2];
	_ =	sdelay $0x3  }
0x34: {  	[smem:$0x3FB2] =	sst s10  }
0x35: {  	s10 =	sld [smem:$0x3FB1];
	_ =	sdelay $0x3  }
0x36: {  	p1 =	seq.s32 s10, $0x1;
	s10 =	sld [smem:$0x3FB2];
	_ =	sdelay $0x3  }
0x37: {  	[smem:$0x3FB2] =	sst s10  }
0x38: {  	s10 =	sld [smem:$0x3FB3]  }
0x39: {  	_ = 	snop;
	(pc) =	sbr.ind lr, $3  }
0x3a: {  	_ = 	snop  }
0x3b: {  	_ = 	snop  }
0x3c: {  	p2 =	seq.s32 s10, $0x1;
	s10 =	sld [smem:$0x3FB2]  }
0x3d: {  	_ =	shalt  }
0x3e: {  	_ =	shalt  }
0x3f: {  	_ =	shalt  }
0x40: {  	_ =	shalt  }
0x41: {  	_ =	shalt  }
0x42: {  	_ =	shalt  }
0x43: {  	_ =	shalt  }
0x44: {  	_ =	shalt  }
0x45: {  	_ =	shalt  }
0x46: {  	_ =	shalt  }
0x47: {  	_ =	shalt  }
0x48: {  	_ =	shalt  }
0x49: {  	_ =	shalt  }
0x4a: {  	_ =	shalt  }
0x4b: {  	_ =	shalt  }
0x4c: {  	_ =	shalt  }
0x4d: {  	_ =	shalt  }
0x4e: {  	_ =	shalt  }
0x4f: {  	_ =	shalt  }
0x50: {  	_ =	shalt  }
0x51: {  	_ =	shalt  }
0x52: {  	_ =	shalt  }
0x53: {  	_ =	shalt  }
0x54: {  	_ =	shalt  }
0x55: {  	_ =	shalt  }
0x56: {  	_ =	shalt  }
0x57: {  	_ =	shalt  }
0x58: {  	_ =	shalt  }
0x59: {  	_ =	shalt  }
0x5a: {  	_ =	shalt  }
0x5b: {  	_ =	shalt  }
0x5c: {  	_ =	shalt  }
0x5d: {  	_ =	shalt  }
0x5e: {  	_ =	shalt  }
0x5f: {  	_ =	shalt  }
0x60: {  	_ =	shalt  }
0x61: {  	_ =	shalt  }
0x62: {  	_ =	shalt  }
0x63: {  	_ =	shalt  }
0x64: {  	_ =	shalt  }
0x65: {  	_ =	shalt  }
0x66: {  	_ =	shalt  }
0x67: {  	_ =	shalt  }
0x68: {  	_ =	shalt  }
0x69: {  	_ =	shalt  }
0x6a: {  	_ =	shalt  }
0x6b: {  	_ =	shalt  }
0x6c: {  	_ =	shalt  }
0x6d: {  	_ =	shalt  }
0x6e: {  	_ =	shalt  }
0x6f: {  	_ =	shalt  }
0x70: {  	_ =	shalt  }
0x71: {  	_ =	shalt  }
0x72: {  	_ =	shalt  }
0x73: {  	_ =	shalt  }
0x74: {  	_ =	shalt  }
0x75: {  	_ =	shalt  }
0x76: {  	_ =	shalt  }
0x77: {  	_ =	shalt  }
0x78: {  	_ =	shalt  }
0x79: {  	_ =	shalt  }
0x7a: {  	_ =	shalt  }
0x7b: {  	_ =	shalt  }
0x7c: {  	_ =	shalt  }
0x7d: {  	_ =	shalt  }
0x7e: {  	_ =	shalt  }
0x7f: {  	_ =	shalt  }
0x80: {  	_ =	shalt  }
0x81: {  	_ =	shalt  }
0x82: {  	_ =	shalt  }
0x83: {  	_ =	shalt  }
0x84: {  	_ =	shalt  }
0x85: {  	_ =	shalt  }
0x86: {  	_ =	shalt  }
0x87: {  	_ =	shalt  }
.Lfunc_end0:
.L_simem_size_0:
called_computation.1_lowered:
.L_overlay_start_0:
0x88: {  	s2 =	sld [smem:$0x3FD9]  }
0x89: {  	s3 =	sld [smem:$0x3FFE];
	_ =	sdelay $0x1  }
0x8a: {  	s1 =	srdreg.scid  }
0x8b: {  	s0 =	sand.u32 $0x1, s1  }
0x8c: {  	s17 =	sshll.u32 s0, $0xA;
	s2 =	sadd.s32 s3, s2  }
0x8d: {  	s2 =	sadd.s32 s2, s17  }
0x8e: {  	[smem:$0x3FBE] =	sst s2  }
0x8f: {  	_ = 	snop  }
0x90: {  	s2 =	sld [smem:$0x3FD0];
	(tm) =	ssettm $0x1  }
0x91: {  	s18 =	sld [smem:$0x3FFB];
	_ =	sdelay $0x3  }
0x92: {  	_ =	strace s18  }
0x93: {  	s3 =	sld [smem:$0x3FFC];
	_ =	sdelay $0x3  }
0x94: {  	_ =	strace s3  }
0x95: {  	s3 =	sld [smem:$0x3FFD];
	_ =	sdelay $0x3  }
0x96: {  	_ =	strace s3  }
0x97: {  	_ =	strace $0x8FFFFFFF  }
0x98: {  	s19 =	sld [smem:$0x3FDB];
	_ =	sdelay $0x1  }
0x99: {  	s4 =	simm.s32 $_scs_section_size  }
0x9a: {  	s5 =	simm.s32 $_size__tile_overlayer_lowered;
	s6 =	simm.s32 $_tile_overlayer_lowered  }
0x9b: {  	s22 =	simm.s32 $0x1BFF;
	s21 =	sshll.u32 s6, $0x1;
	s3 =	sadd.s32 s4, s19  }
0x9c: {  	s7 =	simm.s32 $0x0;
	s20 =	sshll.u32 s5, $0x1;
	s5 =	sadd.s32 s21, s3  }
0x9d: {  	[timem:s7], [sflag:s22] =	dma.local [hbm:s5], s20  }
0x9e: {  	_ =	swait.ge [sflag:s22], s20  }
0x9f: {  	s4 =	ssub.s32 $0x0, s20;
	[sflag:s22] =	ssyncset.done $0x0  }
0xa0: {  	[sflag:s22] =	ssyncadd.s32 s4;
	_ =	sdelay $0x1  }
0xa1: {  	s23 =	simm.s32 $0x1B8B  }
0xa2: {  	_ =	swait.ge [sflag:s23], $0x1  }
0xa3: {  	[sflag:s23] =	ssyncset.done $0x0  }
0xa4: {  	s25 =	simm.s32 $0x1B8E;
	s24 =	sld [smem:$0x3FFE];
	[sflag:s23] =	ssyncadd.s32 $0xFFFFFFFF  }
0xa5: {  	s26 =	simm.s32 $execute0_lowered;
	[smem:$0x3FD2] =	sst s25  }
0xa6: {  	s5 =	sshll.u32 s26, $0x1;
	_ =	strace $0x80000049;
	[dreg:$0x1] =	wrdreg $0xFFFFFFFF  }
0xa7: {  	s28 =	simm.s32 $_size_execute0_lowered;
	s3 =	sadd.s32 s3, s5;
	[dreg:$0x0] =	wrdreg $0x0  }
0xa8: {  	s5 =	sshll.u32 s28, $0x1;
	[dreg:$0x2] =	wrdreg s3  }
0xa9: {  	[dreg:$0x3] =	wrdreg s5  }
0xaa: {  	[dreg:$0x4] =	wrdreg $0xC0  }
0xab: {  	_ =	task [dreg:s7], $0x5FFFF  }
0xac: {  	[dreg:$0x1] =	wrdreg $0xFFFFFFFF  }
0xad: {  	[dreg:$0x0] =	wrdreg $0x60  }
0xae: {  	[dreg:$0x2] =	wrdreg s24  }
0xaf: {  	[dreg:$0x3] =	wrdreg s2  }
0xb0: {  	[dreg:$0x4] =	wrdreg $0x9  }
0xb1: {  	_ =	task.clear_ibuf [dreg:s7], $0x5FFFF;
	_ =	strace $0x90000049  }
0xb2: {  	s29 =	simm.s32 $0x9;
	_ =	strace $0x8000004B  }
0xb3: {  	_ =	swait.ge [sflag:s29], $0x1  }
0xb4: {  	[sflag:s29] =	ssyncadd.s32 $0xFFFFFFFF  }
0xb5: {  	_ =	strace $0x9000004B  }
0xb6: {  	_ =	sfence  }
0xb7: {  	s30 =	sld [smem:$0x0];
	_ =	sdelay $0x2  }
0xb8: {  	s31 =	sshll.u32 s1, $0xD;
	s1 =	sshrl.u32 s1, $0x2  }
0xb9: {  	s3 =	sand.u32 $0x4000, s31;
	s1 =	sadd.s32 s1, s30  }
0xba: {  	s0 =	sor.u32 s3, s0;
	s1 =	sshll.u32 s1, $0x11  }
0xbb: {  	s0 =	sor.u32 s1, s0  }
0xbc: {  	s0 =	sadd.s32 $0x8F2B, s0  }
0xbd: {  	[sflag:s0] =	ssyncadd.remote.s32 $0x1  }
0xbe: {  	_ =	sfence.sel $0xFFFF  }
0xbf: {  	[dreg:$0x0] =	wrdreg $0xFFFFFFFF;
	(pc) =	sbr.abs _section_cstart, $3  }
0xc0: {  	[dreg:$0x1] =	wrdreg $0xFFFFFFFF  }
0xc1: {  	_ =	task.clear_ibuf [dreg:s7], $0x2FFFF;
	_ =	strace $0x9FFFFFFF  }
0xc2: {  	(tm) =	ssettm $0x7FFFFFFF  }
0xc3: {  	_ =	shalt  }
tec
execute0_lowered:
.L_overlay_start_1:
0x0: {  	(tag) =	ssettag $0x1  }
0x1: {  	s0 =	rddreg [dreg:$0x0]  }
0x2: {  	s1 =	rddreg [dreg:$0x1];
	s2 =	simm.s32 $0x0  }
0x3: {  	s8 =	stileid.u32;
	s3 =	srdreg.scid;
	s28 =	simm.s32 $0xC580  }
0x4: {  	s29 =	simm.s32 $0xED00;
	s30 =	simm.s32 $0x11480;
	[smem:$0x7FF] =	sst s2  }
0x5: {  	v0 =	vimm.f32 $1.000000000e+00;
	s31 =	simm.s32 $0x1A280;
	s4 =	sshrl.u32 s8, $0x1;
	_ =	strace $0x8000004A  }
0x6: {  	s3 =	sand.u32 $0x1, s3;
	s6 =	sshll.u32 s8, $0x9;
	s4 =	smul.u32 $0x13C00, s4;
	(xrf0) =	vmax.scan.msk.f32 $0xffff, v0  }
0x7: {  	s7 =	sadd.s32 $0x3000, s0;
	s16 =	sshll.u32 s8, $0x2;
	s5 =	smul.u32 $0x9E000, s3  }
0x8: {  	s6 =	sand.u32 $0x200, s6;
	s15 =	ssub.s32 $0x2, s3;
	s9 =	sor.u32 $0x41, s16  }
0x9: {  	s20 =	sor.u32 $0x42, s16;
	s3 =	smul.u32 $0x27100, s3;
	s17 =	sshrl.u32 s15, $0x1  }
0xa: {  	s18 =	sshrl.u32 s9, $0x3;
	s19 =	sshll.u32 s9, $0x7;
	s10 =	sshrl.u32 s20, $0x3  }
0xb: {  	s9 =	sshll.u32 s20, $0x7;
	s20 =	simm.s32 $0x4F00;
	s5 =	sadd.s32 s5, s4  }
0xc: {  	s4 =	sor.u32 s6, s4;
	s8 =	sand.u32 $0x280, s19;
	s21 =	smul.u32 $0x13C00, s10;
	v0, _, _ =	vpop (xrf0)  }
0xd: {  	s9 =	sand.u32 $0x300, s9;
	s25 =	sshrl.u32 s3, $0x3;
	s19 =	simm.s32 $0x2780;
	(v2sf) =	vpush v0, $0xF  }
0xe: {  	s5 =	sor.u32 s6, s5;
	s4 =	sadd.s32 $0x9E000, s4;
	s6 =	sor.u32 $0x43, s16  }
0xf: {  	s16 =	simm.s32 $0x80;
	s5 =	sshrl.u32 s5, $0x3;
	s4 =	sshrl.u32 s4, $0x3  }
0x10: {  	s22 =	sshrl.u32 s6, $0x3;
	s6 =	sshll.u32 s6, $0x7;
	s0 =	sadd.s32 s5, s0  }
0x11: {  	s5 =	ssub.s32 s15, s17;
	s4 =	sadd.s32 s7, s4;
	s10 =	smul.u32 $0x13C00, s22  }
0x12: {  	s6 =	sand.u32 $0x380, s6;
	s17 =	simm.s32 $0x400;
	s22 =	simm.s32 $0x0  }
0x13: {  	[dreg:$0x3] =	wrdreg s4;
	s4 =	smul.u32 $0x13C00, s18;
	s11 =	sadd.s32 $0x2A800, s0  }
0x14: {  	s12 =	sadd.s32 $0x2A810, s0;
	s13 =	sadd.s32 $0x2A820, s0;
	s14 =	sadd.s32 $0x2A830, s0  }
0x15: {  	s15 =	smax.u32 s5, $0x1;
	s18 =	simm.s32 $0x3;
	s0 =	simm.s32 $0x2  }
0x16: {  	s6 =	sor.u32 s6, s10;
	s10 =	sadd.s32 $0x3E80, s3;
	s4 =	sor.u32 s8, s4  }
0x17: {  	s8 =	sor.u32 s9, s21;
	s6 =	sshrl.u32 s6, $0x3;
	s9 =	sadd.s32 $0x1F40, s3  }
0x18: {  	s21 =	simm.s32 $0x7680;
	s3 =	simm.s32 $0x0;
	s4 =	sshrl.u32 s4, $0x3  }
.Ltmp0:
0x19: {  	s23 =	sshrl.u32 s8, $0x3;
	s24 =	sadd.s32 s7, s6;
	(pc) =	sbr.rel .LBB2_1-.Ltmp0, $4  }
0x1a: {  	s8 =	sadd.s32 s1, s25;
	s4 =	sadd.s32 s7, s4;
	[dreg:$0x6] =	wrdreg s24  }
0x1b: {  	s25 =	simm.s32 $0x17B00;
	s24 =	simm.s32 $0x15B80;
	[dreg:$0x4] =	wrdreg s4  }
0x1c: {  	vm0 =	vmxor vm0, vm0;
	v1 =	vlaneseq.u32;
	s4 =	sadd.s32 s7, s23;
	s23 =	simm.s32 $0x1;
	s26 =	spop (v2sf)  }
0x1d: {  	v2 =	vimm.f32 $0.0e+00;
	vm1 =	vmmov $0xffff;
	v0 =	vimm.f32 $-3.000000010e+38;
	[dreg:$0x5] =	wrdreg s4;
	p0 =	sgt.f32 s26, $0.0e+00;
	s26 =	simm.s32 $0x9E00  }
.LBB2_19:
0x1e: {  	[hbm4b:s11+s16] =	stream.strided.scatter [tilespmem:s26], [sflag:$0x3], $0x2780, s17, s16, $0x38;
	[tilespmem:$0x1CA00] =	vst v63  }
0x1f: {  	_ =	swait.ge [sflag:s18], $0x2780  }
0x20: {  	[sflag:s18] =	ssyncset.done $0x0  }
0x21: {  	[sflag:s18] =	ssyncadd.s32 $0xFFFFD880  }
0x22: {  	[hbm4b:s12+s16] =	stream.strided.scatter [tilespmem:s28], [sflag:$0x3], $0x2780, s17, s16, $0x38;
	[tilespmem:$0x1CA00] =	vst v63  }
0x23: {  	_ =	swait.ge [sflag:s18], $0x2780  }
0x24: {  	[sflag:s18] =	ssyncset.done $0x0  }
0x25: {  	[sflag:s18] =	ssyncadd.s32 $0xFFFFD880  }
0x26: {  	[hbm4b:s13+s16] =	stream.strided.scatter [tilespmem:s29], [sflag:$0x3], $0x2780, s17, s16, $0x38;
	[tilespmem:$0x1CA00] =	vst v63  }
0x27: {  	s3 =	sadd.s32 $0x1, s3;
	_ =	swait.ge [sflag:s18], $0x2780  }
0x28: {  	p1 =	sne.s32 s3, s15;
	[sflag:s18] =	ssyncset.done $0x0  }
.Ltmp1:
0x29: {  	[sflag:s18] =	ssyncadd.s32 $0xFFFFD880;
	(pc) =	sbr.rel @!p1 .LBB2_20-.Ltmp1, $4  }
0x2a: {  	[hbm4b:s14+s16] =	stream.strided.scatter [tilespmem:s30], [sflag:$0x3], $0x2780, s17, s16, $0x38;
	[tilespmem:$0x1CA00] =	vst v63  }
0x2b: {  	_ =	swait.ge [sflag:s18], $0x2780  }
0x2c: {  	[sflag:s18] =	ssyncset.done $0x0  }
0x2d: {  	[sflag:s18] =	ssyncadd.s32 $0xFFFFD880  }
.LBB2_1:
0x2e: {  	s4 =	rddreg [dreg:$0x3]  }
0x2f: {  	[tilespmem:s2], [sflag:$0x3] =	stream.strided.gather [hbm4b:s4+s16], $0x2780, s17, s16, $0x38;
	[tilespmem:$0x1CA00] =	vst v63  }
0x30: {  	_ =	swait.ge [sflag:s18], $0x2780  }
0x31: {  	[sflag:s18] =	ssyncset.done $0x0  }
0x32: {  	s5 =	rddreg [dreg:$0x4];
	[sflag:s18] =	ssyncadd.s32 $0xFFFFD880  }
0x33: {  	[tilespmem:s19], [sflag:$0x3] =	stream.strided.gather [hbm4b:s5+s16], $0x2780, s17, s16, $0x38;
	[tilespmem:$0x1CA00] =	vst v63  }
0x34: {  	_ =	swait.ge [sflag:s18], $0x2780  }
0x35: {  	[sflag:s18] =	ssyncset.done $0x0  }
0x36: {  	s6 =	rddreg [dreg:$0x5];
	[sflag:s18] =	ssyncadd.s32 $0xFFFFD880  }
0x37: {  	[tilespmem:s20], [sflag:$0x3] =	stream.strided.gather [hbm4b:s6+s16], $0x2780, s17, s16, $0x38;
	[tilespmem:$0x1CA00] =	vst v63  }
0x38: {  	_ =	swait.ge [sflag:s18], $0x2780  }
0x39: {  	[sflag:s18] =	ssyncset.done $0x0  }
0x3a: {  	s7 =	rddreg [dreg:$0x6];
	[sflag:s18] =	ssyncadd.s32 $0xFFFFD880  }
0x3b: {  	[tilespmem:s21], [sflag:$0x3] =	stream.strided.gather [hbm4b:s7+s16], $0x2780, s17, s16, $0x38;
	[tilespmem:$0x1CA00] =	vst v63  }
0x3c: {  	_ =	swait.ge [sflag:s18], $0x2780  }
0x3d: {  	[sflag:s18] =	ssyncset.done $0x0  }
0x3e: {  	s4 =	simm.s32 $0x0;
	s5 =	simm.s32 $0x40;
	[sflag:s18] =	ssyncadd.s32 $0xFFFFD880  }
.LBB2_2:
0x3f: {  	p1 =	sne.s32 s5, $0x9C00;
	[tilespmem:s4+$0x11480] =	vst v0;
	s6 =	smov.u32 s5;
	s5 =	sadd.s32 $0x40, s5  }
.Ltmp2:
0x40: {  	[tilespmem:s4+$0xED00] =	vst v0;
	(pc) =	sbr.rel @p1 .LBB2_2-.Ltmp2, $3  }
0x41: {  	[tilespmem:s4+$0x9E00] =	vst v0  }
0x42: {  	[tilespmem:s4+$0xC580] =	vst v0;
	_ =	sdelay $0x1  }
0x43: {  	s4 =	sshra.s32 s6, $0x2  }
.Ltmp3:
0x44: {  	[tilespmem:s4+$0x11480] =	vst v0;
	(pc) =	sbr.rel .LBB2_4-.Ltmp3, $4  }
0x45: {  	[tilespmem:s4+$0xED00] =	vst v0  }
0x46: {  	[tilespmem:s4+$0x9E00] =	vst v0  }
0x47: {  	[tilespmem:s4+$0xC580] =	vst v0;
	s7 =	simm.s32 $0x13C00;
	s4 =	simm.s32 $0x0  }
0x48: {  	[tilespmem:s7], [sflag:$0x1] =	stream.linear.gather [hbm4b:s8+s22], $0x1F40, $0x38;
	[tilespmem:$0x1CA00] =	vst v63  }
.LBB2_18:
0x49: {  	s4 =	sadd.s32 $0x1, s4  }
0x4a: {  	p1 =	sne.s32 s4, $0xA  }
.Ltmp4:
0x4b: {  	_ = 	snop;
	(pc) =	sbr.rel @!p1 .LBB2_19-.Ltmp4, $1  }
0x4c: {  	_ =	sdelay $0x3  }
.LBB2_4:
0x4d: {  	s5 =	smul.u32 $0x3E80, s4;
	_ =	sdelay $0x1  }
0x4e: {  	_ =	swait.ge [sflag:s23], $0x1F40;
	s6 =	sadd.s32 s5, s9  }
0x4f: {  	[sflag:s23] =	ssyncset.done $0x0;
	s6 =	sshrl.u32 s6, $0x3  }
0x50: {  	[sflag:s23] =	ssyncadd.s32 $0xFFFFE0C0;
	s6 =	sadd.s32 s1, s6  }
0x51: {  	[tilespmem:s24], [sflag:$0x2] =	stream.linear.gather [hbm4b:s6+s22], $0x1F40, $0x38;
	[tilespmem:$0x1CA00] =	vst v63  }
0x52: {  	vm2 =	vmmov vm0;
	s6 =	simm.s32 $0x0  }
.LBB2_5:
0x53: {  	s7 =	sshra.s32 s6, $0x2  }
0x54: {  	v3 =	vld [tilespmem:s7+$0x13C00];
	_ =	sdelay $0x4  }
0x55: {  	v4 =	vand.u32 $0x3FFF, v3;
	_ =	sdelay $0x2  }
0x56: {  	v5 =	vld [tilespmem:s7+$0x13C10]  }
0x57: {  	v6 =	vld [tilespmem:s7+$0x13C20]  }
0x58: {  	v7 =	vld [tilespmem:s7+$0x13C30];
	[tilespmem:v4+s25+$0x0] =	vst.idx.msk $0xffff, v1  }
0x59: {  	v8 =	vld.idx.msk [tilespmem:v4+s25+$0x0], $0xffff;
	_ =	sdelay $0x2  }
0x5a: {  	v3 =	vshra.s32 v3, $0xE;
	_ =	sdelay $0x1  }
0x5b: {  	vm3 =	vne.s32 v8, v1;
	_ =	sdelay $0x2  }
0x5c: {  	v9 =	vld.idx.msk [tilespmem:v3+s2+$0x0], $0xffff  }
0x5d: {  	v10 =	vld.idx.msk [tilespmem:v3+s19+$0x0], $0xffff  }
0x5e: {  	v11 =	vld.idx.msk [tilespmem:v3+s20+$0x0], $0xffff  }
0x5f: {  	v3 =	vld.idx.msk [tilespmem:v3+s21+$0x0], $0xffff;
	[tilespmem:v4+s25+$0x0] =	vst.idx.msk vm3, v1  }
0x60: {  	v13 =	vld.idx.msk [tilespmem:v4+s25+$0x0], $0xffff  }
0x61: {  	v12 =	vld.idx.msk [tilespmem:v4+s26+$0x0], $0xffff  }
0x62: {  	v14 =	vld.idx.msk [tilespmem:v4+s28+$0x0], $0xffff  }
0x63: {  	v15 =	vld.idx.msk [tilespmem:v4+s29+$0x0], $0xffff  }
0x64: {  	v16 =	vld.idx.msk [tilespmem:v4+s30+$0x0], $0xffff  }
0x65: {  	vm4 =	veq.s32 v13, v1;
	_ =	sdelay $0x1  }
0x66: {  	v63 =	vand.u32 $0x3FFF, v5;
	v12 =	vmax.f32 v12, v9;
	v9 =	vperm.xlane v9, v8  }
0x67: {  	v14 =	vmax.f32 v14, v10;
	v15 =	vmax.f32 v15, v11;
	v10 =	vperm.xlane v10, v8  }
0x68: {  	v16 =	vmax.f32 v16, v3;
	v11 =	vperm.xlane v11, v8;
	v61 =	vmax.f32 v12, v9  }
0x69: {  	v3 =	vperm.xlane v3, v8;
	v62 =	vmax.f32 v14, v10;
	v8 =	vsel vm3, v61, v12  }
0x6a: {  	v21 =	vmax.f32 v15, v11;
	v20 =	vsel vm3, v62, v14;
	[tilespmem:v4+s26+$0x0] =	vst.idx.msk vm4, v8  }
0x6b: {  	v3 =	vmax.f32 v16, v3;
	v22 =	vsel vm3, v21, v15;
	[tilespmem:v4+s28+$0x0] =	vst.idx.msk vm4, v20  }
0x6c: {  	v3 =	vsel vm3, v3, v16;
	[tilespmem:v4+s29+$0x0] =	vst.idx.msk vm4, v22  }
0x6d: {  	[tilespmem:v4+s30+$0x0] =	vst.idx.msk vm4, v3  }
0x6e: {  	[tilespmem:v63+s31+$0x0] =	vst.idx.msk $0xffff, v1  }
0x6f: {  	v3 =	vld.idx.msk [tilespmem:v63+s31+$0x0], $0xffff;
	_ =	sdelay $0x2  }
0x70: {  	v23 =	vshra.s32 v5, $0xE;
	_ =	sdelay $0x1  }
0x71: {  	vm14 =	vne.s32 v3, v1;
	_ =	sdelay $0x2  }
0x72: {  	v5 =	vld.idx.msk [tilespmem:v23+s2+$0x0], $0xffff  }
0x73: {  	v8 =	vld.idx.msk [tilespmem:v23+s19+$0x0], $0xffff  }
0x74: {  	v24 =	vld.idx.msk [tilespmem:v23+s20+$0x0], $0xffff  }
0x75: {  	v4 =	vld.idx.msk [tilespmem:v23+s21+$0x0], $0xffff;
	[tilespmem:v63+s31+$0x0] =	vst.idx.msk vm14, v1  }
0x76: {  	v26 =	vld.idx.msk [tilespmem:v63+s31+$0x0], $0xffff  }
0x77: {  	v25 =	vld.idx.msk [tilespmem:v63+s26+$0x0], $0xffff  }
0x78: {  	v27 =	vld.idx.msk [tilespmem:v63+s28+$0x0], $0xffff  }
0x79: {  	v28 =	vld.idx.msk [tilespmem:v63+s29+$0x0], $0xffff  }
0x7a: {  	v29 =	vld.idx.msk [tilespmem:v63+s30+$0x0], $0xffff  }
0x7b: {  	vm5 =	veq.s32 v26, v1;
	_ =	sdelay $0x1  }
0x7c: {  	v32 =	vand.u32 $0x3FFF, v6;
	v11 =	vmax.f32 v25, v5;
	v5 =	vperm.xlane v5, v3  }
0x7d: {  	v9 =	vperm.xlane v24, v3;
	v14 =	vmax.f32 v27, v8;
	v8 =	vperm.xlane v8, v3  }
0x7e: {  	v15 =	vmax.f32 v28, v24;
	v16 =	vmax.f32 v29, v4;
	v30 =	vmax.f32 v11, v5  }
0x7f: {  	v3 =	vperm.xlane v4, v3;
	v31 =	vmax.f32 v14, v8;
	v4 =	vsel vm14, v30, v11  }
0x80: {  	v34 =	vmax.f32 v15, v9;
	v33 =	vsel vm14, v31, v14;
	[tilespmem:v63+s26+$0x0] =	vst.idx.msk vm5, v4  }
0x81: {  	v35 =	vsel vm14, v34, v15;
	v3 =	vmax.f32 v16, v3;
	[tilespmem:v63+s28+$0x0] =	vst.idx.msk vm5, v33  }
0x82: {  	v3 =	vsel vm14, v3, v16;
	[tilespmem:v63+s29+$0x0] =	vst.idx.msk vm5, v35  }
0x83: {  	[tilespmem:v63+s30+$0x0] =	vst.idx.msk vm5, v3  }
0x84: {  	[tilespmem:v32+s25+$0x0] =	vst.idx.msk $0xffff, v1  }
0x85: {  	v3 =	vld.idx.msk [tilespmem:v32+s25+$0x0], $0xffff;
	_ =	sdelay $0x2  }
0x86: {  	v36 =	vshra.s32 v6, $0xE;
	_ =	sdelay $0x1  }
0x87: {  	vm15 =	vne.s32 v3, v1;
	_ =	sdelay $0x2  }
0x88: {  	v37 =	vld.idx.msk [tilespmem:v36+s2+$0x0], $0xffff  }
0x89: {  	v6 =	vld.idx.msk [tilespmem:v36+s19+$0x0], $0xffff  }
0x8a: {  	v38 =	vld.idx.msk [tilespmem:v36+s20+$0x0], $0xffff  }
0x8b: {  	v4 =	vld.idx.msk [tilespmem:v36+s21+$0x0], $0xffff;
	[tilespmem:v32+s25+$0x0] =	vst.idx.msk vm15, v1  }
0x8c: {  	v39 =	vld.idx.msk [tilespmem:v32+s25+$0x0], $0xffff  }
0x8d: {  	v10 =	vld.idx.msk [tilespmem:v32+s26+$0x0], $0xffff  }
0x8e: {  	v40 =	vld.idx.msk [tilespmem:v32+s28+$0x0], $0xffff  }
0x8f: {  	v41 =	vld.idx.msk [tilespmem:v32+s29+$0x0], $0xffff  }
0x90: {  	v42 =	vld.idx.msk [tilespmem:v32+s30+$0x0], $0xffff  }
0x91: {  	vm6 =	veq.s32 v39, v1;
	_ =	sdelay $0x1  }
0x92: {  	v45 =	vand.u32 $0x3FFF, v7;
	v5 =	vperm.xlane v37, v3;
	v9 =	vperm.xlane v38, v3  }
0x93: {  	v10 =	vmax.f32 v10, v37;
	v14 =	vmax.f32 v40, v6;
	v6 =	vperm.xlane v6, v3  }
0x94: {  	v15 =	vmax.f32 v41, v38;
	v16 =	vmax.f32 v42, v4;
	v43 =	vmax.f32 v10, v5  }
0x95: {  	v3 =	vperm.xlane v4, v3;
	v4 =	vsel vm15, v43, v10;
	v44 =	vmax.f32 v14, v6  }
0x96: {  	v47 =	vmax.f32 v15, v9;
	v46 =	vsel vm15, v44, v14;
	[tilespmem:v32+s26+$0x0] =	vst.idx.msk vm6, v4  }
0x97: {  	v48 =	vsel vm15, v47, v15;
	v3 =	vmax.f32 v16, v3;
	[tilespmem:v32+s28+$0x0] =	vst.idx.msk vm6, v46  }
0x98: {  	v3 =	vsel vm15, v3, v16;
	[tilespmem:v32+s29+$0x0] =	vst.idx.msk vm6, v48  }
0x99: {  	[tilespmem:v32+s30+$0x0] =	vst.idx.msk vm6, v3  }
0x9a: {  	[tilespmem:v45+s31+$0x0] =	vst.idx.msk $0xffff, v1  }
0x9b: {  	v3 =	vld.idx.msk [tilespmem:v45+s31+$0x0], $0xffff;
	_ =	sdelay $0x2  }
0x9c: {  	v49 =	vshra.s32 v7, $0xE;
	_ =	sdelay $0x1  }
0x9d: {  	vm6 =	vne.s32 v3, v1;
	_ =	sdelay $0x2  }
0x9e: {  	v50 =	vld.idx.msk [tilespmem:v49+s2+$0x0], $0xffff  }
0x9f: {  	v7 =	vld.idx.msk [tilespmem:v49+s19+$0x0], $0xffff  }
0xa0: {  	v8 =	vld.idx.msk [tilespmem:v49+s20+$0x0], $0xffff  }
0xa1: {  	v4 =	vld.idx.msk [tilespmem:v49+s21+$0x0], $0xffff;
	[tilespmem:v45+s31+$0x0] =	vst.idx.msk vm6, v1  }
0xa2: {  	v51 =	vld.idx.msk [tilespmem:v45+s31+$0x0], $0xffff  }
0xa3: {  	v52 =	vld.idx.msk [tilespmem:v45+s26+$0x0], $0xffff  }
0xa4: {  	v53 =	vld.idx.msk [tilespmem:v45+s28+$0x0], $0xffff  }
0xa5: {  	vm7 =	vne.s32 v13, v1;
	v54 =	vld.idx.msk [tilespmem:v45+s29+$0x0], $0xffff  }
0xa6: {  	vm3 =	vmand vm3, vm7;
	vm11 =	vne.s32 v26, v1;
	v55 =	vld.idx.msk [tilespmem:v45+s30+$0x0], $0xffff  }
0xa7: {  	vm4 =	vmand vm14, vm11;
	vm12 =	vne.s32 v39, v1;
	vm8 =	veq.s32 v51, v1  }
0xa8: {  	vm3 =	vmor vm3, vm4;
	vm13 =	vmand vm15, vm12  }
0xa9: {  	v5 =	vperm.xlane v50, v3;
	vm14 =	vne.s32 v51, v1;
	v56 =	vmax.f32 v52, v50  }
0xaa: {  	v57 =	vmax.f32 v53, v7;
	v58 =	vmax.f32 v54, v8;
	v7 =	vperm.xlane v7, v3  }
0xab: {  	p1 =	sne.s32 s6, $0x7C00;
	v12 =	vmax.f32 v55, v4;
	v8 =	vperm.xlane v8, v3;
	v5 =	vmax.f32 v56, v5  }
.Ltmp5:
0xac: {  	v3 =	vperm.xlane v4, v3;
	v59 =	vsel vm6, v5, v56;
	v60 =	vmax.f32 v57, v7;
	(pc) =	sbr.rel @p1 .LBB2_5-.Ltmp5, $4  }
0xad: {  	vm3 =	vmor vm3, vm13;
	v62 =	vmax.f32 v58, v8;
	v61 =	vsel vm6, v60, v57;
	[tilespmem:v45+s26+$0x0] =	vst.idx.msk vm8, v59  }
0xae: {  	vm15 =	vmand vm6, vm14;
	v3 =	vmax.f32 v12, v3;
	v63 =	vsel vm6, v62, v58;
	[tilespmem:v45+s28+$0x0] =	vst.idx.msk vm8, v61  }
0xaf: {  	vm3 =	vmor vm3, vm15;
	v3 =	vsel vm6, v3, v12;
	[tilespmem:v45+s29+$0x0] =	vst.idx.msk vm8, v63  }
0xb0: {  	s6 =	sadd.s32 $0x100, s6;
	vm2 =	vmor vm2, vm3;
	[tilespmem:v45+s30+$0x0] =	vst.idx.msk vm8, v3  }
0xb1: {  	v3 =	vsel vm2, $0x3F800000, v2  }
0xb2: {  	(xrf0) =	vmax.scan.msk.f32 $0xffff, v3;
	_ =	sdelay $0x5  }
0xb3: {  	v3, _, _ =	vpop (xrf0)  }
0xb4: {  	(v2sf) =	vpush v3, $0xF;
	_ =	sdelay $0xe  }
0xb5: {  	s6 =	spop (v2sf)  }
0xb6: {  	p1 =	sgt.f32 s6, $0.0e+00  }
.Ltmp6:
0xb7: {  	_ = 	snop;
	(pc) =	sbr.rel @p1 .LBB2_7-.Ltmp6, $2  }
0xb8: {  	_ =	sdelay $0x2  }
0xb9: {  	s6 =	simm.s32 $0x0  }
.LBB2_11:
0xba: {  	p1 =	seq.s32 s4, $0x9  }
0xbb: {  	_ =	swait.ge [sflag:s0], $0x1F40;
	s5 =	sadd.s32 @!p1 s5, s10  }
0xbc: {  	[sflag:s0] =	ssyncset.done $0x0;
	s6 =	simm.s32 @!p1 $0x0;
	s5 =	sshrl.u32 @!p1 s5, $0x3  }
0xbd: {  	s7 =	simm.s32 @!p1 $0x13C00;
	[sflag:s0] =	ssyncadd.s32 $0xFFFFE0C0;
	s5 =	sadd.s32 @!p1 s1, s5  }
0xbe: {  	[tilespmem:s7], [sflag:$0x1] =	stream.linear.gather @!p1 [hbm4b:s5+s6], $0x1F40, $0x38;
	[tilespmem:$0x1CA00] =	vst v63  }
0xbf: {  	vm2 =	vmmov vm0;
	s5 =	simm.s32 $0x0  }
.LBB2_12:
0xc0: {  	s6 =	sshra.s32 s5, $0x2  }
0xc1: {  	v3 =	vld [tilespmem:s6+$0x15B80];
	_ =	sdelay $0x4  }
0xc2: {  	v4 =	vand.u32 $0x3FFF, v3;
	_ =	sdelay $0x2  }
0xc3: {  	v5 =	vld [tilespmem:s6+$0x15B90]  }
0xc4: {  	v6 =	vld [tilespmem:s6+$0x15BA0]  }
0xc5: {  	v7 =	vld [tilespmem:s6+$0x15BB0];
	[tilespmem:v4+s25+$0x0] =	vst.idx.msk $0xffff, v1  }
0xc6: {  	v8 =	vld.idx.msk [tilespmem:v4+s25+$0x0], $0xffff;
	_ =	sdelay $0x2  }
0xc7: {  	v3 =	vshra.s32 v3, $0xE;
	_ =	sdelay $0x1  }
0xc8: {  	vm3 =	vne.s32 v8, v1;
	_ =	sdelay $0x2  }
0xc9: {  	v9 =	vld.idx.msk [tilespmem:v3+s2+$0x0], $0xffff  }
0xca: {  	v10 =	vld.idx.msk [tilespmem:v3+s19+$0x0], $0xffff  }
0xcb: {  	v11 =	vld.idx.msk [tilespmem:v3+s20+$0x0], $0xffff  }
0xcc: {  	v3 =	vld.idx.msk [tilespmem:v3+s21+$0x0], $0xffff;
	[tilespmem:v4+s25+$0x0] =	vst.idx.msk vm3, v1  }
0xcd: {  	v13 =	vld.idx.msk [tilespmem:v4+s25+$0x0], $0xffff  }
0xce: {  	v12 =	vld.idx.msk [tilespmem:v4+s26+$0x0], $0xffff  }
0xcf: {  	v14 =	vld.idx.msk [tilespmem:v4+s28+$0x0], $0xffff  }
0xd0: {  	v15 =	vld.idx.msk [tilespmem:v4+s29+$0x0], $0xffff  }
0xd1: {  	v16 =	vld.idx.msk [tilespmem:v4+s30+$0x0], $0xffff  }
0xd2: {  	vm4 =	veq.s32 v13, v1;
	_ =	sdelay $0x1  }
0xd3: {  	v63 =	vand.u32 $0x3FFF, v5;
	v12 =	vmax.f32 v12, v9;
	v9 =	vperm.xlane v9, v8  }
0xd4: {  	v14 =	vmax.f32 v14, v10;
	v15 =	vmax.f32 v15, v11;
	v10 =	vperm.xlane v10, v8  }
0xd5: {  	v16 =	vmax.f32 v16, v3;
	v11 =	vperm.xlane v11, v8;
	v61 =	vmax.f32 v12, v9  }
0xd6: {  	v3 =	vperm.xlane v3, v8;
	v62 =	vmax.f32 v14, v10;
	v8 =	vsel vm3, v61, v12  }
0xd7: {  	v21 =	vmax.f32 v15, v11;
	v20 =	vsel vm3, v62, v14;
	[tilespmem:v4+s26+$0x0] =	vst.idx.msk vm4, v8  }
0xd8: {  	v3 =	vmax.f32 v16, v3;
	v22 =	vsel vm3, v21, v15;
	[tilespmem:v4+s28+$0x0] =	vst.idx.msk vm4, v20  }
0xd9: {  	v3 =	vsel vm3, v3, v16;
	[tilespmem:v4+s29+$0x0] =	vst.idx.msk vm4, v22  }
0xda: {  	[tilespmem:v4+s30+$0x0] =	vst.idx.msk vm4, v3  }
0xdb: {  	[tilespmem:v63+s31+$0x0] =	vst.idx.msk $0xffff, v1  }
0xdc: {  	v3 =	vld.idx.msk [tilespmem:v63+s31+$0x0], $0xffff;
	_ =	sdelay $0x2  }
0xdd: {  	v23 =	vshra.s32 v5, $0xE;
	_ =	sdelay $0x1  }
0xde: {  	vm14 =	vne.s32 v3, v1;
	_ =	sdelay $0x2  }
0xdf: {  	v5 =	vld.idx.msk [tilespmem:v23+s2+$0x0], $0xffff  }
0xe0: {  	v8 =	vld.idx.msk [tilespmem:v23+s19+$0x0], $0xffff  }
0xe1: {  	v24 =	vld.idx.msk [tilespmem:v23+s20+$0x0], $0xffff  }
0xe2: {  	v4 =	vld.idx.msk [tilespmem:v23+s21+$0x0], $0xffff;
	[tilespmem:v63+s31+$0x0] =	vst.idx.msk vm14, v1  }
0xe3: {  	v26 =	vld.idx.msk [tilespmem:v63+s31+$0x0], $0xffff  }
0xe4: {  	v25 =	vld.idx.msk [tilespmem:v63+s26+$0x0], $0xffff  }
0xe5: {  	v27 =	vld.idx.msk [tilespmem:v63+s28+$0x0], $0xffff  }
0xe6: {  	v28 =	vld.idx.msk [tilespmem:v63+s29+$0x0], $0xffff  }
0xe7: {  	v29 =	vld.idx.msk [tilespmem:v63+s30+$0x0], $0xffff  }
0xe8: {  	vm5 =	veq.s32 v26, v1;
	_ =	sdelay $0x1  }
0xe9: {  	v32 =	vand.u32 $0x3FFF, v6;
	v11 =	vmax.f32 v25, v5;
	v5 =	vperm.xlane v5, v3  }
0xea: {  	v9 =	vperm.xlane v24, v3;
	v14 =	vmax.f32 v27, v8;
	v8 =	vperm.xlane v8, v3  }
0xeb: {  	v15 =	vmax.f32 v28, v24;
	v16 =	vmax.f32 v29, v4;
	v30 =	vmax.f32 v11, v5  }
0xec: {  	v3 =	vperm.xlane v4, v3;
	v31 =	vmax.f32 v14, v8;
	v4 =	vsel vm14, v30, v11  }
0xed: {  	v34 =	vmax.f32 v15, v9;
	v33 =	vsel vm14, v31, v14;
	[tilespmem:v63+s26+$0x0] =	vst.idx.msk vm5, v4  }
0xee: {  	v35 =	vsel vm14, v34, v15;
	v3 =	vmax.f32 v16, v3;
	[tilespmem:v63+s28+$0x0] =	vst.idx.msk vm5, v33  }
0xef: {  	v3 =	vsel vm14, v3, v16;
	[tilespmem:v63+s29+$0x0] =	vst.idx.msk vm5, v35  }
0xf0: {  	[tilespmem:v63+s30+$0x0] =	vst.idx.msk vm5, v3  }
0xf1: {  	[tilespmem:v32+s25+$0x0] =	vst.idx.msk $0xffff, v1  }
0xf2: {  	v3 =	vld.idx.msk [tilespmem:v32+s25+$0x0], $0xffff;
	_ =	sdelay $0x2  }
0xf3: {  	v36 =	vshra.s32 v6, $0xE;
	_ =	sdelay $0x1  }
0xf4: {  	vm15 =	vne.s32 v3, v1;
	_ =	sdelay $0x2  }
0xf5: {  	v37 =	vld.idx.msk [tilespmem:v36+s2+$0x0], $0xffff  }
0xf6: {  	v6 =	vld.idx.msk [tilespmem:v36+s19+$0x0], $0xffff  }
0xf7: {  	v38 =	vld.idx.msk [tilespmem:v36+s20+$0x0], $0xffff  }
0xf8: {  	v4 =	vld.idx.msk [tilespmem:v36+s21+$0x0], $0xffff;
	[tilespmem:v32+s25+$0x0] =	vst.idx.msk vm15, v1  }
0xf9: {  	v39 =	vld.idx.msk [tilespmem:v32+s25+$0x0], $0xffff  }
0xfa: {  	v10 =	vld.idx.msk [tilespmem:v32+s26+$0x0], $0xffff  }
0xfb: {  	v40 =	vld.idx.msk [tilespmem:v32+s28+$0x0], $0xffff  }
0xfc: {  	v41 =	vld.idx.msk [tilespmem:v32+s29+$0x0], $0xffff  }
0xfd: {  	v42 =	vld.idx.msk [tilespmem:v32+s30+$0x0], $0xffff  }
0xfe: {  	vm6 =	veq.s32 v39, v1;
	_ =	sdelay $0x1  }
0xff: {  	v45 =	vand.u32 $0x3FFF, v7;
	v5 =	vperm.xlane v37, v3;
	v9 =	vperm.xlane v38, v3  }
0x100: {  	v10 =	vmax.f32 v10, v37;
	v14 =	vmax.f32 v40, v6;
	v6 =	vperm.xlane v6, v3  }
0x101: {  	v15 =	vmax.f32 v41, v38;
	v16 =	vmax.f32 v42, v4;
	v43 =	vmax.f32 v10, v5  }
0x102: {  	v3 =	vperm.xlane v4, v3;
	v4 =	vsel vm15, v43, v10;
	v44 =	vmax.f32 v14, v6  }
0x103: {  	v47 =	vmax.f32 v15, v9;
	v46 =	vsel vm15, v44, v14;
	[tilespmem:v32+s26+$0x0] =	vst.idx.msk vm6, v4  }
0x104: {  	v48 =	vsel vm15, v47, v15;
	v3 =	vmax.f32 v16, v3;
	[tilespmem:v32+s28+$0x0] =	vst.idx.msk vm6, v46  }
0x105: {  	v3 =	vsel vm15, v3, v16;
	[tilespmem:v32+s29+$0x0] =	vst.idx.msk vm6, v48  }
0x106: {  	[tilespmem:v32+s30+$0x0] =	vst.idx.msk vm6, v3  }
0x107: {  	[tilespmem:v45+s31+$0x0] =	vst.idx.msk $0xffff, v1  }
0x108: {  	v3 =	vld.idx.msk [tilespmem:v45+s31+$0x0], $0xffff;
	_ =	sdelay $0x2  }
0x109: {  	v49 =	vshra.s32 v7, $0xE;
	_ =	sdelay $0x1  }
0x10a: {  	vm6 =	vne.s32 v3, v1;
	_ =	sdelay $0x2  }
0x10b: {  	v50 =	vld.idx.msk [tilespmem:v49+s2+$0x0], $0xffff  }
0x10c: {  	v7 =	vld.idx.msk [tilespmem:v49+s19+$0x0], $0xffff  }
0x10d: {  	v8 =	vld.idx.msk [tilespmem:v49+s20+$0x0], $0xffff  }
0x10e: {  	v4 =	vld.idx.msk [tilespmem:v49+s21+$0x0], $0xffff;
	[tilespmem:v45+s31+$0x0] =	vst.idx.msk vm6, v1  }
0x10f: {  	v51 =	vld.idx.msk [tilespmem:v45+s31+$0x0], $0xffff  }
0x110: {  	v52 =	vld.idx.msk [tilespmem:v45+s26+$0x0], $0xffff  }
0x111: {  	v53 =	vld.idx.msk [tilespmem:v45+s28+$0x0], $0xffff  }
0x112: {  	vm7 =	vne.s32 v13, v1;
	v54 =	vld.idx.msk [tilespmem:v45+s29+$0x0], $0xffff  }
0x113: {  	vm3 =	vmand vm3, vm7;
	vm11 =	vne.s32 v26, v1;
	v55 =	vld.idx.msk [tilespmem:v45+s30+$0x0], $0xffff  }
0x114: {  	vm4 =	vmand vm14, vm11;
	vm12 =	vne.s32 v39, v1;
	vm8 =	veq.s32 v51, v1  }
0x115: {  	vm3 =	vmor vm3, vm4;
	vm13 =	vmand vm15, vm12  }
0x116: {  	v5 =	vperm.xlane v50, v3;
	vm14 =	vne.s32 v51, v1;
	v56 =	vmax.f32 v52, v50  }
0x117: {  	v57 =	vmax.f32 v53, v7;
	v58 =	vmax.f32 v54, v8;
	v7 =	vperm.xlane v7, v3  }
0x118: {  	p1 =	sne.s32 s5, $0x7C00;
	v12 =	vmax.f32 v55, v4;
	v8 =	vperm.xlane v8, v3;
	v5 =	vmax.f32 v56, v5  }
.Ltmp7:
0x119: {  	v3 =	vperm.xlane v4, v3;
	v59 =	vsel vm6, v5, v56;
	v60 =	vmax.f32 v57, v7;
	(pc) =	sbr.rel @p1 .LBB2_12-.Ltmp7, $4  }
0x11a: {  	vm3 =	vmor vm3, vm13;
	v62 =	vmax.f32 v58, v8;
	v61 =	vsel vm6, v60, v57;
	[tilespmem:v45+s26+$0x0] =	vst.idx.msk vm8, v59  }
0x11b: {  	vm15 =	vmand vm6, vm14;
	v3 =	vmax.f32 v12, v3;
	v63 =	vsel vm6, v62, v58;
	[tilespmem:v45+s28+$0x0] =	vst.idx.msk vm8, v61  }
0x11c: {  	vm3 =	vmor vm3, vm15;
	v3 =	vsel vm6, v3, v12;
	[tilespmem:v45+s29+$0x0] =	vst.idx.msk vm8, v63  }
0x11d: {  	s5 =	sadd.s32 $0x100, s5;
	vm2 =	vmor vm2, vm3;
	[tilespmem:v45+s30+$0x0] =	vst.idx.msk vm8, v3  }
0x11e: {  	v3 =	vsel vm2, $0x3F800000, v2  }
0x11f: {  	(xrf0) =	vmax.scan.msk.f32 $0xffff, v3;
	_ =	sdelay $0x5  }
0x120: {  	v3, _, _ =	vpop (xrf0)  }
0x121: {  	(v2sf) =	vpush v3, $0xF;
	_ =	sdelay $0xe  }
0x122: {  	s5 =	spop (v2sf)  }
0x123: {  	p1 =	sgt.f32 s5, $0.0e+00  }
.Ltmp8:
0x124: {  	_ = 	snop;
	(pc) =	sbr.rel @!p1 .LBB2_18-.Ltmp8, $4  }
.Ltmp9:
0x125: {  	_ = 	snop;
	(pc) =	sbr.rel @p1 .LBB2_14-.Ltmp9, $4  }
0x126: {  	_ = 	snop  }
0x127: {  	_ = 	snop  }
0x128: {  	s5 =	simm.s32 $0x0  }
0x129: {  	_ = 	snop  }
.LBB2_10:
0x12a: {  	s6 =	sadd.s32 $0x1, s6  }
0x12b: {  	p1 =	sne.s32 s6, $0x1F4  }
.Ltmp10:
0x12c: {  	_ = 	snop;
	(pc) =	sbr.rel @!p1 .LBB2_11-.Ltmp10, $1  }
0x12d: {  	_ =	sdelay $0x3  }
.LBB2_7:
.Ltmp11:
0x12e: {  	(pc) =	sbr.rel @!p0 .LBB2_10-.Ltmp11, $1  }
0x12f: {  	_ =	sdelay $0x3  }
0x130: {  	s7 =	sshll.u32 s6, $0x4  }
0x131: {  	s7 =	sand.u32 $0x3FFFFFF0, s7  }
0x132: {  	v7 =	vld [tilespmem:s7+$0x13C00];
	_ =	sdelay $0x4  }
0x133: {  	v6 =	vshra.s32 v7, $0xE;
	_ =	sdelay $0x2  }
0x134: {  	vm2 =	vmmov vm1  }
0x135: {  	v7 =	vand.u32 $0x3FFF, v7  }
0x136: {  	v3 =	vld.idx.msk [tilespmem:v6+s2+$0x0], $0xffff  }
0x137: {  	v4 =	vld.idx.msk [tilespmem:v6+s19+$0x0], $0xffff  }
0x138: {  	v5 =	vld.idx.msk [tilespmem:v6+s20+$0x0], $0xffff  }
0x139: {  	v6 =	vld.idx.msk [tilespmem:v6+s21+$0x0], $0xffff  }
.LBB2_9:
0x13a: {  	[tilespmem:v7+s25+$0x0] =	vst.idx.msk vm2, v1  }
0x13b: {  	v8 =	vld.idx.msk [tilespmem:v7+s25+$0x0], vm2;
	_ =	sdelay $0x4  }
0x13c: {  	vm3 =	veq.s32 v8, v1  }
0x13d: {  	vm3 =	vmand vm2, vm3;
	_ =	sdelay $0x2  }
0x13e: {  	vm2 =	vmxor vm2, vm3  }
0x13f: {  	v9 =	vsel vm2, $0x3F800000, v2  }
0x140: {  	(xrf0) =	vmax.scan.msk.f32 $0xffff, v9  }
0x141: {  	v8 =	vld.idx.msk [tilespmem:v7+s26+$0x0], vm3;
	_ =	sdelay $0x4  }
0x142: {  	v9, _, _ =	vpop (xrf0);
	v8 =	vmax.f32 v8, v3  }
0x143: {  	(v2sf) =	vpush v9, $0xF;
	[tilespmem:v7+s26+$0x0] =	vst.idx.msk vm3, v8  }
0x144: {  	v8 =	vld.idx.msk [tilespmem:v7+s28+$0x0], vm3;
	_ =	sdelay $0x4  }
0x145: {  	v8 =	vmax.f32 v8, v4  }
0x146: {  	[tilespmem:v7+s28+$0x0] =	vst.idx.msk vm3, v8  }
0x147: {  	v8 =	vld.idx.msk [tilespmem:v7+s29+$0x0], vm3;
	_ =	sdelay $0x4  }
0x148: {  	v8 =	vmax.f32 v8, v5  }
0x149: {  	[tilespmem:v7+s29+$0x0] =	vst.idx.msk vm3, v8  }
0x14a: {  	s7 =	spop (v2sf);
	v8 =	vld.idx.msk [tilespmem:v7+s30+$0x0], vm3  }
0x14b: {  	p1 =	sgt.f32 s7, $0.0e+00  }
.Ltmp12:
0x14c: {  	_ = 	snop;
	(pc) =	sbr.rel @p1 .LBB2_9-.Ltmp12, $3  }
0x14d: {  	_ =	sdelay $0x1  }
0x14e: {  	v8 =	vmax.f32 v8, v6  }
0x14f: {  	[tilespmem:v7+s30+$0x0] =	vst.idx.msk vm3, v8  }
.Ltmp13:
0x150: {  	_ = 	snop;
	(pc) =	sbr.rel .LBB2_10-.Ltmp13, $1  }
0x151: {  	_ =	sdelay $0x3  }
.LBB2_17:
0x152: {  	s5 =	sadd.s32 $0x1, s5  }
0x153: {  	p1 =	sne.s32 s5, $0x1F4  }
.Ltmp14:
0x154: {  	_ = 	snop;
	(pc) =	sbr.rel @!p1 .LBB2_18-.Ltmp14, $1  }
0x155: {  	_ =	sdelay $0x3  }
.LBB2_14:
.Ltmp15:
0x156: {  	(pc) =	sbr.rel @!p0 .LBB2_17-.Ltmp15, $1  }
0x157: {  	_ =	sdelay $0x3  }
0x158: {  	s6 =	sshll.u32 s5, $0x4  }
0x159: {  	s6 =	sand.u32 $0x3FFFFFF0, s6  }
0x15a: {  	v7 =	vld [tilespmem:s6+$0x15B80];
	_ =	sdelay $0x4  }
0x15b: {  	v6 =	vshra.s32 v7, $0xE;
	_ =	sdelay $0x2  }
0x15c: {  	vm2 =	vmmov $0xffff  }
0x15d: {  	v7 =	vand.u32 $0x3FFF, v7  }
0x15e: {  	v3 =	vld.idx.msk [tilespmem:v6+s2+$0x0], $0xffff  }
0x15f: {  	v4 =	vld.idx.msk [tilespmem:v6+s19+$0x0], $0xffff  }
0x160: {  	v5 =	vld.idx.msk [tilespmem:v6+s20+$0x0], $0xffff  }
0x161: {  	v6 =	vld.idx.msk [tilespmem:v6+s21+$0x0], $0xffff  }
.LBB2_16:
0x162: {  	[tilespmem:v7+s25+$0x0] =	vst.idx.msk vm2, v1  }
0x163: {  	v8 =	vld.idx.msk [tilespmem:v7+s25+$0x0], vm2;
	_ =	sdelay $0x4  }
0x164: {  	vm3 =	veq.s32 v8, v1  }
0x165: {  	vm3 =	vmand vm2, vm3;
	_ =	sdelay $0x2  }
0x166: {  	vm2 =	vmxor vm2, vm3  }
0x167: {  	v9 =	vsel vm2, $0x3F800000, v2  }
0x168: {  	(xrf0) =	vmax.scan.msk.f32 $0xffff, v9  }
0x169: {  	v8 =	vld.idx.msk [tilespmem:v7+s26+$0x0], vm3;
	_ =	sdelay $0x4  }
0x16a: {  	v9, _, _ =	vpop (xrf0);
	v8 =	vmax.f32 v8, v3  }
0x16b: {  	(v2sf) =	vpush v9, $0xF;
	[tilespmem:v7+s26+$0x0] =	vst.idx.msk vm3, v8  }
0x16c: {  	v8 =	vld.idx.msk [tilespmem:v7+s28+$0x0], vm3;
	_ =	sdelay $0x4  }
0x16d: {  	v8 =	vmax.f32 v8, v4  }
0x16e: {  	[tilespmem:v7+s28+$0x0] =	vst.idx.msk vm3, v8  }
0x16f: {  	v8 =	vld.idx.msk [tilespmem:v7+s29+$0x0], vm3;
	_ =	sdelay $0x4  }
0x170: {  	v8 =	vmax.f32 v8, v5  }
0x171: {  	[tilespmem:v7+s29+$0x0] =	vst.idx.msk vm3, v8  }
0x172: {  	s6 =	spop (v2sf);
	v8 =	vld.idx.msk [tilespmem:v7+s30+$0x0], vm3  }
0x173: {  	p1 =	sgt.f32 s6, $0.0e+00  }
.Ltmp16:
0x174: {  	_ = 	snop;
	(pc) =	sbr.rel @p1 .LBB2_16-.Ltmp16, $3  }
0x175: {  	_ =	sdelay $0x1  }
0x176: {  	v8 =	vmax.f32 v8, v6  }
0x177: {  	[tilespmem:v7+s30+$0x0] =	vst.idx.msk vm3, v8  }
.Ltmp17:
0x178: {  	_ = 	snop;
	(pc) =	sbr.rel .LBB2_17-.Ltmp17, $1  }
0x179: {  	_ =	sdelay $0x3  }
.LBB2_20:
0x17a: {  	_ =	sfence.sel $0x180000  }
0x17b: {  	[bflag:$0x0] =	sbarrier.arrive $0xFFFF  }
0x17c: {  	_ =	strace $0x9000004A  }
0x17d: {  	s0 =	stileid.u32;
	[bflag:$0x2] =	sbarrier.arrive $0xFFFF  }
0x17e: {  	p0 =	sne.s32 s0, $0x0;
	s0 =	rddreg [dreg:$0x2]  }
0x17f: {  	s0 =	sadd.s32 @!p0 $0x100000, s0  }
0x180: {  	[sflag:s0] =	ssyncadd.tile.s32 @!p0 $0x1;
	_ =	shalt  }
.Lfunc_end2:
_tile_overlayer_lowered:
.L_overlay_start_2:
0x181: {  	(tag) =	ssettag $0x2  }
0x182: {  	s0 =	rddreg [dreg:$0x0];
	s2 =	stileid.u32  }
0x183: {  	s1 =	rddreg [dreg:$0x1];
	p0 =	sne.s32 s2, $0x0  }
0x184: {  	s3 =	rddreg [dreg:$0x2];
	[bflag:$0x3] =	sbarrier.arrive $0xFFFF;
	s2 =	simm.s32 @!p0 $0x1C03  }
0x185: {  	[timem:s3], [sflag:s2] =	dma.local @!p0 [hbm:s0], s1  }
0x186: {  	s0 =	simm.s32 @!p0 $0x3  }
0x187: {  	_ =	swait.ge @!p0 [sflag:s0], s1  }
0x188: {  	s1 =	ssub.s32 @!p0 $0x0, s1;
	[sflag:s0] =	ssyncset.done @!p0 $0x0  }
0x189: {  	[sflag:s0] =	ssyncadd.s32 @!p0 s1  }
0x18a: {  	[bflag:$0x3] =	sbarrier.arrive $0xFFFF  }
0x18b: {  	_ =	shalt  }

// kernel: kernel.16.cloned.1.call-start
scs
__scs_entry_jumppad:
0x0: {  	(pc) =	sbr.rel $0x88, $3  }
0x1: {  	(tag) =	ssettag $0x0;
	lr =	simm.s32 $0x1  }
0x2: {  	[smem:$0x3F97] =	sst lr;
	_ =	strace $0xD0000000  }
0x3: {  	_ = 	snop  }
0x4: {  	_ = 	snop  }
0x5: {  	_ = 	snop  }
0x6: {  	_ = 	snop  }
0x7: {  	_ = 	snop  }
__scs_overlays_trampoline_lowered:
0x8: {  	[smem:$0x3FA6] =	sst s0  }
0x9: {  	[smem:$0x3FA7] =	sst s1  }
0xa: {  	[smem:$0x3FA8] =	sst s2  }
0xb: {  	[smem:$0x3FA9] =	sst s3  }
0xc: {  	[smem:$0x3FAA] =	sst s4  }
0xd: {  	[smem:$0x3FAB] =	sst s5  }
0xe: {  	[smem:$0x3FAC] =	sst s6  }
0xf: {  	[smem:$0x3FAD] =	sst s7  }
0x10: {  	[smem:$0x3FAE] =	sst s8  }
0x11: {  	[smem:$0x3FAF] =	sst s9;
	s0 =	simm.s32 @!p0 $0x0  }
0x12: {  	s1 =	sld [smem:$0x3F95];
	s0 =	simm.s32 @p0 $0x1  }
0x13: {  	[smem:$0x3FB0] =	sst s0;
	s0 =	simm.s32 @!p1 $0x0  }
0x14: {  	s2 =	sld [smem:$0x3F94];
	s0 =	simm.s32 @p1 $0x1  }
0x15: {  	[smem:$0x3FB1] =	sst s0;
	s0 =	simm.s32 @!p2 $0x0  }
0x16: {  	s3 =	sld [smem:$0x3FDB];
	s0 =	simm.s32 @p2 $0x1  }
0x17: {  	s4 =	simm.s32 $0x1BF5;
	[smem:$0x3FB3] =	sst s0  }
0x18: {  	s0 =	sld [smem:$0x3F96];
	_ =	swait.ge [sflag:s4], $0x0  }
0x19: {  	s7 =	sld [smem:$0x3F97]  }
0x1a: {  	s8 =	sadd.s32 $0xFFFFE003, lr  }
0x1b: {  	s9 =	sadd.s32 $0xFFFFFEF7, lr;
	s5 =	simm.s32 $0xFFFFFFFF;
	p2 =	slt.u32 s8, $0xFFFFF086  }
0x1c: {  	p1 =	slt.u32 s9, $0xF7A;
	s5 =	simm.s32 @!p2 $0x0  }
0x1d: {  	s5 =	simm.s32 @p1 $0x1;
	p0 =	seq.s32 s7, s2  }
0x1e: {  	s7 =	smul.u32 @!p0 $0xF7A, s2;
	p2 =	seq.s32 @!p0 s5, $0x0  }
0x1f: {  	s9 =	smul.u32 $0xF7A, s1;
	s8 =	simm.s32 @!p0 $0x1BF5;
	p2 =	por !p2, p0  }
0x20: {  	[sflag:s8] =	ssyncset.s32 @!p0 $0xFFFFF086;
	s6 =	sadd.s32 @!p0 s3, s7;
	s7 =	simm.s32 @!p0 $0x108  }
0x21: {  	s3 =	sadd.s32 s3, s9;
	s6 =	sadd.s32 @!p0 $0x88, s6;
	s7 =	simm.s32 @p2 $0x1082  }
0x22: {  	[simem:s7], [sflag:s8] =	dma.local @!p0 [hbm:s6], $0xF7A  }
0x23: {  	s9 =	sor.u32 $0xD0000000, s2;
	s6 =	simm.s32 $0x108;
	_ =	swait.ge @!p0 [sflag:s8], $0x0  }
0x24: {  	s3 =	sadd.s32 $0x88, s3;
	s6 =	simm.s32 @!p1 $0x1082;
	[sflag:s4] =	ssyncset.s32 $0xFFFFF086  }
0x25: {  	[simem:s6], [sflag:s4] =	dma.local [hbm:s3], $0xF7A  }
0x26: {  	[smem:$0x3F97] =	sst s1;
	(tag) =	ssettag s2;
	_ =	strace s9  }
0x27: {  	s1 =	sld [smem:$0x3FA7]  }
0x28: {  	s2 =	sld [smem:$0x3FA8]  }
0x29: {  	s4 =	sld [smem:$0x3FAA]  }
0x2a: {  	p0 =	seq.s32 s5, $0x0;
	s5 =	sld [smem:$0x3FAB]  }
0x2b: {  	s6 =	sld [smem:$0x3FAC]  }
0x2c: {  	s7 =	sld [smem:$0x3FAD]  }
0x2d: {  	s3 =	simm.s32 $0x108;
	s8 =	sld [smem:$0x3FAE]  }
0x2e: {  	s3 =	simm.s32 @!p0 $0x1082;
	s9 =	sld [smem:$0x3FAF]  }
0x2f: {  	lr =	sadd.s32 s0, s3;
	s0 =	sld [smem:$0x3FA6]  }
0x30: {  	s3 =	sld [smem:$0x3FA9]  }
0x31: {  	[smem:$0x3FB2] =	sst s10  }
0x32: {  	s10 =	sld [smem:$0x3FB0];
	_ =	sdelay $0x3  }
0x33: {  	p0 =	seq.s32 s10, $0x1;
	s10 =	sld [smem:$0x3FB2];
	_ =	sdelay $0x3  }
0x34: {  	[smem:$0x3FB2] =	sst s10  }
0x35: {  	s10 =	sld [smem:$0x3FB1];
	_ =	sdelay $0x3  }
0x36: {  	p1 =	seq.s32 s10, $0x1;
	s10 =	sld [smem:$0x3FB2];
	_ =	sdelay $0x3  }
0x37: {  	[smem:$0x3FB2] =	sst s10  }
0x38: {  	s10 =	sld [smem:$0x3FB3]  }
0x39: {  	_ = 	snop;
	(pc) =	sbr.ind lr, $3  }
0x3a: {  	_ = 	snop  }
0x3b: {  	_ = 	snop  }
0x3c: {  	p2 =	seq.s32 s10, $0x1;
	s10 =	sld [smem:$0x3FB2]  }
0x3d: {  	_ =	shalt  }
0x3e: {  	_ =	shalt  }
0x3f: {  	_ =	shalt  }
0x40: {  	_ =	shalt  }
0x41: {  	_ =	shalt  }
0x42: {  	_ =	shalt  }
0x43: {  	_ =	shalt  }
0x44: {  	_ =	shalt  }
0x45: {  	_ =	shalt  }
0x46: {  	_ =	shalt  }
0x47: {  	_ =	shalt  }
0x48: {  	_ =	shalt  }
0x49: {  	_ =	shalt  }
0x4a: {  	_ =	shalt  }
0x4b: {  	_ =	shalt  }
0x4c: {  	_ =	shalt  }
0x4d: {  	_ =	shalt  }
0x4e: {  	_ =	shalt  }
0x4f: {  	_ =	shalt  }
0x50: {  	_ =	shalt  }
0x51: {  	_ =	shalt  }
0x52: {  	_ =	shalt  }
0x53: {  	_ =	shalt  }
0x54: {  	_ =	shalt  }
0x55: {  	_ =	shalt  }
0x56: {  	_ =	shalt  }
0x57: {  	_ =	shalt  }
0x58: {  	_ =	shalt  }
0x59: {  	_ =	shalt  }
0x5a: {  	_ =	shalt  }
0x5b: {  	_ =	shalt  }
0x5c: {  	_ =	shalt  }
0x5d: {  	_ =	shalt  }
0x5e: {  	_ =	shalt  }
0x5f: {  	_ =	shalt  }
0x60: {  	_ =	shalt  }
0x61: {  	_ =	shalt  }
0x62: {  	_ =	shalt  }
0x63: {  	_ =	shalt  }
0x64: {  	_ =	shalt  }
0x65: {  	_ =	shalt  }
0x66: {  	_ =	shalt  }
0x67: {  	_ =	shalt  }
0x68: {  	_ =	shalt  }
0x69: {  	_ =	shalt  }
0x6a: {  	_ =	shalt  }
0x6b: {  	_ =	shalt  }
0x6c: {  	_ =	shalt  }
0x6d: {  	_ =	shalt  }
0x6e: {  	_ =	shalt  }
0x6f: {  	_ =	shalt  }
0x70: {  	_ =	shalt  }
0x71: {  	_ =	shalt  }
0x72: {  	_ =	shalt  }
0x73: {  	_ =	shalt  }
0x74: {  	_ =	shalt  }
0x75: {  	_ =	shalt  }
0x76: {  	_ =	shalt  }
0x77: {  	_ =	shalt  }
0x78: {  	_ =	shalt  }
0x79: {  	_ =	shalt  }
0x7a: {  	_ =	shalt  }
0x7b: {  	_ =	shalt  }
0x7c: {  	_ =	shalt  }
0x7d: {  	_ =	shalt  }
0x7e: {  	_ =	shalt  }
0x7f: {  	_ =	shalt  }
0x80: {  	_ =	shalt  }
0x81: {  	_ =	shalt  }
0x82: {  	_ =	shalt  }
0x83: {  	_ =	shalt  }
0x84: {  	_ =	shalt  }
0x85: {  	_ =	shalt  }
0x86: {  	_ =	shalt  }
0x87: {  	_ =	shalt  }
.Lfunc_end0:
.L_simem_size_0:
called_computation.2_lowered:
.L_overlay_start_0:
0x88: {  	s2 =	sld [smem:$0x3FD9]  }
0x89: {  	s3 =	sld [smem:$0x3FFE];
	_ =	sdelay $0x1  }
0x8a: {  	s1 =	srdreg.scid  }
0x8b: {  	s0 =	sand.u32 $0x1, s1  }
0x8c: {  	s17 =	sshll.u32 s0, $0xA;
	s2 =	sadd.s32 s3, s2  }
0x8d: {  	s2 =	sadd.s32 s2, s17  }
0x8e: {  	[smem:$0x3FBE] =	sst s2  }
0x8f: {  	_ = 	snop  }
0x90: {  	s2 =	sld [smem:$0x3FD0];
	(tm) =	ssettm $0x1  }
0x91: {  	s18 =	sld [smem:$0x3FFB];
	_ =	sdelay $0x3  }
0x92: {  	_ =	strace s18  }
0x93: {  	s3 =	sld [smem:$0x3FFC];
	_ =	sdelay $0x3  }
0x94: {  	_ =	strace s3  }
0x95: {  	s3 =	sld [smem:$0x3FFD];
	_ =	sdelay $0x3  }
0x96: {  	_ =	strace s3  }
0x97: {  	_ =	strace $0x8FFFFFFF  }
0x98: {  	s19 =	sld [smem:$0x3FDB];
	_ =	sdelay $0x1  }
0x99: {  	s4 =	simm.s32 $_scs_section_size  }
0x9a: {  	s5 =	simm.s32 $_size__tile_overlayer_lowered;
	s6 =	simm.s32 $_tile_overlayer_lowered  }
0x9b: {  	s22 =	simm.s32 $0x1BFF;
	s21 =	sshll.u32 s6, $0x1;
	s3 =	sadd.s32 s4, s19  }
0x9c: {  	s7 =	simm.s32 $0x0;
	s20 =	sshll.u32 s5, $0x1;
	s5 =	sadd.s32 s21, s3  }
0x9d: {  	[timem:s7], [sflag:s22] =	dma.local [hbm:s5], s20  }
0x9e: {  	_ =	swait.ge [sflag:s22], s20  }
0x9f: {  	s4 =	ssub.s32 $0x0, s20;
	[sflag:s22] =	ssyncset.done $0x0  }
0xa0: {  	[sflag:s22] =	ssyncadd.s32 s4;
	_ =	sdelay $0x1  }
0xa1: {  	s23 =	simm.s32 $0x1B8B  }
0xa2: {  	_ =	swait.ge [sflag:s23], $0x1  }
0xa3: {  	[sflag:s23] =	ssyncset.done $0x0  }
0xa4: {  	s25 =	simm.s32 $0x1B8E;
	s24 =	sld [smem:$0x3FFE];
	[sflag:s23] =	ssyncadd.s32 $0xFFFFFFFF  }
0xa5: {  	s26 =	simm.s32 $execute0_lowered;
	[smem:$0x3FD2] =	sst s25  }
0xa6: {  	s5 =	sshll.u32 s26, $0x1;
	_ =	strace $0x8000004C;
	[dreg:$0x1] =	wrdreg $0xFFFFFFFF  }
0xa7: {  	s28 =	simm.s32 $_size_execute0_lowered;
	s3 =	sadd.s32 s3, s5;
	[dreg:$0x0] =	wrdreg $0x0  }
0xa8: {  	s5 =	sshll.u32 s28, $0x1;
	[dreg:$0x2] =	wrdreg s3  }
0xa9: {  	[dreg:$0x3] =	wrdreg s5  }
0xaa: {  	[dreg:$0x4] =	wrdreg $0xC0  }
0xab: {  	_ =	task [dreg:s7], $0x5FFFF  }
0xac: {  	[dreg:$0x1] =	wrdreg $0xFFFFFFFF  }
0xad: {  	[dreg:$0x0] =	wrdreg $0x60  }
0xae: {  	[dreg:$0x2] =	wrdreg s24  }
0xaf: {  	[dreg:$0x3] =	wrdreg s2  }
0xb0: {  	[dreg:$0x4] =	wrdreg $0x9  }
0xb1: {  	_ =	task.clear_ibuf [dreg:s7], $0x5FFFF;
	_ =	strace $0x9000004C  }
0xb2: {  	s29 =	simm.s32 $0x9;
	_ =	strace $0x8000004E  }
0xb3: {  	_ =	swait.ge [sflag:s29], $0x1  }
0xb4: {  	[sflag:s29] =	ssyncadd.s32 $0xFFFFFFFF  }
0xb5: {  	_ =	strace $0x9000004E  }
0xb6: {  	_ =	sfence  }
0xb7: {  	s30 =	sld [smem:$0x0];
	_ =	sdelay $0x2  }
0xb8: {  	s31 =	sshll.u32 s1, $0xD;
	s1 =	sshrl.u32 s1, $0x2  }
0xb9: {  	s3 =	sand.u32 $0x4000, s31;
	s1 =	sadd.s32 s1, s30  }
0xba: {  	s0 =	sor.u32 s3, s0;
	s1 =	sshll.u32 s1, $0x11  }
0xbb: {  	s0 =	sor.u32 s1, s0  }
0xbc: {  	s0 =	sadd.s32 $0x8F2B, s0  }
0xbd: {  	[sflag:s0] =	ssyncadd.remote.s32 $0x1  }
0xbe: {  	_ =	sfence.sel $0xFFFF  }
0xbf: {  	[dreg:$0x0] =	wrdreg $0xFFFFFFFF;
	(pc) =	sbr.abs _section_cstart, $3  }
0xc0: {  	[dreg:$0x1] =	wrdreg $0xFFFFFFFF  }
0xc1: {  	_ =	task.clear_ibuf [dreg:s7], $0x2FFFF;
	_ =	strace $0x9FFFFFFF  }
0xc2: {  	(tm) =	ssettm $0x7FFFFFFF  }
0xc3: {  	_ =	shalt  }
tec
execute0_lowered:
.L_overlay_start_1:
0x0: {  	(tag) =	ssettag $0x1  }
0x1: {  	s0 =	rddreg [dreg:$0x0]  }
0x2: {  	s1 =	rddreg [dreg:$0x1];
	s2 =	simm.s32 $0x0  }
0x3: {  	s8 =	stileid.u32;
	s3 =	srdreg.scid;
	s28 =	simm.s32 $0xC580  }
0x4: {  	s29 =	simm.s32 $0xED00;
	s30 =	simm.s32 $0x11480;
	[smem:$0x7FF] =	sst s2  }
0x5: {  	v0 =	vimm.f32 $1.000000000e+00;
	s31 =	simm.s32 $0x1A280;
	s4 =	sshrl.u32 s8, $0x1;
	_ =	strace $0x8000004D  }
0x6: {  	s3 =	sand.u32 $0x1, s3;
	s6 =	sshll.u32 s8, $0x9;
	s4 =	smul.u32 $0x13C00, s4;
	(xrf0) =	vmax.scan.msk.f32 $0xffff, v0  }
0x7: {  	s7 =	sadd.s32 $0x3000, s0;
	s16 =	sshll.u32 s8, $0x2;
	s5 =	smul.u32 $0x9E000, s3  }
0x8: {  	s6 =	sand.u32 $0x200, s6;
	s15 =	ssub.s32 $0x2, s3;
	s9 =	sor.u32 $0x41, s16  }
0x9: {  	s20 =	sor.u32 $0x42, s16;
	s3 =	smul.u32 $0x27100, s3;
	s17 =	sshrl.u32 s15, $0x1  }
0xa: {  	s18 =	sshrl.u32 s9, $0x3;
	s19 =	sshll.u32 s9, $0x7;
	s10 =	sshrl.u32 s20, $0x3  }
0xb: {  	s9 =	sshll.u32 s20, $0x7;
	s20 =	simm.s32 $0x4F00;
	s5 =	sadd.s32 s5, s4  }
0xc: {  	s4 =	sor.u32 s6, s4;
	s8 =	sand.u32 $0x280, s19;
	s21 =	smul.u32 $0x13C00, s10;
	v0, _, _ =	vpop (xrf0)  }
0xd: {  	s9 =	sand.u32 $0x300, s9;
	s25 =	sshrl.u32 s3, $0x3;
	s19 =	simm.s32 $0x2780;
	(v2sf) =	vpush v0, $0xF  }
0xe: {  	s5 =	sor.u32 s6, s5;
	s4 =	sadd.s32 $0x9E000, s4;
	s6 =	sor.u32 $0x43, s16  }
0xf: {  	s16 =	simm.s32 $0x80;
	s5 =	sshrl.u32 s5, $0x3;
	s4 =	sshrl.u32 s4, $0x3  }
0x10: {  	s22 =	sshrl.u32 s6, $0x3;
	s6 =	sshll.u32 s6, $0x7;
	s0 =	sadd.s32 s5, s0  }
0x11: {  	s5 =	ssub.s32 s15, s17;
	s4 =	sadd.s32 s7, s4;
	s10 =	smul.u32 $0x13C00, s22  }
0x12: {  	s6 =	sand.u32 $0x380, s6;
	s17 =	simm.s32 $0x400;
	s22 =	simm.s32 $0x0  }
0x13: {  	[dreg:$0x3] =	wrdreg s4;
	s4 =	smul.u32 $0x13C00, s18;
	s11 =	sadd.s32 $0x2A800, s0  }
0x14: {  	s12 =	sadd.s32 $0x2A810, s0;
	s13 =	sadd.s32 $0x2A820, s0;
	s14 =	sadd.s32 $0x2A830, s0  }
0x15: {  	s15 =	smax.u32 s5, $0x1;
	s18 =	simm.s32 $0x3;
	s0 =	simm.s32 $0x2  }
0x16: {  	s6 =	sor.u32 s6, s10;
	s10 =	sadd.s32 $0x3E80, s3;
	s4 =	sor.u32 s8, s4  }
0x17: {  	s8 =	sor.u32 s9, s21;
	s6 =	sshrl.u32 s6, $0x3;
	s9 =	sadd.s32 $0x1F40, s3  }
0x18: {  	s21 =	simm.s32 $0x7680;
	s3 =	simm.s32 $0x0;
	s4 =	sshrl.u32 s4, $0x3  }
.Ltmp0:
0x19: {  	s23 =	sshrl.u32 s8, $0x3;
	s24 =	sadd.s32 s7, s6;
	(pc) =	sbr.rel .LBB2_1-.Ltmp0, $4  }
0x1a: {  	s8 =	sadd.s32 s1, s25;
	s4 =	sadd.s32 s7, s4;
	[dreg:$0x6] =	wrdreg s24  }
0x1b: {  	s25 =	simm.s32 $0x17B00;
	s24 =	simm.s32 $0x15B80;
	[dreg:$0x4] =	wrdreg s4  }
0x1c: {  	vm0 =	vmxor vm0, vm0;
	v1 =	vlaneseq.u32;
	s4 =	sadd.s32 s7, s23;
	s23 =	simm.s32 $0x1;
	s26 =	spop (v2sf)  }
0x1d: {  	v2 =	vimm.f32 $0.0e+00;
	vm1 =	vmmov $0xffff;
	v0 =	vimm.f32 $-3.000000010e+38;
	[dreg:$0x5] =	wrdreg s4;
	p0 =	sgt.f32 s26, $0.0e+00;
	s26 =	simm.s32 $0x9E00  }
.LBB2_19:
0x1e: {  	[hbm4b:s11+s16] =	stream.strided.scatter [tilespmem:s26], [sflag:$0x3], $0x2780, s17, s16, $0x38;
	[tilespmem:$0x1CA00] =	vst v63  }
0x1f: {  	_ =	swait.ge [sflag:s18], $0x2780  }
0x20: {  	[sflag:s18] =	ssyncset.done $0x0  }
0x21: {  	[sflag:s18] =	ssyncadd.s32 $0xFFFFD880  }
0x22: {  	[hbm4b:s12+s16] =	stream.strided.scatter [tilespmem:s28], [sflag:$0x3], $0x2780, s17, s16, $0x38;
	[tilespmem:$0x1CA00] =	vst v63  }
0x23: {  	_ =	swait.ge [sflag:s18], $0x2780  }
0x24: {  	[sflag:s18] =	ssyncset.done $0x0  }
0x25: {  	[sflag:s18] =	ssyncadd.s32 $0xFFFFD880  }
0x26: {  	[hbm4b:s13+s16] =	stream.strided.scatter [tilespmem:s29], [sflag:$0x3], $0x2780, s17, s16, $0x38;
	[tilespmem:$0x1CA00] =	vst v63  }
0x27: {  	s3 =	sadd.s32 $0x1, s3;
	_ =	swait.ge [sflag:s18], $0x2780  }
0x28: {  	p1 =	sne.s32 s3, s15;
	[sflag:s18] =	ssyncset.done $0x0  }
.Ltmp1:
0x29: {  	[sflag:s18] =	ssyncadd.s32 $0xFFFFD880;
	(pc) =	sbr.rel @!p1 .LBB2_20-.Ltmp1, $4  }
0x2a: {  	[hbm4b:s14+s16] =	stream.strided.scatter [tilespmem:s30], [sflag:$0x3], $0x2780, s17, s16, $0x38;
	[tilespmem:$0x1CA00] =	vst v63  }
0x2b: {  	_ =	swait.ge [sflag:s18], $0x2780  }
0x2c: {  	[sflag:s18] =	ssyncset.done $0x0  }
0x2d: {  	[sflag:s18] =	ssyncadd.s32 $0xFFFFD880  }
.LBB2_1:
0x2e: {  	s4 =	rddreg [dreg:$0x3]  }
0x2f: {  	[tilespmem:s2], [sflag:$0x3] =	stream.strided.gather [hbm4b:s4+s16], $0x2780, s17, s16, $0x38;
	[tilespmem:$0x1CA00] =	vst v63  }
0x30: {  	_ =	swait.ge [sflag:s18], $0x2780  }
0x31: {  	[sflag:s18] =	ssyncset.done $0x0  }
0x32: {  	s5 =	rddreg [dreg:$0x4];
	[sflag:s18] =	ssyncadd.s32 $0xFFFFD880  }
0x33: {  	[tilespmem:s19], [sflag:$0x3] =	stream.strided.gather [hbm4b:s5+s16], $0x2780, s17, s16, $0x38;
	[tilespmem:$0x1CA00] =	vst v63  }
0x34: {  	_ =	swait.ge [sflag:s18], $0x2780  }
0x35: {  	[sflag:s18] =	ssyncset.done $0x0  }
0x36: {  	s6 =	rddreg [dreg:$0x5];
	[sflag:s18] =	ssyncadd.s32 $0xFFFFD880  }
0x37: {  	[tilespmem:s20], [sflag:$0x3] =	stream.strided.gather [hbm4b:s6+s16], $0x2780, s17, s16, $0x38;
	[tilespmem:$0x1CA00] =	vst v63  }
0x38: {  	_ =	swait.ge [sflag:s18], $0x2780  }
0x39: {  	[sflag:s18] =	ssyncset.done $0x0  }
0x3a: {  	s7 =	rddreg [dreg:$0x6];
	[sflag:s18] =	ssyncadd.s32 $0xFFFFD880  }
0x3b: {  	[tilespmem:s21], [sflag:$0x3] =	stream.strided.gather [hbm4b:s7+s16], $0x2780, s17, s16, $0x38;
	[tilespmem:$0x1CA00] =	vst v63  }
0x3c: {  	_ =	swait.ge [sflag:s18], $0x2780  }
0x3d: {  	[sflag:s18] =	ssyncset.done $0x0  }
0x3e: {  	s4 =	simm.s32 $0x0;
	s5 =	simm.s32 $0x40;
	[sflag:s18] =	ssyncadd.s32 $0xFFFFD880  }
.LBB2_2:
0x3f: {  	p1 =	sne.s32 s5, $0x9C00;
	[tilespmem:s4+$0x11480] =	vst v0;
	s6 =	smov.u32 s5;
	s5 =	sadd.s32 $0x40, s5  }
.Ltmp2:
0x40: {  	[tilespmem:s4+$0xED00] =	vst v0;
	(pc) =	sbr.rel @p1 .LBB2_2-.Ltmp2, $3  }
0x41: {  	[tilespmem:s4+$0x9E00] =	vst v0  }
0x42: {  	[tilespmem:s4+$0xC580] =	vst v0;
	_ =	sdelay $0x1  }
0x43: {  	s4 =	sshra.s32 s6, $0x2  }
.Ltmp3:
0x44: {  	[tilespmem:s4+$0x11480] =	vst v0;
	(pc) =	sbr.rel .LBB2_4-.Ltmp3, $4  }
0x45: {  	[tilespmem:s4+$0xED00] =	vst v0  }
0x46: {  	[tilespmem:s4+$0x9E00] =	vst v0  }
0x47: {  	[tilespmem:s4+$0xC580] =	vst v0;
	s7 =	simm.s32 $0x13C00;
	s4 =	simm.s32 $0x0  }
0x48: {  	[tilespmem:s7], [sflag:$0x1] =	stream.linear.gather [hbm4b:s8+s22], $0x1F40, $0x38;
	[tilespmem:$0x1CA00] =	vst v63  }
.LBB2_18:
0x49: {  	s4 =	sadd.s32 $0x1, s4  }
0x4a: {  	p1 =	sne.s32 s4, $0xA  }
.Ltmp4:
0x4b: {  	_ = 	snop;
	(pc) =	sbr.rel @!p1 .LBB2_19-.Ltmp4, $1  }
0x4c: {  	_ =	sdelay $0x3  }
.LBB2_4:
0x4d: {  	s5 =	smul.u32 $0x3E80, s4;
	_ =	sdelay $0x1  }
0x4e: {  	_ =	swait.ge [sflag:s23], $0x1F40;
	s6 =	sadd.s32 s5, s9  }
0x4f: {  	[sflag:s23] =	ssyncset.done $0x0;
	s6 =	sshrl.u32 s6, $0x3  }
0x50: {  	[sflag:s23] =	ssyncadd.s32 $0xFFFFE0C0;
	s6 =	sadd.s32 s1, s6  }
0x51: {  	[tilespmem:s24], [sflag:$0x2] =	stream.linear.gather [hbm4b:s6+s22], $0x1F40, $0x38;
	[tilespmem:$0x1CA00] =	vst v63  }
0x52: {  	vm2 =	vmmov vm0;
	s6 =	simm.s32 $0x0  }
.LBB2_5:
0x53: {  	s7 =	sshra.s32 s6, $0x2  }
0x54: {  	v3 =	vld [tilespmem:s7+$0x13C00];
	_ =	sdelay $0x4  }
0x55: {  	v4 =	vand.u32 $0x3FFF, v3;
	_ =	sdelay $0x2  }
0x56: {  	v5 =	vld [tilespmem:s7+$0x13C10]  }
0x57: {  	v6 =	vld [tilespmem:s7+$0x13C20]  }
0x58: {  	v7 =	vld [tilespmem:s7+$0x13C30];
	[tilespmem:v4+s25+$0x0] =	vst.idx.msk $0xffff, v1  }
0x59: {  	v8 =	vld.idx.msk [tilespmem:v4+s25+$0x0], $0xffff;
	_ =	sdelay $0x2  }
0x5a: {  	v3 =	vshra.s32 v3, $0xE;
	_ =	sdelay $0x1  }
0x5b: {  	vm3 =	vne.s32 v8, v1;
	_ =	sdelay $0x2  }
0x5c: {  	v9 =	vld.idx.msk [tilespmem:v3+s2+$0x0], $0xffff  }
0x5d: {  	v10 =	vld.idx.msk [tilespmem:v3+s19+$0x0], $0xffff  }
0x5e: {  	v11 =	vld.idx.msk [tilespmem:v3+s20+$0x0], $0xffff  }
0x5f: {  	v3 =	vld.idx.msk [tilespmem:v3+s21+$0x0], $0xffff;
	[tilespmem:v4+s25+$0x0] =	vst.idx.msk vm3, v1  }
0x60: {  	v13 =	vld.idx.msk [tilespmem:v4+s25+$0x0], $0xffff  }
0x61: {  	v12 =	vld.idx.msk [tilespmem:v4+s26+$0x0], $0xffff  }
0x62: {  	v14 =	vld.idx.msk [tilespmem:v4+s28+$0x0], $0xffff  }
0x63: {  	v15 =	vld.idx.msk [tilespmem:v4+s29+$0x0], $0xffff  }
0x64: {  	v16 =	vld.idx.msk [tilespmem:v4+s30+$0x0], $0xffff  }
0x65: {  	vm4 =	veq.s32 v13, v1;
	_ =	sdelay $0x1  }
0x66: {  	v63 =	vand.u32 $0x3FFF, v5;
	v12 =	vmax.f32 v12, v9;
	v9 =	vperm.xlane v9, v8  }
0x67: {  	v14 =	vmax.f32 v14, v10;
	v15 =	vmax.f32 v15, v11;
	v10 =	vperm.xlane v10, v8  }
0x68: {  	v16 =	vmax.f32 v16, v3;
	v11 =	vperm.xlane v11, v8;
	v61 =	vmax.f32 v12, v9  }
0x69: {  	v3 =	vperm.xlane v3, v8;
	v62 =	vmax.f32 v14, v10;
	v8 =	vsel vm3, v61, v12  }
0x6a: {  	v21 =	vmax.f32 v15, v11;
	v20 =	vsel vm3, v62, v14;
	[tilespmem:v4+s26+$0x0] =	vst.idx.msk vm4, v8  }
0x6b: {  	v3 =	vmax.f32 v16, v3;
	v22 =	vsel vm3, v21, v15;
	[tilespmem:v4+s28+$0x0] =	vst.idx.msk vm4, v20  }
0x6c: {  	v3 =	vsel vm3, v3, v16;
	[tilespmem:v4+s29+$0x0] =	vst.idx.msk vm4, v22  }
0x6d: {  	[tilespmem:v4+s30+$0x0] =	vst.idx.msk vm4, v3  }
0x6e: {  	[tilespmem:v63+s31+$0x0] =	vst.idx.msk $0xffff, v1  }
0x6f: {  	v3 =	vld.idx.msk [tilespmem:v63+s31+$0x0], $0xffff;
	_ =	sdelay $0x2  }
0x70: {  	v23 =	vshra.s32 v5, $0xE;
	_ =	sdelay $0x1  }
0x71: {  	vm14 =	vne.s32 v3, v1;
	_ =	sdelay $0x2  }
0x72: {  	v5 =	vld.idx.msk [tilespmem:v23+s2+$0x0], $0xffff  }
0x73: {  	v8 =	vld.idx.msk [tilespmem:v23+s19+$0x0], $0xffff  }
0x74: {  	v24 =	vld.idx.msk [tilespmem:v23+s20+$0x0], $0xffff  }
0x75: {  	v4 =	vld.idx.msk [tilespmem:v23+s21+$0x0], $0xffff;
	[tilespmem:v63+s31+$0x0] =	vst.idx.msk vm14, v1  }
0x76: {  	v26 =	vld.idx.msk [tilespmem:v63+s31+$0x0], $0xffff  }
0x77: {  	v25 =	vld.idx.msk [tilespmem:v63+s26+$0x0], $0xffff  }
0x78: {  	v27 =	vld.idx.msk [tilespmem:v63+s28+$0x0], $0xffff  }
0x79: {  	v28 =	vld.idx.msk [tilespmem:v63+s29+$0x0], $0xffff  }
0x7a: {  	v29 =	vld.idx.msk [tilespmem:v63+s30+$0x0], $0xffff  }
0x7b: {  	vm5 =	veq.s32 v26, v1;
	_ =	sdelay $0x1  }
0x7c: {  	v32 =	vand.u32 $0x3FFF, v6;
	v11 =	vmax.f32 v25, v5;
	v5 =	vperm.xlane v5, v3  }
0x7d: {  	v9 =	vperm.xlane v24, v3;
	v14 =	vmax.f32 v27, v8;
	v8 =	vperm.xlane v8, v3  }
0x7e: {  	v15 =	vmax.f32 v28, v24;
	v16 =	vmax.f32 v29, v4;
	v30 =	vmax.f32 v11, v5  }
0x7f: {  	v3 =	vperm.xlane v4, v3;
	v31 =	vmax.f32 v14, v8;
	v4 =	vsel vm14, v30, v11  }
0x80: {  	v34 =	vmax.f32 v15, v9;
	v33 =	vsel vm14, v31, v14;
	[tilespmem:v63+s26+$0x0] =	vst.idx.msk vm5, v4  }
0x81: {  	v35 =	vsel vm14, v34, v15;
	v3 =	vmax.f32 v16, v3;
	[tilespmem:v63+s28+$0x0] =	vst.idx.msk vm5, v33  }
0x82: {  	v3 =	vsel vm14, v3, v16;
	[tilespmem:v63+s29+$0x0] =	vst.idx.msk vm5, v35  }
0x83: {  	[tilespmem:v63+s30+$0x0] =	vst.idx.msk vm5, v3  }
0x84: {  	[tilespmem:v32+s25+$0x0] =	vst.idx.msk $0xffff, v1  }
0x85: {  	v3 =	vld.idx.msk [tilespmem:v32+s25+$0x0], $0xffff;
	_ =	sdelay $0x2  }
0x86: {  	v36 =	vshra.s32 v6, $0xE;
	_ =	sdelay $0x1  }
0x87: {  	vm15 =	vne.s32 v3, v1;
	_ =	sdelay $0x2  }
0x88: {  	v37 =	vld.idx.msk [tilespmem:v36+s2+$0x0], $0xffff  }
0x89: {  	v6 =	vld.idx.msk [tilespmem:v36+s19+$0x0], $0xffff  }
0x8a: {  	v38 =	vld.idx.msk [tilespmem:v36+s20+$0x0], $0xffff  }
0x8b: {  	v4 =	vld.idx.msk [tilespmem:v36+s21+$0x0], $0xffff;
	[tilespmem:v32+s25+$0x0] =	vst.idx.msk vm15, v1  }
0x8c: {  	v39 =	vld.idx.msk [tilespmem:v32+s25+$0x0], $0xffff  }
0x8d: {  	v10 =	vld.idx.msk [tilespmem:v32+s26+$0x0], $0xffff  }
0x8e: {  	v40 =	vld.idx.msk [tilespmem:v32+s28+$0x0], $0xffff  }
0x8f: {  	v41 =	vld.idx.msk [tilespmem:v32+s29+$0x0], $0xffff  }
0x90: {  	v42 =	vld.idx.msk [tilespmem:v32+s30+$0x0], $0xffff  }
0x91: {  	vm6 =	veq.s32 v39, v1;
	_ =	sdelay $0x1  }
0x92: {  	v45 =	vand.u32 $0x3FFF, v7;
	v5 =	vperm.xlane v37, v3;
	v9 =	vperm.xlane v38, v3  }
0x93: {  	v10 =	vmax.f32 v10, v37;
	v14 =	vmax.f32 v40, v6;
	v6 =	vperm.xlane v6, v3  }
0x94: {  	v15 =	vmax.f32 v41, v38;
	v16 =	vmax.f32 v42, v4;
	v43 =	vmax.f32 v10, v5  }
0x95: {  	v3 =	vperm.xlane v4, v3;
	v4 =	vsel vm15, v43, v10;
	v44 =	vmax.f32 v14, v6  }
0x96: {  	v47 =	vmax.f32 v15, v9;
	v46 =	vsel vm15, v44, v14;
	[tilespmem:v32+s26+$0x0] =	vst.idx.msk vm6, v4  }
0x97: {  	v48 =	vsel vm15, v47, v15;
	v3 =	vmax.f32 v16, v3;
	[tilespmem:v32+s28+$0x0] =	vst.idx.msk vm6, v46  }
0x98: {  	v3 =	vsel vm15, v3, v16;
	[tilespmem:v32+s29+$0x0] =	vst.idx.msk vm6, v48  }
0x99: {  	[tilespmem:v32+s30+$0x0] =	vst.idx.msk vm6, v3  }
0x9a: {  	[tilespmem:v45+s31+$0x0] =	vst.idx.msk $0xffff, v1  }
0x9b: {  	v3 =	vld.idx.msk [tilespmem:v45+s31+$0x0], $0xffff;
	_ =	sdelay $0x2  }
0x9c: {  	v49 =	vshra.s32 v7, $0xE;
	_ =	sdelay $0x1  }
0x9d: {  	vm6 =	vne.s32 v3, v1;
	_ =	sdelay $0x2  }
0x9e: {  	v50 =	vld.idx.msk [tilespmem:v49+s2+$0x0], $0xffff  }
0x9f: {  	v7 =	vld.idx.msk [tilespmem:v49+s19+$0x0], $0xffff  }
0xa0: {  	v8 =	vld.idx.msk [tilespmem:v49+s20+$0x0], $0xffff  }
0xa1: {  	v4 =	vld.idx.msk [tilespmem:v49+s21+$0x0], $0xffff;
	[tilespmem:v45+s31+$0x0] =	vst.idx.msk vm6, v1  }
0xa2: {  	v51 =	vld.idx.msk [tilespmem:v45+s31+$0x0], $0xffff  }
0xa3: {  	v52 =	vld.idx.msk [tilespmem:v45+s26+$0x0], $0xffff  }
0xa4: {  	v53 =	vld.idx.msk [tilespmem:v45+s28+$0x0], $0xffff  }
0xa5: {  	vm7 =	vne.s32 v13, v1;
	v54 =	vld.idx.msk [tilespmem:v45+s29+$0x0], $0xffff  }
0xa6: {  	vm3 =	vmand vm3, vm7;
	vm11 =	vne.s32 v26, v1;
	v55 =	vld.idx.msk [tilespmem:v45+s30+$0x0], $0xffff  }
0xa7: {  	vm4 =	vmand vm14, vm11;
	vm12 =	vne.s32 v39, v1;
	vm8 =	veq.s32 v51, v1  }
0xa8: {  	vm3 =	vmor vm3, vm4;
	vm13 =	vmand vm15, vm12  }
0xa9: {  	v5 =	vperm.xlane v50, v3;
	vm14 =	vne.s32 v51, v1;
	v56 =	vmax.f32 v52, v50  }
0xaa: {  	v57 =	vmax.f32 v53, v7;
	v58 =	vmax.f32 v54, v8;
	v7 =	vperm.xlane v7, v3  }
0xab: {  	p1 =	sne.s32 s6, $0x7C00;
	v12 =	vmax.f32 v55, v4;
	v8 =	vperm.xlane v8, v3;
	v5 =	vmax.f32 v56, v5  }
.Ltmp5:
0xac: {  	v3 =	vperm.xlane v4, v3;
	v59 =	vsel vm6, v5, v56;
	v60 =	vmax.f32 v57, v7;
	(pc) =	sbr.rel @p1 .LBB2_5-.Ltmp5, $4  }
0xad: {  	vm3 =	vmor vm3, vm13;
	v62 =	vmax.f32 v58, v8;
	v61 =	vsel vm6, v60, v57;
	[tilespmem:v45+s26+$0x0] =	vst.idx.msk vm8, v59  }
0xae: {  	vm15 =	vmand vm6, vm14;
	v3 =	vmax.f32 v12, v3;
	v63 =	vsel vm6, v62, v58;
	[tilespmem:v45+s28+$0x0] =	vst.idx.msk vm8, v61  }
0xaf: {  	vm3 =	vmor vm3, vm15;
	v3 =	vsel vm6, v3, v12;
	[tilespmem:v45+s29+$0x0] =	vst.idx.msk vm8, v63  }
0xb0: {  	s6 =	sadd.s32 $0x100, s6;
	vm2 =	vmor vm2, vm3;
	[tilespmem:v45+s30+$0x0] =	vst.idx.msk vm8, v3  }
0xb1: {  	v3 =	vsel vm2, $0x3F800000, v2  }
0xb2: {  	(xrf0) =	vmax.scan.msk.f32 $0xffff, v3;
	_ =	sdelay $0x5  }
0xb3: {  	v3, _, _ =	vpop (xrf0)  }
0xb4: {  	(v2sf) =	vpush v3, $0xF;
	_ =	sdelay $0xe  }
0xb5: {  	s6 =	spop (v2sf)  }
0xb6: {  	p1 =	sgt.f32 s6, $0.0e+00  }
.Ltmp6:
0xb7: {  	_ = 	snop;
	(pc) =	sbr.rel @p1 .LBB2_7-.Ltmp6, $2  }
0xb8: {  	_ =	sdelay $0x2  }
0xb9: {  	s6 =	simm.s32 $0x0  }
.LBB2_11:
0xba: {  	p1 =	seq.s32 s4, $0x9  }
0xbb: {  	_ =	swait.ge [sflag:s0], $0x1F40;
	s5 =	sadd.s32 @!p1 s5, s10  }
0xbc: {  	[sflag:s0] =	ssyncset.done $0x0;
	s6 =	simm.s32 @!p1 $0x0;
	s5 =	sshrl.u32 @!p1 s5, $0x3  }
0xbd: {  	s7 =	simm.s32 @!p1 $0x13C00;
	[sflag:s0] =	ssyncadd.s32 $0xFFFFE0C0;
	s5 =	sadd.s32 @!p1 s1, s5  }
0xbe: {  	[tilespmem:s7], [sflag:$0x1] =	stream.linear.gather @!p1 [hbm4b:s5+s6], $0x1F40, $0x38;
	[tilespmem:$0x1CA00] =	vst v63  }
0xbf: {  	vm2 =	vmmov vm0;
	s5 =	simm.s32 $0x0  }
.LBB2_12:
0xc0: {  	s6 =	sshra.s32 s5, $0x2  }
0xc1: {  	v3 =	vld [tilespmem:s6+$0x15B80];
	_ =	sdelay $0x4  }
0xc2: {  	v4 =	vand.u32 $0x3FFF, v3;
	_ =	sdelay $0x2  }
0xc3: {  	v5 =	vld [tilespmem:s6+$0x15B90]  }
0xc4: {  	v6 =	vld [tilespmem:s6+$0x15BA0]  }
0xc5: {  	v7 =	vld [tilespmem:s6+$0x15BB0];
	[tilespmem:v4+s25+$0x0] =	vst.idx.msk $0xffff, v1  }
0xc6: {  	v8 =	vld.idx.msk [tilespmem:v4+s25+$0x0], $0xffff;
	_ =	sdelay $0x2  }
0xc7: {  	v3 =	vshra.s32 v3, $0xE;
	_ =	sdelay $0x1  }
0xc8: {  	vm3 =	vne.s32 v8, v1;
	_ =	sdelay $0x2  }
0xc9: {  	v9 =	vld.idx.msk [tilespmem:v3+s2+$0x0], $0xffff  }
0xca: {  	v10 =	vld.idx.msk [tilespmem:v3+s19+$0x0], $0xffff  }
0xcb: {  	v11 =	vld.idx.msk [tilespmem:v3+s20+$0x0], $0xffff  }
0xcc: {  	v3 =	vld.idx.msk [tilespmem:v3+s21+$0x0], $0xffff;
	[tilespmem:v4+s25+$0x0] =	vst.idx.msk vm3, v1  }
0xcd: {  	v13 =	vld.idx.msk [tilespmem:v4+s25+$0x0], $0xffff  }
0xce: {  	v12 =	vld.idx.msk [tilespmem:v4+s26+$0x0], $0xffff  }
0xcf: {  	v14 =	vld.idx.msk [tilespmem:v4+s28+$0x0], $0xffff  }
0xd0: {  	v15 =	vld.idx.msk [tilespmem:v4+s29+$0x0], $0xffff  }
0xd1: {  	v16 =	vld.idx.msk [tilespmem:v4+s30+$0x0], $0xffff  }
0xd2: {  	vm4 =	veq.s32 v13, v1;
	_ =	sdelay $0x1  }
0xd3: {  	v63 =	vand.u32 $0x3FFF, v5;
	v12 =	vmax.f32 v12, v9;
	v9 =	vperm.xlane v9, v8  }
0xd4: {  	v14 =	vmax.f32 v14, v10;
	v15 =	vmax.f32 v15, v11;
	v10 =	vperm.xlane v10, v8  }
0xd5: {  	v16 =	vmax.f32 v16, v3;
	v11 =	vperm.xlane v11, v8;
	v61 =	vmax.f32 v12, v9  }
0xd6: {  	v3 =	vperm.xlane v3, v8;
	v62 =	vmax.f32 v14, v10;
	v8 =	vsel vm3, v61, v12  }
0xd7: {  	v21 =	vmax.f32 v15, v11;
	v20 =	vsel vm3, v62, v14;
	[tilespmem:v4+s26+$0x0] =	vst.idx.msk vm4, v8  }
0xd8: {  	v3 =	vmax.f32 v16, v3;
	v22 =	vsel vm3, v21, v15;
	[tilespmem:v4+s28+$0x0] =	vst.idx.msk vm4, v20  }
0xd9: {  	v3 =	vsel vm3, v3, v16;
	[tilespmem:v4+s29+$0x0] =	vst.idx.msk vm4, v22  }
0xda: {  	[tilespmem:v4+s30+$0x0] =	vst.idx.msk vm4, v3  }
0xdb: {  	[tilespmem:v63+s31+$0x0] =	vst.idx.msk $0xffff, v1  }
0xdc: {  	v3 =	vld.idx.msk [tilespmem:v63+s31+$0x0], $0xffff;
	_ =	sdelay $0x2  }
0xdd: {  	v23 =	vshra.s32 v5, $0xE;
	_ =	sdelay $0x1  }
0xde: {  	vm14 =	vne.s32 v3, v1;
	_ =	sdelay $0x2  }
0xdf: {  	v5 =	vld.idx.msk [tilespmem:v23+s2+$0x0], $0xffff  }
0xe0: {  	v8 =	vld.idx.msk [tilespmem:v23+s19+$0x0], $0xffff  }
0xe1: {  	v24 =	vld.idx.msk [tilespmem:v23+s20+$0x0], $0xffff  }
0xe2: {  	v4 =	vld.idx.msk [tilespmem:v23+s21+$0x0], $0xffff;
	[tilespmem:v63+s31+$0x0] =	vst.idx.msk vm14, v1  }
0xe3: {  	v26 =	vld.idx.msk [tilespmem:v63+s31+$0x0], $0xffff  }
0xe4: {  	v25 =	vld.idx.msk [tilespmem:v63+s26+$0x0], $0xffff  }
0xe5: {  	v27 =	vld.idx.msk [tilespmem:v63+s28+$0x0], $0xffff  }
0xe6: {  	v28 =	vld.idx.msk [tilespmem:v63+s29+$0x0], $0xffff  }
0xe7: {  	v29 =	vld.idx.msk [tilespmem:v63+s30+$0x0], $0xffff  }
0xe8: {  	vm5 =	veq.s32 v26, v1;
	_ =	sdelay $0x1  }
0xe9: {  	v32 =	vand.u32 $0x3FFF, v6;
	v11 =	vmax.f32 v25, v5;
	v5 =	vperm.xlane v5, v3  }
0xea: {  	v9 =	vperm.xlane v24, v3;
	v14 =	vmax.f32 v27, v8;
	v8 =	vperm.xlane v8, v3  }
0xeb: {  	v15 =	vmax.f32 v28, v24;
	v16 =	vmax.f32 v29, v4;
	v30 =	vmax.f32 v11, v5  }
0xec: {  	v3 =	vperm.xlane v4, v3;
	v31 =	vmax.f32 v14, v8;
	v4 =	vsel vm14, v30, v11  }
0xed: {  	v34 =	vmax.f32 v15, v9;
	v33 =	vsel vm14, v31, v14;
	[tilespmem:v63+s26+$0x0] =	vst.idx.msk vm5, v4  }
0xee: {  	v35 =	vsel vm14, v34, v15;
	v3 =	vmax.f32 v16, v3;
	[tilespmem:v63+s28+$0x0] =	vst.idx.msk vm5, v33  }
0xef: {  	v3 =	vsel vm14, v3, v16;
	[tilespmem:v63+s29+$0x0] =	vst.idx.msk vm5, v35  }
0xf0: {  	[tilespmem:v63+s30+$0x0] =	vst.idx.msk vm5, v3  }
0xf1: {  	[tilespmem:v32+s25+$0x0] =	vst.idx.msk $0xffff, v1  }
0xf2: {  	v3 =	vld.idx.msk [tilespmem:v32+s25+$0x0], $0xffff;
	_ =	sdelay $0x2  }
0xf3: {  	v36 =	vshra.s32 v6, $0xE;
	_ =	sdelay $0x1  }
0xf4: {  	vm15 =	vne.s32 v3, v1;
	_ =	sdelay $0x2  }
0xf5: {  	v37 =	vld.idx.msk [tilespmem:v36+s2+$0x0], $0xffff  }
0xf6: {  	v6 =	vld.idx.msk [tilespmem:v36+s19+$0x0], $0xffff  }
0xf7: {  	v38 =	vld.idx.msk [tilespmem:v36+s20+$0x0], $0xffff  }
0xf8: {  	v4 =	vld.idx.msk [tilespmem:v36+s21+$0x0], $0xffff;
	[tilespmem:v32+s25+$0x0] =	vst.idx.msk vm15, v1  }
0xf9: {  	v39 =	vld.idx.msk [tilespmem:v32+s25+$0x0], $0xffff  }
0xfa: {  	v10 =	vld.idx.msk [tilespmem:v32+s26+$0x0], $0xffff  }
0xfb: {  	v40 =	vld.idx.msk [tilespmem:v32+s28+$0x0], $0xffff  }
0xfc: {  	v41 =	vld.idx.msk [tilespmem:v32+s29+$0x0], $0xffff  }
0xfd: {  	v42 =	vld.idx.msk [tilespmem:v32+s30+$0x0], $0xffff  }
0xfe: {  	vm6 =	veq.s32 v39, v1;
	_ =	sdelay $0x1  }
0xff: {  	v45 =	vand.u32 $0x3FFF, v7;
	v5 =	vperm.xlane v37, v3;
	v9 =	vperm.xlane v38, v3  }
0x100: {  	v10 =	vmax.f32 v10, v37;
	v14 =	vmax.f32 v40, v6;
	v6 =	vperm.xlane v6, v3  }
0x101: {  	v15 =	vmax.f32 v41, v38;
	v16 =	vmax.f32 v42, v4;
	v43 =	vmax.f32 v10, v5  }
0x102: {  	v3 =	vperm.xlane v4, v3;
	v4 =	vsel vm15, v43, v10;
	v44 =	vmax.f32 v14, v6  }
0x103: {  	v47 =	vmax.f32 v15, v9;
	v46 =	vsel vm15, v44, v14;
	[tilespmem:v32+s26+$0x0] =	vst.idx.msk vm6, v4  }
0x104: {  	v48 =	vsel vm15, v47, v15;
	v3 =	vmax.f32 v16, v3;
	[tilespmem:v32+s28+$0x0] =	vst.idx.msk vm6, v46  }
0x105: {  	v3 =	vsel vm15, v3, v16;
	[tilespmem:v32+s29+$0x0] =	vst.idx.msk vm6, v48  }
0x106: {  	[tilespmem:v32+s30+$0x0] =	vst.idx.msk vm6, v3  }
0x107: {  	[tilespmem:v45+s31+$0x0] =	vst.idx.msk $0xffff, v1  }
0x108: {  	v3 =	vld.idx.msk [tilespmem:v45+s31+$0x0], $0xffff;
	_ =	sdelay $0x2  }
0x109: {  	v49 =	vshra.s32 v7, $0xE;
	_ =	sdelay $0x1  }
0x10a: {  	vm6 =	vne.s32 v3, v1;
	_ =	sdelay $0x2  }
0x10b: {  	v50 =	vld.idx.msk [tilespmem:v49+s2+$0x0], $0xffff  }
0x10c: {  	v7 =	vld.idx.msk [tilespmem:v49+s19+$0x0], $0xffff  }
0x10d: {  	v8 =	vld.idx.msk [tilespmem:v49+s20+$0x0], $0xffff  }
0x10e: {  	v4 =	vld.idx.msk [tilespmem:v49+s21+$0x0], $0xffff;
	[tilespmem:v45+s31+$0x0] =	vst.idx.msk vm6, v1  }
0x10f: {  	v51 =	vld.idx.msk [tilespmem:v45+s31+$0x0], $0xffff  }
0x110: {  	v52 =	vld.idx.msk [tilespmem:v45+s26+$0x0], $0xffff  }
0x111: {  	v53 =	vld.idx.msk [tilespmem:v45+s28+$0x0], $0xffff  }
0x112: {  	vm7 =	vne.s32 v13, v1;
	v54 =	vld.idx.msk [tilespmem:v45+s29+$0x0], $0xffff  }
0x113: {  	vm3 =	vmand vm3, vm7;
	vm11 =	vne.s32 v26, v1;
	v55 =	vld.idx.msk [tilespmem:v45+s30+$0x0], $0xffff  }
0x114: {  	vm4 =	vmand vm14, vm11;
	vm12 =	vne.s32 v39, v1;
	vm8 =	veq.s32 v51, v1  }
0x115: {  	vm3 =	vmor vm3, vm4;
	vm13 =	vmand vm15, vm12  }
0x116: {  	v5 =	vperm.xlane v50, v3;
	vm14 =	vne.s32 v51, v1;
	v56 =	vmax.f32 v52, v50  }
0x117: {  	v57 =	vmax.f32 v53, v7;
	v58 =	vmax.f32 v54, v8;
	v7 =	vperm.xlane v7, v3  }
0x118: {  	p1 =	sne.s32 s5, $0x7C00;
	v12 =	vmax.f32 v55, v4;
	v8 =	vperm.xlane v8, v3;
	v5 =	vmax.f32 v56, v5  }
.Ltmp7:
0x119: {  	v3 =	vperm.xlane v4, v3;
	v59 =	vsel vm6, v5, v56;
	v60 =	vmax.f32 v57, v7;
	(pc) =	sbr.rel @p1 .LBB2_12-.Ltmp7, $4  }
0x11a: {  	vm3 =	vmor vm3, vm13;
	v62 =	vmax.f32 v58, v8;
	v61 =	vsel vm6, v60, v57;
	[tilespmem:v45+s26+$0x0] =	vst.idx.msk vm8, v59  }
0x11b: {  	vm15 =	vmand vm6, vm14;
	v3 =	vmax.f32 v12, v3;
	v63 =	vsel vm6, v62, v58;
	[tilespmem:v45+s28+$0x0] =	vst.idx.msk vm8, v61  }
0x11c: {  	vm3 =	vmor vm3, vm15;
	v3 =	vsel vm6, v3, v12;
	[tilespmem:v45+s29+$0x0] =	vst.idx.msk vm8, v63  }
0x11d: {  	s5 =	sadd.s32 $0x100, s5;
	vm2 =	vmor vm2, vm3;
	[tilespmem:v45+s30+$0x0] =	vst.idx.msk vm8, v3  }
0x11e: {  	v3 =	vsel vm2, $0x3F800000, v2  }
0x11f: {  	(xrf0) =	vmax.scan.msk.f32 $0xffff, v3;
	_ =	sdelay $0x5  }
0x120: {  	v3, _, _ =	vpop (xrf0)  }
0x121: {  	(v2sf) =	vpush v3, $0xF;
	_ =	sdelay $0xe  }
0x122: {  	s5 =	spop (v2sf)  }
0x123: {  	p1 =	sgt.f32 s5, $0.0e+00  }
.Ltmp8:
0x124: {  	_ = 	snop;
	(pc) =	sbr.rel @!p1 .LBB2_18-.Ltmp8, $4  }
.Ltmp9:
0x125: {  	_ = 	snop;
	(pc) =	sbr.rel @p1 .LBB2_14-.Ltmp9, $4  }
0x126: {  	_ = 	snop  }
0x127: {  	_ = 	snop  }
0x128: {  	s5 =	simm.s32 $0x0  }
0x129: {  	_ = 	snop  }
.LBB2_10:
0x12a: {  	s6 =	sadd.s32 $0x1, s6  }
0x12b: {  	p1 =	sne.s32 s6, $0x1F4  }
.Ltmp10:
0x12c: {  	_ = 	snop;
	(pc) =	sbr.rel @!p1 .LBB2_11-.Ltmp10, $1  }
0x12d: {  	_ =	sdelay $0x3  }
.LBB2_7:
.Ltmp11:
0x12e: {  	(pc) =	sbr.rel @!p0 .LBB2_10-.Ltmp11, $1  }
0x12f: {  	_ =	sdelay $0x3  }
0x130: {  	s7 =	sshll.u32 s6, $0x4  }
0x131: {  	s7 =	sand.u32 $0x3FFFFFF0, s7  }
0x132: {  	v7 =	vld [tilespmem:s7+$0x13C00];
	_ =	sdelay $0x4  }
0x133: {  	v6 =	vshra.s32 v7, $0xE;
	_ =	sdelay $0x2  }
0x134: {  	vm2 =	vmmov vm1  }
0x135: {  	v7 =	vand.u32 $0x3FFF, v7  }
0x136: {  	v3 =	vld.idx.msk [tilespmem:v6+s2+$0x0], $0xffff  }
0x137: {  	v4 =	vld.idx.msk [tilespmem:v6+s19+$0x0], $0xffff  }
0x138: {  	v5 =	vld.idx.msk [tilespmem:v6+s20+$0x0], $0xffff  }
0x139: {  	v6 =	vld.idx.msk [tilespmem:v6+s21+$0x0], $0xffff  }
.LBB2_9:
0x13a: {  	[tilespmem:v7+s25+$0x0] =	vst.idx.msk vm2, v1  }
0x13b: {  	v8 =	vld.idx.msk [tilespmem:v7+s25+$0x0], vm2;
	_ =	sdelay $0x4  }
0x13c: {  	vm3 =	veq.s32 v8, v1  }
0x13d: {  	vm3 =	vmand vm2, vm3;
	_ =	sdelay $0x2  }
0x13e: {  	vm2 =	vmxor vm2, vm3  }
0x13f: {  	v9 =	vsel vm2, $0x3F800000, v2  }
0x140: {  	(xrf0) =	vmax.scan.msk.f32 $0xffff, v9  }
0x141: {  	v8 =	vld.idx.msk [tilespmem:v7+s26+$0x0], vm3;
	_ =	sdelay $0x4  }
0x142: {  	v9, _, _ =	vpop (xrf0);
	v8 =	vmax.f32 v8, v3  }
0x143: {  	(v2sf) =	vpush v9, $0xF;
	[tilespmem:v7+s26+$0x0] =	vst.idx.msk vm3, v8  }
0x144: {  	v8 =	vld.idx.msk [tilespmem:v7+s28+$0x0], vm3;
	_ =	sdelay $0x4  }
0x145: {  	v8 =	vmax.f32 v8, v4  }
0x146: {  	[tilespmem:v7+s28+$0x0] =	vst.idx.msk vm3, v8  }
0x147: {  	v8 =	vld.idx.msk [tilespmem:v7+s29+$0x0], vm3;
	_ =	sdelay $0x4  }
0x148: {  	v8 =	vmax.f32 v8, v5  }
0x149: {  	[tilespmem:v7+s29+$0x0] =	vst.idx.msk vm3, v8  }
0x14a: {  	s7 =	spop (v2sf);
	v8 =	vld.idx.msk [tilespmem:v7+s30+$0x0], vm3  }
0x14b: {  	p1 =	sgt.f32 s7, $0.0e+00  }
.Ltmp12:
0x14c: {  	_ = 	snop;
	(pc) =	sbr.rel @p1 .LBB2_9-.Ltmp12, $3  }
0x14d: {  	_ =	sdelay $0x1  }
0x14e: {  	v8 =	vmax.f32 v8, v6  }
0x14f: {  	[tilespmem:v7+s30+$0x0] =	vst.idx.msk vm3, v8  }
.Ltmp13:
0x150: {  	_ = 	snop;
	(pc) =	sbr.rel .LBB2_10-.Ltmp13, $1  }
0x151: {  	_ =	sdelay $0x3  }
.LBB2_17:
0x152: {  	s5 =	sadd.s32 $0x1, s5  }
0x153: {  	p1 =	sne.s32 s5, $0x1F4  }
.Ltmp14:
0x154: {  	_ = 	snop;
	(pc) =	sbr.rel @!p1 .LBB2_18-.Ltmp14, $1  }
0x155: {  	_ =	sdelay $0x3  }
.LBB2_14:
.Ltmp15:
0x156: {  	(pc) =	sbr.rel @!p0 .LBB2_17-.Ltmp15, $1  }
0x157: {  	_ =	sdelay $0x3  }
0x158: {  	s6 =	sshll.u32 s5, $0x4  }
0x159: {  	s6 =	sand.u32 $0x3FFFFFF0, s6  }
0x15a: {  	v7 =	vld [tilespmem:s6+$0x15B80];
	_ =	sdelay $0x4  }
0x15b: {  	v6 =	vshra.s32 v7, $0xE;
	_ =	sdelay $0x2  }
0x15c: {  	vm2 =	vmmov $0xffff  }
0x15d: {  	v7 =	vand.u32 $0x3FFF, v7  }
0x15e: {  	v3 =	vld.idx.msk [tilespmem:v6+s2+$0x0], $0xffff  }
0x15f: {  	v4 =	vld.idx.msk [tilespmem:v6+s19+$0x0], $0xffff  }
0x160: {  	v5 =	vld.idx.msk [tilespmem:v6+s20+$0x0], $0xffff  }
0x161: {  	v6 =	vld.idx.msk [tilespmem:v6+s21+$0x0], $0xffff  }
.LBB2_16:
0x162: {  	[tilespmem:v7+s25+$0x0] =	vst.idx.msk vm2, v1  }
0x163: {  	v8 =	vld.idx.msk [tilespmem:v7+s25+$0x0], vm2;
	_ =	sdelay $0x4  }
0x164: {  	vm3 =	veq.s32 v8, v1  }
0x165: {  	vm3 =	vmand vm2, vm3;
	_ =	sdelay $0x2  }
0x166: {  	vm2 =	vmxor vm2, vm3  }
0x167: {  	v9 =	vsel vm2, $0x3F800000, v2  }
0x168: {  	(xrf0) =	vmax.scan.msk.f32 $0xffff, v9  }
0x169: {  	v8 =	vld.idx.msk [tilespmem:v7+s26+$0x0], vm3;
	_ =	sdelay $0x4  }
0x16a: {  	v9, _, _ =	vpop (xrf0);
	v8 =	vmax.f32 v8, v3  }
0x16b: {  	(v2sf) =	vpush v9, $0xF;
	[tilespmem:v7+s26+$0x0] =	vst.idx.msk vm3, v8  }
0x16c: {  	v8 =	vld.idx.msk [tilespmem:v7+s28+$0x0], vm3;
	_ =	sdelay $0x4  }
0x16d: {  	v8 =	vmax.f32 v8, v4  }
0x16e: {  	[tilespmem:v7+s28+$0x0] =	vst.idx.msk vm3, v8  }
0x16f: {  	v8 =	vld.idx.msk [tilespmem:v7+s29+$0x0], vm3;
	_ =	sdelay $0x4  }
0x170: {  	v8 =	vmax.f32 v8, v5  }
0x171: {  	[tilespmem:v7+s29+$0x0] =	vst.idx.msk vm3, v8  }
0x172: {  	s6 =	spop (v2sf);
	v8 =	vld.idx.msk [tilespmem:v7+s30+$0x0], vm3  }
0x173: {  	p1 =	sgt.f32 s6, $0.0e+00  }
.Ltmp16:
0x174: {  	_ = 	snop;
	(pc) =	sbr.rel @p1 .LBB2_16-.Ltmp16, $3  }
0x175: {  	_ =	sdelay $0x1  }
0x176: {  	v8 =	vmax.f32 v8, v6  }
0x177: {  	[tilespmem:v7+s30+$0x0] =	vst.idx.msk vm3, v8  }
.Ltmp17:
0x178: {  	_ = 	snop;
	(pc) =	sbr.rel .LBB2_17-.Ltmp17, $1  }
0x179: {  	_ =	sdelay $0x3  }
.LBB2_20:
0x17a: {  	_ =	sfence.sel $0x180000  }
0x17b: {  	[bflag:$0x0] =	sbarrier.arrive $0xFFFF  }
0x17c: {  	_ =	strace $0x9000004D  }
0x17d: {  	s0 =	stileid.u32;
	[bflag:$0x2] =	sbarrier.arrive $0xFFFF  }
0x17e: {  	p0 =	sne.s32 s0, $0x0;
	s0 =	rddreg [dreg:$0x2]  }
0x17f: {  	s0 =	sadd.s32 @!p0 $0x100000, s0  }
0x180: {  	[sflag:s0] =	ssyncadd.tile.s32 @!p0 $0x1;
	_ =	shalt  }
.Lfunc_end2:
_tile_overlayer_lowered:
.L_overlay_start_2:
0x181: {  	(tag) =	ssettag $0x2  }
0x182: {  	s0 =	rddreg [dreg:$0x0];
	s2 =	stileid.u32  }
0x183: {  	s1 =	rddreg [dreg:$0x1];
	p0 =	sne.s32 s2, $0x0  }
0x184: {  	s3 =	rddreg [dreg:$0x2];
	[bflag:$0x3] =	sbarrier.arrive $0xFFFF;
	s2 =	simm.s32 @!p0 $0x1C03  }
0x185: {  	[timem:s3], [sflag:s2] =	dma.local @!p0 [hbm:s0], s1  }
0x186: {  	s0 =	simm.s32 @!p0 $0x3  }
0x187: {  	_ =	swait.ge @!p0 [sflag:s0], s1  }
0x188: {  	s1 =	ssub.s32 @!p0 $0x0, s1;
	[sflag:s0] =	ssyncset.done @!p0 $0x0  }
0x189: {  	[sflag:s0] =	ssyncadd.s32 @!p0 s1  }
0x18a: {  	[bflag:$0x3] =	sbarrier.arrive $0xFFFF  }
0x18b: {  	_ =	shalt  }

</sc_bundles>
